<compile_context>
chip_gen: v7x
topology: tpu7x:2x2x1
jax: 0.10.2.dev20260603
libtpu: 0.0.44.dev20260713+nightly
codegen_flags: <defaults>
</compile_context>

<pallas_src>
import functools

import jax
import jax.numpy as jnp
from jax import lax
from jax.experimental import pallas as pl
from jax.experimental.pallas import tpu as pltpu
from jax.experimental.pallas import tpu_sc as plsc

N = 10000
E = 320000
D = 128
DH = 64
H = 8
HH = 4
HD = 16
DE = 4

NC = 2
NS = 16
EB = 128
SPW = 159
NBLK = SPW * NS
E_PAD = NBLK * EB
EF = E_PAD // 32
EPW = E_PAD // (NC * NS)
CE = EPW // 3
OUTER = SPW // 3
NPAD = 10240
ROWS_PER_TILE = NPAD // NS



def _node_tables_body(x_ref, wall_ref, asrc_ref, adst_ref,
                      hlo_ref, hhi_ref, as_ref, ad_ref):
    h = jnp.dot(x_ref[...], wall_ref[...], preferred_element_type=jnp.float32)
    hlo_ref[...] = h[:, :DH]
    hhi_ref[...] = h[:, DH:]
    as_ref[...] = jnp.dot(h, asrc_ref[...], preferred_element_type=jnp.float32)
    ad_ref[...] = jnp.dot(h, adst_ref[...], preferred_element_type=jnp.float32)


def _node_tables(x, w_all, a_src16, a_dst16):
    bn = 1024
    return pl.pallas_call(
        _node_tables_body,
        grid=(NPAD // bn,),
        in_specs=[
            pl.BlockSpec((bn, D), lambda i: (i, 0)),
            pl.BlockSpec((D, D), lambda i: (0, 0)),
            pl.BlockSpec((D, 16), lambda i: (0, 0)),
            pl.BlockSpec((D, 16), lambda i: (0, 0)),
        ],
        out_specs=[
            pl.BlockSpec((bn, DH), lambda i: (i, 0)),
            pl.BlockSpec((bn, DH), lambda i: (i, 0)),
            pl.BlockSpec((bn, 16), lambda i: (i, 0)),
            pl.BlockSpec((bn, 16), lambda i: (i, 0)),
        ],
        out_shape=[
            jax.ShapeDtypeStruct((NPAD, DH), jnp.float32),
            jax.ShapeDtypeStruct((NPAD, DH), jnp.float32),
            jax.ShapeDtypeStruct((NPAD, 16), jnp.float32),
            jax.ShapeDtypeStruct((NPAD, 16), jnp.float32),
        ],
    )(x, w_all, a_src16, a_dst16)


def _edge_table_body(ea_ref, m_ref, ae_ref):
    ae_ref[...] = jnp.dot(ea_ref[...], m_ref[...], preferred_element_type=jnp.float32)


def _edge_table(ea_flat, m_base):
    bn = 1272
    return pl.pallas_call(
        _edge_table_body,
        grid=(EF // bn,),
        in_specs=[
            pl.BlockSpec((bn, 128), lambda i: (i, 0)),
            pl.BlockSpec((128, 512), lambda i: (0, 0)),
        ],
        out_specs=pl.BlockSpec((bn, 512), lambda i: (i, 0)),
        out_shape=jax.ShapeDtypeStruct((EF, 512), jnp.float32),
    )(ea_flat, m_base)




def _repack_body(eaT_hbm, out_hbm, ea_in, out_b, sem):
    c = lax.axis_index("c")
    sid = lax.axis_index("s")
    wid = sid * NC + c
    e00 = wid * EPW
    iota = lax.iota(jnp.int32, 16)
    base_vec = CE * (iota & 3) + (iota >> 2)
    for ch in range(3):
        e0 = e00 + ch * CE
        for k in range(4):
            pltpu.sync_copy(eaT_hbm.at[k, pl.ds(e0, CE)],
                            ea_in.at[pl.ds(k * CE, CE)])

        @plsc.parallel_loop(0, 4 * CE // 16, unroll=4)
        def _(m):
            v = plsc.load_gather(ea_in, [base_vec + 4 * m])
            out_b[m >> 3, pl.ds(16 * (m & 7), 16)] = v

        pltpu.sync_copy(out_b, out_hbm.at[pl.ds(e0 // 32, CE // 32)])


def _repack_ea(eaT_pad):
    run = functools.partial(
        pl.kernel,
        out_type=jax.ShapeDtypeStruct((EF, 128), jnp.float32),
        mesh=plsc.VectorSubcoreMesh(core_axis_name="c", subcore_axis_name="s"),
        compiler_params=pltpu.CompilerParams(use_tc_tiling_on_sc=False,
                                             needs_layout_passes=False),
        scratch_types=[
            pltpu.VMEM((4 * CE,), jnp.float32),
            pltpu.VMEM((CE // 32, 128), jnp.float32),
            pltpu.SemaphoreType.DMA,
        ],
    )(_repack_body)
    return run(eaT_pad)



def _edge_kernel_body(src2_hbm, dst2_hbm, hlo_hbm, hhi_hbm, as_hbm, ad_hbm,
                      ae_hbm, znum_hbm, zden_hbm,
                      numlo_hbm, numhi_hbm, den_hbm,
                      src_i0, src_i1, src_i2, dst_i0, dst_i1, dst_i2,
                      dsts_b0, dsts_b1, dsts_b2,
                      as_b0, as_b1, as_b2, ad_b0, ad_b1, ad_b2,
                      ae_b0, ae_b1, ae_b2, h_b0, h_b1, h_b2,
                      w_b0, w_b1, w_b2,
                      num_sh, den_sh,
                      semg0, semg1, semg2, sems0, sems1, sems2,
                      semi0, semi1, semi2):
    c = lax.axis_index("c")
    sid = lax.axis_index("s")
    src_i = (src_i0, src_i1, src_i2)
    dst_i = (dst_i0, dst_i1, dst_i2)
    dsts_b = (dsts_b0, dsts_b1, dsts_b2)
    as_b = (as_b0, as_b1, as_b2)
    ad_b = (ad_b0, ad_b1, ad_b2)
    ae_b = (ae_b0, ae_b1, ae_b2)
    h_b = (h_b0, h_b1, h_b2)
    w_b = (w_b0, w_b1, w_b2)
    semg = (semg0, semg1, semg2)
    sems = (sems0, sems1, sems2)
    semi = (semi0, semi1, semi2)

    r0 = sid * ROWS_PER_TILE
    pltpu.sync_copy(znum_hbm.at[pl.ds(r0, ROWS_PER_TILE)],
                    num_sh.at[pl.ds(r0, ROWS_PER_TILE)])
    pltpu.sync_copy(zden_hbm.at[pl.ds(r0, ROWS_PER_TILE)],
                    den_sh.at[pl.ds(r0, ROWS_PER_TILE)])
    plsc.subcore_barrier()

    blk0 = sid * SPW
    lanes = lax.iota(jnp.int32, 16)
    headmask = lanes < H

    def idx_descs(t, sl):
        base = (blk0 + t) * EB
        return (
            pltpu.make_async_copy(src2_hbm.at[pl.ds(base, EB)], src_i[sl],
                                  semi[sl]),
            pltpu.make_async_copy(dst2_hbm.at[pl.ds(base, EB)], dst_i[sl],
                                  semi[sl]),
        )

    def run(h_tbl, koff, do_den):
        def gather_descs(t, sl):
            return (
                pltpu.make_async_copy(ae_hbm.at[pl.ds(4 * (blk0 + t), 4)],
                                      ae_b[sl], semg[sl]),
                pltpu.make_async_copy(as_hbm.at[src_i[sl]], as_b[sl], semg[sl]),
                pltpu.make_async_copy(ad_hbm.at[dst_i[sl]], ad_b[sl], semg[sl]),
                pltpu.make_async_copy(h_tbl.at[src_i[sl]], h_b[sl], semg[sl]),
            )

        def start_scatters(t, sl):
            pltpu.async_copy(h_b[sl], num_sh.at[dsts_b[sl]], sems[sl], add=True)
            if do_den:
                pltpu.async_copy(w_b[sl], den_sh.at[dsts_b[sl]], sems[sl],
                                 add=True)

        def wait_scatters(t, sl):
            pltpu.make_async_copy(h_b[sl], num_sh.at[dsts_b[sl]],
                                  sems[sl]).wait()
            if do_den:
                pltpu.make_async_copy(w_b[sl], den_sh.at[dsts_b[sl]],
                                      sems[sl]).wait()

        for tt in (0, 1, 2):
            for d in idx_descs(tt, tt):
                d.start()
        for d in idx_descs(0, 0):
            d.wait()
        for d in idx_descs(1, 1):
            d.wait()
        for d in gather_descs(0, 0):
            d.start()
        for d in gather_descs(1, 1):
            d.start()

        def outer(o, carry):
            for ph in range(3):
                t = 3 * o + ph
                sl = ph
                for d in gather_descs(t, sl):
                    d.wait()

                for i in range(EB // 16):
                    dsts_b[sl][pl.ds(i * 16, 16)] = dst_i[sl][pl.ds(i * 16, 16)]

                @pl.when(t + 3 < SPW)
                def _():
                    for d in idx_descs(t + 3, sl):
                        d.start()

                @plsc.parallel_loop(0, EB, unroll=4)
                def _(j):
                    u = (as_b[sl][j, :] + ad_b[sl][j, :]
                         + ae_b[sl][j >> 5, pl.ds(16 * (j & 31), 16)])
                    u = jnp.where(u >= 0.0, u, 0.2 * u)
                    w = jnp.exp(u)
                    if do_den:
                        w_b[sl][j, :] = w
                    for k in range(HH):
                        h_b[sl][j, pl.ds(k * HD, HD)] = (
                            h_b[sl][j, pl.ds(k * HD, HD)] * w[koff + k])

                @pl.when(t > 0)
                def _():
                    wait_scatters(t - 1, (sl - 1) % 3)

                @pl.when(t + 2 < SPW)
                def _():
                    for d in idx_descs(t + 2, (sl + 2) % 3):
                        d.wait()
                    for d in gather_descs(t + 2, (sl + 2) % 3):
                        d.start()

                start_scatters(t, sl)
            return carry

        lax.fori_loop(0, OUTER, outer, 0)
        wait_scatters(SPW - 1, 2)

    @pl.when(c == 0)
    def _():
        run(hlo_hbm, 0, True)
        plsc.subcore_barrier()
        pltpu.sync_copy(num_sh.at[pl.ds(r0, ROWS_PER_TILE)],
                        numlo_hbm.at[pl.ds(r0, ROWS_PER_TILE)])
        pltpu.sync_copy(den_sh.at[pl.ds(r0, ROWS_PER_TILE)],
                        den_hbm.at[pl.ds(r0, ROWS_PER_TILE)])

    @pl.when(c == 1)
    def _():
        run(hhi_hbm, HH, False)
        plsc.subcore_barrier()
        pltpu.sync_copy(num_sh.at[pl.ds(r0, ROWS_PER_TILE)],
                        numhi_hbm.at[pl.ds(r0, ROWS_PER_TILE)])


def _edge_phase(src1d, dst1d, h_lo, h_hi, as16, ad16, ae3d):
    znum = jnp.zeros((NPAD, DH), jnp.float32)
    zden = jnp.zeros((NPAD, 16), jnp.float32)
    run = functools.partial(
        pl.kernel,
        out_type=[
            jax.ShapeDtypeStruct((NPAD, DH), jnp.float32),
            jax.ShapeDtypeStruct((NPAD, DH), jnp.float32),
            jax.ShapeDtypeStruct((NPAD, 16), jnp.float32),
        ],
        mesh=plsc.VectorSubcoreMesh(core_axis_name="c", subcore_axis_name="s"),
        compiler_params=pltpu.CompilerParams(use_tc_tiling_on_sc=False),
        scratch_types=(
            [pltpu.VMEM((EB,), jnp.int32)] * 6
            + [pltpu.VMEM((EB,), jnp.int32)] * 3
            + [pltpu.VMEM((EB, 16), jnp.float32)] * 3
            + [pltpu.VMEM((EB, 16), jnp.float32)] * 3
            + [pltpu.VMEM((4, 512), jnp.float32)] * 3
            + [pltpu.VMEM((EB, DH), jnp.float32)] * 3
            + [pltpu.VMEM((EB, 16), jnp.float32)] * 3
            + [pltpu.VMEM_SHARED((NPAD, DH), jnp.float32),
               pltpu.VMEM_SHARED((NPAD, 16), jnp.float32)]
            + [pltpu.SemaphoreType.DMA] * 9
        ),
    )(_edge_kernel_body)
    return run(src1d, dst1d, h_lo, h_hi, as16, ad16, ae3d, znum, zden)



def _leaky(v, s):
    return jnp.where(v >= 0.0, v, s * v)


def _epilogue_body(numlo_ref, numhi_ref, den_ref, rep_ref,
                   bconv_ref, wfc_ref, bfc_ref, lng_ref, lnb_ref,
                   wgate_ref, bgate_ref, wglob_ref, bglob_ref, out_ref):
    den = den_ref[pl.ds(0, N), :]
    den_rep = jnp.dot(den, rep_ref[...], preferred_element_type=jnp.float32)
    num = jnp.concatenate(
        [numlo_ref[pl.ds(0, N), :], numhi_ref[pl.ds(0, N), :]], axis=-1)
    x = num / (den_rep + 1e-16) + bconv_ref[...]
    t = jnp.dot(x, wfc_ref[...], preferred_element_type=jnp.float32) + bfc_ref[...]
    t = _leaky(t, 0.01)
    t = t - jnp.max(t, axis=-1, keepdims=True)
    et = jnp.exp(t)
    sa = et / jnp.sum(et, axis=-1, keepdims=True)
    x = _leaky(x * sa, 0.2)
    x = jnp.dot(x, wfc_ref[...], preferred_element_type=jnp.float32) + bfc_ref[...]
    mu = jnp.mean(x, axis=-1, keepdims=True)
    xc = x - mu
    var = jnp.mean(xc * xc, axis=-1, keepdims=True)
    x = xc * jax.lax.rsqrt(var + 1e-5) * lng_ref[...] + lnb_ref[...]
    nrm = jnp.sqrt(jnp.sum(x * x, axis=-1, keepdims=True))
    x = x / jnp.maximum(nrm, 1e-12)
    g = jnp.sum(x * wgate_ref[...], axis=-1, keepdims=True) + bgate_ref[0, 0]
    g = g - jnp.max(g)
    eg = jnp.exp(g)
    gate = eg / jnp.sum(eg)
    xg = jnp.sum(gate * x, axis=0, keepdims=True)
    q = jnp.dot(xg, wglob_ref[...], preferred_element_type=jnp.float32) + bglob_ref[...]
    q = jnp.maximum(q, 0.0)
    q = q - jnp.max(q, axis=-1, keepdims=True)
    eq = jnp.exp(q)
    ga = eq / jnp.sum(eq, axis=-1, keepdims=True)
    out_ref[...] = x * ga


def _epilogue(numlo, numhi, den, rep, bconv_row, wfc, bfc_row, lng_row,
              lnb_row, wgate_row, bgate2, wglob, bglob_row):
    return pl.pallas_call(
        _epilogue_body,
        out_shape=jax.ShapeDtypeStruct((N, D), jnp.float32),
    )(numlo, numhi, den, rep, bconv_row, wfc, bfc_row, lng_row,
      lnb_row, wgate_row, bgate2, wglob, bglob_row)



def kernel(x, edge_index, edge_attr, W, att_src, att_dst, W_edge, att_edge,
           b_conv, W_fc, b_fc, ln_g, ln_b, W_gate, b_gate, W_glob, b_glob):
    src = edge_index[0].astype(jnp.int32)
    dst = edge_index[1].astype(jnp.int32)

    w_all = jnp.transpose(W, (1, 0, 2)).reshape(D, H * HD)
    eye = jnp.eye(H, dtype=jnp.float32)
    a_src16 = jnp.concatenate(
        [(eye[:, None, :] * att_src[:, :, None]).reshape(H * HD, H),
         jnp.zeros((H * HD, 16 - H), jnp.float32)], axis=1)
    a_dst16 = jnp.concatenate(
        [(eye[:, None, :] * att_dst[:, :, None]).reshape(H * HD, H),
         jnp.zeros((H * HD, 16 - H), jnp.float32)], axis=1)
    wc = jnp.einsum("hdk,hk->dh", W_edge, att_edge)
    wc_pad = jnp.concatenate([wc, jnp.zeros((DE, 16 - H), jnp.float32)], axis=1)
    m_base = jnp.einsum("wv,kh->wkvh", jnp.eye(32, dtype=jnp.float32),
                        wc_pad).reshape(128, 512)
    rep = jnp.concatenate(
        [jnp.repeat(jnp.eye(H, dtype=jnp.float32), HD, axis=1),
         jnp.zeros((16 - H, D), jnp.float32)], axis=0)

    xp = jnp.concatenate([x, jnp.zeros((NPAD - N, D), jnp.float32)], axis=0)
    h_lo, h_hi, as16, ad16 = _node_tables(xp, w_all, a_src16, a_dst16)

    npad_e = E_PAD - E
    src1d = jnp.concatenate([src, jnp.zeros((npad_e,), jnp.int32)])
    dst1d = jnp.concatenate([dst, jnp.full((npad_e,), N, jnp.int32)])
    eaT_pad = jnp.concatenate(
        [jnp.transpose(edge_attr),
         jnp.zeros((DE, E_PAD - E), jnp.float32)], axis=1)
    ae_pk = _edge_table(_repack_ea(eaT_pad), m_base)

    numlo, numhi, den = _edge_phase(src1d, dst1d, h_lo, h_hi, as16, ad16, ae_pk)

    return _epilogue(
        numlo, numhi, den, rep,
        b_conv.reshape(1, D), W_fc, b_fc.reshape(1, D), ln_g.reshape(1, D),
        ln_b.reshape(1, D), W_gate.reshape(1, D), b_gate.reshape(1, 1),
        W_glob, b_glob.reshape(1, D))

# --- scband reference (transcript-rebuilt; emitter-appended) ---
"""Pipeline reference for scband-gat-13039520710886 (READ-ONLY COPY).

The authoritative reference and input builder live on the scoring server;
editing this copy changes nothing except your own understanding.
"""

import jax, jax.numpy as jnp
import numpy as np

N = 10000
E = 320000
D = 128
H = 8
HD = 16
DE = 4

def leaky(v, s):
    return jnp.where(v >= 0, v, s * v)

def setup_inputs(seed: int = 0):
    key = jax.random.key(seed)
    ks = jax.random.split(key, 20)
    return {
        "x": jax.random.normal(ks[0], (N, D), jnp.float32),
        "edge_index": jax.random.randint(ks[1], (2, E), 0, N),
        "edge_attr": jax.random.normal(ks[2], (E, DE), jnp.float32),
        "W": 0.1 * jax.random.normal(ks[3], (H, D, HD), jnp.float32),
        "att_src": 0.1 * jax.random.normal(ks[4], (H, HD), jnp.float32),
        "att_dst": 0.1 * jax.random.normal(ks[5], (H, HD), jnp.float32),
        "W_edge": 0.1 * jax.random.normal(ks[6], (H, DE, HD), jnp.float32),
        "att_edge": 0.1 * jax.random.normal(ks[7], (H, HD), jnp.float32),
        "b_conv": jnp.zeros((H, HD), jnp.float32),
        "W_fc": 0.05 * jax.random.normal(ks[8], (D, D), jnp.float32),
        "b_fc": jnp.zeros((D,), jnp.float32),
        "ln_g": jnp.ones((D,), jnp.float32),
        "ln_b": jnp.zeros((D,), jnp.float32),
        "W_gate": 0.05 * jax.random.normal(ks[9], (D, 1), jnp.float32),
        "b_gate": jnp.zeros((1,), jnp.float32),
        "W_glob": 0.05 * jax.random.normal(ks[10], (D, D), jnp.float32),
        "b_glob": jnp.zeros((D,), jnp.float32),
    }

def reference(x, edge_index, edge_attr, W, att_src, att_dst, W_edge, att_edge, b_conv, W_fc, b_fc, ln_g, ln_b, W_gate, b_gate, W_glob, b_glob):
    src = edge_index[0]
    dst = edge_index[1]
    heads = []
    for i in range(H):
        h = x @ W[i]  # [N, HD]
        a_s = (h * att_src[i]).sum(-1)
        a_d = (h * att_dst[i]).sum(-1)
        a_e = ((edge_attr @ W_edge[i]) * att_edge[i]).sum(-1)
        a = a_s[src] + a_d[dst] + a_e
        a = leaky(a, 0.2)
        amax = jax.ops.segment_max(a, dst, num_segments=N)
        amax = jax.lax.stop_gradient(jnp.where(jnp.isfinite(amax), amax, 0.0))
        ex = jnp.exp(a - amax[dst])
        den = jax.ops.segment_sum(ex, dst, num_segments=N)
        alpha = ex / (den[dst] + 1e-16)
        out = jax.ops.segment_sum(h[src] * alpha[:, None], dst, num_segments=N)
        heads.append(out + b_conv[i])
    x_local = jnp.concatenate(heads, axis=-1)  # [N, D]
    sa = jax.nn.softmax(leaky(x_local @ W_fc + b_fc, 0.01), axis=-1)
    x_local = x_local * sa
    x_local = leaky(x_local, 0.2)
    x_local = x_local @ W_fc + b_fc
    mu = x_local.mean(-1, keepdims=True)
    var = x_local.var(-1, keepdims=True)
    x_local = (x_local - mu) / jnp.sqrt(var + 1e-5) * ln_g + ln_b
    nrm = jnp.linalg.norm(x_local, axis=1, keepdims=True)
    x_local = x_local / jnp.maximum(nrm, 1e-12)
    # GlobalAttention pooling; batch = zeros -> single segment over all nodes
    gate = jax.nn.softmax(x_local @ W_gate + b_gate, axis=0)  # [N, 1]
    x_global = (gate * x_local).sum(0, keepdims=True)  # [1, D]
    ga = jax.nn.softmax(jax.nn.relu(x_global @ W_glob + b_glob), axis=-1)
    return x_local * ga

if __name__ == "__main__":
    import jax
    _d = setup_inputs()
    print(jax.jit(kernel)(*tuple(_d.values())))

</pallas_src>

<mosaic_0001>
#map = affine_map<(d0, d1) -> (0, 0)>
module attributes {stable_mosaic.version = 14 : i64} {
  func.func @_repack_body(%arg0: i32, %arg1: i32, %arg2: memref<4x325632xf32, #tpu.memory_space<hbm>>, %arg3: memref<10176x128xf32, #tpu.memory_space<hbm>>, %arg4: memref<13568xf32, #tpu.memory_space<vmem>>, %arg5: memref<106x128xf32, #tpu.memory_space<vmem>>, %arg6: memref<!tpu.dma_semaphore, #tpu.memory_space<semaphore_mem>>) attributes {dimension_semantics = [#tpu.dimension_semantics<core_parallel>, #tpu.dimension_semantics<subcore_parallel>], iteration_bounds = array<i64: 2, 16>, scalar_prefetch = 0 : i64, scratch_operands = 3 : i64, tpu.core_type = #tpu.core_type<sc_vector_subcore>, window_params = [{transform_indices = #map}, {transform_indices = #map}]} {
    %mul3A = arith.constant 2 : i32
    %mul3A_0 = arith.muli %arg1, %mul3A : i32
    %add3A = arith.addi %mul3A_0, %arg0 : i32
    %mul3A_1 = arith.constant 10176 : i32
    %mul3A_2 = arith.muli %add3A, %mul3A_1 : i32
    %iota3A = tpu.iota {dimensions = array<i32: 0>} : vector<16xi32>
    %and3A = arith.constant 3 : i32
    %and3A_3 = vector.broadcast %and3A : i32 to vector<16xi32>
    %and3A_4 = arith.andi %iota3A, %and3A_3 : vector<16xi32>
    %mul3A_5 = arith.constant 3392 : i32
    %mul3A_6 = vector.broadcast %mul3A_5 : i32 to vector<16xi32>
    %mul3A_7 = arith.muli %mul3A_6, %and3A_4 : vector<16xi32>
    %shift_right_arithmetic3A = arith.constant 2 : i32
    %shift_right_arithmetic3A_8 = vector.broadcast %shift_right_arithmetic3A : i32 to vector<16xi32>
    %shift_right_arithmetic3A_9 = arith.shrsi %iota3A, %shift_right_arithmetic3A_8 : vector<16xi32>
    %add3A_10 = arith.addi %mul3A_7, %shift_right_arithmetic3A_9 : vector<16xi32>
    %add3A_11 = arith.constant 0 : i32
    %add3A_12 = arith.addi %mul3A_2, %add3A_11 : i32
    %run_scoped3A = arith.constant 0 : i32
    "tpu.region"() ({
      %run_scoped3A_101 = tpu.sem_alloc : memref<!tpu.dma_semaphore, #tpu.memory_space<semaphore_mem>>
      %dma_start3A = arith.constant 0 : i32
      %dma_start3A_102 = tpu.memref_slice %arg4[%dma_start3A] : memref<13568xf32, #tpu.memory_space<vmem>> -> memref<3392xf32, #tpu.memory_space<vmem>>
      %dma_start3A_103 = tpu.memref_slice %arg2[%run_scoped3A, %add3A_12] : memref<4x325632xf32, #tpu.memory_space<hbm>> -> memref<1x3392xf32, #tpu.memory_space<hbm>>
      %dma_start3A_104 = tpu.memref_squeeze %dma_start3A_103 : memref<1x3392xf32, #tpu.memory_space<hbm>> -> memref<3392xf32, #tpu.memory_space<hbm>>
      %dma_start3A_105 = arith.constant 0 : i32
      %dma_start3A_106 = tpu.memref_slice %arg4[%dma_start3A_105] : memref<13568xf32, #tpu.memory_space<vmem>> -> memref<3392xf32, #tpu.memory_space<vmem>>
      %dma_start3A_107 = tpu.memref_slice %arg2[%run_scoped3A, %add3A_12] : memref<4x325632xf32, #tpu.memory_space<hbm>> -> memref<1x3392xf32, #tpu.memory_space<hbm>>
      %dma_start3A_108 = tpu.memref_squeeze %dma_start3A_107 : memref<1x3392xf32, #tpu.memory_space<hbm>> -> memref<3392xf32, #tpu.memory_space<hbm>>
      tpu.enqueue_dma source(%dma_start3A_108 : memref<3392xf32, #tpu.memory_space<hbm>>) target(%dma_start3A_106 : memref<3392xf32, #tpu.memory_space<vmem>>) target_semaphore(%run_scoped3A_101 : memref<!tpu.dma_semaphore, #tpu.memory_space<semaphore_mem>>)
      %dma_wait3A = arith.constant 0 : i32
      %dma_wait3A_109 = tpu.memref_slice %arg4[%dma_wait3A] : memref<13568xf32, #tpu.memory_space<vmem>> -> memref<3392xf32, #tpu.memory_space<vmem>>
      %dma_wait3A_110 = tpu.memref_slice %arg2[%run_scoped3A, %add3A_12] : memref<4x325632xf32, #tpu.memory_space<hbm>> -> memref<1x3392xf32, #tpu.memory_space<hbm>>
      %dma_wait3A_111 = tpu.memref_squeeze %dma_wait3A_110 : memref<1x3392xf32, #tpu.memory_space<hbm>> -> memref<3392xf32, #tpu.memory_space<hbm>>
      %dma_wait3A_112 = arith.constant 0 : i32
      %dma_wait3A_113 = tpu.memref_slice %arg4[%dma_wait3A_112] : memref<13568xf32, #tpu.memory_space<vmem>> -> memref<3392xf32, #tpu.memory_space<vmem>>
      %dma_wait3A_114 = tpu.memref_slice %arg2[%run_scoped3A, %add3A_12] : memref<4x325632xf32, #tpu.memory_space<hbm>> -> memref<1x3392xf32, #tpu.memory_space<hbm>>
      %dma_wait3A_115 = tpu.memref_squeeze %dma_wait3A_114 : memref<1x3392xf32, #tpu.memory_space<hbm>> -> memref<3392xf32, #tpu.memory_space<hbm>>
      tpu.wait_dma2 semaphore(%run_scoped3A_101 : memref<!tpu.dma_semaphore, #tpu.memory_space<semaphore_mem>>) src(%dma_wait3A_115 : memref<3392xf32, #tpu.memory_space<hbm>>) dst(%dma_wait3A_113 : memref<3392xf32, #tpu.memory_space<vmem>>)
      tpu.yield
    }) : () -> ()
    %run_scoped3A_13 = arith.constant 1 : i32
    "tpu.region"() ({
      %run_scoped3A_101 = tpu.sem_alloc : memref<!tpu.dma_semaphore, #tpu.memory_space<semaphore_mem>>
      %dma_start3A = arith.constant 3392 : i32
      %dma_start3A_102 = tpu.memref_slice %arg4[%dma_start3A] : memref<13568xf32, #tpu.memory_space<vmem>> -> memref<3392xf32, #tpu.memory_space<vmem>>
      %dma_start3A_103 = tpu.memref_slice %arg2[%run_scoped3A_13, %add3A_12] : memref<4x325632xf32, #tpu.memory_space<hbm>> -> memref<1x3392xf32, #tpu.memory_space<hbm>>
      %dma_start3A_104 = tpu.memref_squeeze %dma_start3A_103 : memref<1x3392xf32, #tpu.memory_space<hbm>> -> memref<3392xf32, #tpu.memory_space<hbm>>
      %dma_start3A_105 = arith.constant 3392 : i32
      %dma_start3A_106 = tpu.memref_slice %arg4[%dma_start3A_105] : memref<13568xf32, #tpu.memory_space<vmem>> -> memref<3392xf32, #tpu.memory_space<vmem>>
      %dma_start3A_107 = tpu.memref_slice %arg2[%run_scoped3A_13, %add3A_12] : memref<4x325632xf32, #tpu.memory_space<hbm>> -> memref<1x3392xf32, #tpu.memory_space<hbm>>
      %dma_start3A_108 = tpu.memref_squeeze %dma_start3A_107 : memref<1x3392xf32, #tpu.memory_space<hbm>> -> memref<3392xf32, #tpu.memory_space<hbm>>
      tpu.enqueue_dma source(%dma_start3A_108 : memref<3392xf32, #tpu.memory_space<hbm>>) target(%dma_start3A_106 : memref<3392xf32, #tpu.memory_space<vmem>>) target_semaphore(%run_scoped3A_101 : memref<!tpu.dma_semaphore, #tpu.memory_space<semaphore_mem>>)
      %dma_wait3A = arith.constant 3392 : i32
      %dma_wait3A_109 = tpu.memref_slice %arg4[%dma_wait3A] : memref<13568xf32, #tpu.memory_space<vmem>> -> memref<3392xf32, #tpu.memory_space<vmem>>
      %dma_wait3A_110 = tpu.memref_slice %arg2[%run_scoped3A_13, %add3A_12] : memref<4x325632xf32, #tpu.memory_space<hbm>> -> memref<1x3392xf32, #tpu.memory_space<hbm>>
      %dma_wait3A_111 = tpu.memref_squeeze %dma_wait3A_110 : memref<1x3392xf32, #tpu.memory_space<hbm>> -> memref<3392xf32, #tpu.memory_space<hbm>>
      %dma_wait3A_112 = arith.constant 3392 : i32
      %dma_wait3A_113 = tpu.memref_slice %arg4[%dma_wait3A_112] : memref<13568xf32, #tpu.memory_space<vmem>> -> memref<3392xf32, #tpu.memory_space<vmem>>
      %dma_wait3A_114 = tpu.memref_slice %arg2[%run_scoped3A_13, %add3A_12] : memref<4x325632xf32, #tpu.memory_space<hbm>> -> memref<1x3392xf32, #tpu.memory_space<hbm>>
      %dma_wait3A_115 = tpu.memref_squeeze %dma_wait3A_114 : memref<1x3392xf32, #tpu.memory_space<hbm>> -> memref<3392xf32, #tpu.memory_space<hbm>>
      tpu.wait_dma2 semaphore(%run_scoped3A_101 : memref<!tpu.dma_semaphore, #tpu.memory_space<semaphore_mem>>) src(%dma_wait3A_115 : memref<3392xf32, #tpu.memory_space<hbm>>) dst(%dma_wait3A_113 : memref<3392xf32, #tpu.memory_space<vmem>>)
      tpu.yield
    }) : () -> ()
    %run_scoped3A_14 = arith.constant 2 : i32
    "tpu.region"() ({
      %run_scoped3A_101 = tpu.sem_alloc : memref<!tpu.dma_semaphore, #tpu.memory_space<semaphore_mem>>
      %dma_start3A = arith.constant 6784 : i32
      %dma_start3A_102 = tpu.memref_slice %arg4[%dma_start3A] : memref<13568xf32, #tpu.memory_space<vmem>> -> memref<3392xf32, #tpu.memory_space<vmem>>
      %dma_start3A_103 = tpu.memref_slice %arg2[%run_scoped3A_14, %add3A_12] : memref<4x325632xf32, #tpu.memory_space<hbm>> -> memref<1x3392xf32, #tpu.memory_space<hbm>>
      %dma_start3A_104 = tpu.memref_squeeze %dma_start3A_103 : memref<1x3392xf32, #tpu.memory_space<hbm>> -> memref<3392xf32, #tpu.memory_space<hbm>>
      %dma_start3A_105 = arith.constant 6784 : i32
      %dma_start3A_106 = tpu.memref_slice %arg4[%dma_start3A_105] : memref<13568xf32, #tpu.memory_space<vmem>> -> memref<3392xf32, #tpu.memory_space<vmem>>
      %dma_start3A_107 = tpu.memref_slice %arg2[%run_scoped3A_14, %add3A_12] : memref<4x325632xf32, #tpu.memory_space<hbm>> -> memref<1x3392xf32, #tpu.memory_space<hbm>>
      %dma_start3A_108 = tpu.memref_squeeze %dma_start3A_107 : memref<1x3392xf32, #tpu.memory_space<hbm>> -> memref<3392xf32, #tpu.memory_space<hbm>>
      tpu.enqueue_dma source(%dma_start3A_108 : memref<3392xf32, #tpu.memory_space<hbm>>) target(%dma_start3A_106 : memref<3392xf32, #tpu.memory_space<vmem>>) target_semaphore(%run_scoped3A_101 : memref<!tpu.dma_semaphore, #tpu.memory_space<semaphore_mem>>)
      %dma_wait3A = arith.constant 6784 : i32
      %dma_wait3A_109 = tpu.memref_slice %arg4[%dma_wait3A] : memref<13568xf32, #tpu.memory_space<vmem>> -> memref<3392xf32, #tpu.memory_space<vmem>>
      %dma_wait3A_110 = tpu.memref_slice %arg2[%run_scoped3A_14, %add3A_12] : memref<4x325632xf32, #tpu.memory_space<hbm>> -> memref<1x3392xf32, #tpu.memory_space<hbm>>
      %dma_wait3A_111 = tpu.memref_squeeze %dma_wait3A_110 : memref<1x3392xf32, #tpu.memory_space<hbm>> -> memref<3392xf32, #tpu.memory_space<hbm>>
      %dma_wait3A_112 = arith.constant 6784 : i32
      %dma_wait3A_113 = tpu.memref_slice %arg4[%dma_wait3A_112] : memref<13568xf32, #tpu.memory_space<vmem>> -> memref<3392xf32, #tpu.memory_space<vmem>>
      %dma_wait3A_114 = tpu.memref_slice %arg2[%run_scoped3A_14, %add3A_12] : memref<4x325632xf32, #tpu.memory_space<hbm>> -> memref<1x3392xf32, #tpu.memory_space<hbm>>
      %dma_wait3A_115 = tpu.memref_squeeze %dma_wait3A_114 : memref<1x3392xf32, #tpu.memory_space<hbm>> -> memref<3392xf32, #tpu.memory_space<hbm>>
      tpu.wait_dma2 semaphore(%run_scoped3A_101 : memref<!tpu.dma_semaphore, #tpu.memory_space<semaphore_mem>>) src(%dma_wait3A_115 : memref<3392xf32, #tpu.memory_space<hbm>>) dst(%dma_wait3A_113 : memref<3392xf32, #tpu.memory_space<vmem>>)
      tpu.yield
    }) : () -> ()
    %run_scoped3A_15 = arith.constant 3 : i32
    "tpu.region"() ({
      %run_scoped3A_101 = tpu.sem_alloc : memref<!tpu.dma_semaphore, #tpu.memory_space<semaphore_mem>>
      %dma_start3A = arith.constant 10176 : i32
      %dma_start3A_102 = tpu.memref_slice %arg4[%dma_start3A] : memref<13568xf32, #tpu.memory_space<vmem>> -> memref<3392xf32, #tpu.memory_space<vmem>>
      %dma_start3A_103 = tpu.memref_slice %arg2[%run_scoped3A_15, %add3A_12] : memref<4x325632xf32, #tpu.memory_space<hbm>> -> memref<1x3392xf32, #tpu.memory_space<hbm>>
      %dma_start3A_104 = tpu.memref_squeeze %dma_start3A_103 : memref<1x3392xf32, #tpu.memory_space<hbm>> -> memref<3392xf32, #tpu.memory_space<hbm>>
      %dma_start3A_105 = arith.constant 10176 : i32
      %dma_start3A_106 = tpu.memref_slice %arg4[%dma_start3A_105] : memref<13568xf32, #tpu.memory_space<vmem>> -> memref<3392xf32, #tpu.memory_space<vmem>>
      %dma_start3A_107 = tpu.memref_slice %arg2[%run_scoped3A_15, %add3A_12] : memref<4x325632xf32, #tpu.memory_space<hbm>> -> memref<1x3392xf32, #tpu.memory_space<hbm>>
      %dma_start3A_108 = tpu.memref_squeeze %dma_start3A_107 : memref<1x3392xf32, #tpu.memory_space<hbm>> -> memref<3392xf32, #tpu.memory_space<hbm>>
      tpu.enqueue_dma source(%dma_start3A_108 : memref<3392xf32, #tpu.memory_space<hbm>>) target(%dma_start3A_106 : memref<3392xf32, #tpu.memory_space<vmem>>) target_semaphore(%run_scoped3A_101 : memref<!tpu.dma_semaphore, #tpu.memory_space<semaphore_mem>>)
      %dma_wait3A = arith.constant 10176 : i32
      %dma_wait3A_109 = tpu.memref_slice %arg4[%dma_wait3A] : memref<13568xf32, #tpu.memory_space<vmem>> -> memref<3392xf32, #tpu.memory_space<vmem>>
      %dma_wait3A_110 = tpu.memref_slice %arg2[%run_scoped3A_15, %add3A_12] : memref<4x325632xf32, #tpu.memory_space<hbm>> -> memref<1x3392xf32, #tpu.memory_space<hbm>>
      %dma_wait3A_111 = tpu.memref_squeeze %dma_wait3A_110 : memref<1x3392xf32, #tpu.memory_space<hbm>> -> memref<3392xf32, #tpu.memory_space<hbm>>
      %dma_wait3A_112 = arith.constant 10176 : i32
      %dma_wait3A_113 = tpu.memref_slice %arg4[%dma_wait3A_112] : memref<13568xf32, #tpu.memory_space<vmem>> -> memref<3392xf32, #tpu.memory_space<vmem>>
      %dma_wait3A_114 = tpu.memref_slice %arg2[%run_scoped3A_15, %add3A_12] : memref<4x325632xf32, #tpu.memory_space<hbm>> -> memref<1x3392xf32, #tpu.memory_space<hbm>>
      %dma_wait3A_115 = tpu.memref_squeeze %dma_wait3A_114 : memref<1x3392xf32, #tpu.memory_space<hbm>> -> memref<3392xf32, #tpu.memory_space<hbm>>
      tpu.wait_dma2 semaphore(%run_scoped3A_101 : memref<!tpu.dma_semaphore, #tpu.memory_space<semaphore_mem>>) src(%dma_wait3A_115 : memref<3392xf32, #tpu.memory_space<hbm>>) dst(%dma_wait3A_113 : memref<3392xf32, #tpu.memory_space<vmem>>)
      tpu.yield
    }) : () -> ()
    %parallel_loop3A = arith.constant 0 : i32
    %parallel_loop3A_16 = arith.constant 848 : i32
    %parallel_loop3A_17 = arith.constant 1 : i32
    scf.for %parallel_loop3A_101 = %parallel_loop3A to %parallel_loop3A_16 step %parallel_loop3A_17  : i32 {
      %parallel_loop3A_102 = arith.constant 4 : i32
      %parallel_loop3A_103 = arith.muli %parallel_loop3A_102, %parallel_loop3A_101 : i32
      %parallel_loop3A_104 = vector.broadcast %parallel_loop3A_103 : i32 to vector<16xi32>
      %parallel_loop3A_105 = arith.addi %add3A_10, %parallel_loop3A_104 : vector<16xi32>
      %parallel_loop3A_106 = tpu.vector_load_idx %arg4[%parallel_loop3A_105] : memref<13568xf32, #tpu.memory_space<vmem>>[vector<16xi32>], vector<16xf32>,
      %parallel_loop3A_107 = arith.constant 3 : i32
      %parallel_loop3A_108 = arith.shrsi %parallel_loop3A_101, %parallel_loop3A_107 : i32
      %parallel_loop3A_109 = arith.constant 7 : i32
      %parallel_loop3A_110 = arith.andi %parallel_loop3A_101, %parallel_loop3A_109 : i32
      %parallel_loop3A_111 = arith.constant 16 : i32
      %parallel_loop3A_112 = arith.muli %parallel_loop3A_111, %parallel_loop3A_110 : i32
      %parallel_loop3A_113 = arith.index_cast %parallel_loop3A_108 : i32 to index
      %parallel_loop3A_114 = arith.index_cast %parallel_loop3A_112 : i32 to index
      %parallel_loop3A_115 = tpu.vector_load %arg5[%parallel_loop3A_113, %parallel_loop3A_114] {strides = array<i32>} : memref<106x128xf32, #tpu.memory_space<vmem>>, vector<16xf32>,
      tpu.vector_store %arg5[%parallel_loop3A_113, %parallel_loop3A_114], %parallel_loop3A_106 {strides = array<i32>} : memref<106x128xf32, #tpu.memory_space<vmem>>, vector<16xf32>,
    } {sc.loop_unroll_factor = 4 : i64, sc.parallel_access}
    %jit3A = arith.constant 32 : i32
    %div3A = arith.divsi %add3A_12, %jit3A : i32
    %sign3A = arith.constant 0 : i32
    %sign3A_18 = arith.cmpi sgt, %add3A_12, %sign3A : i32
    %sign3A_19 = arith.extui %sign3A_18 : i1 to i32
    %sign3A_20 = arith.constant 0 : i32
    %sign3A_21 = arith.cmpi slt, %add3A_12, %sign3A_20 : i32
    %sign3A_22 = arith.extui %sign3A_21 : i1 to i32
    %sign3A_23 = arith.subi %sign3A_19, %sign3A_22 : i32
    %sign3A_24 = arith.constant 0 : i32
    %sign3A_25 = arith.cmpi sgt, %jit3A, %sign3A_24 : i32
    %sign3A_26 = arith.extui %sign3A_25 : i1 to i32
    %sign3A_27 = arith.constant 0 : i32
    %sign3A_28 = arith.cmpi slt, %jit3A, %sign3A_27 : i32
    %sign3A_29 = arith.extui %sign3A_28 : i1 to i32
    %sign3A_30 = arith.subi %sign3A_26, %sign3A_29 : i32
    %ne3A = arith.cmpi ne, %sign3A_23, %sign3A_30 : i32
    %rem3A = arith.remsi %add3A_12, %jit3A : i32
    %ne3A_31 = arith.constant 0 : i32
    %ne3A_32 = arith.cmpi ne, %rem3A, %ne3A_31 : i32
    %and3A_33 = arith.andi %ne3A, %ne3A_32 : i1
    %sub3A = arith.constant 1 : i32
    %sub3A_34 = arith.subi %div3A, %sub3A : i32
    %select_n3A = arith.select %and3A_33, %sub3A_34, %div3A : i32
    "tpu.region"() ({
      %run_scoped3A_101 = tpu.sem_alloc : memref<!tpu.dma_semaphore, #tpu.memory_space<semaphore_mem>>
      %dma_start3A = arith.constant 0 : i32
      %dma_start3A_102 = tpu.memref_slice %arg3[%select_n3A, %dma_start3A] : memref<10176x128xf32, #tpu.memory_space<hbm>> -> memref<106x128xf32, #tpu.memory_space<hbm>>
      %dma_start3A_103 = arith.constant 0 : i32
      %dma_start3A_104 = tpu.memref_slice %arg3[%select_n3A, %dma_start3A_103] : memref<10176x128xf32, #tpu.memory_space<hbm>> -> memref<106x128xf32, #tpu.memory_space<hbm>>
      tpu.enqueue_dma source(%arg5 : memref<106x128xf32, #tpu.memory_space<vmem>>) target(%dma_start3A_104 : memref<106x128xf32, #tpu.memory_space<hbm>>) target_semaphore(%run_scoped3A_101 : memref<!tpu.dma_semaphore, #tpu.memory_space<semaphore_mem>>)
      %dma_wait3A = arith.constant 0 : i32
      %dma_wait3A_105 = tpu.memref_slice %arg3[%select_n3A, %dma_wait3A] : memref<10176x128xf32, #tpu.memory_space<hbm>> -> memref<106x128xf32, #tpu.memory_space<hbm>>
      %dma_wait3A_106 = arith.constant 0 : i32
      %dma_wait3A_107 = tpu.memref_slice %arg3[%select_n3A, %dma_wait3A_106] : memref<10176x128xf32, #tpu.memory_space<hbm>> -> memref<106x128xf32, #tpu.memory_space<hbm>>
      tpu.wait_dma2 semaphore(%run_scoped3A_101 : memref<!tpu.dma_semaphore, #tpu.memory_space<semaphore_mem>>) src(%arg5 : memref<106x128xf32, #tpu.memory_space<vmem>>) dst(%dma_wait3A_107 : memref<106x128xf32, #tpu.memory_space<hbm>>)
      tpu.yield
    }) : () -> ()
    %add3A_35 = arith.constant 3392 : i32
    %add3A_36 = arith.addi %mul3A_2, %add3A_35 : i32
    %run_scoped3A_37 = arith.constant 0 : i32
    "tpu.region"() ({
      %run_scoped3A_101 = tpu.sem_alloc : memref<!tpu.dma_semaphore, #tpu.memory_space<semaphore_mem>>
      %dma_start3A = arith.constant 0 : i32
      %dma_start3A_102 = tpu.memref_slice %arg4[%dma_start3A] : memref<13568xf32, #tpu.memory_space<vmem>> -> memref<3392xf32, #tpu.memory_space<vmem>>
      %dma_start3A_103 = tpu.memref_slice %arg2[%run_scoped3A_37, %add3A_36] : memref<4x325632xf32, #tpu.memory_space<hbm>> -> memref<1x3392xf32, #tpu.memory_space<hbm>>
      %dma_start3A_104 = tpu.memref_squeeze %dma_start3A_103 : memref<1x3392xf32, #tpu.memory_space<hbm>> -> memref<3392xf32, #tpu.memory_space<hbm>>
      %dma_start3A_105 = arith.constant 0 : i32
      %dma_start3A_106 = tpu.memref_slice %arg4[%dma_start3A_105] : memref<13568xf32, #tpu.memory_space<vmem>> -> memref<3392xf32, #tpu.memory_space<vmem>>
      %dma_start3A_107 = tpu.memref_slice %arg2[%run_scoped3A_37, %add3A_36] : memref<4x325632xf32, #tpu.memory_space<hbm>> -> memref<1x3392xf32, #tpu.memory_space<hbm>>
      %dma_start3A_108 = tpu.memref_squeeze %dma_start3A_107 : memref<1x3392xf32, #tpu.memory_space<hbm>> -> memref<3392xf32, #tpu.memory_space<hbm>>
      tpu.enqueue_dma source(%dma_start3A_108 : memref<3392xf32, #tpu.memory_space<hbm>>) target(%dma_start3A_106 : memref<3392xf32, #tpu.memory_space<vmem>>) target_semaphore(%run_scoped3A_101 : memref<!tpu.dma_semaphore, #tpu.memory_space<semaphore_mem>>)
      %dma_wait3A = arith.constant 0 : i32
      %dma_wait3A_109 = tpu.memref_slice %arg4[%dma_wait3A] : memref<13568xf32, #tpu.memory_space<vmem>> -> memref<3392xf32, #tpu.memory_space<vmem>>
      %dma_wait3A_110 = tpu.memref_slice %arg2[%run_scoped3A_37, %add3A_36] : memref<4x325632xf32, #tpu.memory_space<hbm>> -> memref<1x3392xf32, #tpu.memory_space<hbm>>
      %dma_wait3A_111 = tpu.memref_squeeze %dma_wait3A_110 : memref<1x3392xf32, #tpu.memory_space<hbm>> -> memref<3392xf32, #tpu.memory_space<hbm>>
      %dma_wait3A_112 = arith.constant 0 : i32
      %dma_wait3A_113 = tpu.memref_slice %arg4[%dma_wait3A_112] : memref<13568xf32, #tpu.memory_space<vmem>> -> memref<3392xf32, #tpu.memory_space<vmem>>
      %dma_wait3A_114 = tpu.memref_slice %arg2[%run_scoped3A_37, %add3A_36] : memref<4x325632xf32, #tpu.memory_space<hbm>> -> memref<1x3392xf32, #tpu.memory_space<hbm>>
      %dma_wait3A_115 = tpu.memref_squeeze %dma_wait3A_114 : memref<1x3392xf32, #tpu.memory_space<hbm>> -> memref<3392xf32, #tpu.memory_space<hbm>>
      tpu.wait_dma2 semaphore(%run_scoped3A_101 : memref<!tpu.dma_semaphore, #tpu.memory_space<semaphore_mem>>) src(%dma_wait3A_115 : memref<3392xf32, #tpu.memory_space<hbm>>) dst(%dma_wait3A_113 : memref<3392xf32, #tpu.memory_space<vmem>>)
      tpu.yield
    }) : () -> ()
    %run_scoped3A_38 = arith.constant 1 : i32
    "tpu.region"() ({
      %run_scoped3A_101 = tpu.sem_alloc : memref<!tpu.dma_semaphore, #tpu.memory_space<semaphore_mem>>
      %dma_start3A = arith.constant 3392 : i32
      %dma_start3A_102 = tpu.memref_slice %arg4[%dma_start3A] : memref<13568xf32, #tpu.memory_space<vmem>> -> memref<3392xf32, #tpu.memory_space<vmem>>
      %dma_start3A_103 = tpu.memref_slice %arg2[%run_scoped3A_38, %add3A_36] : memref<4x325632xf32, #tpu.memory_space<hbm>> -> memref<1x3392xf32, #tpu.memory_space<hbm>>
      %dma_start3A_104 = tpu.memref_squeeze %dma_start3A_103 : memref<1x3392xf32, #tpu.memory_space<hbm>> -> memref<3392xf32, #tpu.memory_space<hbm>>
      %dma_start3A_105 = arith.constant 3392 : i32
      %dma_start3A_106 = tpu.memref_slice %arg4[%dma_start3A_105] : memref<13568xf32, #tpu.memory_space<vmem>> -> memref<3392xf32, #tpu.memory_space<vmem>>
      %dma_start3A_107 = tpu.memref_slice %arg2[%run_scoped3A_38, %add3A_36] : memref<4x325632xf32, #tpu.memory_space<hbm>> -> memref<1x3392xf32, #tpu.memory_space<hbm>>
      %dma_start3A_108 = tpu.memref_squeeze %dma_start3A_107 : memref<1x3392xf32, #tpu.memory_space<hbm>> -> memref<3392xf32, #tpu.memory_space<hbm>>
      tpu.enqueue_dma source(%dma_start3A_108 : memref<3392xf32, #tpu.memory_space<hbm>>) target(%dma_start3A_106 : memref<3392xf32, #tpu.memory_space<vmem>>) target_semaphore(%run_scoped3A_101 : memref<!tpu.dma_semaphore, #tpu.memory_space<semaphore_mem>>)
      %dma_wait3A = arith.constant 3392 : i32
      %dma_wait3A_109 = tpu.memref_slice %arg4[%dma_wait3A] : memref<13568xf32, #tpu.memory_space<vmem>> -> memref<3392xf32, #tpu.memory_space<vmem>>
      %dma_wait3A_110 = tpu.memref_slice %arg2[%run_scoped3A_38, %add3A_36] : memref<4x325632xf32, #tpu.memory_space<hbm>> -> memref<1x3392xf32, #tpu.memory_space<hbm>>
      %dma_wait3A_111 = tpu.memref_squeeze %dma_wait3A_110 : memref<1x3392xf32, #tpu.memory_space<hbm>> -> memref<3392xf32, #tpu.memory_space<hbm>>
      %dma_wait3A_112 = arith.constant 3392 : i32
      %dma_wait3A_113 = tpu.memref_slice %arg4[%dma_wait3A_112] : memref<13568xf32, #tpu.memory_space<vmem>> -> memref<3392xf32, #tpu.memory_space<vmem>>
      %dma_wait3A_114 = tpu.memref_slice %arg2[%run_scoped3A_38, %add3A_36] : memref<4x325632xf32, #tpu.memory_space<hbm>> -> memref<1x3392xf32, #tpu.memory_space<hbm>>
      %dma_wait3A_115 = tpu.memref_squeeze %dma_wait3A_114 : memref<1x3392xf32, #tpu.memory_space<hbm>> -> memref<3392xf32, #tpu.memory_space<hbm>>
      tpu.wait_dma2 semaphore(%run_scoped3A_101 : memref<!tpu.dma_semaphore, #tpu.memory_space<semaphore_mem>>) src(%dma_wait3A_115 : memref<3392xf32, #tpu.memory_space<hbm>>) dst(%dma_wait3A_113 : memref<3392xf32, #tpu.memory_space<vmem>>)
      tpu.yield
    }) : () -> ()
    %run_scoped3A_39 = arith.constant 2 : i32
    "tpu.region"() ({
      %run_scoped3A_101 = tpu.sem_alloc : memref<!tpu.dma_semaphore, #tpu.memory_space<semaphore_mem>>
      %dma_start3A = arith.constant 6784 : i32
      %dma_start3A_102 = tpu.memref_slice %arg4[%dma_start3A] : memref<13568xf32, #tpu.memory_space<vmem>> -> memref<3392xf32, #tpu.memory_space<vmem>>
      %dma_start3A_103 = tpu.memref_slice %arg2[%run_scoped3A_39, %add3A_36] : memref<4x325632xf32, #tpu.memory_space<hbm>> -> memref<1x3392xf32, #tpu.memory_space<hbm>>
      %dma_start3A_104 = tpu.memref_squeeze %dma_start3A_103 : memref<1x3392xf32, #tpu.memory_space<hbm>> -> memref<3392xf32, #tpu.memory_space<hbm>>
      %dma_start3A_105 = arith.constant 6784 : i32
      %dma_start3A_106 = tpu.memref_slice %arg4[%dma_start3A_105] : memref<13568xf32, #tpu.memory_space<vmem>> -> memref<3392xf32, #tpu.memory_space<vmem>>
      %dma_start3A_107 = tpu.memref_slice %arg2[%run_scoped3A_39, %add3A_36] : memref<4x325632xf32, #tpu.memory_space<hbm>> -> memref<1x3392xf32, #tpu.memory_space<hbm>>
      %dma_start3A_108 = tpu.memref_squeeze %dma_start3A_107 : memref<1x3392xf32, #tpu.memory_space<hbm>> -> memref<3392xf32, #tpu.memory_space<hbm>>
      tpu.enqueue_dma source(%dma_start3A_108 : memref<3392xf32, #tpu.memory_space<hbm>>) target(%dma_start3A_106 : memref<3392xf32, #tpu.memory_space<vmem>>) target_semaphore(%run_scoped3A_101 : memref<!tpu.dma_semaphore, #tpu.memory_space<semaphore_mem>>)
      %dma_wait3A = arith.constant 6784 : i32
      %dma_wait3A_109 = tpu.memref_slice %arg4[%dma_wait3A] : memref<13568xf32, #tpu.memory_space<vmem>> -> memref<3392xf32, #tpu.memory_space<vmem>>
      %dma_wait3A_110 = tpu.memref_slice %arg2[%run_scoped3A_39, %add3A_36] : memref<4x325632xf32, #tpu.memory_space<hbm>> -> memref<1x3392xf32, #tpu.memory_space<hbm>>
      %dma_wait3A_111 = tpu.memref_squeeze %dma_wait3A_110 : memref<1x3392xf32, #tpu.memory_space<hbm>> -> memref<3392xf32, #tpu.memory_space<hbm>>
      %dma_wait3A_112 = arith.constant 6784 : i32
      %dma_wait3A_113 = tpu.memref_slice %arg4[%dma_wait3A_112] : memref<13568xf32, #tpu.memory_space<vmem>> -> memref<3392xf32, #tpu.memory_space<vmem>>
      %dma_wait3A_114 = tpu.memref_slice %arg2[%run_scoped3A_39, %add3A_36] : memref<4x325632xf32, #tpu.memory_space<hbm>> -> memref<1x3392xf32, #tpu.memory_space<hbm>>
      %dma_wait3A_115 = tpu.memref_squeeze %dma_wait3A_114 : memref<1x3392xf32, #tpu.memory_space<hbm>> -> memref<3392xf32, #tpu.memory_space<hbm>>
      tpu.wait_dma2 semaphore(%run_scoped3A_101 : memref<!tpu.dma_semaphore, #tpu.memory_space<semaphore_mem>>) src(%dma_wait3A_115 : memref<3392xf32, #tpu.memory_space<hbm>>) dst(%dma_wait3A_113 : memref<3392xf32, #tpu.memory_space<vmem>>)
      tpu.yield
    }) : () -> ()
    %run_scoped3A_40 = arith.constant 3 : i32
    "tpu.region"() ({
      %run_scoped3A_101 = tpu.sem_alloc : memref<!tpu.dma_semaphore, #tpu.memory_space<semaphore_mem>>
      %dma_start3A = arith.constant 10176 : i32
      %dma_start3A_102 = tpu.memref_slice %arg4[%dma_start3A] : memref<13568xf32, #tpu.memory_space<vmem>> -> memref<3392xf32, #tpu.memory_space<vmem>>
      %dma_start3A_103 = tpu.memref_slice %arg2[%run_scoped3A_40, %add3A_36] : memref<4x325632xf32, #tpu.memory_space<hbm>> -> memref<1x3392xf32, #tpu.memory_space<hbm>>
      %dma_start3A_104 = tpu.memref_squeeze %dma_start3A_103 : memref<1x3392xf32, #tpu.memory_space<hbm>> -> memref<3392xf32, #tpu.memory_space<hbm>>
      %dma_start3A_105 = arith.constant 10176 : i32
      %dma_start3A_106 = tpu.memref_slice %arg4[%dma_start3A_105] : memref<13568xf32, #tpu.memory_space<vmem>> -> memref<3392xf32, #tpu.memory_space<vmem>>
      %dma_start3A_107 = tpu.memref_slice %arg2[%run_scoped3A_40, %add3A_36] : memref<4x325632xf32, #tpu.memory_space<hbm>> -> memref<1x3392xf32, #tpu.memory_space<hbm>>
      %dma_start3A_108 = tpu.memref_squeeze %dma_start3A_107 : memref<1x3392xf32, #tpu.memory_space<hbm>> -> memref<3392xf32, #tpu.memory_space<hbm>>
      tpu.enqueue_dma source(%dma_start3A_108 : memref<3392xf32, #tpu.memory_space<hbm>>) target(%dma_start3A_106 : memref<3392xf32, #tpu.memory_space<vmem>>) target_semaphore(%run_scoped3A_101 : memref<!tpu.dma_semaphore, #tpu.memory_space<semaphore_mem>>)
      %dma_wait3A = arith.constant 10176 : i32
      %dma_wait3A_109 = tpu.memref_slice %arg4[%dma_wait3A] : memref<13568xf32, #tpu.memory_space<vmem>> -> memref<3392xf32, #tpu.memory_space<vmem>>
      %dma_wait3A_110 = tpu.memref_slice %arg2[%run_scoped3A_40, %add3A_36] : memref<4x325632xf32, #tpu.memory_space<hbm>> -> memref<1x3392xf32, #tpu.memory_space<hbm>>
      %dma_wait3A_111 = tpu.memref_squeeze %dma_wait3A_110 : memref<1x3392xf32, #tpu.memory_space<hbm>> -> memref<3392xf32, #tpu.memory_space<hbm>>
      %dma_wait3A_112 = arith.constant 10176 : i32
      %dma_wait3A_113 = tpu.memref_slice %arg4[%dma_wait3A_112] : memref<13568xf32, #tpu.memory_space<vmem>> -> memref<3392xf32, #tpu.memory_space<vmem>>
      %dma_wait3A_114 = tpu.memref_slice %arg2[%run_scoped3A_40, %add3A_36] : memref<4x325632xf32, #tpu.memory_space<hbm>> -> memref<1x3392xf32, #tpu.memory_space<hbm>>
      %dma_wait3A_115 = tpu.memref_squeeze %dma_wait3A_114 : memref<1x3392xf32, #tpu.memory_space<hbm>> -> memref<3392xf32, #tpu.memory_space<hbm>>
      tpu.wait_dma2 semaphore(%run_scoped3A_101 : memref<!tpu.dma_semaphore, #tpu.memory_space<semaphore_mem>>) src(%dma_wait3A_115 : memref<3392xf32, #tpu.memory_space<hbm>>) dst(%dma_wait3A_113 : memref<3392xf32, #tpu.memory_space<vmem>>)
      tpu.yield
    }) : () -> ()
    %parallel_loop3A_41 = arith.constant 0 : i32
    %parallel_loop3A_42 = arith.constant 848 : i32
    %parallel_loop3A_43 = arith.constant 1 : i32
    scf.for %parallel_loop3A_101 = %parallel_loop3A_41 to %parallel_loop3A_42 step %parallel_loop3A_43  : i32 {
      %parallel_loop3A_102 = arith.constant 4 : i32
      %parallel_loop3A_103 = arith.muli %parallel_loop3A_102, %parallel_loop3A_101 : i32
      %parallel_loop3A_104 = vector.broadcast %parallel_loop3A_103 : i32 to vector<16xi32>
      %parallel_loop3A_105 = arith.addi %add3A_10, %parallel_loop3A_104 : vector<16xi32>
      %parallel_loop3A_106 = tpu.vector_load_idx %arg4[%parallel_loop3A_105] : memref<13568xf32, #tpu.memory_space<vmem>>[vector<16xi32>], vector<16xf32>,
      %parallel_loop3A_107 = arith.constant 3 : i32
      %parallel_loop3A_108 = arith.shrsi %parallel_loop3A_101, %parallel_loop3A_107 : i32
      %parallel_loop3A_109 = arith.constant 7 : i32
      %parallel_loop3A_110 = arith.andi %parallel_loop3A_101, %parallel_loop3A_109 : i32
      %parallel_loop3A_111 = arith.constant 16 : i32
      %parallel_loop3A_112 = arith.muli %parallel_loop3A_111, %parallel_loop3A_110 : i32
      %parallel_loop3A_113 = arith.index_cast %parallel_loop3A_108 : i32 to index
      %parallel_loop3A_114 = arith.index_cast %parallel_loop3A_112 : i32 to index
      %parallel_loop3A_115 = tpu.vector_load %arg5[%parallel_loop3A_113, %parallel_loop3A_114] {strides = array<i32>} : memref<106x128xf32, #tpu.memory_space<vmem>>, vector<16xf32>,
      tpu.vector_store %arg5[%parallel_loop3A_113, %parallel_loop3A_114], %parallel_loop3A_106 {strides = array<i32>} : memref<106x128xf32, #tpu.memory_space<vmem>>, vector<16xf32>,
    } {sc.loop_unroll_factor = 4 : i64, sc.parallel_access}
    %jit3A_44 = arith.constant 32 : i32
    %div3A_45 = arith.divsi %add3A_36, %jit3A_44 : i32
    %sign3A_46 = arith.constant 0 : i32
    %sign3A_47 = arith.cmpi sgt, %add3A_36, %sign3A_46 : i32
    %sign3A_48 = arith.extui %sign3A_47 : i1 to i32
    %sign3A_49 = arith.constant 0 : i32
    %sign3A_50 = arith.cmpi slt, %add3A_36, %sign3A_49 : i32
    %sign3A_51 = arith.extui %sign3A_50 : i1 to i32
    %sign3A_52 = arith.subi %sign3A_48, %sign3A_51 : i32
    %sign3A_53 = arith.constant 0 : i32
    %sign3A_54 = arith.cmpi sgt, %jit3A_44, %sign3A_53 : i32
    %sign3A_55 = arith.extui %sign3A_54 : i1 to i32
    %sign3A_56 = arith.constant 0 : i32
    %sign3A_57 = arith.cmpi slt, %jit3A_44, %sign3A_56 : i32
    %sign3A_58 = arith.extui %sign3A_57 : i1 to i32
    %sign3A_59 = arith.subi %sign3A_55, %sign3A_58 : i32
    %ne3A_60 = arith.cmpi ne, %sign3A_52, %sign3A_59 : i32
    %rem3A_61 = arith.remsi %add3A_36, %jit3A_44 : i32
    %ne3A_62 = arith.constant 0 : i32
    %ne3A_63 = arith.cmpi ne, %rem3A_61, %ne3A_62 : i32
    %and3A_64 = arith.andi %ne3A_60, %ne3A_63 : i1
    %sub3A_65 = arith.constant 1 : i32
    %sub3A_66 = arith.subi %div3A_45, %sub3A_65 : i32
    %select_n3A_67 = arith.select %and3A_64, %sub3A_66, %div3A_45 : i32
    "tpu.region"() ({
      %run_scoped3A_101 = tpu.sem_alloc : memref<!tpu.dma_semaphore, #tpu.memory_space<semaphore_mem>>
      %dma_start3A = arith.constant 0 : i32
      %dma_start3A_102 = tpu.memref_slice %arg3[%select_n3A_67, %dma_start3A] : memref<10176x128xf32, #tpu.memory_space<hbm>> -> memref<106x128xf32, #tpu.memory_space<hbm>>
      %dma_start3A_103 = arith.constant 0 : i32
      %dma_start3A_104 = tpu.memref_slice %arg3[%select_n3A_67, %dma_start3A_103] : memref<10176x128xf32, #tpu.memory_space<hbm>> -> memref<106x128xf32, #tpu.memory_space<hbm>>
      tpu.enqueue_dma source(%arg5 : memref<106x128xf32, #tpu.memory_space<vmem>>) target(%dma_start3A_104 : memref<106x128xf32, #tpu.memory_space<hbm>>) target_semaphore(%run_scoped3A_101 : memref<!tpu.dma_semaphore, #tpu.memory_space<semaphore_mem>>)
      %dma_wait3A = arith.constant 0 : i32
      %dma_wait3A_105 = tpu.memref_slice %arg3[%select_n3A_67, %dma_wait3A] : memref<10176x128xf32, #tpu.memory_space<hbm>> -> memref<106x128xf32, #tpu.memory_space<hbm>>
      %dma_wait3A_106 = arith.constant 0 : i32
      %dma_wait3A_107 = tpu.memref_slice %arg3[%select_n3A_67, %dma_wait3A_106] : memref<10176x128xf32, #tpu.memory_space<hbm>> -> memref<106x128xf32, #tpu.memory_space<hbm>>
      tpu.wait_dma2 semaphore(%run_scoped3A_101 : memref<!tpu.dma_semaphore, #tpu.memory_space<semaphore_mem>>) src(%arg5 : memref<106x128xf32, #tpu.memory_space<vmem>>) dst(%dma_wait3A_107 : memref<106x128xf32, #tpu.memory_space<hbm>>)
      tpu.yield
    }) : () -> ()
    %add3A_68 = arith.constant 6784 : i32
    %add3A_69 = arith.addi %mul3A_2, %add3A_68 : i32
    %run_scoped3A_70 = arith.constant 0 : i32
    "tpu.region"() ({
      %run_scoped3A_101 = tpu.sem_alloc : memref<!tpu.dma_semaphore, #tpu.memory_space<semaphore_mem>>
      %dma_start3A = arith.constant 0 : i32
      %dma_start3A_102 = tpu.memref_slice %arg4[%dma_start3A] : memref<13568xf32, #tpu.memory_space<vmem>> -> memref<3392xf32, #tpu.memory_space<vmem>>
      %dma_start3A_103 = tpu.memref_slice %arg2[%run_scoped3A_70, %add3A_69] : memref<4x325632xf32, #tpu.memory_space<hbm>> -> memref<1x3392xf32, #tpu.memory_space<hbm>>
      %dma_start3A_104 = tpu.memref_squeeze %dma_start3A_103 : memref<1x3392xf32, #tpu.memory_space<hbm>> -> memref<3392xf32, #tpu.memory_space<hbm>>
      %dma_start3A_105 = arith.constant 0 : i32
      %dma_start3A_106 = tpu.memref_slice %arg4[%dma_start3A_105] : memref<13568xf32, #tpu.memory_space<vmem>> -> memref<3392xf32, #tpu.memory_space<vmem>>
      %dma_start3A_107 = tpu.memref_slice %arg2[%run_scoped3A_70, %add3A_69] : memref<4x325632xf32, #tpu.memory_space<hbm>> -> memref<1x3392xf32, #tpu.memory_space<hbm>>
      %dma_start3A_108 = tpu.memref_squeeze %dma_start3A_107 : memref<1x3392xf32, #tpu.memory_space<hbm>> -> memref<3392xf32, #tpu.memory_space<hbm>>
      tpu.enqueue_dma source(%dma_start3A_108 : memref<3392xf32, #tpu.memory_space<hbm>>) target(%dma_start3A_106 : memref<3392xf32, #tpu.memory_space<vmem>>) target_semaphore(%run_scoped3A_101 : memref<!tpu.dma_semaphore, #tpu.memory_space<semaphore_mem>>)
      %dma_wait3A = arith.constant 0 : i32
      %dma_wait3A_109 = tpu.memref_slice %arg4[%dma_wait3A] : memref<13568xf32, #tpu.memory_space<vmem>> -> memref<3392xf32, #tpu.memory_space<vmem>>
      %dma_wait3A_110 = tpu.memref_slice %arg2[%run_scoped3A_70, %add3A_69] : memref<4x325632xf32, #tpu.memory_space<hbm>> -> memref<1x3392xf32, #tpu.memory_space<hbm>>
      %dma_wait3A_111 = tpu.memref_squeeze %dma_wait3A_110 : memref<1x3392xf32, #tpu.memory_space<hbm>> -> memref<3392xf32, #tpu.memory_space<hbm>>
      %dma_wait3A_112 = arith.constant 0 : i32
      %dma_wait3A_113 = tpu.memref_slice %arg4[%dma_wait3A_112] : memref<13568xf32, #tpu.memory_space<vmem>> -> memref<3392xf32, #tpu.memory_space<vmem>>
      %dma_wait3A_114 = tpu.memref_slice %arg2[%run_scoped3A_70, %add3A_69] : memref<4x325632xf32, #tpu.memory_space<hbm>> -> memref<1x3392xf32, #tpu.memory_space<hbm>>
      %dma_wait3A_115 = tpu.memref_squeeze %dma_wait3A_114 : memref<1x3392xf32, #tpu.memory_space<hbm>> -> memref<3392xf32, #tpu.memory_space<hbm>>
      tpu.wait_dma2 semaphore(%run_scoped3A_101 : memref<!tpu.dma_semaphore, #tpu.memory_space<semaphore_mem>>) src(%dma_wait3A_115 : memref<3392xf32, #tpu.memory_space<hbm>>) dst(%dma_wait3A_113 : memref<3392xf32, #tpu.memory_space<vmem>>)
      tpu.yield
    }) : () -> ()
    %run_scoped3A_71 = arith.constant 1 : i32
    "tpu.region"() ({
      %run_scoped3A_101 = tpu.sem_alloc : memref<!tpu.dma_semaphore, #tpu.memory_space<semaphore_mem>>
      %dma_start3A = arith.constant 3392 : i32
      %dma_start3A_102 = tpu.memref_slice %arg4[%dma_start3A] : memref<13568xf32, #tpu.memory_space<vmem>> -> memref<3392xf32, #tpu.memory_space<vmem>>
      %dma_start3A_103 = tpu.memref_slice %arg2[%run_scoped3A_71, %add3A_69] : memref<4x325632xf32, #tpu.memory_space<hbm>> -> memref<1x3392xf32, #tpu.memory_space<hbm>>
      %dma_start3A_104 = tpu.memref_squeeze %dma_start3A_103 : memref<1x3392xf32, #tpu.memory_space<hbm>> -> memref<3392xf32, #tpu.memory_space<hbm>>
      %dma_start3A_105 = arith.constant 3392 : i32
      %dma_start3A_106 = tpu.memref_slice %arg4[%dma_start3A_105] : memref<13568xf32, #tpu.memory_space<vmem>> -> memref<3392xf32, #tpu.memory_space<vmem>>
      %dma_start3A_107 = tpu.memref_slice %arg2[%run_scoped3A_71, %add3A_69] : memref<4x325632xf32, #tpu.memory_space<hbm>> -> memref<1x3392xf32, #tpu.memory_space<hbm>>
      %dma_start3A_108 = tpu.memref_squeeze %dma_start3A_107 : memref<1x3392xf32, #tpu.memory_space<hbm>> -> memref<3392xf32, #tpu.memory_space<hbm>>
      tpu.enqueue_dma source(%dma_start3A_108 : memref<3392xf32, #tpu.memory_space<hbm>>) target(%dma_start3A_106 : memref<3392xf32, #tpu.memory_space<vmem>>) target_semaphore(%run_scoped3A_101 : memref<!tpu.dma_semaphore, #tpu.memory_space<semaphore_mem>>)
      %dma_wait3A = arith.constant 3392 : i32
      %dma_wait3A_109 = tpu.memref_slice %arg4[%dma_wait3A] : memref<13568xf32, #tpu.memory_space<vmem>> -> memref<3392xf32, #tpu.memory_space<vmem>>
      %dma_wait3A_110 = tpu.memref_slice %arg2[%run_scoped3A_71, %add3A_69] : memref<4x325632xf32, #tpu.memory_space<hbm>> -> memref<1x3392xf32, #tpu.memory_space<hbm>>
      %dma_wait3A_111 = tpu.memref_squeeze %dma_wait3A_110 : memref<1x3392xf32, #tpu.memory_space<hbm>> -> memref<3392xf32, #tpu.memory_space<hbm>>
      %dma_wait3A_112 = arith.constant 3392 : i32
      %dma_wait3A_113 = tpu.memref_slice %arg4[%dma_wait3A_112] : memref<13568xf32, #tpu.memory_space<vmem>> -> memref<3392xf32, #tpu.memory_space<vmem>>
      %dma_wait3A_114 = tpu.memref_slice %arg2[%run_scoped3A_71, %add3A_69] : memref<4x325632xf32, #tpu.memory_space<hbm>> -> memref<1x3392xf32, #tpu.memory_space<hbm>>
      %dma_wait3A_115 = tpu.memref_squeeze %dma_wait3A_114 : memref<1x3392xf32, #tpu.memory_space<hbm>> -> memref<3392xf32, #tpu.memory_space<hbm>>
      tpu.wait_dma2 semaphore(%run_scoped3A_101 : memref<!tpu.dma_semaphore, #tpu.memory_space<semaphore_mem>>) src(%dma_wait3A_115 : memref<3392xf32, #tpu.memory_space<hbm>>) dst(%dma_wait3A_113 : memref<3392xf32, #tpu.memory_space<vmem>>)
      tpu.yield
    }) : () -> ()
    %run_scoped3A_72 = arith.constant 2 : i32
    "tpu.region"() ({
      %run_scoped3A_101 = tpu.sem_alloc : memref<!tpu.dma_semaphore, #tpu.memory_space<semaphore_mem>>
      %dma_start3A = arith.constant 6784 : i32
      %dma_start3A_102 = tpu.memref_slice %arg4[%dma_start3A] : memref<13568xf32, #tpu.memory_space<vmem>> -> memref<3392xf32, #tpu.memory_space<vmem>>
      %dma_start3A_103 = tpu.memref_slice %arg2[%run_scoped3A_72, %add3A_69] : memref<4x325632xf32, #tpu.memory_space<hbm>> -> memref<1x3392xf32, #tpu.memory_space<hbm>>
      %dma_start3A_104 = tpu.memref_squeeze %dma_start3A_103 : memref<1x3392xf32, #tpu.memory_space<hbm>> -> memref<3392xf32, #tpu.memory_space<hbm>>
      %dma_start3A_105 = arith.constant 6784 : i32
      %dma_start3A_106 = tpu.memref_slice %arg4[%dma_start3A_105] : memref<13568xf32, #tpu.memory_space<vmem>> -> memref<3392xf32, #tpu.memory_space<vmem>>
      %dma_start3A_107 = tpu.memref_slice %arg2[%run_scoped3A_72, %add3A_69] : memref<4x325632xf32, #tpu.memory_space<hbm>> -> memref<1x3392xf32, #tpu.memory_space<hbm>>
      %dma_start3A_108 = tpu.memref_squeeze %dma_start3A_107 : memref<1x3392xf32, #tpu.memory_space<hbm>> -> memref<3392xf32, #tpu.memory_space<hbm>>
      tpu.enqueue_dma source(%dma_start3A_108 : memref<3392xf32, #tpu.memory_space<hbm>>) target(%dma_start3A_106 : memref<3392xf32, #tpu.memory_space<vmem>>) target_semaphore(%run_scoped3A_101 : memref<!tpu.dma_semaphore, #tpu.memory_space<semaphore_mem>>)
      %dma_wait3A = arith.constant 6784 : i32
      %dma_wait3A_109 = tpu.memref_slice %arg4[%dma_wait3A] : memref<13568xf32, #tpu.memory_space<vmem>> -> memref<3392xf32, #tpu.memory_space<vmem>>
      %dma_wait3A_110 = tpu.memref_slice %arg2[%run_scoped3A_72, %add3A_69] : memref<4x325632xf32, #tpu.memory_space<hbm>> -> memref<1x3392xf32, #tpu.memory_space<hbm>>
      %dma_wait3A_111 = tpu.memref_squeeze %dma_wait3A_110 : memref<1x3392xf32, #tpu.memory_space<hbm>> -> memref<3392xf32, #tpu.memory_space<hbm>>
      %dma_wait3A_112 = arith.constant 6784 : i32
      %dma_wait3A_113 = tpu.memref_slice %arg4[%dma_wait3A_112] : memref<13568xf32, #tpu.memory_space<vmem>> -> memref<3392xf32, #tpu.memory_space<vmem>>
      %dma_wait3A_114 = tpu.memref_slice %arg2[%run_scoped3A_72, %add3A_69] : memref<4x325632xf32, #tpu.memory_space<hbm>> -> memref<1x3392xf32, #tpu.memory_space<hbm>>
      %dma_wait3A_115 = tpu.memref_squeeze %dma_wait3A_114 : memref<1x3392xf32, #tpu.memory_space<hbm>> -> memref<3392xf32, #tpu.memory_space<hbm>>
      tpu.wait_dma2 semaphore(%run_scoped3A_101 : memref<!tpu.dma_semaphore, #tpu.memory_space<semaphore_mem>>) src(%dma_wait3A_115 : memref<3392xf32, #tpu.memory_space<hbm>>) dst(%dma_wait3A_113 : memref<3392xf32, #tpu.memory_space<vmem>>)
      tpu.yield
    }) : () -> ()
    %run_scoped3A_73 = arith.constant 3 : i32
    "tpu.region"() ({
      %run_scoped3A_101 = tpu.sem_alloc : memref<!tpu.dma_semaphore, #tpu.memory_space<semaphore_mem>>
      %dma_start3A = arith.constant 10176 : i32
      %dma_start3A_102 = tpu.memref_slice %arg4[%dma_start3A] : memref<13568xf32, #tpu.memory_space<vmem>> -> memref<3392xf32, #tpu.memory_space<vmem>>
      %dma_start3A_103 = tpu.memref_slice %arg2[%run_scoped3A_73, %add3A_69] : memref<4x325632xf32, #tpu.memory_space<hbm>> -> memref<1x3392xf32, #tpu.memory_space<hbm>>
      %dma_start3A_104 = tpu.memref_squeeze %dma_start3A_103 : memref<1x3392xf32, #tpu.memory_space<hbm>> -> memref<3392xf32, #tpu.memory_space<hbm>>
      %dma_start3A_105 = arith.constant 10176 : i32
      %dma_start3A_106 = tpu.memref_slice %arg4[%dma_start3A_105] : memref<13568xf32, #tpu.memory_space<vmem>> -> memref<3392xf32, #tpu.memory_space<vmem>>
      %dma_start3A_107 = tpu.memref_slice %arg2[%run_scoped3A_73, %add3A_69] : memref<4x325632xf32, #tpu.memory_space<hbm>> -> memref<1x3392xf32, #tpu.memory_space<hbm>>
      %dma_start3A_108 = tpu.memref_squeeze %dma_start3A_107 : memref<1x3392xf32, #tpu.memory_space<hbm>> -> memref<3392xf32, #tpu.memory_space<hbm>>
      tpu.enqueue_dma source(%dma_start3A_108 : memref<3392xf32, #tpu.memory_space<hbm>>) target(%dma_start3A_106 : memref<3392xf32, #tpu.memory_space<vmem>>) target_semaphore(%run_scoped3A_101 : memref<!tpu.dma_semaphore, #tpu.memory_space<semaphore_mem>>)
      %dma_wait3A = arith.constant 10176 : i32
      %dma_wait3A_109 = tpu.memref_slice %arg4[%dma_wait3A] : memref<13568xf32, #tpu.memory_space<vmem>> -> memref<3392xf32, #tpu.memory_space<vmem>>
      %dma_wait3A_110 = tpu.memref_slice %arg2[%run_scoped3A_73, %add3A_69] : memref<4x325632xf32, #tpu.memory_space<hbm>> -> memref<1x3392xf32, #tpu.memory_space<hbm>>
      %dma_wait3A_111 = tpu.memref_squeeze %dma_wait3A_110 : memref<1x3392xf32, #tpu.memory_space<hbm>> -> memref<3392xf32, #tpu.memory_space<hbm>>
      %dma_wait3A_112 = arith.constant 10176 : i32
      %dma_wait3A_113 = tpu.memref_slice %arg4[%dma_wait3A_112] : memref<13568xf32, #tpu.memory_space<vmem>> -> memref<3392xf32, #tpu.memory_space<vmem>>
      %dma_wait3A_114 = tpu.memref_slice %arg2[%run_scoped3A_73, %add3A_69] : memref<4x325632xf32, #tpu.memory_space<hbm>> -> memref<1x3392xf32, #tpu.memory_space<hbm>>
      %dma_wait3A_115 = tpu.memref_squeeze %dma_wait3A_114 : memref<1x3392xf32, #tpu.memory_space<hbm>> -> memref<3392xf32, #tpu.memory_space<hbm>>
      tpu.wait_dma2 semaphore(%run_scoped3A_101 : memref<!tpu.dma_semaphore, #tpu.memory_space<semaphore_mem>>) src(%dma_wait3A_115 : memref<3392xf32, #tpu.memory_space<hbm>>) dst(%dma_wait3A_113 : memref<3392xf32, #tpu.memory_space<vmem>>)
      tpu.yield
    }) : () -> ()
    %parallel_loop3A_74 = arith.constant 0 : i32
    %parallel_loop3A_75 = arith.constant 848 : i32
    %parallel_loop3A_76 = arith.constant 1 : i32
    scf.for %parallel_loop3A_101 = %parallel_loop3A_74 to %parallel_loop3A_75 step %parallel_loop3A_76  : i32 {
      %parallel_loop3A_102 = arith.constant 4 : i32
      %parallel_loop3A_103 = arith.muli %parallel_loop3A_102, %parallel_loop3A_101 : i32
      %parallel_loop3A_104 = vector.broadcast %parallel_loop3A_103 : i32 to vector<16xi32>
      %parallel_loop3A_105 = arith.addi %add3A_10, %parallel_loop3A_104 : vector<16xi32>
      %parallel_loop3A_106 = tpu.vector_load_idx %arg4[%parallel_loop3A_105] : memref<13568xf32, #tpu.memory_space<vmem>>[vector<16xi32>], vector<16xf32>,
      %parallel_loop3A_107 = arith.constant 3 : i32
      %parallel_loop3A_108 = arith.shrsi %parallel_loop3A_101, %parallel_loop3A_107 : i32
      %parallel_loop3A_109 = arith.constant 7 : i32
      %parallel_loop3A_110 = arith.andi %parallel_loop3A_101, %parallel_loop3A_109 : i32
      %parallel_loop3A_111 = arith.constant 16 : i32
      %parallel_loop3A_112 = arith.muli %parallel_loop3A_111, %parallel_loop3A_110 : i32
      %parallel_loop3A_113 = arith.index_cast %parallel_loop3A_108 : i32 to index
      %parallel_loop3A_114 = arith.index_cast %parallel_loop3A_112 : i32 to index
      %parallel_loop3A_115 = tpu.vector_load %arg5[%parallel_loop3A_113, %parallel_loop3A_114] {strides = array<i32>} : memref<106x128xf32, #tpu.memory_space<vmem>>, vector<16xf32>,
      tpu.vector_store %arg5[%parallel_loop3A_113, %parallel_loop3A_114], %parallel_loop3A_106 {strides = array<i32>} : memref<106x128xf32, #tpu.memory_space<vmem>>, vector<16xf32>,
    } {sc.loop_unroll_factor = 4 : i64, sc.parallel_access}
    %jit3A_77 = arith.constant 32 : i32
    %div3A_78 = arith.divsi %add3A_69, %jit3A_77 : i32
    %sign3A_79 = arith.constant 0 : i32
    %sign3A_80 = arith.cmpi sgt, %add3A_69, %sign3A_79 : i32
    %sign3A_81 = arith.extui %sign3A_80 : i1 to i32
    %sign3A_82 = arith.constant 0 : i32
    %sign3A_83 = arith.cmpi slt, %add3A_69, %sign3A_82 : i32
    %sign3A_84 = arith.extui %sign3A_83 : i1 to i32
    %sign3A_85 = arith.subi %sign3A_81, %sign3A_84 : i32
    %sign3A_86 = arith.constant 0 : i32
    %sign3A_87 = arith.cmpi sgt, %jit3A_77, %sign3A_86 : i32
    %sign3A_88 = arith.extui %sign3A_87 : i1 to i32
    %sign3A_89 = arith.constant 0 : i32
    %sign3A_90 = arith.cmpi slt, %jit3A_77, %sign3A_89 : i32
    %sign3A_91 = arith.extui %sign3A_90 : i1 to i32
    %sign3A_92 = arith.subi %sign3A_88, %sign3A_91 : i32
    %ne3A_93 = arith.cmpi ne, %sign3A_85, %sign3A_92 : i32
    %rem3A_94 = arith.remsi %add3A_69, %jit3A_77 : i32
    %ne3A_95 = arith.constant 0 : i32
    %ne3A_96 = arith.cmpi ne, %rem3A_94, %ne3A_95 : i32
    %and3A_97 = arith.andi %ne3A_93, %ne3A_96 : i1
    %sub3A_98 = arith.constant 1 : i32
    %sub3A_99 = arith.subi %div3A_78, %sub3A_98 : i32
    %select_n3A_100 = arith.select %and3A_97, %sub3A_99, %div3A_78 : i32
    "tpu.region"() ({
      %run_scoped3A_101 = tpu.sem_alloc : memref<!tpu.dma_semaphore, #tpu.memory_space<semaphore_mem>>
      %dma_start3A = arith.constant 0 : i32
      %dma_start3A_102 = tpu.memref_slice %arg3[%select_n3A_100, %dma_start3A] : memref<10176x128xf32, #tpu.memory_space<hbm>> -> memref<106x128xf32, #tpu.memory_space<hbm>>
      %dma_start3A_103 = arith.constant 0 : i32
      %dma_start3A_104 = tpu.memref_slice %arg3[%select_n3A_100, %dma_start3A_103] : memref<10176x128xf32, #tpu.memory_space<hbm>> -> memref<106x128xf32, #tpu.memory_space<hbm>>
      tpu.enqueue_dma source(%arg5 : memref<106x128xf32, #tpu.memory_space<vmem>>) target(%dma_start3A_104 : memref<106x128xf32, #tpu.memory_space<hbm>>) target_semaphore(%run_scoped3A_101 : memref<!tpu.dma_semaphore, #tpu.memory_space<semaphore_mem>>)
      %dma_wait3A = arith.constant 0 : i32
      %dma_wait3A_105 = tpu.memref_slice %arg3[%select_n3A_100, %dma_wait3A] : memref<10176x128xf32, #tpu.memory_space<hbm>> -> memref<106x128xf32, #tpu.memory_space<hbm>>
      %dma_wait3A_106 = arith.constant 0 : i32
      %dma_wait3A_107 = tpu.memref_slice %arg3[%select_n3A_100, %dma_wait3A_106] : memref<10176x128xf32, #tpu.memory_space<hbm>> -> memref<106x128xf32, #tpu.memory_space<hbm>>
      tpu.wait_dma2 semaphore(%run_scoped3A_101 : memref<!tpu.dma_semaphore, #tpu.memory_space<semaphore_mem>>) src(%arg5 : memref<106x128xf32, #tpu.memory_space<vmem>>) dst(%dma_wait3A_107 : memref<106x128xf32, #tpu.memory_space<hbm>>)
      tpu.yield
    }) : () -> ()
    return
  }
}

#map = affine_map<(d0, d1) -> (0)>
#map1 = affine_map<(d0, d1) -> (0, 0)>
module attributes {stable_mosaic.version = 14 : i64} {
  func.func @_edge_kernel_body(%arg0: i32, %arg1: i32, %arg2: memref<325632xi32, #tpu.memory_space<hbm>>, %arg3: memref<325632xi32, #tpu.memory_space<hbm>>, %arg4: memref<10240x64xf32, #tpu.memory_space<hbm>>, %arg5: memref<10240x64xf32, #tpu.memory_space<hbm>>, %arg6: memref<10240x16xf32, #tpu.memory_space<hbm>>, %arg7: memref<10240x16xf32, #tpu.memory_space<hbm>>, %arg8: memref<10176x512xf32, #tpu.memory_space<hbm>>, %arg9: memref<10240x64xf32, #tpu.memory_space<hbm>>, %arg10: memref<10240x16xf32, #tpu.memory_space<hbm>>, %arg11: memref<10240x64xf32, #tpu.memory_space<hbm>>, %arg12: memref<10240x64xf32, #tpu.memory_space<hbm>>, %arg13: memref<10240x16xf32, #tpu.memory_space<hbm>>, %arg14: memref<128xi32, #tpu.memory_space<vmem>>, %arg15: memref<128xi32, #tpu.memory_space<vmem>>, %arg16: memref<128xi32, #tpu.memory_space<vmem>>, %arg17: memref<128xi32, #tpu.memory_space<vmem>>, %arg18: memref<128xi32, #tpu.memory_space<vmem>>, %arg19: memref<128xi32, #tpu.memory_space<vmem>>, %arg20: memref<128xi32, #tpu.memory_space<vmem>>, %arg21: memref<128xi32, #tpu.memory_space<vmem>>, %arg22: memref<128xi32, #tpu.memory_space<vmem>>, %arg23: memref<128x16xf32, #tpu.memory_space<vmem>>, %arg24: memref<128x16xf32, #tpu.memory_space<vmem>>, %arg25: memref<128x16xf32, #tpu.memory_space<vmem>>, %arg26: memref<128x16xf32, #tpu.memory_space<vmem>>, %arg27: memref<128x16xf32, #tpu.memory_space<vmem>>, %arg28: memref<128x16xf32, #tpu.memory_space<vmem>>, %arg29: memref<4x512xf32, #tpu.memory_space<vmem>>, %arg30: memref<4x512xf32, #tpu.memory_space<vmem>>, %arg31: memref<4x512xf32, #tpu.memory_space<vmem>>, %arg32: memref<128x64xf32, #tpu.memory_space<vmem>>, %arg33: memref<128x64xf32, #tpu.memory_space<vmem>>, %arg34: memref<128x64xf32, #tpu.memory_space<vmem>>, %arg35: memref<128x16xf32, #tpu.memory_space<vmem>>, %arg36: memref<128x16xf32, #tpu.memory_space<vmem>>, %arg37: memref<128x16xf32, #tpu.memory_space<vmem>>, %arg38: memref<10240x64xf32, #tpu.memory_space<vmem_shared>>, %arg39: memref<10240x16xf32, #tpu.memory_space<vmem_shared>>, %arg40: memref<!tpu.dma_semaphore, #tpu.memory_space<semaphore_mem>>, %arg41: memref<!tpu.dma_semaphore, #tpu.memory_space<semaphore_mem>>, %arg42: memref<!tpu.dma_semaphore, #tpu.memory_space<semaphore_mem>>, %arg43: memref<!tpu.dma_semaphore, #tpu.memory_space<semaphore_mem>>, %arg44: memref<!tpu.dma_semaphore, #tpu.memory_space<semaphore_mem>>, %arg45: memref<!tpu.dma_semaphore, #tpu.memory_space<semaphore_mem>>, %arg46: memref<!tpu.dma_semaphore, #tpu.memory_space<semaphore_mem>>, %arg47: memref<!tpu.dma_semaphore, #tpu.memory_space<semaphore_mem>>, %arg48: memref<!tpu.dma_semaphore, #tpu.memory_space<semaphore_mem>>) attributes {dimension_semantics = [#tpu.dimension_semantics<core_parallel>, #tpu.dimension_semantics<subcore_parallel>], iteration_bounds = array<i64: 2, 16>, scalar_prefetch = 0 : i64, scratch_operands = 35 : i64, tpu.core_type = #tpu.core_type<sc_vector_subcore>, window_params = [{transform_indices = #map}, {transform_indices = #map}, {transform_indices = #map1}, {transform_indices = #map1}, {transform_indices = #map1}, {transform_indices = #map1}, {transform_indices = #map1}, {transform_indices = #map1}, {transform_indices = #map1}, {transform_indices = #map1}, {transform_indices = #map1}, {transform_indices = #map1}]} {
    %mul3A = arith.constant 640 : i32
    %mul3A_0 = arith.muli %arg1, %mul3A : i32
    "tpu.region"() ({
      %run_scoped3A = tpu.sem_alloc : memref<!tpu.dma_semaphore, #tpu.memory_space<semaphore_mem>>
      %dma_start3A = arith.constant 0 : i32
      %dma_start3A_12 = tpu.memref_slice %arg38[%mul3A_0, %dma_start3A] : memref<10240x64xf32, #tpu.memory_space<vmem_shared>> -> memref<640x64xf32, #tpu.memory_space<vmem_shared>>
      %dma_start3A_13 = arith.constant 0 : i32
      %dma_start3A_14 = tpu.memref_slice %arg9[%mul3A_0, %dma_start3A_13] : memref<10240x64xf32, #tpu.memory_space<hbm>> -> memref<640x64xf32, #tpu.memory_space<hbm>>
      tpu.enqueue_dma source(%dma_start3A_14 : memref<640x64xf32, #tpu.memory_space<hbm>>) target(%dma_start3A_12 : memref<640x64xf32, #tpu.memory_space<vmem_shared>>) target_semaphore(%run_scoped3A : memref<!tpu.dma_semaphore, #tpu.memory_space<semaphore_mem>>)
      %dma_wait3A = arith.constant 0 : i32
      %dma_wait3A_15 = tpu.memref_slice %arg38[%mul3A_0, %dma_wait3A] : memref<10240x64xf32, #tpu.memory_space<vmem_shared>> -> memref<640x64xf32, #tpu.memory_space<vmem_shared>>
      %dma_wait3A_16 = arith.constant 0 : i32
      %dma_wait3A_17 = tpu.memref_slice %arg9[%mul3A_0, %dma_wait3A_16] : memref<10240x64xf32, #tpu.memory_space<hbm>> -> memref<640x64xf32, #tpu.memory_space<hbm>>
      tpu.wait_dma2 semaphore(%run_scoped3A : memref<!tpu.dma_semaphore, #tpu.memory_space<semaphore_mem>>) src(%dma_wait3A_17 : memref<640x64xf32, #tpu.memory_space<hbm>>) dst(%dma_wait3A_15 : memref<640x64xf32, #tpu.memory_space<vmem_shared>>)
      tpu.yield
    }) : () -> ()
    "tpu.region"() ({
      %run_scoped3A = tpu.sem_alloc : memref<!tpu.dma_semaphore, #tpu.memory_space<semaphore_mem>>
      %dma_start3A = arith.constant 0 : i32
      %dma_start3A_12 = tpu.memref_slice %arg39[%mul3A_0, %dma_start3A] : memref<10240x16xf32, #tpu.memory_space<vmem_shared>> -> memref<640x16xf32, #tpu.memory_space<vmem_shared>>
      %dma_start3A_13 = arith.constant 0 : i32
      %dma_start3A_14 = tpu.memref_slice %arg10[%mul3A_0, %dma_start3A_13] : memref<10240x16xf32, #tpu.memory_space<hbm>> -> memref<640x16xf32, #tpu.memory_space<hbm>>
      tpu.enqueue_dma source(%dma_start3A_14 : memref<640x16xf32, #tpu.memory_space<hbm>>) target(%dma_start3A_12 : memref<640x16xf32, #tpu.memory_space<vmem_shared>>) target_semaphore(%run_scoped3A : memref<!tpu.dma_semaphore, #tpu.memory_space<semaphore_mem>>)
      %dma_wait3A = arith.constant 0 : i32
      %dma_wait3A_15 = tpu.memref_slice %arg39[%mul3A_0, %dma_wait3A] : memref<10240x16xf32, #tpu.memory_space<vmem_shared>> -> memref<640x16xf32, #tpu.memory_space<vmem_shared>>
      %dma_wait3A_16 = arith.constant 0 : i32
      %dma_wait3A_17 = tpu.memref_slice %arg10[%mul3A_0, %dma_wait3A_16] : memref<10240x16xf32, #tpu.memory_space<hbm>> -> memref<640x16xf32, #tpu.memory_space<hbm>>
      tpu.wait_dma2 semaphore(%run_scoped3A : memref<!tpu.dma_semaphore, #tpu.memory_space<semaphore_mem>>) src(%dma_wait3A_17 : memref<640x16xf32, #tpu.memory_space<hbm>>) dst(%dma_wait3A_15 : memref<640x16xf32, #tpu.memory_space<vmem_shared>>)
      tpu.yield
    }) : () -> ()
    %barrier3A = arith.constant 0 : index
    tpu.barrier barrier_id(%barrier3A)
    %mul3A_1 = arith.constant 159 : i32
    %mul3A_2 = arith.muli %arg1, %mul3A_1 : i32
    %iota3A = tpu.iota {dimensions = array<i32: 0>} : vector<16xi32>
    %lt3A = arith.constant 8 : i32
    %lt3A_3 = vector.broadcast %lt3A : i32 to vector<16xi32>
    %lt3A_4 = arith.cmpi slt, %iota3A, %lt3A_3 : vector<16xi32>
    %eq3A = arith.constant 0 : i32
    %eq3A_5 = arith.cmpi eq, %arg0, %eq3A : i32
    %convert_element_type3A = arith.extui %eq3A_5 : i1 to i32
    %cond3A = arith.constant 0 : i32
    %cond3A_6 = arith.cmpi ne, %convert_element_type3A, %cond3A : i32
    scf.if %cond3A_6 {
      %add3A = arith.constant 0 : i32
      %add3A_12 = arith.addi %mul3A_2, %add3A : i32
      %mul3A_13 = arith.constant 128 : i32
      %mul3A_14 = arith.muli %add3A_12, %mul3A_13 : i32
      %dma_start3A = tpu.memref_slice %arg2[%mul3A_14] : memref<325632xi32, #tpu.memory_space<hbm>> -> memref<128xi32, #tpu.memory_space<hbm>>
      %dma_start3A_15 = tpu.memref_slice %arg2[%mul3A_14] : memref<325632xi32, #tpu.memory_space<hbm>> -> memref<128xi32, #tpu.memory_space<hbm>>
      tpu.enqueue_dma source(%dma_start3A_15 : memref<128xi32, #tpu.memory_space<hbm>>) target(%arg14 : memref<128xi32, #tpu.memory_space<vmem>>) target_semaphore(%arg46 : memref<!tpu.dma_semaphore, #tpu.memory_space<semaphore_mem>>)
      %dma_start3A_16 = tpu.memref_slice %arg3[%mul3A_14] : memref<325632xi32, #tpu.memory_space<hbm>> -> memref<128xi32, #tpu.memory_space<hbm>>
      %dma_start3A_17 = tpu.memref_slice %arg3[%mul3A_14] : memref<325632xi32, #tpu.memory_space<hbm>> -> memref<128xi32, #tpu.memory_space<hbm>>
      tpu.enqueue_dma source(%dma_start3A_17 : memref<128xi32, #tpu.memory_space<hbm>>) target(%arg17 : memref<128xi32, #tpu.memory_space<vmem>>) target_semaphore(%arg46 : memref<!tpu.dma_semaphore, #tpu.memory_space<semaphore_mem>>)
      %add3A_18 = arith.constant 1 : i32
      %add3A_19 = arith.addi %mul3A_2, %add3A_18 : i32
      %mul3A_20 = arith.constant 128 : i32
      %mul3A_21 = arith.muli %add3A_19, %mul3A_20 : i32
      %dma_start3A_22 = tpu.memref_slice %arg2[%mul3A_21] : memref<325632xi32, #tpu.memory_space<hbm>> -> memref<128xi32, #tpu.memory_space<hbm>>
      %dma_start3A_23 = tpu.memref_slice %arg2[%mul3A_21] : memref<325632xi32, #tpu.memory_space<hbm>> -> memref<128xi32, #tpu.memory_space<hbm>>
      tpu.enqueue_dma source(%dma_start3A_23 : memref<128xi32, #tpu.memory_space<hbm>>) target(%arg15 : memref<128xi32, #tpu.memory_space<vmem>>) target_semaphore(%arg47 : memref<!tpu.dma_semaphore, #tpu.memory_space<semaphore_mem>>)
      %dma_start3A_24 = tpu.memref_slice %arg3[%mul3A_21] : memref<325632xi32, #tpu.memory_space<hbm>> -> memref<128xi32, #tpu.memory_space<hbm>>
      %dma_start3A_25 = tpu.memref_slice %arg3[%mul3A_21] : memref<325632xi32, #tpu.memory_space<hbm>> -> memref<128xi32, #tpu.memory_space<hbm>>
      tpu.enqueue_dma source(%dma_start3A_25 : memref<128xi32, #tpu.memory_space<hbm>>) target(%arg18 : memref<128xi32, #tpu.memory_space<vmem>>) target_semaphore(%arg47 : memref<!tpu.dma_semaphore, #tpu.memory_space<semaphore_mem>>)
      %add3A_26 = arith.constant 2 : i32
      %add3A_27 = arith.addi %mul3A_2, %add3A_26 : i32
      %mul3A_28 = arith.constant 128 : i32
      %mul3A_29 = arith.muli %add3A_27, %mul3A_28 : i32
      %dma_start3A_30 = tpu.memref_slice %arg2[%mul3A_29] : memref<325632xi32, #tpu.memory_space<hbm>> -> memref<128xi32, #tpu.memory_space<hbm>>
      %dma_start3A_31 = tpu.memref_slice %arg2[%mul3A_29] : memref<325632xi32, #tpu.memory_space<hbm>> -> memref<128xi32, #tpu.memory_space<hbm>>
      tpu.enqueue_dma source(%dma_start3A_31 : memref<128xi32, #tpu.memory_space<hbm>>) target(%arg16 : memref<128xi32, #tpu.memory_space<vmem>>) target_semaphore(%arg48 : memref<!tpu.dma_semaphore, #tpu.memory_space<semaphore_mem>>)
      %dma_start3A_32 = tpu.memref_slice %arg3[%mul3A_29] : memref<325632xi32, #tpu.memory_space<hbm>> -> memref<128xi32, #tpu.memory_space<hbm>>
      %dma_start3A_33 = tpu.memref_slice %arg3[%mul3A_29] : memref<325632xi32, #tpu.memory_space<hbm>> -> memref<128xi32, #tpu.memory_space<hbm>>
      tpu.enqueue_dma source(%dma_start3A_33 : memref<128xi32, #tpu.memory_space<hbm>>) target(%arg19 : memref<128xi32, #tpu.memory_space<vmem>>) target_semaphore(%arg48 : memref<!tpu.dma_semaphore, #tpu.memory_space<semaphore_mem>>)
      %add3A_34 = arith.constant 0 : i32
      %add3A_35 = arith.addi %mul3A_2, %add3A_34 : i32
      %mul3A_36 = arith.constant 128 : i32
      %mul3A_37 = arith.muli %add3A_35, %mul3A_36 : i32
      %dma_wait3A = tpu.memref_slice %arg2[%mul3A_37] : memref<325632xi32, #tpu.memory_space<hbm>> -> memref<128xi32, #tpu.memory_space<hbm>>
      %dma_wait3A_38 = tpu.memref_slice %arg2[%mul3A_37] : memref<325632xi32, #tpu.memory_space<hbm>> -> memref<128xi32, #tpu.memory_space<hbm>>
      tpu.wait_dma2 semaphore(%arg46 : memref<!tpu.dma_semaphore, #tpu.memory_space<semaphore_mem>>) src(%dma_wait3A_38 : memref<128xi32, #tpu.memory_space<hbm>>) dst(%arg14 : memref<128xi32, #tpu.memory_space<vmem>>)
      %dma_wait3A_39 = tpu.memref_slice %arg3[%mul3A_37] : memref<325632xi32, #tpu.memory_space<hbm>> -> memref<128xi32, #tpu.memory_space<hbm>>
      %dma_wait3A_40 = tpu.memref_slice %arg3[%mul3A_37] : memref<325632xi32, #tpu.memory_space<hbm>> -> memref<128xi32, #tpu.memory_space<hbm>>
      tpu.wait_dma2 semaphore(%arg46 : memref<!tpu.dma_semaphore, #tpu.memory_space<semaphore_mem>>) src(%dma_wait3A_40 : memref<128xi32, #tpu.memory_space<hbm>>) dst(%arg17 : memref<128xi32, #tpu.memory_space<vmem>>)
      %add3A_41 = arith.constant 1 : i32
      %add3A_42 = arith.addi %mul3A_2, %add3A_41 : i32
      %mul3A_43 = arith.constant 128 : i32
      %mul3A_44 = arith.muli %add3A_42, %mul3A_43 : i32
      %dma_wait3A_45 = tpu.memref_slice %arg2[%mul3A_44] : memref<325632xi32, #tpu.memory_space<hbm>> -> memref<128xi32, #tpu.memory_space<hbm>>
      %dma_wait3A_46 = tpu.memref_slice %arg2[%mul3A_44] : memref<325632xi32, #tpu.memory_space<hbm>> -> memref<128xi32, #tpu.memory_space<hbm>>
      tpu.wait_dma2 semaphore(%arg47 : memref<!tpu.dma_semaphore, #tpu.memory_space<semaphore_mem>>) src(%dma_wait3A_46 : memref<128xi32, #tpu.memory_space<hbm>>) dst(%arg15 : memref<128xi32, #tpu.memory_space<vmem>>)
      %dma_wait3A_47 = tpu.memref_slice %arg3[%mul3A_44] : memref<325632xi32, #tpu.memory_space<hbm>> -> memref<128xi32, #tpu.memory_space<hbm>>
      %dma_wait3A_48 = tpu.memref_slice %arg3[%mul3A_44] : memref<325632xi32, #tpu.memory_space<hbm>> -> memref<128xi32, #tpu.memory_space<hbm>>
      tpu.wait_dma2 semaphore(%arg47 : memref<!tpu.dma_semaphore, #tpu.memory_space<semaphore_mem>>) src(%dma_wait3A_48 : memref<128xi32, #tpu.memory_space<hbm>>) dst(%arg18 : memref<128xi32, #tpu.memory_space<vmem>>)
      %add3A_49 = arith.constant 0 : i32
      %add3A_50 = arith.addi %mul3A_2, %add3A_49 : i32
      %mul3A_51 = arith.constant 4 : i32
      %mul3A_52 = arith.muli %mul3A_51, %add3A_50 : i32
      %dma_start3A_53 = arith.constant 0 : i32
      %dma_start3A_54 = tpu.memref_slice %arg8[%mul3A_52, %dma_start3A_53] : memref<10176x512xf32, #tpu.memory_space<hbm>> -> memref<4x512xf32, #tpu.memory_space<hbm>>
      %dma_start3A_55 = arith.constant 0 : i32
      %dma_start3A_56 = tpu.memref_slice %arg8[%mul3A_52, %dma_start3A_55] : memref<10176x512xf32, #tpu.memory_space<hbm>> -> memref<4x512xf32, #tpu.memory_space<hbm>>
      tpu.enqueue_dma source(%dma_start3A_56 : memref<4x512xf32, #tpu.memory_space<hbm>>) target(%arg29 : memref<4x512xf32, #tpu.memory_space<vmem>>) target_semaphore(%arg40 : memref<!tpu.dma_semaphore, #tpu.memory_space<semaphore_mem>>)
      %dma_start3A_57 = arith.constant 0 : i32
      %dma_start3A_58 = arith.constant 0 : i32
      %dma_start3A_59 = tpu.memref_slice %arg6[%dma_start3A_57, %dma_start3A_58] : memref<10240x16xf32, #tpu.memory_space<hbm>> -> memref<10240x16xf32, #tpu.memory_space<hbm>>
      tpu.enqueue_indirect_dma source(%dma_start3A_59 : memref<10240x16xf32, #tpu.memory_space<hbm>>) target(%arg23 : memref<128x16xf32, #tpu.memory_space<vmem>>) offsets(%arg14 : memref<128xi32, #tpu.memory_space<vmem>>) semaphore(%arg40 : memref<!tpu.dma_semaphore, #tpu.memory_space<semaphore_mem>>)
      %dma_start3A_60 = arith.constant 0 : i32
      %dma_start3A_61 = arith.constant 0 : i32
      %dma_start3A_62 = tpu.memref_slice %arg7[%dma_start3A_60, %dma_start3A_61] : memref<10240x16xf32, #tpu.memory_space<hbm>> -> memref<10240x16xf32, #tpu.memory_space<hbm>>
      tpu.enqueue_indirect_dma source(%dma_start3A_62 : memref<10240x16xf32, #tpu.memory_space<hbm>>) target(%arg26 : memref<128x16xf32, #tpu.memory_space<vmem>>) offsets(%arg17 : memref<128xi32, #tpu.memory_space<vmem>>) semaphore(%arg40 : memref<!tpu.dma_semaphore, #tpu.memory_space<semaphore_mem>>)
      %dma_start3A_63 = arith.constant 0 : i32
      %dma_start3A_64 = arith.constant 0 : i32
      %dma_start3A_65 = tpu.memref_slice %arg4[%dma_start3A_63, %dma_start3A_64] : memref<10240x64xf32, #tpu.memory_space<hbm>> -> memref<10240x64xf32, #tpu.memory_space<hbm>>
      tpu.enqueue_indirect_dma source(%dma_start3A_65 : memref<10240x64xf32, #tpu.memory_space<hbm>>) target(%arg32 : memref<128x64xf32, #tpu.memory_space<vmem>>) offsets(%arg14 : memref<128xi32, #tpu.memory_space<vmem>>) semaphore(%arg40 : memref<!tpu.dma_semaphore, #tpu.memory_space<semaphore_mem>>)
      %add3A_66 = arith.constant 1 : i32
      %add3A_67 = arith.addi %mul3A_2, %add3A_66 : i32
      %mul3A_68 = arith.constant 4 : i32
      %mul3A_69 = arith.muli %mul3A_68, %add3A_67 : i32
      %dma_start3A_70 = arith.constant 0 : i32
      %dma_start3A_71 = tpu.memref_slice %arg8[%mul3A_69, %dma_start3A_70] : memref<10176x512xf32, #tpu.memory_space<hbm>> -> memref<4x512xf32, #tpu.memory_space<hbm>>
      %dma_start3A_72 = arith.constant 0 : i32
      %dma_start3A_73 = tpu.memref_slice %arg8[%mul3A_69, %dma_start3A_72] : memref<10176x512xf32, #tpu.memory_space<hbm>> -> memref<4x512xf32, #tpu.memory_space<hbm>>
      tpu.enqueue_dma source(%dma_start3A_73 : memref<4x512xf32, #tpu.memory_space<hbm>>) target(%arg30 : memref<4x512xf32, #tpu.memory_space<vmem>>) target_semaphore(%arg41 : memref<!tpu.dma_semaphore, #tpu.memory_space<semaphore_mem>>)
      %dma_start3A_74 = arith.constant 0 : i32
      %dma_start3A_75 = arith.constant 0 : i32
      %dma_start3A_76 = tpu.memref_slice %arg6[%dma_start3A_74, %dma_start3A_75] : memref<10240x16xf32, #tpu.memory_space<hbm>> -> memref<10240x16xf32, #tpu.memory_space<hbm>>
      tpu.enqueue_indirect_dma source(%dma_start3A_76 : memref<10240x16xf32, #tpu.memory_space<hbm>>) target(%arg24 : memref<128x16xf32, #tpu.memory_space<vmem>>) offsets(%arg15 : memref<128xi32, #tpu.memory_space<vmem>>) semaphore(%arg41 : memref<!tpu.dma_semaphore, #tpu.memory_space<semaphore_mem>>)
      %dma_start3A_77 = arith.constant 0 : i32
      %dma_start3A_78 = arith.constant 0 : i32
      %dma_start3A_79 = tpu.memref_slice %arg7[%dma_start3A_77, %dma_start3A_78] : memref<10240x16xf32, #tpu.memory_space<hbm>> -> memref<10240x16xf32, #tpu.memory_space<hbm>>
      tpu.enqueue_indirect_dma source(%dma_start3A_79 : memref<10240x16xf32, #tpu.memory_space<hbm>>) target(%arg27 : memref<128x16xf32, #tpu.memory_space<vmem>>) offsets(%arg18 : memref<128xi32, #tpu.memory_space<vmem>>) semaphore(%arg41 : memref<!tpu.dma_semaphore, #tpu.memory_space<semaphore_mem>>)
      %dma_start3A_80 = arith.constant 0 : i32
      %dma_start3A_81 = arith.constant 0 : i32
      %dma_start3A_82 = tpu.memref_slice %arg4[%dma_start3A_80, %dma_start3A_81] : memref<10240x64xf32, #tpu.memory_space<hbm>> -> memref<10240x64xf32, #tpu.memory_space<hbm>>
      tpu.enqueue_indirect_dma source(%dma_start3A_82 : memref<10240x64xf32, #tpu.memory_space<hbm>>) target(%arg33 : memref<128x64xf32, #tpu.memory_space<vmem>>) offsets(%arg15 : memref<128xi32, #tpu.memory_space<vmem>>) semaphore(%arg41 : memref<!tpu.dma_semaphore, #tpu.memory_space<semaphore_mem>>)
      %scan3A = arith.constant 0 : i32
      %scan3A_83 = arith.constant 0 : i32
      %scan3A_84 = arith.constant 53 : i32
      %scan3A_85 = arith.addi %scan3A_83, %scan3A_84 : i32
      %scan3A_86 = arith.constant 1 : i32
      scf.for %scan3A_95 = %scan3A_83 to %scan3A_85 step %scan3A_86  : i32 {
        %mul3A_96 = arith.constant 3 : i32
        %mul3A_97 = arith.muli %mul3A_96, %scan3A_95 : i32
        %add3A_98 = arith.constant 0 : i32
        %add3A_99 = arith.addi %mul3A_97, %add3A_98 : i32
        %add3A_100 = arith.addi %mul3A_2, %add3A_99 : i32
        %mul3A_101 = arith.constant 4 : i32
        %mul3A_102 = arith.muli %mul3A_101, %add3A_100 : i32
        %dma_wait3A_103 = arith.constant 0 : i32
        %dma_wait3A_104 = tpu.memref_slice %arg8[%mul3A_102, %dma_wait3A_103] : memref<10176x512xf32, #tpu.memory_space<hbm>> -> memref<4x512xf32, #tpu.memory_space<hbm>>
        %dma_wait3A_105 = arith.constant 0 : i32
        %dma_wait3A_106 = tpu.memref_slice %arg8[%mul3A_102, %dma_wait3A_105] : memref<10176x512xf32, #tpu.memory_space<hbm>> -> memref<4x512xf32, #tpu.memory_space<hbm>>
        tpu.wait_dma2 semaphore(%arg40 : memref<!tpu.dma_semaphore, #tpu.memory_space<semaphore_mem>>) src(%dma_wait3A_106 : memref<4x512xf32, #tpu.memory_space<hbm>>) dst(%arg29 : memref<4x512xf32, #tpu.memory_space<vmem>>)
        %dma_wait3A_107 = arith.constant 0 : i32
        %dma_wait3A_108 = arith.constant 0 : i32
        %dma_wait3A_109 = tpu.memref_slice %arg6[%dma_wait3A_107, %dma_wait3A_108] : memref<10240x16xf32, #tpu.memory_space<hbm>> -> memref<10240x16xf32, #tpu.memory_space<hbm>>
        tpu.wait_indirect_dma semaphore(%arg40 : memref<!tpu.dma_semaphore, #tpu.memory_space<semaphore_mem>>) src(%dma_wait3A_109 : memref<10240x16xf32, #tpu.memory_space<hbm>>) dst(%arg23 : memref<128x16xf32, #tpu.memory_space<vmem>>)
        %dma_wait3A_110 = arith.constant 0 : i32
        %dma_wait3A_111 = arith.constant 0 : i32
        %dma_wait3A_112 = tpu.memref_slice %arg7[%dma_wait3A_110, %dma_wait3A_111] : memref<10240x16xf32, #tpu.memory_space<hbm>> -> memref<10240x16xf32, #tpu.memory_space<hbm>>
        tpu.wait_indirect_dma semaphore(%arg40 : memref<!tpu.dma_semaphore, #tpu.memory_space<semaphore_mem>>) src(%dma_wait3A_112 : memref<10240x16xf32, #tpu.memory_space<hbm>>) dst(%arg26 : memref<128x16xf32, #tpu.memory_space<vmem>>)
        %dma_wait3A_113 = arith.constant 0 : i32
        %dma_wait3A_114 = arith.constant 0 : i32
        %dma_wait3A_115 = tpu.memref_slice %arg4[%dma_wait3A_113, %dma_wait3A_114] : memref<10240x64xf32, #tpu.memory_space<hbm>> -> memref<10240x64xf32, #tpu.memory_space<hbm>>
        tpu.wait_indirect_dma semaphore(%arg40 : memref<!tpu.dma_semaphore, #tpu.memory_space<semaphore_mem>>) src(%dma_wait3A_115 : memref<10240x64xf32, #tpu.memory_space<hbm>>) dst(%arg32 : memref<128x64xf32, #tpu.memory_space<vmem>>)
        %get3A = arith.constant 0 : index
        %get3A_116 = tpu.vector_load %arg17[%get3A] {strides = array<i32>} : memref<128xi32, #tpu.memory_space<vmem>>, vector<16xi32>,
        %get3A_117 = vector.shape_cast %get3A_116 : vector<16xi32> to vector<16xi32>
        %swap3A = arith.constant 0 : index
        %swap3A_118 = tpu.vector_load %arg20[%swap3A] {strides = array<i32>} : memref<128xi32, #tpu.memory_space<vmem>>, vector<16xi32>,
        %swap3A_119 = vector.shape_cast %swap3A_118 : vector<16xi32> to vector<16xi32>
        %swap3A_120 = vector.shape_cast %get3A_117 : vector<16xi32> to vector<16xi32>
        tpu.vector_store %arg20[%swap3A], %swap3A_120 {strides = array<i32>} : memref<128xi32, #tpu.memory_space<vmem>>, vector<16xi32>,
        %get3A_121 = arith.constant 16 : index
        %get3A_122 = tpu.vector_load %arg17[%get3A_121] {strides = array<i32>} : memref<128xi32, #tpu.memory_space<vmem>>, vector<16xi32>,
        %get3A_123 = vector.shape_cast %get3A_122 : vector<16xi32> to vector<16xi32>
        %swap3A_124 = arith.constant 16 : index
        %swap3A_125 = tpu.vector_load %arg20[%swap3A_124] {strides = array<i32>} : memref<128xi32, #tpu.memory_space<vmem>>, vector<16xi32>,
        %swap3A_126 = vector.shape_cast %swap3A_125 : vector<16xi32> to vector<16xi32>
        %swap3A_127 = vector.shape_cast %get3A_123 : vector<16xi32> to vector<16xi32>
        tpu.vector_store %arg20[%swap3A_124], %swap3A_127 {strides = array<i32>} : memref<128xi32, #tpu.memory_space<vmem>>, vector<16xi32>,
        %get3A_128 = arith.constant 32 : index
        %get3A_129 = tpu.vector_load %arg17[%get3A_128] {strides = array<i32>} : memref<128xi32, #tpu.memory_space<vmem>>, vector<16xi32>,
        %get3A_130 = vector.shape_cast %get3A_129 : vector<16xi32> to vector<16xi32>
        %swap3A_131 = arith.constant 32 : index
        %swap3A_132 = tpu.vector_load %arg20[%swap3A_131] {strides = array<i32>} : memref<128xi32, #tpu.memory_space<vmem>>, vector<16xi32>,
        %swap3A_133 = vector.shape_cast %swap3A_132 : vector<16xi32> to vector<16xi32>
        %swap3A_134 = vector.shape_cast %get3A_130 : vector<16xi32> to vector<16xi32>
        tpu.vector_store %arg20[%swap3A_131], %swap3A_134 {strides = array<i32>} : memref<128xi32, #tpu.memory_space<vmem>>, vector<16xi32>,
        %get3A_135 = arith.constant 48 : index
        %get3A_136 = tpu.vector_load %arg17[%get3A_135] {strides = array<i32>} : memref<128xi32, #tpu.memory_space<vmem>>, vector<16xi32>,
        %get3A_137 = vector.shape_cast %get3A_136 : vector<16xi32> to vector<16xi32>
        %swap3A_138 = arith.constant 48 : index
        %swap3A_139 = tpu.vector_load %arg20[%swap3A_138] {strides = array<i32>} : memref<128xi32, #tpu.memory_space<vmem>>, vector<16xi32>,
        %swap3A_140 = vector.shape_cast %swap3A_139 : vector<16xi32> to vector<16xi32>
        %swap3A_141 = vector.shape_cast %get3A_137 : vector<16xi32> to vector<16xi32>
        tpu.vector_store %arg20[%swap3A_138], %swap3A_141 {strides = array<i32>} : memref<128xi32, #tpu.memory_space<vmem>>, vector<16xi32>,
        %get3A_142 = arith.constant 64 : index
        %get3A_143 = tpu.vector_load %arg17[%get3A_142] {strides = array<i32>} : memref<128xi32, #tpu.memory_space<vmem>>, vector<16xi32>,
        %get3A_144 = vector.shape_cast %get3A_143 : vector<16xi32> to vector<16xi32>
        %swap3A_145 = arith.constant 64 : index
        %swap3A_146 = tpu.vector_load %arg20[%swap3A_145] {strides = array<i32>} : memref<128xi32, #tpu.memory_space<vmem>>, vector<16xi32>,
        %swap3A_147 = vector.shape_cast %swap3A_146 : vector<16xi32> to vector<16xi32>
        %swap3A_148 = vector.shape_cast %get3A_144 : vector<16xi32> to vector<16xi32>
        tpu.vector_store %arg20[%swap3A_145], %swap3A_148 {strides = array<i32>} : memref<128xi32, #tpu.memory_space<vmem>>, vector<16xi32>,
        %get3A_149 = arith.constant 80 : index
        %get3A_150 = tpu.vector_load %arg17[%get3A_149] {strides = array<i32>} : memref<128xi32, #tpu.memory_space<vmem>>, vector<16xi32>,
        %get3A_151 = vector.shape_cast %get3A_150 : vector<16xi32> to vector<16xi32>
        %swap3A_152 = arith.constant 80 : index
        %swap3A_153 = tpu.vector_load %arg20[%swap3A_152] {strides = array<i32>} : memref<128xi32, #tpu.memory_space<vmem>>, vector<16xi32>,
        %swap3A_154 = vector.shape_cast %swap3A_153 : vector<16xi32> to vector<16xi32>
        %swap3A_155 = vector.shape_cast %get3A_151 : vector<16xi32> to vector<16xi32>
        tpu.vector_store %arg20[%swap3A_152], %swap3A_155 {strides = array<i32>} : memref<128xi32, #tpu.memory_space<vmem>>, vector<16xi32>,
        %get3A_156 = arith.constant 96 : index
        %get3A_157 = tpu.vector_load %arg17[%get3A_156] {strides = array<i32>} : memref<128xi32, #tpu.memory_space<vmem>>, vector<16xi32>,
        %get3A_158 = vector.shape_cast %get3A_157 : vector<16xi32> to vector<16xi32>
        %swap3A_159 = arith.constant 96 : index
        %swap3A_160 = tpu.vector_load %arg20[%swap3A_159] {strides = array<i32>} : memref<128xi32, #tpu.memory_space<vmem>>, vector<16xi32>,
        %swap3A_161 = vector.shape_cast %swap3A_160 : vector<16xi32> to vector<16xi32>
        %swap3A_162 = vector.shape_cast %get3A_158 : vector<16xi32> to vector<16xi32>
        tpu.vector_store %arg20[%swap3A_159], %swap3A_162 {strides = array<i32>} : memref<128xi32, #tpu.memory_space<vmem>>, vector<16xi32>,
        %get3A_163 = arith.constant 112 : index
        %get3A_164 = tpu.vector_load %arg17[%get3A_163] {strides = array<i32>} : memref<128xi32, #tpu.memory_space<vmem>>, vector<16xi32>,
        %get3A_165 = vector.shape_cast %get3A_164 : vector<16xi32> to vector<16xi32>
        %swap3A_166 = arith.constant 112 : index
        %swap3A_167 = tpu.vector_load %arg20[%swap3A_166] {strides = array<i32>} : memref<128xi32, #tpu.memory_space<vmem>>, vector<16xi32>,
        %swap3A_168 = vector.shape_cast %swap3A_167 : vector<16xi32> to vector<16xi32>
        %swap3A_169 = vector.shape_cast %get3A_165 : vector<16xi32> to vector<16xi32>
        tpu.vector_store %arg20[%swap3A_166], %swap3A_169 {strides = array<i32>} : memref<128xi32, #tpu.memory_space<vmem>>, vector<16xi32>,
        %add3A_170 = arith.constant 3 : i32
        %add3A_171 = arith.addi %add3A_99, %add3A_170 : i32
        %lt3A_172 = arith.constant 159 : i32
        %lt3A_173 = arith.cmpi slt, %add3A_171, %lt3A_172 : i32
        %convert_element_type3A_174 = arith.extui %lt3A_173 : i1 to i32
        %cond3A_175 = arith.constant 0 : i32
        %cond3A_176 = arith.cmpi ne, %convert_element_type3A_174, %cond3A_175 : i32
        scf.if %cond3A_176 {
          %add3A_404 = arith.constant 3 : i32
          %add3A_405 = arith.addi %add3A_99, %add3A_404 : i32
          %add3A_406 = arith.addi %mul3A_2, %add3A_405 : i32
          %mul3A_407 = arith.constant 128 : i32
          %mul3A_408 = arith.muli %add3A_406, %mul3A_407 : i32
          %dma_start3A_409 = tpu.memref_slice %arg2[%mul3A_408] : memref<325632xi32, #tpu.memory_space<hbm>> -> memref<128xi32, #tpu.memory_space<hbm>>
          %dma_start3A_410 = tpu.memref_slice %arg2[%mul3A_408] : memref<325632xi32, #tpu.memory_space<hbm>> -> memref<128xi32, #tpu.memory_space<hbm>>
          tpu.enqueue_dma source(%dma_start3A_410 : memref<128xi32, #tpu.memory_space<hbm>>) target(%arg14 : memref<128xi32, #tpu.memory_space<vmem>>) target_semaphore(%arg46 : memref<!tpu.dma_semaphore, #tpu.memory_space<semaphore_mem>>)
          %dma_start3A_411 = tpu.memref_slice %arg3[%mul3A_408] : memref<325632xi32, #tpu.memory_space<hbm>> -> memref<128xi32, #tpu.memory_space<hbm>>
          %dma_start3A_412 = tpu.memref_slice %arg3[%mul3A_408] : memref<325632xi32, #tpu.memory_space<hbm>> -> memref<128xi32, #tpu.memory_space<hbm>>
          tpu.enqueue_dma source(%dma_start3A_412 : memref<128xi32, #tpu.memory_space<hbm>>) target(%arg17 : memref<128xi32, #tpu.memory_space<vmem>>) target_semaphore(%arg46 : memref<!tpu.dma_semaphore, #tpu.memory_space<semaphore_mem>>)
        } else {
        }
        %parallel_loop3A = arith.constant 0 : i32
        %parallel_loop3A_177 = arith.constant 128 : i32
        %parallel_loop3A_178 = arith.constant 1 : i32
        scf.for %parallel_loop3A_404 = %parallel_loop3A to %parallel_loop3A_177 step %parallel_loop3A_178  : i32 {
          %parallel_loop3A_405 = arith.index_cast %parallel_loop3A_404 : i32 to index
          %parallel_loop3A_406 = arith.constant 0 : index
          %parallel_loop3A_407 = tpu.vector_load %arg23[%parallel_loop3A_405, %parallel_loop3A_406] {strides = array<i32>} : memref<128x16xf32, #tpu.memory_space<vmem>>, vector<1x16xf32>,
          %parallel_loop3A_408 = vector.shape_cast %parallel_loop3A_407 : vector<1x16xf32> to vector<16xf32>
          %parallel_loop3A_409 = arith.index_cast %parallel_loop3A_404 : i32 to index
          %parallel_loop3A_410 = arith.constant 0 : index
          %parallel_loop3A_411 = tpu.vector_load %arg26[%parallel_loop3A_409, %parallel_loop3A_410] {strides = array<i32>} : memref<128x16xf32, #tpu.memory_space<vmem>>, vector<1x16xf32>,
          %parallel_loop3A_412 = vector.shape_cast %parallel_loop3A_411 : vector<1x16xf32> to vector<16xf32>
          %parallel_loop3A_413 = arith.addf %parallel_loop3A_408, %parallel_loop3A_412 : vector<16xf32>
          %parallel_loop3A_414 = arith.constant 5 : i32
          %parallel_loop3A_415 = arith.shrsi %parallel_loop3A_404, %parallel_loop3A_414 : i32
          %parallel_loop3A_416 = arith.constant 31 : i32
          %parallel_loop3A_417 = arith.andi %parallel_loop3A_404, %parallel_loop3A_416 : i32
          %parallel_loop3A_418 = arith.constant 16 : i32
          %parallel_loop3A_419 = arith.muli %parallel_loop3A_418, %parallel_loop3A_417 : i32
          %parallel_loop3A_420 = arith.index_cast %parallel_loop3A_415 : i32 to index
          %parallel_loop3A_421 = arith.index_cast %parallel_loop3A_419 : i32 to index
          %parallel_loop3A_422 = tpu.vector_load %arg29[%parallel_loop3A_420, %parallel_loop3A_421] {strides = array<i32>} : memref<4x512xf32, #tpu.memory_space<vmem>>, vector<1x16xf32>,
          %parallel_loop3A_423 = vector.shape_cast %parallel_loop3A_422 : vector<1x16xf32> to vector<16xf32>
          %parallel_loop3A_424 = arith.addf %parallel_loop3A_413, %parallel_loop3A_423 : vector<16xf32>
          %parallel_loop3A_425 = arith.constant 0.000000e+00 : f32
          %parallel_loop3A_426 = vector.broadcast %parallel_loop3A_425 : f32 to vector<16xf32>
          %parallel_loop3A_427 = arith.cmpf oge, %parallel_loop3A_424, %parallel_loop3A_426 : vector<16xf32>
          %parallel_loop3A_428 = arith.constant 2.000000e-01 : f32
          %parallel_loop3A_429 = vector.broadcast %parallel_loop3A_428 : f32 to vector<16xf32>
          %parallel_loop3A_430 = arith.mulf %parallel_loop3A_429, %parallel_loop3A_424 : vector<16xf32>
          %parallel_loop3A_431 = arith.select %parallel_loop3A_427, %parallel_loop3A_424, %parallel_loop3A_430 : vector<16xi1>, vector<16xf32>
          %parallel_loop3A_432 = math.exp %parallel_loop3A_431 : vector<16xf32>
          %parallel_loop3A_433 = arith.index_cast %parallel_loop3A_404 : i32 to index
          %parallel_loop3A_434 = arith.constant 0 : index
          %parallel_loop3A_435 = tpu.vector_load %arg35[%parallel_loop3A_433, %parallel_loop3A_434] {strides = array<i32>} : memref<128x16xf32, #tpu.memory_space<vmem>>, vector<1x16xf32>,
          %parallel_loop3A_436 = vector.shape_cast %parallel_loop3A_435 : vector<1x16xf32> to vector<16xf32>
          %parallel_loop3A_437 = vector.shape_cast %parallel_loop3A_432 : vector<16xf32> to vector<1x16xf32>
          tpu.vector_store %arg35[%parallel_loop3A_433, %parallel_loop3A_434], %parallel_loop3A_437 {strides = array<i32>} : memref<128x16xf32, #tpu.memory_space<vmem>>, vector<1x16xf32>,
          %parallel_loop3A_438 = arith.index_cast %parallel_loop3A_404 : i32 to index
          %parallel_loop3A_439 = arith.constant 0 : index
          %parallel_loop3A_440 = tpu.vector_load %arg32[%parallel_loop3A_438, %parallel_loop3A_439] {strides = array<i32>} : memref<128x64xf32, #tpu.memory_space<vmem>>, vector<1x16xf32>,
          %parallel_loop3A_441 = vector.shape_cast %parallel_loop3A_440 : vector<1x16xf32> to vector<16xf32>
          %parallel_loop3A_442 = vector.extract_strided_slice %parallel_loop3A_432 {offsets = [0], sizes = [1], strides = [1]} : vector<16xf32> to vector<1xf32>
          %parallel_loop3A_443 = vector.extract %parallel_loop3A_442[0] : f32 from vector<1xf32>
          %parallel_loop3A_444 = vector.broadcast %parallel_loop3A_443 : f32 to vector<16xf32>
          %parallel_loop3A_445 = arith.mulf %parallel_loop3A_441, %parallel_loop3A_444 : vector<16xf32>
          %parallel_loop3A_446 = arith.index_cast %parallel_loop3A_404 : i32 to index
          %parallel_loop3A_447 = arith.constant 0 : index
          %parallel_loop3A_448 = tpu.vector_load %arg32[%parallel_loop3A_446, %parallel_loop3A_447] {strides = array<i32>} : memref<128x64xf32, #tpu.memory_space<vmem>>, vector<1x16xf32>,
          %parallel_loop3A_449 = vector.shape_cast %parallel_loop3A_448 : vector<1x16xf32> to vector<16xf32>
          %parallel_loop3A_450 = vector.shape_cast %parallel_loop3A_445 : vector<16xf32> to vector<1x16xf32>
          tpu.vector_store %arg32[%parallel_loop3A_446, %parallel_loop3A_447], %parallel_loop3A_450 {strides = array<i32>} : memref<128x64xf32, #tpu.memory_space<vmem>>, vector<1x16xf32>,
          %parallel_loop3A_451 = arith.index_cast %parallel_loop3A_404 : i32 to index
          %parallel_loop3A_452 = arith.constant 16 : index
          %parallel_loop3A_453 = tpu.vector_load %arg32[%parallel_loop3A_451, %parallel_loop3A_452] {strides = array<i32>} : memref<128x64xf32, #tpu.memory_space<vmem>>, vector<1x16xf32>,
          %parallel_loop3A_454 = vector.shape_cast %parallel_loop3A_453 : vector<1x16xf32> to vector<16xf32>
          %parallel_loop3A_455 = vector.extract_strided_slice %parallel_loop3A_432 {offsets = [1], sizes = [1], strides = [1]} : vector<16xf32> to vector<1xf32>
          %parallel_loop3A_456 = vector.extract %parallel_loop3A_455[0] : f32 from vector<1xf32>
          %parallel_loop3A_457 = vector.broadcast %parallel_loop3A_456 : f32 to vector<16xf32>
          %parallel_loop3A_458 = arith.mulf %parallel_loop3A_454, %parallel_loop3A_457 : vector<16xf32>
          %parallel_loop3A_459 = arith.index_cast %parallel_loop3A_404 : i32 to index
          %parallel_loop3A_460 = arith.constant 16 : index
          %parallel_loop3A_461 = tpu.vector_load %arg32[%parallel_loop3A_459, %parallel_loop3A_460] {strides = array<i32>} : memref<128x64xf32, #tpu.memory_space<vmem>>, vector<1x16xf32>,
          %parallel_loop3A_462 = vector.shape_cast %parallel_loop3A_461 : vector<1x16xf32> to vector<16xf32>
          %parallel_loop3A_463 = vector.shape_cast %parallel_loop3A_458 : vector<16xf32> to vector<1x16xf32>
          tpu.vector_store %arg32[%parallel_loop3A_459, %parallel_loop3A_460], %parallel_loop3A_463 {strides = array<i32>} : memref<128x64xf32, #tpu.memory_space<vmem>>, vector<1x16xf32>,
          %parallel_loop3A_464 = arith.index_cast %parallel_loop3A_404 : i32 to index
          %parallel_loop3A_465 = arith.constant 32 : index
          %parallel_loop3A_466 = tpu.vector_load %arg32[%parallel_loop3A_464, %parallel_loop3A_465] {strides = array<i32>} : memref<128x64xf32, #tpu.memory_space<vmem>>, vector<1x16xf32>,
          %parallel_loop3A_467 = vector.shape_cast %parallel_loop3A_466 : vector<1x16xf32> to vector<16xf32>
          %parallel_loop3A_468 = vector.extract_strided_slice %parallel_loop3A_432 {offsets = [2], sizes = [1], strides = [1]} : vector<16xf32> to vector<1xf32>
          %parallel_loop3A_469 = vector.extract %parallel_loop3A_468[0] : f32 from vector<1xf32>
          %parallel_loop3A_470 = vector.broadcast %parallel_loop3A_469 : f32 to vector<16xf32>
          %parallel_loop3A_471 = arith.mulf %parallel_loop3A_467, %parallel_loop3A_470 : vector<16xf32>
          %parallel_loop3A_472 = arith.index_cast %parallel_loop3A_404 : i32 to index
          %parallel_loop3A_473 = arith.constant 32 : index
          %parallel_loop3A_474 = tpu.vector_load %arg32[%parallel_loop3A_472, %parallel_loop3A_473] {strides = array<i32>} : memref<128x64xf32, #tpu.memory_space<vmem>>, vector<1x16xf32>,
          %parallel_loop3A_475 = vector.shape_cast %parallel_loop3A_474 : vector<1x16xf32> to vector<16xf32>
          %parallel_loop3A_476 = vector.shape_cast %parallel_loop3A_471 : vector<16xf32> to vector<1x16xf32>
          tpu.vector_store %arg32[%parallel_loop3A_472, %parallel_loop3A_473], %parallel_loop3A_476 {strides = array<i32>} : memref<128x64xf32, #tpu.memory_space<vmem>>, vector<1x16xf32>,
          %parallel_loop3A_477 = arith.index_cast %parallel_loop3A_404 : i32 to index
          %parallel_loop3A_478 = arith.constant 48 : index
          %parallel_loop3A_479 = tpu.vector_load %arg32[%parallel_loop3A_477, %parallel_loop3A_478] {strides = array<i32>} : memref<128x64xf32, #tpu.memory_space<vmem>>, vector<1x16xf32>,
          %parallel_loop3A_480 = vector.shape_cast %parallel_loop3A_479 : vector<1x16xf32> to vector<16xf32>
          %parallel_loop3A_481 = vector.extract_strided_slice %parallel_loop3A_432 {offsets = [3], sizes = [1], strides = [1]} : vector<16xf32> to vector<1xf32>
          %parallel_loop3A_482 = vector.extract %parallel_loop3A_481[0] : f32 from vector<1xf32>
          %parallel_loop3A_483 = vector.broadcast %parallel_loop3A_482 : f32 to vector<16xf32>
          %parallel_loop3A_484 = arith.mulf %parallel_loop3A_480, %parallel_loop3A_483 : vector<16xf32>
          %parallel_loop3A_485 = arith.index_cast %parallel_loop3A_404 : i32 to index
          %parallel_loop3A_486 = arith.constant 48 : index
          %parallel_loop3A_487 = tpu.vector_load %arg32[%parallel_loop3A_485, %parallel_loop3A_486] {strides = array<i32>} : memref<128x64xf32, #tpu.memory_space<vmem>>, vector<1x16xf32>,
          %parallel_loop3A_488 = vector.shape_cast %parallel_loop3A_487 : vector<1x16xf32> to vector<16xf32>
          %parallel_loop3A_489 = vector.shape_cast %parallel_loop3A_484 : vector<16xf32> to vector<1x16xf32>
          tpu.vector_store %arg32[%parallel_loop3A_485, %parallel_loop3A_486], %parallel_loop3A_489 {strides = array<i32>} : memref<128x64xf32, #tpu.memory_space<vmem>>, vector<1x16xf32>,
        } {sc.loop_unroll_factor = 4 : i64, sc.parallel_access}
        %gt3A = arith.constant 0 : i32
        %gt3A_179 = arith.cmpi sgt, %add3A_99, %gt3A : i32
        %convert_element_type3A_180 = arith.extui %gt3A_179 : i1 to i32
        %cond3A_181 = arith.constant 0 : i32
        %cond3A_182 = arith.cmpi ne, %convert_element_type3A_180, %cond3A_181 : i32
        scf.if %cond3A_182 {
          %sub3A = arith.constant 1 : i32
          %sub3A_404 = arith.subi %add3A_99, %sub3A : i32
          %dma_wait3A_405 = arith.constant 0 : i32
          %dma_wait3A_406 = arith.constant 0 : i32
          %dma_wait3A_407 = tpu.memref_slice %arg38[%dma_wait3A_405, %dma_wait3A_406] : memref<10240x64xf32, #tpu.memory_space<vmem_shared>> -> memref<10240x64xf32, #tpu.memory_space<vmem_shared>>
          tpu.wait_indirect_dma semaphore(%arg45 : memref<!tpu.dma_semaphore, #tpu.memory_space<semaphore_mem>>) src(%arg34 : memref<128x64xf32, #tpu.memory_space<vmem>>) dst(%dma_wait3A_407 : memref<10240x64xf32, #tpu.memory_space<vmem_shared>>)
          %dma_wait3A_408 = arith.constant 0 : i32
          %dma_wait3A_409 = arith.constant 0 : i32
          %dma_wait3A_410 = tpu.memref_slice %arg39[%dma_wait3A_408, %dma_wait3A_409] : memref<10240x16xf32, #tpu.memory_space<vmem_shared>> -> memref<10240x16xf32, #tpu.memory_space<vmem_shared>>
          tpu.wait_indirect_dma semaphore(%arg45 : memref<!tpu.dma_semaphore, #tpu.memory_space<semaphore_mem>>) src(%arg37 : memref<128x16xf32, #tpu.memory_space<vmem>>) dst(%dma_wait3A_410 : memref<10240x16xf32, #tpu.memory_space<vmem_shared>>)
        } else {
        }
        %add3A_183 = arith.constant 2 : i32
        %add3A_184 = arith.addi %add3A_99, %add3A_183 : i32
        %lt3A_185 = arith.constant 159 : i32
        %lt3A_186 = arith.cmpi slt, %add3A_184, %lt3A_185 : i32
        %convert_element_type3A_187 = arith.extui %lt3A_186 : i1 to i32
        %cond3A_188 = arith.constant 0 : i32
        %cond3A_189 = arith.cmpi ne, %convert_element_type3A_187, %cond3A_188 : i32
        scf.if %cond3A_189 {
          %add3A_404 = arith.constant 2 : i32
          %add3A_405 = arith.addi %add3A_99, %add3A_404 : i32
          %add3A_406 = arith.addi %mul3A_2, %add3A_405 : i32
          %mul3A_407 = arith.constant 128 : i32
          %mul3A_408 = arith.muli %add3A_406, %mul3A_407 : i32
          %dma_wait3A_409 = tpu.memref_slice %arg2[%mul3A_408] : memref<325632xi32, #tpu.memory_space<hbm>> -> memref<128xi32, #tpu.memory_space<hbm>>
          %dma_wait3A_410 = tpu.memref_slice %arg2[%mul3A_408] : memref<325632xi32, #tpu.memory_space<hbm>> -> memref<128xi32, #tpu.memory_space<hbm>>
          tpu.wait_dma2 semaphore(%arg48 : memref<!tpu.dma_semaphore, #tpu.memory_space<semaphore_mem>>) src(%dma_wait3A_410 : memref<128xi32, #tpu.memory_space<hbm>>) dst(%arg16 : memref<128xi32, #tpu.memory_space<vmem>>)
          %dma_wait3A_411 = tpu.memref_slice %arg3[%mul3A_408] : memref<325632xi32, #tpu.memory_space<hbm>> -> memref<128xi32, #tpu.memory_space<hbm>>
          %dma_wait3A_412 = tpu.memref_slice %arg3[%mul3A_408] : memref<325632xi32, #tpu.memory_space<hbm>> -> memref<128xi32, #tpu.memory_space<hbm>>
          tpu.wait_dma2 semaphore(%arg48 : memref<!tpu.dma_semaphore, #tpu.memory_space<semaphore_mem>>) src(%dma_wait3A_412 : memref<128xi32, #tpu.memory_space<hbm>>) dst(%arg19 : memref<128xi32, #tpu.memory_space<vmem>>)
          %add3A_413 = arith.constant 2 : i32
          %add3A_414 = arith.addi %add3A_99, %add3A_413 : i32
          %add3A_415 = arith.addi %mul3A_2, %add3A_414 : i32
          %mul3A_416 = arith.constant 4 : i32
          %mul3A_417 = arith.muli %mul3A_416, %add3A_415 : i32
          %dma_start3A_418 = arith.constant 0 : i32
          %dma_start3A_419 = tpu.memref_slice %arg8[%mul3A_417, %dma_start3A_418] : memref<10176x512xf32, #tpu.memory_space<hbm>> -> memref<4x512xf32, #tpu.memory_space<hbm>>
          %dma_start3A_420 = arith.constant 0 : i32
          %dma_start3A_421 = tpu.memref_slice %arg8[%mul3A_417, %dma_start3A_420] : memref<10176x512xf32, #tpu.memory_space<hbm>> -> memref<4x512xf32, #tpu.memory_space<hbm>>
          tpu.enqueue_dma source(%dma_start3A_421 : memref<4x512xf32, #tpu.memory_space<hbm>>) target(%arg31 : memref<4x512xf32, #tpu.memory_space<vmem>>) target_semaphore(%arg42 : memref<!tpu.dma_semaphore, #tpu.memory_space<semaphore_mem>>)
          %dma_start3A_422 = arith.constant 0 : i32
          %dma_start3A_423 = arith.constant 0 : i32
          %dma_start3A_424 = tpu.memref_slice %arg6[%dma_start3A_422, %dma_start3A_423] : memref<10240x16xf32, #tpu.memory_space<hbm>> -> memref<10240x16xf32, #tpu.memory_space<hbm>>
          tpu.enqueue_indirect_dma source(%dma_start3A_424 : memref<10240x16xf32, #tpu.memory_space<hbm>>) target(%arg25 : memref<128x16xf32, #tpu.memory_space<vmem>>) offsets(%arg16 : memref<128xi32, #tpu.memory_space<vmem>>) semaphore(%arg42 : memref<!tpu.dma_semaphore, #tpu.memory_space<semaphore_mem>>)
          %dma_start3A_425 = arith.constant 0 : i32
          %dma_start3A_426 = arith.constant 0 : i32
          %dma_start3A_427 = tpu.memref_slice %arg7[%dma_start3A_425, %dma_start3A_426] : memref<10240x16xf32, #tpu.memory_space<hbm>> -> memref<10240x16xf32, #tpu.memory_space<hbm>>
          tpu.enqueue_indirect_dma source(%dma_start3A_427 : memref<10240x16xf32, #tpu.memory_space<hbm>>) target(%arg28 : memref<128x16xf32, #tpu.memory_space<vmem>>) offsets(%arg19 : memref<128xi32, #tpu.memory_space<vmem>>) semaphore(%arg42 : memref<!tpu.dma_semaphore, #tpu.memory_space<semaphore_mem>>)
          %dma_start3A_428 = arith.constant 0 : i32
          %dma_start3A_429 = arith.constant 0 : i32
          %dma_start3A_430 = tpu.memref_slice %arg4[%dma_start3A_428, %dma_start3A_429] : memref<10240x64xf32, #tpu.memory_space<hbm>> -> memref<10240x64xf32, #tpu.memory_space<hbm>>
          tpu.enqueue_indirect_dma source(%dma_start3A_430 : memref<10240x64xf32, #tpu.memory_space<hbm>>) target(%arg34 : memref<128x64xf32, #tpu.memory_space<vmem>>) offsets(%arg16 : memref<128xi32, #tpu.memory_space<vmem>>) semaphore(%arg42 : memref<!tpu.dma_semaphore, #tpu.memory_space<semaphore_mem>>)
        } else {
        }
        %dma_start3A_190 = arith.constant 0 : i32
        %dma_start3A_191 = arith.constant 0 : i32
        %dma_start3A_192 = tpu.memref_slice %arg38[%dma_start3A_190, %dma_start3A_191] : memref<10240x64xf32, #tpu.memory_space<vmem_shared>> -> memref<10240x64xf32, #tpu.memory_space<vmem_shared>>
        tpu.enqueue_indirect_dma source(%arg32 : memref<128x64xf32, #tpu.memory_space<vmem>>) target(%dma_start3A_192 : memref<10240x64xf32, #tpu.memory_space<vmem_shared>>) offsets(%arg20 : memref<128xi32, #tpu.memory_space<vmem>>) semaphore(%arg43 : memref<!tpu.dma_semaphore, #tpu.memory_space<semaphore_mem>>) {add = true}
        %dma_start3A_193 = arith.constant 0 : i32
        %dma_start3A_194 = arith.constant 0 : i32
        %dma_start3A_195 = tpu.memref_slice %arg39[%dma_start3A_193, %dma_start3A_194] : memref<10240x16xf32, #tpu.memory_space<vmem_shared>> -> memref<10240x16xf32, #tpu.memory_space<vmem_shared>>
        tpu.enqueue_indirect_dma source(%arg35 : memref<128x16xf32, #tpu.memory_space<vmem>>) target(%dma_start3A_195 : memref<10240x16xf32, #tpu.memory_space<vmem_shared>>) offsets(%arg20 : memref<128xi32, #tpu.memory_space<vmem>>) semaphore(%arg43 : memref<!tpu.dma_semaphore, #tpu.memory_space<semaphore_mem>>) {add = true}
        %mul3A_196 = arith.constant 3 : i32
        %mul3A_197 = arith.muli %mul3A_196, %scan3A_95 : i32
        %add3A_198 = arith.constant 1 : i32
        %add3A_199 = arith.addi %mul3A_197, %add3A_198 : i32
        %add3A_200 = arith.addi %mul3A_2, %add3A_199 : i32
        %mul3A_201 = arith.constant 4 : i32
        %mul3A_202 = arith.muli %mul3A_201, %add3A_200 : i32
        %dma_wait3A_203 = arith.constant 0 : i32
        %dma_wait3A_204 = tpu.memref_slice %arg8[%mul3A_202, %dma_wait3A_203] : memref<10176x512xf32, #tpu.memory_space<hbm>> -> memref<4x512xf32, #tpu.memory_space<hbm>>
        %dma_wait3A_205 = arith.constant 0 : i32
        %dma_wait3A_206 = tpu.memref_slice %arg8[%mul3A_202, %dma_wait3A_205] : memref<10176x512xf32, #tpu.memory_space<hbm>> -> memref<4x512xf32, #tpu.memory_space<hbm>>
        tpu.wait_dma2 semaphore(%arg41 : memref<!tpu.dma_semaphore, #tpu.memory_space<semaphore_mem>>) src(%dma_wait3A_206 : memref<4x512xf32, #tpu.memory_space<hbm>>) dst(%arg30 : memref<4x512xf32, #tpu.memory_space<vmem>>)
        %dma_wait3A_207 = arith.constant 0 : i32
        %dma_wait3A_208 = arith.constant 0 : i32
        %dma_wait3A_209 = tpu.memref_slice %arg6[%dma_wait3A_207, %dma_wait3A_208] : memref<10240x16xf32, #tpu.memory_space<hbm>> -> memref<10240x16xf32, #tpu.memory_space<hbm>>
        tpu.wait_indirect_dma semaphore(%arg41 : memref<!tpu.dma_semaphore, #tpu.memory_space<semaphore_mem>>) src(%dma_wait3A_209 : memref<10240x16xf32, #tpu.memory_space<hbm>>) dst(%arg24 : memref<128x16xf32, #tpu.memory_space<vmem>>)
        %dma_wait3A_210 = arith.constant 0 : i32
        %dma_wait3A_211 = arith.constant 0 : i32
        %dma_wait3A_212 = tpu.memref_slice %arg7[%dma_wait3A_210, %dma_wait3A_211] : memref<10240x16xf32, #tpu.memory_space<hbm>> -> memref<10240x16xf32, #tpu.memory_space<hbm>>
        tpu.wait_indirect_dma semaphore(%arg41 : memref<!tpu.dma_semaphore, #tpu.memory_space<semaphore_mem>>) src(%dma_wait3A_212 : memref<10240x16xf32, #tpu.memory_space<hbm>>) dst(%arg27 : memref<128x16xf32, #tpu.memory_space<vmem>>)
        %dma_wait3A_213 = arith.constant 0 : i32
        %dma_wait3A_214 = arith.constant 0 : i32
        %dma_wait3A_215 = tpu.memref_slice %arg4[%dma_wait3A_213, %dma_wait3A_214] : memref<10240x64xf32, #tpu.memory_space<hbm>> -> memref<10240x64xf32, #tpu.memory_space<hbm>>
        tpu.wait_indirect_dma semaphore(%arg41 : memref<!tpu.dma_semaphore, #tpu.memory_space<semaphore_mem>>) src(%dma_wait3A_215 : memref<10240x64xf32, #tpu.memory_space<hbm>>) dst(%arg33 : memref<128x64xf32, #tpu.memory_space<vmem>>)
        %get3A_216 = arith.constant 0 : index
        %get3A_217 = tpu.vector_load %arg18[%get3A_216] {strides = array<i32>} : memref<128xi32, #tpu.memory_space<vmem>>, vector<16xi32>,
        %get3A_218 = vector.shape_cast %get3A_217 : vector<16xi32> to vector<16xi32>
        %swap3A_219 = arith.constant 0 : index
        %swap3A_220 = tpu.vector_load %arg21[%swap3A_219] {strides = array<i32>} : memref<128xi32, #tpu.memory_space<vmem>>, vector<16xi32>,
        %swap3A_221 = vector.shape_cast %swap3A_220 : vector<16xi32> to vector<16xi32>
        %swap3A_222 = vector.shape_cast %get3A_218 : vector<16xi32> to vector<16xi32>
        tpu.vector_store %arg21[%swap3A_219], %swap3A_222 {strides = array<i32>} : memref<128xi32, #tpu.memory_space<vmem>>, vector<16xi32>,
        %get3A_223 = arith.constant 16 : index
        %get3A_224 = tpu.vector_load %arg18[%get3A_223] {strides = array<i32>} : memref<128xi32, #tpu.memory_space<vmem>>, vector<16xi32>,
        %get3A_225 = vector.shape_cast %get3A_224 : vector<16xi32> to vector<16xi32>
        %swap3A_226 = arith.constant 16 : index
        %swap3A_227 = tpu.vector_load %arg21[%swap3A_226] {strides = array<i32>} : memref<128xi32, #tpu.memory_space<vmem>>, vector<16xi32>,
        %swap3A_228 = vector.shape_cast %swap3A_227 : vector<16xi32> to vector<16xi32>
        %swap3A_229 = vector.shape_cast %get3A_225 : vector<16xi32> to vector<16xi32>
        tpu.vector_store %arg21[%swap3A_226], %swap3A_229 {strides = array<i32>} : memref<128xi32, #tpu.memory_space<vmem>>, vector<16xi32>,
        %get3A_230 = arith.constant 32 : index
        %get3A_231 = tpu.vector_load %arg18[%get3A_230] {strides = array<i32>} : memref<128xi32, #tpu.memory_space<vmem>>, vector<16xi32>,
        %get3A_232 = vector.shape_cast %get3A_231 : vector<16xi32> to vector<16xi32>
        %swap3A_233 = arith.constant 32 : index
        %swap3A_234 = tpu.vector_load %arg21[%swap3A_233] {strides = array<i32>} : memref<128xi32, #tpu.memory_space<vmem>>, vector<16xi32>,
        %swap3A_235 = vector.shape_cast %swap3A_234 : vector<16xi32> to vector<16xi32>
        %swap3A_236 = vector.shape_cast %get3A_232 : vector<16xi32> to vector<16xi32>
        tpu.vector_store %arg21[%swap3A_233], %swap3A_236 {strides = array<i32>} : memref<128xi32, #tpu.memory_space<vmem>>, vector<16xi32>,
        %get3A_237 = arith.constant 48 : index
        %get3A_238 = tpu.vector_load %arg18[%get3A_237] {strides = array<i32>} : memref<128xi32, #tpu.memory_space<vmem>>, vector<16xi32>,
        %get3A_239 = vector.shape_cast %get3A_238 : vector<16xi32> to vector<16xi32>
        %swap3A_240 = arith.constant 48 : index
        %swap3A_241 = tpu.vector_load %arg21[%swap3A_240] {strides = array<i32>} : memref<128xi32, #tpu.memory_space<vmem>>, vector<16xi32>,
        %swap3A_242 = vector.shape_cast %swap3A_241 : vector<16xi32> to vector<16xi32>
        %swap3A_243 = vector.shape_cast %get3A_239 : vector<16xi32> to vector<16xi32>
        tpu.vector_store %arg21[%swap3A_240], %swap3A_243 {strides = array<i32>} : memref<128xi32, #tpu.memory_space<vmem>>, vector<16xi32>,
        %get3A_244 = arith.constant 64 : index
        %get3A_245 = tpu.vector_load %arg18[%get3A_244] {strides = array<i32>} : memref<128xi32, #tpu.memory_space<vmem>>, vector<16xi32>,
        %get3A_246 = vector.shape_cast %get3A_245 : vector<16xi32> to vector<16xi32>
        %swap3A_247 = arith.constant 64 : index
        %swap3A_248 = tpu.vector_load %arg21[%swap3A_247] {strides = array<i32>} : memref<128xi32, #tpu.memory_space<vmem>>, vector<16xi32>,
        %swap3A_249 = vector.shape_cast %swap3A_248 : vector<16xi32> to vector<16xi32>
        %swap3A_250 = vector.shape_cast %get3A_246 : vector<16xi32> to vector<16xi32>
        tpu.vector_store %arg21[%swap3A_247], %swap3A_250 {strides = array<i32>} : memref<128xi32, #tpu.memory_space<vmem>>, vector<16xi32>,
        %get3A_251 = arith.constant 80 : index
        %get3A_252 = tpu.vector_load %arg18[%get3A_251] {strides = array<i32>} : memref<128xi32, #tpu.memory_space<vmem>>, vector<16xi32>,
        %get3A_253 = vector.shape_cast %get3A_252 : vector<16xi32> to vector<16xi32>
        %swap3A_254 = arith.constant 80 : index
        %swap3A_255 = tpu.vector_load %arg21[%swap3A_254] {strides = array<i32>} : memref<128xi32, #tpu.memory_space<vmem>>, vector<16xi32>,
        %swap3A_256 = vector.shape_cast %swap3A_255 : vector<16xi32> to vector<16xi32>
        %swap3A_257 = vector.shape_cast %get3A_253 : vector<16xi32> to vector<16xi32>
        tpu.vector_store %arg21[%swap3A_254], %swap3A_257 {strides = array<i32>} : memref<128xi32, #tpu.memory_space<vmem>>, vector<16xi32>,
        %get3A_258 = arith.constant 96 : index
        %get3A_259 = tpu.vector_load %arg18[%get3A_258] {strides = array<i32>} : memref<128xi32, #tpu.memory_space<vmem>>, vector<16xi32>,
        %get3A_260 = vector.shape_cast %get3A_259 : vector<16xi32> to vector<16xi32>
        %swap3A_261 = arith.constant 96 : index
        %swap3A_262 = tpu.vector_load %arg21[%swap3A_261] {strides = array<i32>} : memref<128xi32, #tpu.memory_space<vmem>>, vector<16xi32>,
        %swap3A_263 = vector.shape_cast %swap3A_262 : vector<16xi32> to vector<16xi32>
        %swap3A_264 = vector.shape_cast %get3A_260 : vector<16xi32> to vector<16xi32>
        tpu.vector_store %arg21[%swap3A_261], %swap3A_264 {strides = array<i32>} : memref<128xi32, #tpu.memory_space<vmem>>, vector<16xi32>,
        %get3A_265 = arith.constant 112 : index
        %get3A_266 = tpu.vector_load %arg18[%get3A_265] {strides = array<i32>} : memref<128xi32, #tpu.memory_space<vmem>>, vector<16xi32>,
        %get3A_267 = vector.shape_cast %get3A_266 : vector<16xi32> to vector<16xi32>
        %swap3A_268 = arith.constant 112 : index
        %swap3A_269 = tpu.vector_load %arg21[%swap3A_268] {strides = array<i32>} : memref<128xi32, #tpu.memory_space<vmem>>, vector<16xi32>,
        %swap3A_270 = vector.shape_cast %swap3A_269 : vector<16xi32> to vector<16xi32>
        %swap3A_271 = vector.shape_cast %get3A_267 : vector<16xi32> to vector<16xi32>
        tpu.vector_store %arg21[%swap3A_268], %swap3A_271 {strides = array<i32>} : memref<128xi32, #tpu.memory_space<vmem>>, vector<16xi32>,
        %add3A_272 = arith.constant 3 : i32
        %add3A_273 = arith.addi %add3A_199, %add3A_272 : i32
        %lt3A_274 = arith.constant 159 : i32
        %lt3A_275 = arith.cmpi slt, %add3A_273, %lt3A_274 : i32
        %convert_element_type3A_276 = arith.extui %lt3A_275 : i1 to i32
        %cond3A_277 = arith.constant 0 : i32
        %cond3A_278 = arith.cmpi ne, %convert_element_type3A_276, %cond3A_277 : i32
        scf.if %cond3A_278 {
          %add3A_404 = arith.constant 3 : i32
          %add3A_405 = arith.addi %add3A_199, %add3A_404 : i32
          %add3A_406 = arith.addi %mul3A_2, %add3A_405 : i32
          %mul3A_407 = arith.constant 128 : i32
          %mul3A_408 = arith.muli %add3A_406, %mul3A_407 : i32
          %dma_start3A_409 = tpu.memref_slice %arg2[%mul3A_408] : memref<325632xi32, #tpu.memory_space<hbm>> -> memref<128xi32, #tpu.memory_space<hbm>>
          %dma_start3A_410 = tpu.memref_slice %arg2[%mul3A_408] : memref<325632xi32, #tpu.memory_space<hbm>> -> memref<128xi32, #tpu.memory_space<hbm>>
          tpu.enqueue_dma source(%dma_start3A_410 : memref<128xi32, #tpu.memory_space<hbm>>) target(%arg15 : memref<128xi32, #tpu.memory_space<vmem>>) target_semaphore(%arg47 : memref<!tpu.dma_semaphore, #tpu.memory_space<semaphore_mem>>)
          %dma_start3A_411 = tpu.memref_slice %arg3[%mul3A_408] : memref<325632xi32, #tpu.memory_space<hbm>> -> memref<128xi32, #tpu.memory_space<hbm>>
          %dma_start3A_412 = tpu.memref_slice %arg3[%mul3A_408] : memref<325632xi32, #tpu.memory_space<hbm>> -> memref<128xi32, #tpu.memory_space<hbm>>
          tpu.enqueue_dma source(%dma_start3A_412 : memref<128xi32, #tpu.memory_space<hbm>>) target(%arg18 : memref<128xi32, #tpu.memory_space<vmem>>) target_semaphore(%arg47 : memref<!tpu.dma_semaphore, #tpu.memory_space<semaphore_mem>>)
        } else {
        }
        %parallel_loop3A_279 = arith.constant 0 : i32
        %parallel_loop3A_280 = arith.constant 128 : i32
        %parallel_loop3A_281 = arith.constant 1 : i32
        scf.for %parallel_loop3A_404 = %parallel_loop3A_279 to %parallel_loop3A_280 step %parallel_loop3A_281  : i32 {
          %parallel_loop3A_405 = arith.index_cast %parallel_loop3A_404 : i32 to index
          %parallel_loop3A_406 = arith.constant 0 : index
          %parallel_loop3A_407 = tpu.vector_load %arg24[%parallel_loop3A_405, %parallel_loop3A_406] {strides = array<i32>} : memref<128x16xf32, #tpu.memory_space<vmem>>, vector<1x16xf32>,
          %parallel_loop3A_408 = vector.shape_cast %parallel_loop3A_407 : vector<1x16xf32> to vector<16xf32>
          %parallel_loop3A_409 = arith.index_cast %parallel_loop3A_404 : i32 to index
          %parallel_loop3A_410 = arith.constant 0 : index
          %parallel_loop3A_411 = tpu.vector_load %arg27[%parallel_loop3A_409, %parallel_loop3A_410] {strides = array<i32>} : memref<128x16xf32, #tpu.memory_space<vmem>>, vector<1x16xf32>,
          %parallel_loop3A_412 = vector.shape_cast %parallel_loop3A_411 : vector<1x16xf32> to vector<16xf32>
          %parallel_loop3A_413 = arith.addf %parallel_loop3A_408, %parallel_loop3A_412 : vector<16xf32>
          %parallel_loop3A_414 = arith.constant 5 : i32
          %parallel_loop3A_415 = arith.shrsi %parallel_loop3A_404, %parallel_loop3A_414 : i32
          %parallel_loop3A_416 = arith.constant 31 : i32
          %parallel_loop3A_417 = arith.andi %parallel_loop3A_404, %parallel_loop3A_416 : i32
          %parallel_loop3A_418 = arith.constant 16 : i32
          %parallel_loop3A_419 = arith.muli %parallel_loop3A_418, %parallel_loop3A_417 : i32
          %parallel_loop3A_420 = arith.index_cast %parallel_loop3A_415 : i32 to index
          %parallel_loop3A_421 = arith.index_cast %parallel_loop3A_419 : i32 to index
          %parallel_loop3A_422 = tpu.vector_load %arg30[%parallel_loop3A_420, %parallel_loop3A_421] {strides = array<i32>} : memref<4x512xf32, #tpu.memory_space<vmem>>, vector<1x16xf32>,
          %parallel_loop3A_423 = vector.shape_cast %parallel_loop3A_422 : vector<1x16xf32> to vector<16xf32>
          %parallel_loop3A_424 = arith.addf %parallel_loop3A_413, %parallel_loop3A_423 : vector<16xf32>
          %parallel_loop3A_425 = arith.constant 0.000000e+00 : f32
          %parallel_loop3A_426 = vector.broadcast %parallel_loop3A_425 : f32 to vector<16xf32>
          %parallel_loop3A_427 = arith.cmpf oge, %parallel_loop3A_424, %parallel_loop3A_426 : vector<16xf32>
          %parallel_loop3A_428 = arith.constant 2.000000e-01 : f32
          %parallel_loop3A_429 = vector.broadcast %parallel_loop3A_428 : f32 to vector<16xf32>
          %parallel_loop3A_430 = arith.mulf %parallel_loop3A_429, %parallel_loop3A_424 : vector<16xf32>
          %parallel_loop3A_431 = arith.select %parallel_loop3A_427, %parallel_loop3A_424, %parallel_loop3A_430 : vector<16xi1>, vector<16xf32>
          %parallel_loop3A_432 = math.exp %parallel_loop3A_431 : vector<16xf32>
          %parallel_loop3A_433 = arith.index_cast %parallel_loop3A_404 : i32 to index
          %parallel_loop3A_434 = arith.constant 0 : index
          %parallel_loop3A_435 = tpu.vector_load %arg36[%parallel_loop3A_433, %parallel_loop3A_434] {strides = array<i32>} : memref<128x16xf32, #tpu.memory_space<vmem>>, vector<1x16xf32>,
          %parallel_loop3A_436 = vector.shape_cast %parallel_loop3A_435 : vector<1x16xf32> to vector<16xf32>
          %parallel_loop3A_437 = vector.shape_cast %parallel_loop3A_432 : vector<16xf32> to vector<1x16xf32>
          tpu.vector_store %arg36[%parallel_loop3A_433, %parallel_loop3A_434], %parallel_loop3A_437 {strides = array<i32>} : memref<128x16xf32, #tpu.memory_space<vmem>>, vector<1x16xf32>,
          %parallel_loop3A_438 = arith.index_cast %parallel_loop3A_404 : i32 to index
          %parallel_loop3A_439 = arith.constant 0 : index
          %parallel_loop3A_440 = tpu.vector_load %arg33[%parallel_loop3A_438, %parallel_loop3A_439] {strides = array<i32>} : memref<128x64xf32, #tpu.memory_space<vmem>>, vector<1x16xf32>,
          %parallel_loop3A_441 = vector.shape_cast %parallel_loop3A_440 : vector<1x16xf32> to vector<16xf32>
          %parallel_loop3A_442 = vector.extract_strided_slice %parallel_loop3A_432 {offsets = [0], sizes = [1], strides = [1]} : vector<16xf32> to vector<1xf32>
          %parallel_loop3A_443 = vector.extract %parallel_loop3A_442[0] : f32 from vector<1xf32>
          %parallel_loop3A_444 = vector.broadcast %parallel_loop3A_443 : f32 to vector<16xf32>
          %parallel_loop3A_445 = arith.mulf %parallel_loop3A_441, %parallel_loop3A_444 : vector<16xf32>
          %parallel_loop3A_446 = arith.index_cast %parallel_loop3A_404 : i32 to index
          %parallel_loop3A_447 = arith.constant 0 : index
          %parallel_loop3A_448 = tpu.vector_load %arg33[%parallel_loop3A_446, %parallel_loop3A_447] {strides = array<i32>} : memref<128x64xf32, #tpu.memory_space<vmem>>, vector<1x16xf32>,
          %parallel_loop3A_449 = vector.shape_cast %parallel_loop3A_448 : vector<1x16xf32> to vector<16xf32>
          %parallel_loop3A_450 = vector.shape_cast %parallel_loop3A_445 : vector<16xf32> to vector<1x16xf32>
          tpu.vector_store %arg33[%parallel_loop3A_446, %parallel_loop3A_447], %parallel_loop3A_450 {strides = array<i32>} : memref<128x64xf32, #tpu.memory_space<vmem>>, vector<1x16xf32>,
          %parallel_loop3A_451 = arith.index_cast %parallel_loop3A_404 : i32 to index
          %parallel_loop3A_452 = arith.constant 16 : index
          %parallel_loop3A_453 = tpu.vector_load %arg33[%parallel_loop3A_451, %parallel_loop3A_452] {strides = array<i32>} : memref<128x64xf32, #tpu.memory_space<vmem>>, vector<1x16xf32>,
          %parallel_loop3A_454 = vector.shape_cast %parallel_loop3A_453 : vector<1x16xf32> to vector<16xf32>
          %parallel_loop3A_455 = vector.extract_strided_slice %parallel_loop3A_432 {offsets = [1], sizes = [1], strides = [1]} : vector<16xf32> to vector<1xf32>
          %parallel_loop3A_456 = vector.extract %parallel_loop3A_455[0] : f32 from vector<1xf32>
          %parallel_loop3A_457 = vector.broadcast %parallel_loop3A_456 : f32 to vector<16xf32>
          %parallel_loop3A_458 = arith.mulf %parallel_loop3A_454, %parallel_loop3A_457 : vector<16xf32>
          %parallel_loop3A_459 = arith.index_cast %parallel_loop3A_404 : i32 to index
          %parallel_loop3A_460 = arith.constant 16 : index
          %parallel_loop3A_461 = tpu.vector_load %arg33[%parallel_loop3A_459, %parallel_loop3A_460] {strides = array<i32>} : memref<128x64xf32, #tpu.memory_space<vmem>>, vector<1x16xf32>,
          %parallel_loop3A_462 = vector.shape_cast %parallel_loop3A_461 : vector<1x16xf32> to vector<16xf32>
          %parallel_loop3A_463 = vector.shape_cast %parallel_loop3A_458 : vector<16xf32> to vector<1x16xf32>
          tpu.vector_store %arg33[%parallel_loop3A_459, %parallel_loop3A_460], %parallel_loop3A_463 {strides = array<i32>} : memref<128x64xf32, #tpu.memory_space<vmem>>, vector<1x16xf32>,
          %parallel_loop3A_464 = arith.index_cast %parallel_loop3A_404 : i32 to index
          %parallel_loop3A_465 = arith.constant 32 : index
          %parallel_loop3A_466 = tpu.vector_load %arg33[%parallel_loop3A_464, %parallel_loop3A_465] {strides = array<i32>} : memref<128x64xf32, #tpu.memory_space<vmem>>, vector<1x16xf32>,
          %parallel_loop3A_467 = vector.shape_cast %parallel_loop3A_466 : vector<1x16xf32> to vector<16xf32>
          %parallel_loop3A_468 = vector.extract_strided_slice %parallel_loop3A_432 {offsets = [2], sizes = [1], strides = [1]} : vector<16xf32> to vector<1xf32>
          %parallel_loop3A_469 = vector.extract %parallel_loop3A_468[0] : f32 from vector<1xf32>
          %parallel_loop3A_470 = vector.broadcast %parallel_loop3A_469 : f32 to vector<16xf32>
          %parallel_loop3A_471 = arith.mulf %parallel_loop3A_467, %parallel_loop3A_470 : vector<16xf32>
          %parallel_loop3A_472 = arith.index_cast %parallel_loop3A_404 : i32 to index
          %parallel_loop3A_473 = arith.constant 32 : index
          %parallel_loop3A_474 = tpu.vector_load %arg33[%parallel_loop3A_472, %parallel_loop3A_473] {strides = array<i32>} : memref<128x64xf32, #tpu.memory_space<vmem>>, vector<1x16xf32>,
          %parallel_loop3A_475 = vector.shape_cast %parallel_loop3A_474 : vector<1x16xf32> to vector<16xf32>
          %parallel_loop3A_476 = vector.shape_cast %parallel_loop3A_471 : vector<16xf32> to vector<1x16xf32>
          tpu.vector_store %arg33[%parallel_loop3A_472, %parallel_loop3A_473], %parallel_loop3A_476 {strides = array<i32>} : memref<128x64xf32, #tpu.memory_space<vmem>>, vector<1x16xf32>,
          %parallel_loop3A_477 = arith.index_cast %parallel_loop3A_404 : i32 to index
          %parallel_loop3A_478 = arith.constant 48 : index
          %parallel_loop3A_479 = tpu.vector_load %arg33[%parallel_loop3A_477, %parallel_loop3A_478] {strides = array<i32>} : memref<128x64xf32, #tpu.memory_space<vmem>>, vector<1x16xf32>,
          %parallel_loop3A_480 = vector.shape_cast %parallel_loop3A_479 : vector<1x16xf32> to vector<16xf32>
          %parallel_loop3A_481 = vector.extract_strided_slice %parallel_loop3A_432 {offsets = [3], sizes = [1], strides = [1]} : vector<16xf32> to vector<1xf32>
          %parallel_loop3A_482 = vector.extract %parallel_loop3A_481[0] : f32 from vector<1xf32>
          %parallel_loop3A_483 = vector.broadcast %parallel_loop3A_482 : f32 to vector<16xf32>
          %parallel_loop3A_484 = arith.mulf %parallel_loop3A_480, %parallel_loop3A_483 : vector<16xf32>
          %parallel_loop3A_485 = arith.index_cast %parallel_loop3A_404 : i32 to index
          %parallel_loop3A_486 = arith.constant 48 : index
          %parallel_loop3A_487 = tpu.vector_load %arg33[%parallel_loop3A_485, %parallel_loop3A_486] {strides = array<i32>} : memref<128x64xf32, #tpu.memory_space<vmem>>, vector<1x16xf32>,
          %parallel_loop3A_488 = vector.shape_cast %parallel_loop3A_487 : vector<1x16xf32> to vector<16xf32>
          %parallel_loop3A_489 = vector.shape_cast %parallel_loop3A_484 : vector<16xf32> to vector<1x16xf32>
          tpu.vector_store %arg33[%parallel_loop3A_485, %parallel_loop3A_486], %parallel_loop3A_489 {strides = array<i32>} : memref<128x64xf32, #tpu.memory_space<vmem>>, vector<1x16xf32>,
        } {sc.loop_unroll_factor = 4 : i64, sc.parallel_access}
        %gt3A_282 = arith.constant 0 : i32
        %gt3A_283 = arith.cmpi sgt, %add3A_199, %gt3A_282 : i32
        %convert_element_type3A_284 = arith.extui %gt3A_283 : i1 to i32
        %cond3A_285 = arith.constant 0 : i32
        %cond3A_286 = arith.cmpi ne, %convert_element_type3A_284, %cond3A_285 : i32
        scf.if %cond3A_286 {
          %sub3A = arith.constant 1 : i32
          %sub3A_404 = arith.subi %add3A_199, %sub3A : i32
          %dma_wait3A_405 = arith.constant 0 : i32
          %dma_wait3A_406 = arith.constant 0 : i32
          %dma_wait3A_407 = tpu.memref_slice %arg38[%dma_wait3A_405, %dma_wait3A_406] : memref<10240x64xf32, #tpu.memory_space<vmem_shared>> -> memref<10240x64xf32, #tpu.memory_space<vmem_shared>>
          tpu.wait_indirect_dma semaphore(%arg43 : memref<!tpu.dma_semaphore, #tpu.memory_space<semaphore_mem>>) src(%arg32 : memref<128x64xf32, #tpu.memory_space<vmem>>) dst(%dma_wait3A_407 : memref<10240x64xf32, #tpu.memory_space<vmem_shared>>)
          %dma_wait3A_408 = arith.constant 0 : i32
          %dma_wait3A_409 = arith.constant 0 : i32
          %dma_wait3A_410 = tpu.memref_slice %arg39[%dma_wait3A_408, %dma_wait3A_409] : memref<10240x16xf32, #tpu.memory_space<vmem_shared>> -> memref<10240x16xf32, #tpu.memory_space<vmem_shared>>
          tpu.wait_indirect_dma semaphore(%arg43 : memref<!tpu.dma_semaphore, #tpu.memory_space<semaphore_mem>>) src(%arg35 : memref<128x16xf32, #tpu.memory_space<vmem>>) dst(%dma_wait3A_410 : memref<10240x16xf32, #tpu.memory_space<vmem_shared>>)
        } else {
        }
        %add3A_287 = arith.constant 2 : i32
        %add3A_288 = arith.addi %add3A_199, %add3A_287 : i32
        %lt3A_289 = arith.constant 159 : i32
        %lt3A_290 = arith.cmpi slt, %add3A_288, %lt3A_289 : i32
        %convert_element_type3A_291 = arith.extui %lt3A_290 : i1 to i32
        %cond3A_292 = arith.constant 0 : i32
        %cond3A_293 = arith.cmpi ne, %convert_element_type3A_291, %cond3A_292 : i32
        scf.if %cond3A_293 {
          %add3A_404 = arith.constant 2 : i32
          %add3A_405 = arith.addi %add3A_199, %add3A_404 : i32
          %add3A_406 = arith.addi %mul3A_2, %add3A_405 : i32
          %mul3A_407 = arith.constant 128 : i32
          %mul3A_408 = arith.muli %add3A_406, %mul3A_407 : i32
          %dma_wait3A_409 = tpu.memref_slice %arg2[%mul3A_408] : memref<325632xi32, #tpu.memory_space<hbm>> -> memref<128xi32, #tpu.memory_space<hbm>>
          %dma_wait3A_410 = tpu.memref_slice %arg2[%mul3A_408] : memref<325632xi32, #tpu.memory_space<hbm>> -> memref<128xi32, #tpu.memory_space<hbm>>
          tpu.wait_dma2 semaphore(%arg46 : memref<!tpu.dma_semaphore, #tpu.memory_space<semaphore_mem>>) src(%dma_wait3A_410 : memref<128xi32, #tpu.memory_space<hbm>>) dst(%arg14 : memref<128xi32, #tpu.memory_space<vmem>>)
          %dma_wait3A_411 = tpu.memref_slice %arg3[%mul3A_408] : memref<325632xi32, #tpu.memory_space<hbm>> -> memref<128xi32, #tpu.memory_space<hbm>>
          %dma_wait3A_412 = tpu.memref_slice %arg3[%mul3A_408] : memref<325632xi32, #tpu.memory_space<hbm>> -> memref<128xi32, #tpu.memory_space<hbm>>
          tpu.wait_dma2 semaphore(%arg46 : memref<!tpu.dma_semaphore, #tpu.memory_space<semaphore_mem>>) src(%dma_wait3A_412 : memref<128xi32, #tpu.memory_space<hbm>>) dst(%arg17 : memref<128xi32, #tpu.memory_space<vmem>>)
          %add3A_413 = arith.constant 2 : i32
          %add3A_414 = arith.addi %add3A_199, %add3A_413 : i32
          %add3A_415 = arith.addi %mul3A_2, %add3A_414 : i32
          %mul3A_416 = arith.constant 4 : i32
          %mul3A_417 = arith.muli %mul3A_416, %add3A_415 : i32
          %dma_start3A_418 = arith.constant 0 : i32
          %dma_start3A_419 = tpu.memref_slice %arg8[%mul3A_417, %dma_start3A_418] : memref<10176x512xf32, #tpu.memory_space<hbm>> -> memref<4x512xf32, #tpu.memory_space<hbm>>
          %dma_start3A_420 = arith.constant 0 : i32
          %dma_start3A_421 = tpu.memref_slice %arg8[%mul3A_417, %dma_start3A_420] : memref<10176x512xf32, #tpu.memory_space<hbm>> -> memref<4x512xf32, #tpu.memory_space<hbm>>
          tpu.enqueue_dma source(%dma_start3A_421 : memref<4x512xf32, #tpu.memory_space<hbm>>) target(%arg29 : memref<4x512xf32, #tpu.memory_space<vmem>>) target_semaphore(%arg40 : memref<!tpu.dma_semaphore, #tpu.memory_space<semaphore_mem>>)
          %dma_start3A_422 = arith.constant 0 : i32
          %dma_start3A_423 = arith.constant 0 : i32
          %dma_start3A_424 = tpu.memref_slice %arg6[%dma_start3A_422, %dma_start3A_423] : memref<10240x16xf32, #tpu.memory_space<hbm>> -> memref<10240x16xf32, #tpu.memory_space<hbm>>
          tpu.enqueue_indirect_dma source(%dma_start3A_424 : memref<10240x16xf32, #tpu.memory_space<hbm>>) target(%arg23 : memref<128x16xf32, #tpu.memory_space<vmem>>) offsets(%arg14 : memref<128xi32, #tpu.memory_space<vmem>>) semaphore(%arg40 : memref<!tpu.dma_semaphore, #tpu.memory_space<semaphore_mem>>)
          %dma_start3A_425 = arith.constant 0 : i32
          %dma_start3A_426 = arith.constant 0 : i32
          %dma_start3A_427 = tpu.memref_slice %arg7[%dma_start3A_425, %dma_start3A_426] : memref<10240x16xf32, #tpu.memory_space<hbm>> -> memref<10240x16xf32, #tpu.memory_space<hbm>>
          tpu.enqueue_indirect_dma source(%dma_start3A_427 : memref<10240x16xf32, #tpu.memory_space<hbm>>) target(%arg26 : memref<128x16xf32, #tpu.memory_space<vmem>>) offsets(%arg17 : memref<128xi32, #tpu.memory_space<vmem>>) semaphore(%arg40 : memref<!tpu.dma_semaphore, #tpu.memory_space<semaphore_mem>>)
          %dma_start3A_428 = arith.constant 0 : i32
          %dma_start3A_429 = arith.constant 0 : i32
          %dma_start3A_430 = tpu.memref_slice %arg4[%dma_start3A_428, %dma_start3A_429] : memref<10240x64xf32, #tpu.memory_space<hbm>> -> memref<10240x64xf32, #tpu.memory_space<hbm>>
          tpu.enqueue_indirect_dma source(%dma_start3A_430 : memref<10240x64xf32, #tpu.memory_space<hbm>>) target(%arg32 : memref<128x64xf32, #tpu.memory_space<vmem>>) offsets(%arg14 : memref<128xi32, #tpu.memory_space<vmem>>) semaphore(%arg40 : memref<!tpu.dma_semaphore, #tpu.memory_space<semaphore_mem>>)
        } else {
        }
        %dma_start3A_294 = arith.constant 0 : i32
        %dma_start3A_295 = arith.constant 0 : i32
        %dma_start3A_296 = tpu.memref_slice %arg38[%dma_start3A_294, %dma_start3A_295] : memref<10240x64xf32, #tpu.memory_space<vmem_shared>> -> memref<10240x64xf32, #tpu.memory_space<vmem_shared>>
        tpu.enqueue_indirect_dma source(%arg33 : memref<128x64xf32, #tpu.memory_space<vmem>>) target(%dma_start3A_296 : memref<10240x64xf32, #tpu.memory_space<vmem_shared>>) offsets(%arg21 : memref<128xi32, #tpu.memory_space<vmem>>) semaphore(%arg44 : memref<!tpu.dma_semaphore, #tpu.memory_space<semaphore_mem>>) {add = true}
        %dma_start3A_297 = arith.constant 0 : i32
        %dma_start3A_298 = arith.constant 0 : i32
        %dma_start3A_299 = tpu.memref_slice %arg39[%dma_start3A_297, %dma_start3A_298] : memref<10240x16xf32, #tpu.memory_space<vmem_shared>> -> memref<10240x16xf32, #tpu.memory_space<vmem_shared>>
        tpu.enqueue_indirect_dma source(%arg36 : memref<128x16xf32, #tpu.memory_space<vmem>>) target(%dma_start3A_299 : memref<10240x16xf32, #tpu.memory_space<vmem_shared>>) offsets(%arg21 : memref<128xi32, #tpu.memory_space<vmem>>) semaphore(%arg44 : memref<!tpu.dma_semaphore, #tpu.memory_space<semaphore_mem>>) {add = true}
        %mul3A_300 = arith.constant 3 : i32
        %mul3A_301 = arith.muli %mul3A_300, %scan3A_95 : i32
        %add3A_302 = arith.constant 2 : i32
        %add3A_303 = arith.addi %mul3A_301, %add3A_302 : i32
        %add3A_304 = arith.addi %mul3A_2, %add3A_303 : i32
        %mul3A_305 = arith.constant 4 : i32
        %mul3A_306 = arith.muli %mul3A_305, %add3A_304 : i32
        %dma_wait3A_307 = arith.constant 0 : i32
        %dma_wait3A_308 = tpu.memref_slice %arg8[%mul3A_306, %dma_wait3A_307] : memref<10176x512xf32, #tpu.memory_space<hbm>> -> memref<4x512xf32, #tpu.memory_space<hbm>>
        %dma_wait3A_309 = arith.constant 0 : i32
        %dma_wait3A_310 = tpu.memref_slice %arg8[%mul3A_306, %dma_wait3A_309] : memref<10176x512xf32, #tpu.memory_space<hbm>> -> memref<4x512xf32, #tpu.memory_space<hbm>>
        tpu.wait_dma2 semaphore(%arg42 : memref<!tpu.dma_semaphore, #tpu.memory_space<semaphore_mem>>) src(%dma_wait3A_310 : memref<4x512xf32, #tpu.memory_space<hbm>>) dst(%arg31 : memref<4x512xf32, #tpu.memory_space<vmem>>)
        %dma_wait3A_311 = arith.constant 0 : i32
        %dma_wait3A_312 = arith.constant 0 : i32
        %dma_wait3A_313 = tpu.memref_slice %arg6[%dma_wait3A_311, %dma_wait3A_312] : memref<10240x16xf32, #tpu.memory_space<hbm>> -> memref<10240x16xf32, #tpu.memory_space<hbm>>
        tpu.wait_indirect_dma semaphore(%arg42 : memref<!tpu.dma_semaphore, #tpu.memory_space<semaphore_mem>>) src(%dma_wait3A_313 : memref<10240x16xf32, #tpu.memory_space<hbm>>) dst(%arg25 : memref<128x16xf32, #tpu.memory_space<vmem>>)
        %dma_wait3A_314 = arith.constant 0 : i32
        %dma_wait3A_315 = arith.constant 0 : i32
        %dma_wait3A_316 = tpu.memref_slice %arg7[%dma_wait3A_314, %dma_wait3A_315] : memref<10240x16xf32, #tpu.memory_space<hbm>> -> memref<10240x16xf32, #tpu.memory_space<hbm>>
        tpu.wait_indirect_dma semaphore(%arg42 : memref<!tpu.dma_semaphore, #tpu.memory_space<semaphore_mem>>) src(%dma_wait3A_316 : memref<10240x16xf32, #tpu.memory_space<hbm>>) dst(%arg28 : memref<128x16xf32, #tpu.memory_space<vmem>>)
        %dma_wait3A_317 = arith.constant 0 : i32
        %dma_wait3A_318 = arith.constant 0 : i32
        %dma_wait3A_319 = tpu.memref_slice %arg4[%dma_wait3A_317, %dma_wait3A_318] : memref<10240x64xf32, #tpu.memory_space<hbm>> -> memref<10240x64xf32, #tpu.memory_space<hbm>>
        tpu.wait_indirect_dma semaphore(%arg42 : memref<!tpu.dma_semaphore, #tpu.memory_space<semaphore_mem>>) src(%dma_wait3A_319 : memref<10240x64xf32, #tpu.memory_space<hbm>>) dst(%arg34 : memref<128x64xf32, #tpu.memory_space<vmem>>)
        %get3A_320 = arith.constant 0 : index
        %get3A_321 = tpu.vector_load %arg19[%get3A_320] {strides = array<i32>} : memref<128xi32, #tpu.memory_space<vmem>>, vector<16xi32>,
        %get3A_322 = vector.shape_cast %get3A_321 : vector<16xi32> to vector<16xi32>
        %swap3A_323 = arith.constant 0 : index
        %swap3A_324 = tpu.vector_load %arg22[%swap3A_323] {strides = array<i32>} : memref<128xi32, #tpu.memory_space<vmem>>, vector<16xi32>,
        %swap3A_325 = vector.shape_cast %swap3A_324 : vector<16xi32> to vector<16xi32>
        %swap3A_326 = vector.shape_cast %get3A_322 : vector<16xi32> to vector<16xi32>
        tpu.vector_store %arg22[%swap3A_323], %swap3A_326 {strides = array<i32>} : memref<128xi32, #tpu.memory_space<vmem>>, vector<16xi32>,
        %get3A_327 = arith.constant 16 : index
        %get3A_328 = tpu.vector_load %arg19[%get3A_327] {strides = array<i32>} : memref<128xi32, #tpu.memory_space<vmem>>, vector<16xi32>,
        %get3A_329 = vector.shape_cast %get3A_328 : vector<16xi32> to vector<16xi32>
        %swap3A_330 = arith.constant 16 : index
        %swap3A_331 = tpu.vector_load %arg22[%swap3A_330] {strides = array<i32>} : memref<128xi32, #tpu.memory_space<vmem>>, vector<16xi32>,
        %swap3A_332 = vector.shape_cast %swap3A_331 : vector<16xi32> to vector<16xi32>
        %swap3A_333 = vector.shape_cast %get3A_329 : vector<16xi32> to vector<16xi32>
        tpu.vector_store %arg22[%swap3A_330], %swap3A_333 {strides = array<i32>} : memref<128xi32, #tpu.memory_space<vmem>>, vector<16xi32>,
        %get3A_334 = arith.constant 32 : index
        %get3A_335 = tpu.vector_load %arg19[%get3A_334] {strides = array<i32>} : memref<128xi32, #tpu.memory_space<vmem>>, vector<16xi32>,
        %get3A_336 = vector.shape_cast %get3A_335 : vector<16xi32> to vector<16xi32>
        %swap3A_337 = arith.constant 32 : index
        %swap3A_338 = tpu.vector_load %arg22[%swap3A_337] {strides = array<i32>} : memref<128xi32, #tpu.memory_space<vmem>>, vector<16xi32>,
        %swap3A_339 = vector.shape_cast %swap3A_338 : vector<16xi32> to vector<16xi32>
        %swap3A_340 = vector.shape_cast %get3A_336 : vector<16xi32> to vector<16xi32>
        tpu.vector_store %arg22[%swap3A_337], %swap3A_340 {strides = array<i32>} : memref<128xi32, #tpu.memory_space<vmem>>, vector<16xi32>,
        %get3A_341 = arith.constant 48 : index
        %get3A_342 = tpu.vector_load %arg19[%get3A_341] {strides = array<i32>} : memref<128xi32, #tpu.memory_space<vmem>>, vector<16xi32>,
        %get3A_343 = vector.shape_cast %get3A_342 : vector<16xi32> to vector<16xi32>
        %swap3A_344 = arith.constant 48 : index
        %swap3A_345 = tpu.vector_load %arg22[%swap3A_344] {strides = array<i32>} : memref<128xi32, #tpu.memory_space<vmem>>, vector<16xi32>,
        %swap3A_346 = vector.shape_cast %swap3A_345 : vector<16xi32> to vector<16xi32>
        %swap3A_347 = vector.shape_cast %get3A_343 : vector<16xi32> to vector<16xi32>
        tpu.vector_store %arg22[%swap3A_344], %swap3A_347 {strides = array<i32>} : memref<128xi32, #tpu.memory_space<vmem>>, vector<16xi32>,
        %get3A_348 = arith.constant 64 : index
        %get3A_349 = tpu.vector_load %arg19[%get3A_348] {strides = array<i32>} : memref<128xi32, #tpu.memory_space<vmem>>, vector<16xi32>,
        %get3A_350 = vector.shape_cast %get3A_349 : vector<16xi32> to vector<16xi32>
        %swap3A_351 = arith.constant 64 : index
        %swap3A_352 = tpu.vector_load %arg22[%swap3A_351] {strides = array<i32>} : memref<128xi32, #tpu.memory_space<vmem>>, vector<16xi32>,
        %swap3A_353 = vector.shape_cast %swap3A_352 : vector<16xi32> to vector<16xi32>
        %swap3A_354 = vector.shape_cast %get3A_350 : vector<16xi32> to vector<16xi32>
        tpu.vector_store %arg22[%swap3A_351], %swap3A_354 {strides = array<i32>} : memref<128xi32, #tpu.memory_space<vmem>>, vector<16xi32>,
        %get3A_355 = arith.constant 80 : index
        %get3A_356 = tpu.vector_load %arg19[%get3A_355] {strides = array<i32>} : memref<128xi32, #tpu.memory_space<vmem>>, vector<16xi32>,
        %get3A_357 = vector.shape_cast %get3A_356 : vector<16xi32> to vector<16xi32>
        %swap3A_358 = arith.constant 80 : index
        %swap3A_359 = tpu.vector_load %arg22[%swap3A_358] {strides = array<i32>} : memref<128xi32, #tpu.memory_space<vmem>>, vector<16xi32>,
        %swap3A_360 = vector.shape_cast %swap3A_359 : vector<16xi32> to vector<16xi32>
        %swap3A_361 = vector.shape_cast %get3A_357 : vector<16xi32> to vector<16xi32>
        tpu.vector_store %arg22[%swap3A_358], %swap3A_361 {strides = array<i32>} : memref<128xi32, #tpu.memory_space<vmem>>, vector<16xi32>,
        %get3A_362 = arith.constant 96 : index
        %get3A_363 = tpu.vector_load %arg19[%get3A_362] {strides = array<i32>} : memref<128xi32, #tpu.memory_space<vmem>>, vector<16xi32>,
        %get3A_364 = vector.shape_cast %get3A_363 : vector<16xi32> to vector<16xi32>
        %swap3A_365 = arith.constant 96 : index
        %swap3A_366 = tpu.vector_load %arg22[%swap3A_365] {strides = array<i32>} : memref<128xi32, #tpu.memory_space<vmem>>, vector<16xi32>,
        %swap3A_367 = vector.shape_cast %swap3A_366 : vector<16xi32> to vector<16xi32>
        %swap3A_368 = vector.shape_cast %get3A_364 : vector<16xi32> to vector<16xi32>
        tpu.vector_store %arg22[%swap3A_365], %swap3A_368 {strides = array<i32>} : memref<128xi32, #tpu.memory_space<vmem>>, vector<16xi32>,
        %get3A_369 = arith.constant 112 : index
        %get3A_370 = tpu.vector_load %arg19[%get3A_369] {strides = array<i32>} : memref<128xi32, #tpu.memory_space<vmem>>, vector<16xi32>,
        %get3A_371 = vector.shape_cast %get3A_370 : vector<16xi32> to vector<16xi32>
        %swap3A_372 = arith.constant 112 : index
        %swap3A_373 = tpu.vector_load %arg22[%swap3A_372] {strides = array<i32>} : memref<128xi32, #tpu.memory_space<vmem>>, vector<16xi32>,
        %swap3A_374 = vector.shape_cast %swap3A_373 : vector<16xi32> to vector<16xi32>
        %swap3A_375 = vector.shape_cast %get3A_371 : vector<16xi32> to vector<16xi32>
        tpu.vector_store %arg22[%swap3A_372], %swap3A_375 {strides = array<i32>} : memref<128xi32, #tpu.memory_space<vmem>>, vector<16xi32>,
        %add3A_376 = arith.constant 3 : i32
        %add3A_377 = arith.addi %add3A_303, %add3A_376 : i32
        %lt3A_378 = arith.constant 159 : i32
        %lt3A_379 = arith.cmpi slt, %add3A_377, %lt3A_378 : i32
        %convert_element_type3A_380 = arith.extui %lt3A_379 : i1 to i32
        %cond3A_381 = arith.constant 0 : i32
        %cond3A_382 = arith.cmpi ne, %convert_element_type3A_380, %cond3A_381 : i32
        scf.if %cond3A_382 {
          %add3A_404 = arith.constant 3 : i32
          %add3A_405 = arith.addi %add3A_303, %add3A_404 : i32
          %add3A_406 = arith.addi %mul3A_2, %add3A_405 : i32
          %mul3A_407 = arith.constant 128 : i32
          %mul3A_408 = arith.muli %add3A_406, %mul3A_407 : i32
          %dma_start3A_409 = tpu.memref_slice %arg2[%mul3A_408] : memref<325632xi32, #tpu.memory_space<hbm>> -> memref<128xi32, #tpu.memory_space<hbm>>
          %dma_start3A_410 = tpu.memref_slice %arg2[%mul3A_408] : memref<325632xi32, #tpu.memory_space<hbm>> -> memref<128xi32, #tpu.memory_space<hbm>>
          tpu.enqueue_dma source(%dma_start3A_410 : memref<128xi32, #tpu.memory_space<hbm>>) target(%arg16 : memref<128xi32, #tpu.memory_space<vmem>>) target_semaphore(%arg48 : memref<!tpu.dma_semaphore, #tpu.memory_space<semaphore_mem>>)
          %dma_start3A_411 = tpu.memref_slice %arg3[%mul3A_408] : memref<325632xi32, #tpu.memory_space<hbm>> -> memref<128xi32, #tpu.memory_space<hbm>>
          %dma_start3A_412 = tpu.memref_slice %arg3[%mul3A_408] : memref<325632xi32, #tpu.memory_space<hbm>> -> memref<128xi32, #tpu.memory_space<hbm>>
          tpu.enqueue_dma source(%dma_start3A_412 : memref<128xi32, #tpu.memory_space<hbm>>) target(%arg19 : memref<128xi32, #tpu.memory_space<vmem>>) target_semaphore(%arg48 : memref<!tpu.dma_semaphore, #tpu.memory_space<semaphore_mem>>)
        } else {
        }
        %parallel_loop3A_383 = arith.constant 0 : i32
        %parallel_loop3A_384 = arith.constant 128 : i32
        %parallel_loop3A_385 = arith.constant 1 : i32
        scf.for %parallel_loop3A_404 = %parallel_loop3A_383 to %parallel_loop3A_384 step %parallel_loop3A_385  : i32 {
          %parallel_loop3A_405 = arith.index_cast %parallel_loop3A_404 : i32 to index
          %parallel_loop3A_406 = arith.constant 0 : index
          %parallel_loop3A_407 = tpu.vector_load %arg25[%parallel_loop3A_405, %parallel_loop3A_406] {strides = array<i32>} : memref<128x16xf32, #tpu.memory_space<vmem>>, vector<1x16xf32>,
          %parallel_loop3A_408 = vector.shape_cast %parallel_loop3A_407 : vector<1x16xf32> to vector<16xf32>
          %parallel_loop3A_409 = arith.index_cast %parallel_loop3A_404 : i32 to index
          %parallel_loop3A_410 = arith.constant 0 : index
          %parallel_loop3A_411 = tpu.vector_load %arg28[%parallel_loop3A_409, %parallel_loop3A_410] {strides = array<i32>} : memref<128x16xf32, #tpu.memory_space<vmem>>, vector<1x16xf32>,
          %parallel_loop3A_412 = vector.shape_cast %parallel_loop3A_411 : vector<1x16xf32> to vector<16xf32>
          %parallel_loop3A_413 = arith.addf %parallel_loop3A_408, %parallel_loop3A_412 : vector<16xf32>
          %parallel_loop3A_414 = arith.constant 5 : i32
          %parallel_loop3A_415 = arith.shrsi %parallel_loop3A_404, %parallel_loop3A_414 : i32
          %parallel_loop3A_416 = arith.constant 31 : i32
          %parallel_loop3A_417 = arith.andi %parallel_loop3A_404, %parallel_loop3A_416 : i32
          %parallel_loop3A_418 = arith.constant 16 : i32
          %parallel_loop3A_419 = arith.muli %parallel_loop3A_418, %parallel_loop3A_417 : i32
          %parallel_loop3A_420 = arith.index_cast %parallel_loop3A_415 : i32 to index
          %parallel_loop3A_421 = arith.index_cast %parallel_loop3A_419 : i32 to index
          %parallel_loop3A_422 = tpu.vector_load %arg31[%parallel_loop3A_420, %parallel_loop3A_421] {strides = array<i32>} : memref<4x512xf32, #tpu.memory_space<vmem>>, vector<1x16xf32>,
          %parallel_loop3A_423 = vector.shape_cast %parallel_loop3A_422 : vector<1x16xf32> to vector<16xf32>
          %parallel_loop3A_424 = arith.addf %parallel_loop3A_413, %parallel_loop3A_423 : vector<16xf32>
          %parallel_loop3A_425 = arith.constant 0.000000e+00 : f32
          %parallel_loop3A_426 = vector.broadcast %parallel_loop3A_425 : f32 to vector<16xf32>
          %parallel_loop3A_427 = arith.cmpf oge, %parallel_loop3A_424, %parallel_loop3A_426 : vector<16xf32>
          %parallel_loop3A_428 = arith.constant 2.000000e-01 : f32
          %parallel_loop3A_429 = vector.broadcast %parallel_loop3A_428 : f32 to vector<16xf32>
          %parallel_loop3A_430 = arith.mulf %parallel_loop3A_429, %parallel_loop3A_424 : vector<16xf32>
          %parallel_loop3A_431 = arith.select %parallel_loop3A_427, %parallel_loop3A_424, %parallel_loop3A_430 : vector<16xi1>, vector<16xf32>
          %parallel_loop3A_432 = math.exp %parallel_loop3A_431 : vector<16xf32>
          %parallel_loop3A_433 = arith.index_cast %parallel_loop3A_404 : i32 to index
          %parallel_loop3A_434 = arith.constant 0 : index
          %parallel_loop3A_435 = tpu.vector_load %arg37[%parallel_loop3A_433, %parallel_loop3A_434] {strides = array<i32>} : memref<128x16xf32, #tpu.memory_space<vmem>>, vector<1x16xf32>,
          %parallel_loop3A_436 = vector.shape_cast %parallel_loop3A_435 : vector<1x16xf32> to vector<16xf32>
          %parallel_loop3A_437 = vector.shape_cast %parallel_loop3A_432 : vector<16xf32> to vector<1x16xf32>
          tpu.vector_store %arg37[%parallel_loop3A_433, %parallel_loop3A_434], %parallel_loop3A_437 {strides = array<i32>} : memref<128x16xf32, #tpu.memory_space<vmem>>, vector<1x16xf32>,
          %parallel_loop3A_438 = arith.index_cast %parallel_loop3A_404 : i32 to index
          %parallel_loop3A_439 = arith.constant 0 : index
          %parallel_loop3A_440 = tpu.vector_load %arg34[%parallel_loop3A_438, %parallel_loop3A_439] {strides = array<i32>} : memref<128x64xf32, #tpu.memory_space<vmem>>, vector<1x16xf32>,
          %parallel_loop3A_441 = vector.shape_cast %parallel_loop3A_440 : vector<1x16xf32> to vector<16xf32>
          %parallel_loop3A_442 = vector.extract_strided_slice %parallel_loop3A_432 {offsets = [0], sizes = [1], strides = [1]} : vector<16xf32> to vector<1xf32>
          %parallel_loop3A_443 = vector.extract %parallel_loop3A_442[0] : f32 from vector<1xf32>
          %parallel_loop3A_444 = vector.broadcast %parallel_loop3A_443 : f32 to vector<16xf32>
          %parallel_loop3A_445 = arith.mulf %parallel_loop3A_441, %parallel_loop3A_444 : vector<16xf32>
          %parallel_loop3A_446 = arith.index_cast %parallel_loop3A_404 : i32 to index
          %parallel_loop3A_447 = arith.constant 0 : index
          %parallel_loop3A_448 = tpu.vector_load %arg34[%parallel_loop3A_446, %parallel_loop3A_447] {strides = array<i32>} : memref<128x64xf32, #tpu.memory_space<vmem>>, vector<1x16xf32>,
          %parallel_loop3A_449 = vector.shape_cast %parallel_loop3A_448 : vector<1x16xf32> to vector<16xf32>
          %parallel_loop3A_450 = vector.shape_cast %parallel_loop3A_445 : vector<16xf32> to vector<1x16xf32>
          tpu.vector_store %arg34[%parallel_loop3A_446, %parallel_loop3A_447], %parallel_loop3A_450 {strides = array<i32>} : memref<128x64xf32, #tpu.memory_space<vmem>>, vector<1x16xf32>,
          %parallel_loop3A_451 = arith.index_cast %parallel_loop3A_404 : i32 to index
          %parallel_loop3A_452 = arith.constant 16 : index
          %parallel_loop3A_453 = tpu.vector_load %arg34[%parallel_loop3A_451, %parallel_loop3A_452] {strides = array<i32>} : memref<128x64xf32, #tpu.memory_space<vmem>>, vector<1x16xf32>,
          %parallel_loop3A_454 = vector.shape_cast %parallel_loop3A_453 : vector<1x16xf32> to vector<16xf32>
          %parallel_loop3A_455 = vector.extract_strided_slice %parallel_loop3A_432 {offsets = [1], sizes = [1], strides = [1]} : vector<16xf32> to vector<1xf32>
          %parallel_loop3A_456 = vector.extract %parallel_loop3A_455[0] : f32 from vector<1xf32>
          %parallel_loop3A_457 = vector.broadcast %parallel_loop3A_456 : f32 to vector<16xf32>
          %parallel_loop3A_458 = arith.mulf %parallel_loop3A_454, %parallel_loop3A_457 : vector<16xf32>
          %parallel_loop3A_459 = arith.index_cast %parallel_loop3A_404 : i32 to index
          %parallel_loop3A_460 = arith.constant 16 : index
          %parallel_loop3A_461 = tpu.vector_load %arg34[%parallel_loop3A_459, %parallel_loop3A_460] {strides = array<i32>} : memref<128x64xf32, #tpu.memory_space<vmem>>, vector<1x16xf32>,
          %parallel_loop3A_462 = vector.shape_cast %parallel_loop3A_461 : vector<1x16xf32> to vector<16xf32>
          %parallel_loop3A_463 = vector.shape_cast %parallel_loop3A_458 : vector<16xf32> to vector<1x16xf32>
          tpu.vector_store %arg34[%parallel_loop3A_459, %parallel_loop3A_460], %parallel_loop3A_463 {strides = array<i32>} : memref<128x64xf32, #tpu.memory_space<vmem>>, vector<1x16xf32>,
          %parallel_loop3A_464 = arith.index_cast %parallel_loop3A_404 : i32 to index
          %parallel_loop3A_465 = arith.constant 32 : index
          %parallel_loop3A_466 = tpu.vector_load %arg34[%parallel_loop3A_464, %parallel_loop3A_465] {strides = array<i32>} : memref<128x64xf32, #tpu.memory_space<vmem>>, vector<1x16xf32>,
          %parallel_loop3A_467 = vector.shape_cast %parallel_loop3A_466 : vector<1x16xf32> to vector<16xf32>
          %parallel_loop3A_468 = vector.extract_strided_slice %parallel_loop3A_432 {offsets = [2], sizes = [1], strides = [1]} : vector<16xf32> to vector<1xf32>
          %parallel_loop3A_469 = vector.extract %parallel_loop3A_468[0] : f32 from vector<1xf32>
          %parallel_loop3A_470 = vector.broadcast %parallel_loop3A_469 : f32 to vector<16xf32>
          %parallel_loop3A_471 = arith.mulf %parallel_loop3A_467, %parallel_loop3A_470 : vector<16xf32>
          %parallel_loop3A_472 = arith.index_cast %parallel_loop3A_404 : i32 to index
          %parallel_loop3A_473 = arith.constant 32 : index
          %parallel_loop3A_474 = tpu.vector_load %arg34[%parallel_loop3A_472, %parallel_loop3A_473] {strides = array<i32>} : memref<128x64xf32, #tpu.memory_space<vmem>>, vector<1x16xf32>,
          %parallel_loop3A_475 = vector.shape_cast %parallel_loop3A_474 : vector<1x16xf32> to vector<16xf32>
          %parallel_loop3A_476 = vector.shape_cast %parallel_loop3A_471 : vector<16xf32> to vector<1x16xf32>
          tpu.vector_store %arg34[%parallel_loop3A_472, %parallel_loop3A_473], %parallel_loop3A_476 {strides = array<i32>} : memref<128x64xf32, #tpu.memory_space<vmem>>, vector<1x16xf32>,
          %parallel_loop3A_477 = arith.index_cast %parallel_loop3A_404 : i32 to index
          %parallel_loop3A_478 = arith.constant 48 : index
          %parallel_loop3A_479 = tpu.vector_load %arg34[%parallel_loop3A_477, %parallel_loop3A_478] {strides = array<i32>} : memref<128x64xf32, #tpu.memory_space<vmem>>, vector<1x16xf32>,
          %parallel_loop3A_480 = vector.shape_cast %parallel_loop3A_479 : vector<1x16xf32> to vector<16xf32>
          %parallel_loop3A_481 = vector.extract_strided_slice %parallel_loop3A_432 {offsets = [3], sizes = [1], strides = [1]} : vector<16xf32> to vector<1xf32>
          %parallel_loop3A_482 = vector.extract %parallel_loop3A_481[0] : f32 from vector<1xf32>
          %parallel_loop3A_483 = vector.broadcast %parallel_loop3A_482 : f32 to vector<16xf32>
          %parallel_loop3A_484 = arith.mulf %parallel_loop3A_480, %parallel_loop3A_483 : vector<16xf32>
          %parallel_loop3A_485 = arith.index_cast %parallel_loop3A_404 : i32 to index
          %parallel_loop3A_486 = arith.constant 48 : index
          %parallel_loop3A_487 = tpu.vector_load %arg34[%parallel_loop3A_485, %parallel_loop3A_486] {strides = array<i32>} : memref<128x64xf32, #tpu.memory_space<vmem>>, vector<1x16xf32>,
          %parallel_loop3A_488 = vector.shape_cast %parallel_loop3A_487 : vector<1x16xf32> to vector<16xf32>
          %parallel_loop3A_489 = vector.shape_cast %parallel_loop3A_484 : vector<16xf32> to vector<1x16xf32>
          tpu.vector_store %arg34[%parallel_loop3A_485, %parallel_loop3A_486], %parallel_loop3A_489 {strides = array<i32>} : memref<128x64xf32, #tpu.memory_space<vmem>>, vector<1x16xf32>,
        } {sc.loop_unroll_factor = 4 : i64, sc.parallel_access}
        %gt3A_386 = arith.constant 0 : i32
        %gt3A_387 = arith.cmpi sgt, %add3A_303, %gt3A_386 : i32
        %convert_element_type3A_388 = arith.extui %gt3A_387 : i1 to i32
        %cond3A_389 = arith.constant 0 : i32
        %cond3A_390 = arith.cmpi ne, %convert_element_type3A_388, %cond3A_389 : i32
        scf.if %cond3A_390 {
          %sub3A = arith.constant 1 : i32
          %sub3A_404 = arith.subi %add3A_303, %sub3A : i32
          %dma_wait3A_405 = arith.constant 0 : i32
          %dma_wait3A_406 = arith.constant 0 : i32
          %dma_wait3A_407 = tpu.memref_slice %arg38[%dma_wait3A_405, %dma_wait3A_406] : memref<10240x64xf32, #tpu.memory_space<vmem_shared>> -> memref<10240x64xf32, #tpu.memory_space<vmem_shared>>
          tpu.wait_indirect_dma semaphore(%arg44 : memref<!tpu.dma_semaphore, #tpu.memory_space<semaphore_mem>>) src(%arg33 : memref<128x64xf32, #tpu.memory_space<vmem>>) dst(%dma_wait3A_407 : memref<10240x64xf32, #tpu.memory_space<vmem_shared>>)
          %dma_wait3A_408 = arith.constant 0 : i32
          %dma_wait3A_409 = arith.constant 0 : i32
          %dma_wait3A_410 = tpu.memref_slice %arg39[%dma_wait3A_408, %dma_wait3A_409] : memref<10240x16xf32, #tpu.memory_space<vmem_shared>> -> memref<10240x16xf32, #tpu.memory_space<vmem_shared>>
          tpu.wait_indirect_dma semaphore(%arg44 : memref<!tpu.dma_semaphore, #tpu.memory_space<semaphore_mem>>) src(%arg36 : memref<128x16xf32, #tpu.memory_space<vmem>>) dst(%dma_wait3A_410 : memref<10240x16xf32, #tpu.memory_space<vmem_shared>>)
        } else {
        }
        %add3A_391 = arith.constant 2 : i32
        %add3A_392 = arith.addi %add3A_303, %add3A_391 : i32
        %lt3A_393 = arith.constant 159 : i32
        %lt3A_394 = arith.cmpi slt, %add3A_392, %lt3A_393 : i32
        %convert_element_type3A_395 = arith.extui %lt3A_394 : i1 to i32
        %cond3A_396 = arith.constant 0 : i32
        %cond3A_397 = arith.cmpi ne, %convert_element_type3A_395, %cond3A_396 : i32
        scf.if %cond3A_397 {
          %add3A_404 = arith.constant 2 : i32
          %add3A_405 = arith.addi %add3A_303, %add3A_404 : i32
          %add3A_406 = arith.addi %mul3A_2, %add3A_405 : i32
          %mul3A_407 = arith.constant 128 : i32
          %mul3A_408 = arith.muli %add3A_406, %mul3A_407 : i32
          %dma_wait3A_409 = tpu.memref_slice %arg2[%mul3A_408] : memref<325632xi32, #tpu.memory_space<hbm>> -> memref<128xi32, #tpu.memory_space<hbm>>
          %dma_wait3A_410 = tpu.memref_slice %arg2[%mul3A_408] : memref<325632xi32, #tpu.memory_space<hbm>> -> memref<128xi32, #tpu.memory_space<hbm>>
          tpu.wait_dma2 semaphore(%arg47 : memref<!tpu.dma_semaphore, #tpu.memory_space<semaphore_mem>>) src(%dma_wait3A_410 : memref<128xi32, #tpu.memory_space<hbm>>) dst(%arg15 : memref<128xi32, #tpu.memory_space<vmem>>)
          %dma_wait3A_411 = tpu.memref_slice %arg3[%mul3A_408] : memref<325632xi32, #tpu.memory_space<hbm>> -> memref<128xi32, #tpu.memory_space<hbm>>
          %dma_wait3A_412 = tpu.memref_slice %arg3[%mul3A_408] : memref<325632xi32, #tpu.memory_space<hbm>> -> memref<128xi32, #tpu.memory_space<hbm>>
          tpu.wait_dma2 semaphore(%arg47 : memref<!tpu.dma_semaphore, #tpu.memory_space<semaphore_mem>>) src(%dma_wait3A_412 : memref<128xi32, #tpu.memory_space<hbm>>) dst(%arg18 : memref<128xi32, #tpu.memory_space<vmem>>)
          %add3A_413 = arith.constant 2 : i32
          %add3A_414 = arith.addi %add3A_303, %add3A_413 : i32
          %add3A_415 = arith.addi %mul3A_2, %add3A_414 : i32
          %mul3A_416 = arith.constant 4 : i32
          %mul3A_417 = arith.muli %mul3A_416, %add3A_415 : i32
          %dma_start3A_418 = arith.constant 0 : i32
          %dma_start3A_419 = tpu.memref_slice %arg8[%mul3A_417, %dma_start3A_418] : memref<10176x512xf32, #tpu.memory_space<hbm>> -> memref<4x512xf32, #tpu.memory_space<hbm>>
          %dma_start3A_420 = arith.constant 0 : i32
          %dma_start3A_421 = tpu.memref_slice %arg8[%mul3A_417, %dma_start3A_420] : memref<10176x512xf32, #tpu.memory_space<hbm>> -> memref<4x512xf32, #tpu.memory_space<hbm>>
          tpu.enqueue_dma source(%dma_start3A_421 : memref<4x512xf32, #tpu.memory_space<hbm>>) target(%arg30 : memref<4x512xf32, #tpu.memory_space<vmem>>) target_semaphore(%arg41 : memref<!tpu.dma_semaphore, #tpu.memory_space<semaphore_mem>>)
          %dma_start3A_422 = arith.constant 0 : i32
          %dma_start3A_423 = arith.constant 0 : i32
          %dma_start3A_424 = tpu.memref_slice %arg6[%dma_start3A_422, %dma_start3A_423] : memref<10240x16xf32, #tpu.memory_space<hbm>> -> memref<10240x16xf32, #tpu.memory_space<hbm>>
          tpu.enqueue_indirect_dma source(%dma_start3A_424 : memref<10240x16xf32, #tpu.memory_space<hbm>>) target(%arg24 : memref<128x16xf32, #tpu.memory_space<vmem>>) offsets(%arg15 : memref<128xi32, #tpu.memory_space<vmem>>) semaphore(%arg41 : memref<!tpu.dma_semaphore, #tpu.memory_space<semaphore_mem>>)
          %dma_start3A_425 = arith.constant 0 : i32
          %dma_start3A_426 = arith.constant 0 : i32
          %dma_start3A_427 = tpu.memref_slice %arg7[%dma_start3A_425, %dma_start3A_426] : memref<10240x16xf32, #tpu.memory_space<hbm>> -> memref<10240x16xf32, #tpu.memory_space<hbm>>
          tpu.enqueue_indirect_dma source(%dma_start3A_427 : memref<10240x16xf32, #tpu.memory_space<hbm>>) target(%arg27 : memref<128x16xf32, #tpu.memory_space<vmem>>) offsets(%arg18 : memref<128xi32, #tpu.memory_space<vmem>>) semaphore(%arg41 : memref<!tpu.dma_semaphore, #tpu.memory_space<semaphore_mem>>)
          %dma_start3A_428 = arith.constant 0 : i32
          %dma_start3A_429 = arith.constant 0 : i32
          %dma_start3A_430 = tpu.memref_slice %arg4[%dma_start3A_428, %dma_start3A_429] : memref<10240x64xf32, #tpu.memory_space<hbm>> -> memref<10240x64xf32, #tpu.memory_space<hbm>>
          tpu.enqueue_indirect_dma source(%dma_start3A_430 : memref<10240x64xf32, #tpu.memory_space<hbm>>) target(%arg33 : memref<128x64xf32, #tpu.memory_space<vmem>>) offsets(%arg15 : memref<128xi32, #tpu.memory_space<vmem>>) semaphore(%arg41 : memref<!tpu.dma_semaphore, #tpu.memory_space<semaphore_mem>>)
        } else {
        }
        %dma_start3A_398 = arith.constant 0 : i32
        %dma_start3A_399 = arith.constant 0 : i32
        %dma_start3A_400 = tpu.memref_slice %arg38[%dma_start3A_398, %dma_start3A_399] : memref<10240x64xf32, #tpu.memory_space<vmem_shared>> -> memref<10240x64xf32, #tpu.memory_space<vmem_shared>>
        tpu.enqueue_indirect_dma source(%arg34 : memref<128x64xf32, #tpu.memory_space<vmem>>) target(%dma_start3A_400 : memref<10240x64xf32, #tpu.memory_space<vmem_shared>>) offsets(%arg22 : memref<128xi32, #tpu.memory_space<vmem>>) semaphore(%arg45 : memref<!tpu.dma_semaphore, #tpu.memory_space<semaphore_mem>>) {add = true}
        %dma_start3A_401 = arith.constant 0 : i32
        %dma_start3A_402 = arith.constant 0 : i32
        %dma_start3A_403 = tpu.memref_slice %arg39[%dma_start3A_401, %dma_start3A_402] : memref<10240x16xf32, #tpu.memory_space<vmem_shared>> -> memref<10240x16xf32, #tpu.memory_space<vmem_shared>>
        tpu.enqueue_indirect_dma source(%arg37 : memref<128x16xf32, #tpu.memory_space<vmem>>) target(%dma_start3A_403 : memref<10240x16xf32, #tpu.memory_space<vmem_shared>>) offsets(%arg22 : memref<128xi32, #tpu.memory_space<vmem>>) semaphore(%arg45 : memref<!tpu.dma_semaphore, #tpu.memory_space<semaphore_mem>>) {add = true}
      }
      %scan3A_87 = arith.constant 53 : i32
      %dma_wait3A_88 = arith.constant 0 : i32
      %dma_wait3A_89 = arith.constant 0 : i32
      %dma_wait3A_90 = tpu.memref_slice %arg38[%dma_wait3A_88, %dma_wait3A_89] : memref<10240x64xf32, #tpu.memory_space<vmem_shared>> -> memref<10240x64xf32, #tpu.memory_space<vmem_shared>>
      tpu.wait_indirect_dma semaphore(%arg45 : memref<!tpu.dma_semaphore, #tpu.memory_space<semaphore_mem>>) src(%arg34 : memref<128x64xf32, #tpu.memory_space<vmem>>) dst(%dma_wait3A_90 : memref<10240x64xf32, #tpu.memory_space<vmem_shared>>)
      %dma_wait3A_91 = arith.constant 0 : i32
      %dma_wait3A_92 = arith.constant 0 : i32
      %dma_wait3A_93 = tpu.memref_slice %arg39[%dma_wait3A_91, %dma_wait3A_92] : memref<10240x16xf32, #tpu.memory_space<vmem_shared>> -> memref<10240x16xf32, #tpu.memory_space<vmem_shared>>
      tpu.wait_indirect_dma semaphore(%arg45 : memref<!tpu.dma_semaphore, #tpu.memory_space<semaphore_mem>>) src(%arg37 : memref<128x16xf32, #tpu.memory_space<vmem>>) dst(%dma_wait3A_93 : memref<10240x16xf32, #tpu.memory_space<vmem_shared>>)
      %barrier3A_94 = arith.constant 0 : index
      tpu.barrier barrier_id(%barrier3A_94)
      "tpu.region"() ({
        %run_scoped3A = tpu.sem_alloc : memref<!tpu.dma_semaphore, #tpu.memory_space<semaphore_mem>>
        %dma_start3A_95 = arith.constant 0 : i32
        %dma_start3A_96 = tpu.memref_slice %arg11[%mul3A_0, %dma_start3A_95] : memref<10240x64xf32, #tpu.memory_space<hbm>> -> memref<640x64xf32, #tpu.memory_space<hbm>>
        %dma_start3A_97 = arith.constant 0 : i32
        %dma_start3A_98 = tpu.memref_slice %arg38[%mul3A_0, %dma_start3A_97] : memref<10240x64xf32, #tpu.memory_space<vmem_shared>> -> memref<640x64xf32, #tpu.memory_space<vmem_shared>>
        tpu.enqueue_dma source(%dma_start3A_98 : memref<640x64xf32, #tpu.memory_space<vmem_shared>>) target(%dma_start3A_96 : memref<640x64xf32, #tpu.memory_space<hbm>>) target_semaphore(%run_scoped3A : memref<!tpu.dma_semaphore, #tpu.memory_space<semaphore_mem>>)
        %dma_wait3A_99 = arith.constant 0 : i32
        %dma_wait3A_100 = tpu.memref_slice %arg11[%mul3A_0, %dma_wait3A_99] : memref<10240x64xf32, #tpu.memory_space<hbm>> -> memref<640x64xf32, #tpu.memory_space<hbm>>
        %dma_wait3A_101 = arith.constant 0 : i32
        %dma_wait3A_102 = tpu.memref_slice %arg38[%mul3A_0, %dma_wait3A_101] : memref<10240x64xf32, #tpu.memory_space<vmem_shared>> -> memref<640x64xf32, #tpu.memory_space<vmem_shared>>
        tpu.wait_dma2 semaphore(%run_scoped3A : memref<!tpu.dma_semaphore, #tpu.memory_space<semaphore_mem>>) src(%dma_wait3A_102 : memref<640x64xf32, #tpu.memory_space<vmem_shared>>) dst(%dma_wait3A_100 : memref<640x64xf32, #tpu.memory_space<hbm>>)
        tpu.yield
      }) : () -> ()
      "tpu.region"() ({
        %run_scoped3A = tpu.sem_alloc : memref<!tpu.dma_semaphore, #tpu.memory_space<semaphore_mem>>
        %dma_start3A_95 = arith.constant 0 : i32
        %dma_start3A_96 = tpu.memref_slice %arg13[%mul3A_0, %dma_start3A_95] : memref<10240x16xf32, #tpu.memory_space<hbm>> -> memref<640x16xf32, #tpu.memory_space<hbm>>
        %dma_start3A_97 = arith.constant 0 : i32
        %dma_start3A_98 = tpu.memref_slice %arg39[%mul3A_0, %dma_start3A_97] : memref<10240x16xf32, #tpu.memory_space<vmem_shared>> -> memref<640x16xf32, #tpu.memory_space<vmem_shared>>
        tpu.enqueue_dma source(%dma_start3A_98 : memref<640x16xf32, #tpu.memory_space<vmem_shared>>) target(%dma_start3A_96 : memref<640x16xf32, #tpu.memory_space<hbm>>) target_semaphore(%run_scoped3A : memref<!tpu.dma_semaphore, #tpu.memory_space<semaphore_mem>>)
        %dma_wait3A_99 = arith.constant 0 : i32
        %dma_wait3A_100 = tpu.memref_slice %arg13[%mul3A_0, %dma_wait3A_99] : memref<10240x16xf32, #tpu.memory_space<hbm>> -> memref<640x16xf32, #tpu.memory_space<hbm>>
        %dma_wait3A_101 = arith.constant 0 : i32
        %dma_wait3A_102 = tpu.memref_slice %arg39[%mul3A_0, %dma_wait3A_101] : memref<10240x16xf32, #tpu.memory_space<vmem_shared>> -> memref<640x16xf32, #tpu.memory_space<vmem_shared>>
        tpu.wait_dma2 semaphore(%run_scoped3A : memref<!tpu.dma_semaphore, #tpu.memory_space<semaphore_mem>>) src(%dma_wait3A_102 : memref<640x16xf32, #tpu.memory_space<vmem_shared>>) dst(%dma_wait3A_100 : memref<640x16xf32, #tpu.memory_space<hbm>>)
        tpu.yield
      }) : () -> ()
    } else {
    }
    %eq3A_7 = arith.constant 1 : i32
    %eq3A_8 = arith.cmpi eq, %arg0, %eq3A_7 : i32
    %convert_element_type3A_9 = arith.extui %eq3A_8 : i1 to i32
    %cond3A_10 = arith.constant 0 : i32
    %cond3A_11 = arith.cmpi ne, %convert_element_type3A_9, %cond3A_10 : i32
    scf.if %cond3A_11 {
      %add3A = arith.constant 0 : i32
      %add3A_12 = arith.addi %mul3A_2, %add3A : i32
      %mul3A_13 = arith.constant 128 : i32
      %mul3A_14 = arith.muli %add3A_12, %mul3A_13 : i32
      %dma_start3A = tpu.memref_slice %arg2[%mul3A_14] : memref<325632xi32, #tpu.memory_space<hbm>> -> memref<128xi32, #tpu.memory_space<hbm>>
      %dma_start3A_15 = tpu.memref_slice %arg2[%mul3A_14] : memref<325632xi32, #tpu.memory_space<hbm>> -> memref<128xi32, #tpu.memory_space<hbm>>
      tpu.enqueue_dma source(%dma_start3A_15 : memref<128xi32, #tpu.memory_space<hbm>>) target(%arg14 : memref<128xi32, #tpu.memory_space<vmem>>) target_semaphore(%arg46 : memref<!tpu.dma_semaphore, #tpu.memory_space<semaphore_mem>>)
      %dma_start3A_16 = tpu.memref_slice %arg3[%mul3A_14] : memref<325632xi32, #tpu.memory_space<hbm>> -> memref<128xi32, #tpu.memory_space<hbm>>
      %dma_start3A_17 = tpu.memref_slice %arg3[%mul3A_14] : memref<325632xi32, #tpu.memory_space<hbm>> -> memref<128xi32, #tpu.memory_space<hbm>>
      tpu.enqueue_dma source(%dma_start3A_17 : memref<128xi32, #tpu.memory_space<hbm>>) target(%arg17 : memref<128xi32, #tpu.memory_space<vmem>>) target_semaphore(%arg46 : memref<!tpu.dma_semaphore, #tpu.memory_space<semaphore_mem>>)
      %add3A_18 = arith.constant 1 : i32
      %add3A_19 = arith.addi %mul3A_2, %add3A_18 : i32
      %mul3A_20 = arith.constant 128 : i32
      %mul3A_21 = arith.muli %add3A_19, %mul3A_20 : i32
      %dma_start3A_22 = tpu.memref_slice %arg2[%mul3A_21] : memref<325632xi32, #tpu.memory_space<hbm>> -> memref<128xi32, #tpu.memory_space<hbm>>
      %dma_start3A_23 = tpu.memref_slice %arg2[%mul3A_21] : memref<325632xi32, #tpu.memory_space<hbm>> -> memref<128xi32, #tpu.memory_space<hbm>>
      tpu.enqueue_dma source(%dma_start3A_23 : memref<128xi32, #tpu.memory_space<hbm>>) target(%arg15 : memref<128xi32, #tpu.memory_space<vmem>>) target_semaphore(%arg47 : memref<!tpu.dma_semaphore, #tpu.memory_space<semaphore_mem>>)
      %dma_start3A_24 = tpu.memref_slice %arg3[%mul3A_21] : memref<325632xi32, #tpu.memory_space<hbm>> -> memref<128xi32, #tpu.memory_space<hbm>>
      %dma_start3A_25 = tpu.memref_slice %arg3[%mul3A_21] : memref<325632xi32, #tpu.memory_space<hbm>> -> memref<128xi32, #tpu.memory_space<hbm>>
      tpu.enqueue_dma source(%dma_start3A_25 : memref<128xi32, #tpu.memory_space<hbm>>) target(%arg18 : memref<128xi32, #tpu.memory_space<vmem>>) target_semaphore(%arg47 : memref<!tpu.dma_semaphore, #tpu.memory_space<semaphore_mem>>)
      %add3A_26 = arith.constant 2 : i32
      %add3A_27 = arith.addi %mul3A_2, %add3A_26 : i32
      %mul3A_28 = arith.constant 128 : i32
      %mul3A_29 = arith.muli %add3A_27, %mul3A_28 : i32
      %dma_start3A_30 = tpu.memref_slice %arg2[%mul3A_29] : memref<325632xi32, #tpu.memory_space<hbm>> -> memref<128xi32, #tpu.memory_space<hbm>>
      %dma_start3A_31 = tpu.memref_slice %arg2[%mul3A_29] : memref<325632xi32, #tpu.memory_space<hbm>> -> memref<128xi32, #tpu.memory_space<hbm>>
      tpu.enqueue_dma source(%dma_start3A_31 : memref<128xi32, #tpu.memory_space<hbm>>) target(%arg16 : memref<128xi32, #tpu.memory_space<vmem>>) target_semaphore(%arg48 : memref<!tpu.dma_semaphore, #tpu.memory_space<semaphore_mem>>)
      %dma_start3A_32 = tpu.memref_slice %arg3[%mul3A_29] : memref<325632xi32, #tpu.memory_space<hbm>> -> memref<128xi32, #tpu.memory_space<hbm>>
      %dma_start3A_33 = tpu.memref_slice %arg3[%mul3A_29] : memref<325632xi32, #tpu.memory_space<hbm>> -> memref<128xi32, #tpu.memory_space<hbm>>
      tpu.enqueue_dma source(%dma_start3A_33 : memref<128xi32, #tpu.memory_space<hbm>>) target(%arg19 : memref<128xi32, #tpu.memory_space<vmem>>) target_semaphore(%arg48 : memref<!tpu.dma_semaphore, #tpu.memory_space<semaphore_mem>>)
      %add3A_34 = arith.constant 0 : i32
      %add3A_35 = arith.addi %mul3A_2, %add3A_34 : i32
      %mul3A_36 = arith.constant 128 : i32
      %mul3A_37 = arith.muli %add3A_35, %mul3A_36 : i32
      %dma_wait3A = tpu.memref_slice %arg2[%mul3A_37] : memref<325632xi32, #tpu.memory_space<hbm>> -> memref<128xi32, #tpu.memory_space<hbm>>
      %dma_wait3A_38 = tpu.memref_slice %arg2[%mul3A_37] : memref<325632xi32, #tpu.memory_space<hbm>> -> memref<128xi32, #tpu.memory_space<hbm>>
      tpu.wait_dma2 semaphore(%arg46 : memref<!tpu.dma_semaphore, #tpu.memory_space<semaphore_mem>>) src(%dma_wait3A_38 : memref<128xi32, #tpu.memory_space<hbm>>) dst(%arg14 : memref<128xi32, #tpu.memory_space<vmem>>)
      %dma_wait3A_39 = tpu.memref_slice %arg3[%mul3A_37] : memref<325632xi32, #tpu.memory_space<hbm>> -> memref<128xi32, #tpu.memory_space<hbm>>
      %dma_wait3A_40 = tpu.memref_slice %arg3[%mul3A_37] : memref<325632xi32, #tpu.memory_space<hbm>> -> memref<128xi32, #tpu.memory_space<hbm>>
      tpu.wait_dma2 semaphore(%arg46 : memref<!tpu.dma_semaphore, #tpu.memory_space<semaphore_mem>>) src(%dma_wait3A_40 : memref<128xi32, #tpu.memory_space<hbm>>) dst(%arg17 : memref<128xi32, #tpu.memory_space<vmem>>)
      %add3A_41 = arith.constant 1 : i32
      %add3A_42 = arith.addi %mul3A_2, %add3A_41 : i32
      %mul3A_43 = arith.constant 128 : i32
      %mul3A_44 = arith.muli %add3A_42, %mul3A_43 : i32
      %dma_wait3A_45 = tpu.memref_slice %arg2[%mul3A_44] : memref<325632xi32, #tpu.memory_space<hbm>> -> memref<128xi32, #tpu.memory_space<hbm>>
      %dma_wait3A_46 = tpu.memref_slice %arg2[%mul3A_44] : memref<325632xi32, #tpu.memory_space<hbm>> -> memref<128xi32, #tpu.memory_space<hbm>>
      tpu.wait_dma2 semaphore(%arg47 : memref<!tpu.dma_semaphore, #tpu.memory_space<semaphore_mem>>) src(%dma_wait3A_46 : memref<128xi32, #tpu.memory_space<hbm>>) dst(%arg15 : memref<128xi32, #tpu.memory_space<vmem>>)
      %dma_wait3A_47 = tpu.memref_slice %arg3[%mul3A_44] : memref<325632xi32, #tpu.memory_space<hbm>> -> memref<128xi32, #tpu.memory_space<hbm>>
      %dma_wait3A_48 = tpu.memref_slice %arg3[%mul3A_44] : memref<325632xi32, #tpu.memory_space<hbm>> -> memref<128xi32, #tpu.memory_space<hbm>>
      tpu.wait_dma2 semaphore(%arg47 : memref<!tpu.dma_semaphore, #tpu.memory_space<semaphore_mem>>) src(%dma_wait3A_48 : memref<128xi32, #tpu.memory_space<hbm>>) dst(%arg18 : memref<128xi32, #tpu.memory_space<vmem>>)
      %add3A_49 = arith.constant 0 : i32
      %add3A_50 = arith.addi %mul3A_2, %add3A_49 : i32
      %mul3A_51 = arith.constant 4 : i32
      %mul3A_52 = arith.muli %mul3A_51, %add3A_50 : i32
      %dma_start3A_53 = arith.constant 0 : i32
      %dma_start3A_54 = tpu.memref_slice %arg8[%mul3A_52, %dma_start3A_53] : memref<10176x512xf32, #tpu.memory_space<hbm>> -> memref<4x512xf32, #tpu.memory_space<hbm>>
      %dma_start3A_55 = arith.constant 0 : i32
      %dma_start3A_56 = tpu.memref_slice %arg8[%mul3A_52, %dma_start3A_55] : memref<10176x512xf32, #tpu.memory_space<hbm>> -> memref<4x512xf32, #tpu.memory_space<hbm>>
      tpu.enqueue_dma source(%dma_start3A_56 : memref<4x512xf32, #tpu.memory_space<hbm>>) target(%arg29 : memref<4x512xf32, #tpu.memory_space<vmem>>) target_semaphore(%arg40 : memref<!tpu.dma_semaphore, #tpu.memory_space<semaphore_mem>>)
      %dma_start3A_57 = arith.constant 0 : i32
      %dma_start3A_58 = arith.constant 0 : i32
      %dma_start3A_59 = tpu.memref_slice %arg6[%dma_start3A_57, %dma_start3A_58] : memref<10240x16xf32, #tpu.memory_space<hbm>> -> memref<10240x16xf32, #tpu.memory_space<hbm>>
      tpu.enqueue_indirect_dma source(%dma_start3A_59 : memref<10240x16xf32, #tpu.memory_space<hbm>>) target(%arg23 : memref<128x16xf32, #tpu.memory_space<vmem>>) offsets(%arg14 : memref<128xi32, #tpu.memory_space<vmem>>) semaphore(%arg40 : memref<!tpu.dma_semaphore, #tpu.memory_space<semaphore_mem>>)
      %dma_start3A_60 = arith.constant 0 : i32
      %dma_start3A_61 = arith.constant 0 : i32
      %dma_start3A_62 = tpu.memref_slice %arg7[%dma_start3A_60, %dma_start3A_61] : memref<10240x16xf32, #tpu.memory_space<hbm>> -> memref<10240x16xf32, #tpu.memory_space<hbm>>
      tpu.enqueue_indirect_dma source(%dma_start3A_62 : memref<10240x16xf32, #tpu.memory_space<hbm>>) target(%arg26 : memref<128x16xf32, #tpu.memory_space<vmem>>) offsets(%arg17 : memref<128xi32, #tpu.memory_space<vmem>>) semaphore(%arg40 : memref<!tpu.dma_semaphore, #tpu.memory_space<semaphore_mem>>)
      %dma_start3A_63 = arith.constant 0 : i32
      %dma_start3A_64 = arith.constant 0 : i32
      %dma_start3A_65 = tpu.memref_slice %arg5[%dma_start3A_63, %dma_start3A_64] : memref<10240x64xf32, #tpu.memory_space<hbm>> -> memref<10240x64xf32, #tpu.memory_space<hbm>>
      tpu.enqueue_indirect_dma source(%dma_start3A_65 : memref<10240x64xf32, #tpu.memory_space<hbm>>) target(%arg32 : memref<128x64xf32, #tpu.memory_space<vmem>>) offsets(%arg14 : memref<128xi32, #tpu.memory_space<vmem>>) semaphore(%arg40 : memref<!tpu.dma_semaphore, #tpu.memory_space<semaphore_mem>>)
      %add3A_66 = arith.constant 1 : i32
      %add3A_67 = arith.addi %mul3A_2, %add3A_66 : i32
      %mul3A_68 = arith.constant 4 : i32
      %mul3A_69 = arith.muli %mul3A_68, %add3A_67 : i32
      %dma_start3A_70 = arith.constant 0 : i32
      %dma_start3A_71 = tpu.memref_slice %arg8[%mul3A_69, %dma_start3A_70] : memref<10176x512xf32, #tpu.memory_space<hbm>> -> memref<4x512xf32, #tpu.memory_space<hbm>>
      %dma_start3A_72 = arith.constant 0 : i32
      %dma_start3A_73 = tpu.memref_slice %arg8[%mul3A_69, %dma_start3A_72] : memref<10176x512xf32, #tpu.memory_space<hbm>> -> memref<4x512xf32, #tpu.memory_space<hbm>>
      tpu.enqueue_dma source(%dma_start3A_73 : memref<4x512xf32, #tpu.memory_space<hbm>>) target(%arg30 : memref<4x512xf32, #tpu.memory_space<vmem>>) target_semaphore(%arg41 : memref<!tpu.dma_semaphore, #tpu.memory_space<semaphore_mem>>)
      %dma_start3A_74 = arith.constant 0 : i32
      %dma_start3A_75 = arith.constant 0 : i32
      %dma_start3A_76 = tpu.memref_slice %arg6[%dma_start3A_74, %dma_start3A_75] : memref<10240x16xf32, #tpu.memory_space<hbm>> -> memref<10240x16xf32, #tpu.memory_space<hbm>>
      tpu.enqueue_indirect_dma source(%dma_start3A_76 : memref<10240x16xf32, #tpu.memory_space<hbm>>) target(%arg24 : memref<128x16xf32, #tpu.memory_space<vmem>>) offsets(%arg15 : memref<128xi32, #tpu.memory_space<vmem>>) semaphore(%arg41 : memref<!tpu.dma_semaphore, #tpu.memory_space<semaphore_mem>>)
      %dma_start3A_77 = arith.constant 0 : i32
      %dma_start3A_78 = arith.constant 0 : i32
      %dma_start3A_79 = tpu.memref_slice %arg7[%dma_start3A_77, %dma_start3A_78] : memref<10240x16xf32, #tpu.memory_space<hbm>> -> memref<10240x16xf32, #tpu.memory_space<hbm>>
      tpu.enqueue_indirect_dma source(%dma_start3A_79 : memref<10240x16xf32, #tpu.memory_space<hbm>>) target(%arg27 : memref<128x16xf32, #tpu.memory_space<vmem>>) offsets(%arg18 : memref<128xi32, #tpu.memory_space<vmem>>) semaphore(%arg41 : memref<!tpu.dma_semaphore, #tpu.memory_space<semaphore_mem>>)
      %dma_start3A_80 = arith.constant 0 : i32
      %dma_start3A_81 = arith.constant 0 : i32
      %dma_start3A_82 = tpu.memref_slice %arg5[%dma_start3A_80, %dma_start3A_81] : memref<10240x64xf32, #tpu.memory_space<hbm>> -> memref<10240x64xf32, #tpu.memory_space<hbm>>
      tpu.enqueue_indirect_dma source(%dma_start3A_82 : memref<10240x64xf32, #tpu.memory_space<hbm>>) target(%arg33 : memref<128x64xf32, #tpu.memory_space<vmem>>) offsets(%arg15 : memref<128xi32, #tpu.memory_space<vmem>>) semaphore(%arg41 : memref<!tpu.dma_semaphore, #tpu.memory_space<semaphore_mem>>)
      %scan3A = arith.constant 0 : i32
      %scan3A_83 = arith.constant 0 : i32
      %scan3A_84 = arith.constant 53 : i32
      %scan3A_85 = arith.addi %scan3A_83, %scan3A_84 : i32
      %scan3A_86 = arith.constant 1 : i32
      scf.for %scan3A_92 = %scan3A_83 to %scan3A_85 step %scan3A_86  : i32 {
        %mul3A_93 = arith.constant 3 : i32
        %mul3A_94 = arith.muli %mul3A_93, %scan3A_92 : i32
        %add3A_95 = arith.constant 0 : i32
        %add3A_96 = arith.addi %mul3A_94, %add3A_95 : i32
        %add3A_97 = arith.addi %mul3A_2, %add3A_96 : i32
        %mul3A_98 = arith.constant 4 : i32
        %mul3A_99 = arith.muli %mul3A_98, %add3A_97 : i32
        %dma_wait3A_100 = arith.constant 0 : i32
        %dma_wait3A_101 = tpu.memref_slice %arg8[%mul3A_99, %dma_wait3A_100] : memref<10176x512xf32, #tpu.memory_space<hbm>> -> memref<4x512xf32, #tpu.memory_space<hbm>>
        %dma_wait3A_102 = arith.constant 0 : i32
        %dma_wait3A_103 = tpu.memref_slice %arg8[%mul3A_99, %dma_wait3A_102] : memref<10176x512xf32, #tpu.memory_space<hbm>> -> memref<4x512xf32, #tpu.memory_space<hbm>>
        tpu.wait_dma2 semaphore(%arg40 : memref<!tpu.dma_semaphore, #tpu.memory_space<semaphore_mem>>) src(%dma_wait3A_103 : memref<4x512xf32, #tpu.memory_space<hbm>>) dst(%arg29 : memref<4x512xf32, #tpu.memory_space<vmem>>)
        %dma_wait3A_104 = arith.constant 0 : i32
        %dma_wait3A_105 = arith.constant 0 : i32
        %dma_wait3A_106 = tpu.memref_slice %arg6[%dma_wait3A_104, %dma_wait3A_105] : memref<10240x16xf32, #tpu.memory_space<hbm>> -> memref<10240x16xf32, #tpu.memory_space<hbm>>
        tpu.wait_indirect_dma semaphore(%arg40 : memref<!tpu.dma_semaphore, #tpu.memory_space<semaphore_mem>>) src(%dma_wait3A_106 : memref<10240x16xf32, #tpu.memory_space<hbm>>) dst(%arg23 : memref<128x16xf32, #tpu.memory_space<vmem>>)
        %dma_wait3A_107 = arith.constant 0 : i32
        %dma_wait3A_108 = arith.constant 0 : i32
        %dma_wait3A_109 = tpu.memref_slice %arg7[%dma_wait3A_107, %dma_wait3A_108] : memref<10240x16xf32, #tpu.memory_space<hbm>> -> memref<10240x16xf32, #tpu.memory_space<hbm>>
        tpu.wait_indirect_dma semaphore(%arg40 : memref<!tpu.dma_semaphore, #tpu.memory_space<semaphore_mem>>) src(%dma_wait3A_109 : memref<10240x16xf32, #tpu.memory_space<hbm>>) dst(%arg26 : memref<128x16xf32, #tpu.memory_space<vmem>>)
        %dma_wait3A_110 = arith.constant 0 : i32
        %dma_wait3A_111 = arith.constant 0 : i32
        %dma_wait3A_112 = tpu.memref_slice %arg5[%dma_wait3A_110, %dma_wait3A_111] : memref<10240x64xf32, #tpu.memory_space<hbm>> -> memref<10240x64xf32, #tpu.memory_space<hbm>>
        tpu.wait_indirect_dma semaphore(%arg40 : memref<!tpu.dma_semaphore, #tpu.memory_space<semaphore_mem>>) src(%dma_wait3A_112 : memref<10240x64xf32, #tpu.memory_space<hbm>>) dst(%arg32 : memref<128x64xf32, #tpu.memory_space<vmem>>)
        %get3A = arith.constant 0 : index
        %get3A_113 = tpu.vector_load %arg17[%get3A] {strides = array<i32>} : memref<128xi32, #tpu.memory_space<vmem>>, vector<16xi32>,
        %get3A_114 = vector.shape_cast %get3A_113 : vector<16xi32> to vector<16xi32>
        %swap3A = arith.constant 0 : index
        %swap3A_115 = tpu.vector_load %arg20[%swap3A] {strides = array<i32>} : memref<128xi32, #tpu.memory_space<vmem>>, vector<16xi32>,
        %swap3A_116 = vector.shape_cast %swap3A_115 : vector<16xi32> to vector<16xi32>
        %swap3A_117 = vector.shape_cast %get3A_114 : vector<16xi32> to vector<16xi32>
        tpu.vector_store %arg20[%swap3A], %swap3A_117 {strides = array<i32>} : memref<128xi32, #tpu.memory_space<vmem>>, vector<16xi32>,
        %get3A_118 = arith.constant 16 : index
        %get3A_119 = tpu.vector_load %arg17[%get3A_118] {strides = array<i32>} : memref<128xi32, #tpu.memory_space<vmem>>, vector<16xi32>,
        %get3A_120 = vector.shape_cast %get3A_119 : vector<16xi32> to vector<16xi32>
        %swap3A_121 = arith.constant 16 : index
        %swap3A_122 = tpu.vector_load %arg20[%swap3A_121] {strides = array<i32>} : memref<128xi32, #tpu.memory_space<vmem>>, vector<16xi32>,
        %swap3A_123 = vector.shape_cast %swap3A_122 : vector<16xi32> to vector<16xi32>
        %swap3A_124 = vector.shape_cast %get3A_120 : vector<16xi32> to vector<16xi32>
        tpu.vector_store %arg20[%swap3A_121], %swap3A_124 {strides = array<i32>} : memref<128xi32, #tpu.memory_space<vmem>>, vector<16xi32>,
        %get3A_125 = arith.constant 32 : index
        %get3A_126 = tpu.vector_load %arg17[%get3A_125] {strides = array<i32>} : memref<128xi32, #tpu.memory_space<vmem>>, vector<16xi32>,
        %get3A_127 = vector.shape_cast %get3A_126 : vector<16xi32> to vector<16xi32>
        %swap3A_128 = arith.constant 32 : index
        %swap3A_129 = tpu.vector_load %arg20[%swap3A_128] {strides = array<i32>} : memref<128xi32, #tpu.memory_space<vmem>>, vector<16xi32>,
        %swap3A_130 = vector.shape_cast %swap3A_129 : vector<16xi32> to vector<16xi32>
        %swap3A_131 = vector.shape_cast %get3A_127 : vector<16xi32> to vector<16xi32>
        tpu.vector_store %arg20[%swap3A_128], %swap3A_131 {strides = array<i32>} : memref<128xi32, #tpu.memory_space<vmem>>, vector<16xi32>,
        %get3A_132 = arith.constant 48 : index
        %get3A_133 = tpu.vector_load %arg17[%get3A_132] {strides = array<i32>} : memref<128xi32, #tpu.memory_space<vmem>>, vector<16xi32>,
        %get3A_134 = vector.shape_cast %get3A_133 : vector<16xi32> to vector<16xi32>
        %swap3A_135 = arith.constant 48 : index
        %swap3A_136 = tpu.vector_load %arg20[%swap3A_135] {strides = array<i32>} : memref<128xi32, #tpu.memory_space<vmem>>, vector<16xi32>,
        %swap3A_137 = vector.shape_cast %swap3A_136 : vector<16xi32> to vector<16xi32>
        %swap3A_138 = vector.shape_cast %get3A_134 : vector<16xi32> to vector<16xi32>
        tpu.vector_store %arg20[%swap3A_135], %swap3A_138 {strides = array<i32>} : memref<128xi32, #tpu.memory_space<vmem>>, vector<16xi32>,
        %get3A_139 = arith.constant 64 : index
        %get3A_140 = tpu.vector_load %arg17[%get3A_139] {strides = array<i32>} : memref<128xi32, #tpu.memory_space<vmem>>, vector<16xi32>,
        %get3A_141 = vector.shape_cast %get3A_140 : vector<16xi32> to vector<16xi32>
        %swap3A_142 = arith.constant 64 : index
        %swap3A_143 = tpu.vector_load %arg20[%swap3A_142] {strides = array<i32>} : memref<128xi32, #tpu.memory_space<vmem>>, vector<16xi32>,
        %swap3A_144 = vector.shape_cast %swap3A_143 : vector<16xi32> to vector<16xi32>
        %swap3A_145 = vector.shape_cast %get3A_141 : vector<16xi32> to vector<16xi32>
        tpu.vector_store %arg20[%swap3A_142], %swap3A_145 {strides = array<i32>} : memref<128xi32, #tpu.memory_space<vmem>>, vector<16xi32>,
        %get3A_146 = arith.constant 80 : index
        %get3A_147 = tpu.vector_load %arg17[%get3A_146] {strides = array<i32>} : memref<128xi32, #tpu.memory_space<vmem>>, vector<16xi32>,
        %get3A_148 = vector.shape_cast %get3A_147 : vector<16xi32> to vector<16xi32>
        %swap3A_149 = arith.constant 80 : index
        %swap3A_150 = tpu.vector_load %arg20[%swap3A_149] {strides = array<i32>} : memref<128xi32, #tpu.memory_space<vmem>>, vector<16xi32>,
        %swap3A_151 = vector.shape_cast %swap3A_150 : vector<16xi32> to vector<16xi32>
        %swap3A_152 = vector.shape_cast %get3A_148 : vector<16xi32> to vector<16xi32>
        tpu.vector_store %arg20[%swap3A_149], %swap3A_152 {strides = array<i32>} : memref<128xi32, #tpu.memory_space<vmem>>, vector<16xi32>,
        %get3A_153 = arith.constant 96 : index
        %get3A_154 = tpu.vector_load %arg17[%get3A_153] {strides = array<i32>} : memref<128xi32, #tpu.memory_space<vmem>>, vector<16xi32>,
        %get3A_155 = vector.shape_cast %get3A_154 : vector<16xi32> to vector<16xi32>
        %swap3A_156 = arith.constant 96 : index
        %swap3A_157 = tpu.vector_load %arg20[%swap3A_156] {strides = array<i32>} : memref<128xi32, #tpu.memory_space<vmem>>, vector<16xi32>,
        %swap3A_158 = vector.shape_cast %swap3A_157 : vector<16xi32> to vector<16xi32>
        %swap3A_159 = vector.shape_cast %get3A_155 : vector<16xi32> to vector<16xi32>
        tpu.vector_store %arg20[%swap3A_156], %swap3A_159 {strides = array<i32>} : memref<128xi32, #tpu.memory_space<vmem>>, vector<16xi32>,
        %get3A_160 = arith.constant 112 : index
        %get3A_161 = tpu.vector_load %arg17[%get3A_160] {strides = array<i32>} : memref<128xi32, #tpu.memory_space<vmem>>, vector<16xi32>,
        %get3A_162 = vector.shape_cast %get3A_161 : vector<16xi32> to vector<16xi32>
        %swap3A_163 = arith.constant 112 : index
        %swap3A_164 = tpu.vector_load %arg20[%swap3A_163] {strides = array<i32>} : memref<128xi32, #tpu.memory_space<vmem>>, vector<16xi32>,
        %swap3A_165 = vector.shape_cast %swap3A_164 : vector<16xi32> to vector<16xi32>
        %swap3A_166 = vector.shape_cast %get3A_162 : vector<16xi32> to vector<16xi32>
        tpu.vector_store %arg20[%swap3A_163], %swap3A_166 {strides = array<i32>} : memref<128xi32, #tpu.memory_space<vmem>>, vector<16xi32>,
        %add3A_167 = arith.constant 3 : i32
        %add3A_168 = arith.addi %add3A_96, %add3A_167 : i32
        %lt3A_169 = arith.constant 159 : i32
        %lt3A_170 = arith.cmpi slt, %add3A_168, %lt3A_169 : i32
        %convert_element_type3A_171 = arith.extui %lt3A_170 : i1 to i32
        %cond3A_172 = arith.constant 0 : i32
        %cond3A_173 = arith.cmpi ne, %convert_element_type3A_171, %cond3A_172 : i32
        scf.if %cond3A_173 {
          %add3A_392 = arith.constant 3 : i32
          %add3A_393 = arith.addi %add3A_96, %add3A_392 : i32
          %add3A_394 = arith.addi %mul3A_2, %add3A_393 : i32
          %mul3A_395 = arith.constant 128 : i32
          %mul3A_396 = arith.muli %add3A_394, %mul3A_395 : i32
          %dma_start3A_397 = tpu.memref_slice %arg2[%mul3A_396] : memref<325632xi32, #tpu.memory_space<hbm>> -> memref<128xi32, #tpu.memory_space<hbm>>
          %dma_start3A_398 = tpu.memref_slice %arg2[%mul3A_396] : memref<325632xi32, #tpu.memory_space<hbm>> -> memref<128xi32, #tpu.memory_space<hbm>>
          tpu.enqueue_dma source(%dma_start3A_398 : memref<128xi32, #tpu.memory_space<hbm>>) target(%arg14 : memref<128xi32, #tpu.memory_space<vmem>>) target_semaphore(%arg46 : memref<!tpu.dma_semaphore, #tpu.memory_space<semaphore_mem>>)
          %dma_start3A_399 = tpu.memref_slice %arg3[%mul3A_396] : memref<325632xi32, #tpu.memory_space<hbm>> -> memref<128xi32, #tpu.memory_space<hbm>>
          %dma_start3A_400 = tpu.memref_slice %arg3[%mul3A_396] : memref<325632xi32, #tpu.memory_space<hbm>> -> memref<128xi32, #tpu.memory_space<hbm>>
          tpu.enqueue_dma source(%dma_start3A_400 : memref<128xi32, #tpu.memory_space<hbm>>) target(%arg17 : memref<128xi32, #tpu.memory_space<vmem>>) target_semaphore(%arg46 : memref<!tpu.dma_semaphore, #tpu.memory_space<semaphore_mem>>)
        } else {
        }
        %parallel_loop3A = arith.constant 0 : i32
        %parallel_loop3A_174 = arith.constant 128 : i32
        %parallel_loop3A_175 = arith.constant 1 : i32
        scf.for %parallel_loop3A_392 = %parallel_loop3A to %parallel_loop3A_174 step %parallel_loop3A_175  : i32 {
          %parallel_loop3A_393 = arith.index_cast %parallel_loop3A_392 : i32 to index
          %parallel_loop3A_394 = arith.constant 0 : index
          %parallel_loop3A_395 = tpu.vector_load %arg23[%parallel_loop3A_393, %parallel_loop3A_394] {strides = array<i32>} : memref<128x16xf32, #tpu.memory_space<vmem>>, vector<1x16xf32>,
          %parallel_loop3A_396 = vector.shape_cast %parallel_loop3A_395 : vector<1x16xf32> to vector<16xf32>
          %parallel_loop3A_397 = arith.index_cast %parallel_loop3A_392 : i32 to index
          %parallel_loop3A_398 = arith.constant 0 : index
          %parallel_loop3A_399 = tpu.vector_load %arg26[%parallel_loop3A_397, %parallel_loop3A_398] {strides = array<i32>} : memref<128x16xf32, #tpu.memory_space<vmem>>, vector<1x16xf32>,
          %parallel_loop3A_400 = vector.shape_cast %parallel_loop3A_399 : vector<1x16xf32> to vector<16xf32>
          %parallel_loop3A_401 = arith.addf %parallel_loop3A_396, %parallel_loop3A_400 : vector<16xf32>
          %parallel_loop3A_402 = arith.constant 5 : i32
          %parallel_loop3A_403 = arith.shrsi %parallel_loop3A_392, %parallel_loop3A_402 : i32
          %parallel_loop3A_404 = arith.constant 31 : i32
          %parallel_loop3A_405 = arith.andi %parallel_loop3A_392, %parallel_loop3A_404 : i32
          %parallel_loop3A_406 = arith.constant 16 : i32
          %parallel_loop3A_407 = arith.muli %parallel_loop3A_406, %parallel_loop3A_405 : i32
          %parallel_loop3A_408 = arith.index_cast %parallel_loop3A_403 : i32 to index
          %parallel_loop3A_409 = arith.index_cast %parallel_loop3A_407 : i32 to index
          %parallel_loop3A_410 = tpu.vector_load %arg29[%parallel_loop3A_408, %parallel_loop3A_409] {strides = array<i32>} : memref<4x512xf32, #tpu.memory_space<vmem>>, vector<1x16xf32>,
          %parallel_loop3A_411 = vector.shape_cast %parallel_loop3A_410 : vector<1x16xf32> to vector<16xf32>
          %parallel_loop3A_412 = arith.addf %parallel_loop3A_401, %parallel_loop3A_411 : vector<16xf32>
          %parallel_loop3A_413 = arith.constant 0.000000e+00 : f32
          %parallel_loop3A_414 = vector.broadcast %parallel_loop3A_413 : f32 to vector<16xf32>
          %parallel_loop3A_415 = arith.cmpf oge, %parallel_loop3A_412, %parallel_loop3A_414 : vector<16xf32>
          %parallel_loop3A_416 = arith.constant 2.000000e-01 : f32
          %parallel_loop3A_417 = vector.broadcast %parallel_loop3A_416 : f32 to vector<16xf32>
          %parallel_loop3A_418 = arith.mulf %parallel_loop3A_417, %parallel_loop3A_412 : vector<16xf32>
          %parallel_loop3A_419 = arith.select %parallel_loop3A_415, %parallel_loop3A_412, %parallel_loop3A_418 : vector<16xi1>, vector<16xf32>
          %parallel_loop3A_420 = math.exp %parallel_loop3A_419 : vector<16xf32>
          %parallel_loop3A_421 = arith.index_cast %parallel_loop3A_392 : i32 to index
          %parallel_loop3A_422 = arith.constant 0 : index
          %parallel_loop3A_423 = tpu.vector_load %arg32[%parallel_loop3A_421, %parallel_loop3A_422] {strides = array<i32>} : memref<128x64xf32, #tpu.memory_space<vmem>>, vector<1x16xf32>,
          %parallel_loop3A_424 = vector.shape_cast %parallel_loop3A_423 : vector<1x16xf32> to vector<16xf32>
          %parallel_loop3A_425 = vector.extract_strided_slice %parallel_loop3A_420 {offsets = [4], sizes = [1], strides = [1]} : vector<16xf32> to vector<1xf32>
          %parallel_loop3A_426 = vector.extract %parallel_loop3A_425[0] : f32 from vector<1xf32>
          %parallel_loop3A_427 = vector.broadcast %parallel_loop3A_426 : f32 to vector<16xf32>
          %parallel_loop3A_428 = arith.mulf %parallel_loop3A_424, %parallel_loop3A_427 : vector<16xf32>
          %parallel_loop3A_429 = arith.index_cast %parallel_loop3A_392 : i32 to index
          %parallel_loop3A_430 = arith.constant 0 : index
          %parallel_loop3A_431 = tpu.vector_load %arg32[%parallel_loop3A_429, %parallel_loop3A_430] {strides = array<i32>} : memref<128x64xf32, #tpu.memory_space<vmem>>, vector<1x16xf32>,
          %parallel_loop3A_432 = vector.shape_cast %parallel_loop3A_431 : vector<1x16xf32> to vector<16xf32>
          %parallel_loop3A_433 = vector.shape_cast %parallel_loop3A_428 : vector<16xf32> to vector<1x16xf32>
          tpu.vector_store %arg32[%parallel_loop3A_429, %parallel_loop3A_430], %parallel_loop3A_433 {strides = array<i32>} : memref<128x64xf32, #tpu.memory_space<vmem>>, vector<1x16xf32>,
          %parallel_loop3A_434 = arith.index_cast %parallel_loop3A_392 : i32 to index
          %parallel_loop3A_435 = arith.constant 16 : index
          %parallel_loop3A_436 = tpu.vector_load %arg32[%parallel_loop3A_434, %parallel_loop3A_435] {strides = array<i32>} : memref<128x64xf32, #tpu.memory_space<vmem>>, vector<1x16xf32>,
          %parallel_loop3A_437 = vector.shape_cast %parallel_loop3A_436 : vector<1x16xf32> to vector<16xf32>
          %parallel_loop3A_438 = vector.extract_strided_slice %parallel_loop3A_420 {offsets = [5], sizes = [1], strides = [1]} : vector<16xf32> to vector<1xf32>
          %parallel_loop3A_439 = vector.extract %parallel_loop3A_438[0] : f32 from vector<1xf32>
          %parallel_loop3A_440 = vector.broadcast %parallel_loop3A_439 : f32 to vector<16xf32>
          %parallel_loop3A_441 = arith.mulf %parallel_loop3A_437, %parallel_loop3A_440 : vector<16xf32>
          %parallel_loop3A_442 = arith.index_cast %parallel_loop3A_392 : i32 to index
          %parallel_loop3A_443 = arith.constant 16 : index
          %parallel_loop3A_444 = tpu.vector_load %arg32[%parallel_loop3A_442, %parallel_loop3A_443] {strides = array<i32>} : memref<128x64xf32, #tpu.memory_space<vmem>>, vector<1x16xf32>,
          %parallel_loop3A_445 = vector.shape_cast %parallel_loop3A_444 : vector<1x16xf32> to vector<16xf32>
          %parallel_loop3A_446 = vector.shape_cast %parallel_loop3A_441 : vector<16xf32> to vector<1x16xf32>
          tpu.vector_store %arg32[%parallel_loop3A_442, %parallel_loop3A_443], %parallel_loop3A_446 {strides = array<i32>} : memref<128x64xf32, #tpu.memory_space<vmem>>, vector<1x16xf32>,
          %parallel_loop3A_447 = arith.index_cast %parallel_loop3A_392 : i32 to index
          %parallel_loop3A_448 = arith.constant 32 : index
          %parallel_loop3A_449 = tpu.vector_load %arg32[%parallel_loop3A_447, %parallel_loop3A_448] {strides = array<i32>} : memref<128x64xf32, #tpu.memory_space<vmem>>, vector<1x16xf32>,
          %parallel_loop3A_450 = vector.shape_cast %parallel_loop3A_449 : vector<1x16xf32> to vector<16xf32>
          %parallel_loop3A_451 = vector.extract_strided_slice %parallel_loop3A_420 {offsets = [6], sizes = [1], strides = [1]} : vector<16xf32> to vector<1xf32>
          %parallel_loop3A_452 = vector.extract %parallel_loop3A_451[0] : f32 from vector<1xf32>
          %parallel_loop3A_453 = vector.broadcast %parallel_loop3A_452 : f32 to vector<16xf32>
          %parallel_loop3A_454 = arith.mulf %parallel_loop3A_450, %parallel_loop3A_453 : vector<16xf32>
          %parallel_loop3A_455 = arith.index_cast %parallel_loop3A_392 : i32 to index
          %parallel_loop3A_456 = arith.constant 32 : index
          %parallel_loop3A_457 = tpu.vector_load %arg32[%parallel_loop3A_455, %parallel_loop3A_456] {strides = array<i32>} : memref<128x64xf32, #tpu.memory_space<vmem>>, vector<1x16xf32>,
          %parallel_loop3A_458 = vector.shape_cast %parallel_loop3A_457 : vector<1x16xf32> to vector<16xf32>
          %parallel_loop3A_459 = vector.shape_cast %parallel_loop3A_454 : vector<16xf32> to vector<1x16xf32>
          tpu.vector_store %arg32[%parallel_loop3A_455, %parallel_loop3A_456], %parallel_loop3A_459 {strides = array<i32>} : memref<128x64xf32, #tpu.memory_space<vmem>>, vector<1x16xf32>,
          %parallel_loop3A_460 = arith.index_cast %parallel_loop3A_392 : i32 to index
          %parallel_loop3A_461 = arith.constant 48 : index
          %parallel_loop3A_462 = tpu.vector_load %arg32[%parallel_loop3A_460, %parallel_loop3A_461] {strides = array<i32>} : memref<128x64xf32, #tpu.memory_space<vmem>>, vector<1x16xf32>,
          %parallel_loop3A_463 = vector.shape_cast %parallel_loop3A_462 : vector<1x16xf32> to vector<16xf32>
          %parallel_loop3A_464 = vector.extract_strided_slice %parallel_loop3A_420 {offsets = [7], sizes = [1], strides = [1]} : vector<16xf32> to vector<1xf32>
          %parallel_loop3A_465 = vector.extract %parallel_loop3A_464[0] : f32 from vector<1xf32>
          %parallel_loop3A_466 = vector.broadcast %parallel_loop3A_465 : f32 to vector<16xf32>
          %parallel_loop3A_467 = arith.mulf %parallel_loop3A_463, %parallel_loop3A_466 : vector<16xf32>
          %parallel_loop3A_468 = arith.index_cast %parallel_loop3A_392 : i32 to index
          %parallel_loop3A_469 = arith.constant 48 : index
          %parallel_loop3A_470 = tpu.vector_load %arg32[%parallel_loop3A_468, %parallel_loop3A_469] {strides = array<i32>} : memref<128x64xf32, #tpu.memory_space<vmem>>, vector<1x16xf32>,
          %parallel_loop3A_471 = vector.shape_cast %parallel_loop3A_470 : vector<1x16xf32> to vector<16xf32>
          %parallel_loop3A_472 = vector.shape_cast %parallel_loop3A_467 : vector<16xf32> to vector<1x16xf32>
          tpu.vector_store %arg32[%parallel_loop3A_468, %parallel_loop3A_469], %parallel_loop3A_472 {strides = array<i32>} : memref<128x64xf32, #tpu.memory_space<vmem>>, vector<1x16xf32>,
        } {sc.loop_unroll_factor = 4 : i64, sc.parallel_access}
        %gt3A = arith.constant 0 : i32
        %gt3A_176 = arith.cmpi sgt, %add3A_96, %gt3A : i32
        %convert_element_type3A_177 = arith.extui %gt3A_176 : i1 to i32
        %cond3A_178 = arith.constant 0 : i32
        %cond3A_179 = arith.cmpi ne, %convert_element_type3A_177, %cond3A_178 : i32
        scf.if %cond3A_179 {
          %sub3A = arith.constant 1 : i32
          %sub3A_392 = arith.subi %add3A_96, %sub3A : i32
          %dma_wait3A_393 = arith.constant 0 : i32
          %dma_wait3A_394 = arith.constant 0 : i32
          %dma_wait3A_395 = tpu.memref_slice %arg38[%dma_wait3A_393, %dma_wait3A_394] : memref<10240x64xf32, #tpu.memory_space<vmem_shared>> -> memref<10240x64xf32, #tpu.memory_space<vmem_shared>>
          tpu.wait_indirect_dma semaphore(%arg45 : memref<!tpu.dma_semaphore, #tpu.memory_space<semaphore_mem>>) src(%arg34 : memref<128x64xf32, #tpu.memory_space<vmem>>) dst(%dma_wait3A_395 : memref<10240x64xf32, #tpu.memory_space<vmem_shared>>)
        } else {
        }
        %add3A_180 = arith.constant 2 : i32
        %add3A_181 = arith.addi %add3A_96, %add3A_180 : i32
        %lt3A_182 = arith.constant 159 : i32
        %lt3A_183 = arith.cmpi slt, %add3A_181, %lt3A_182 : i32
        %convert_element_type3A_184 = arith.extui %lt3A_183 : i1 to i32
        %cond3A_185 = arith.constant 0 : i32
        %cond3A_186 = arith.cmpi ne, %convert_element_type3A_184, %cond3A_185 : i32
        scf.if %cond3A_186 {
          %add3A_392 = arith.constant 2 : i32
          %add3A_393 = arith.addi %add3A_96, %add3A_392 : i32
          %add3A_394 = arith.addi %mul3A_2, %add3A_393 : i32
          %mul3A_395 = arith.constant 128 : i32
          %mul3A_396 = arith.muli %add3A_394, %mul3A_395 : i32
          %dma_wait3A_397 = tpu.memref_slice %arg2[%mul3A_396] : memref<325632xi32, #tpu.memory_space<hbm>> -> memref<128xi32, #tpu.memory_space<hbm>>
          %dma_wait3A_398 = tpu.memref_slice %arg2[%mul3A_396] : memref<325632xi32, #tpu.memory_space<hbm>> -> memref<128xi32, #tpu.memory_space<hbm>>
          tpu.wait_dma2 semaphore(%arg48 : memref<!tpu.dma_semaphore, #tpu.memory_space<semaphore_mem>>) src(%dma_wait3A_398 : memref<128xi32, #tpu.memory_space<hbm>>) dst(%arg16 : memref<128xi32, #tpu.memory_space<vmem>>)
          %dma_wait3A_399 = tpu.memref_slice %arg3[%mul3A_396] : memref<325632xi32, #tpu.memory_space<hbm>> -> memref<128xi32, #tpu.memory_space<hbm>>
          %dma_wait3A_400 = tpu.memref_slice %arg3[%mul3A_396] : memref<325632xi32, #tpu.memory_space<hbm>> -> memref<128xi32, #tpu.memory_space<hbm>>
          tpu.wait_dma2 semaphore(%arg48 : memref<!tpu.dma_semaphore, #tpu.memory_space<semaphore_mem>>) src(%dma_wait3A_400 : memref<128xi32, #tpu.memory_space<hbm>>) dst(%arg19 : memref<128xi32, #tpu.memory_space<vmem>>)
          %add3A_401 = arith.constant 2 : i32
          %add3A_402 = arith.addi %add3A_96, %add3A_401 : i32
          %add3A_403 = arith.addi %mul3A_2, %add3A_402 : i32
          %mul3A_404 = arith.constant 4 : i32
          %mul3A_405 = arith.muli %mul3A_404, %add3A_403 : i32
          %dma_start3A_406 = arith.constant 0 : i32
          %dma_start3A_407 = tpu.memref_slice %arg8[%mul3A_405, %dma_start3A_406] : memref<10176x512xf32, #tpu.memory_space<hbm>> -> memref<4x512xf32, #tpu.memory_space<hbm>>
          %dma_start3A_408 = arith.constant 0 : i32
          %dma_start3A_409 = tpu.memref_slice %arg8[%mul3A_405, %dma_start3A_408] : memref<10176x512xf32, #tpu.memory_space<hbm>> -> memref<4x512xf32, #tpu.memory_space<hbm>>
          tpu.enqueue_dma source(%dma_start3A_409 : memref<4x512xf32, #tpu.memory_space<hbm>>) target(%arg31 : memref<4x512xf32, #tpu.memory_space<vmem>>) target_semaphore(%arg42 : memref<!tpu.dma_semaphore, #tpu.memory_space<semaphore_mem>>)
          %dma_start3A_410 = arith.constant 0 : i32
          %dma_start3A_411 = arith.constant 0 : i32
          %dma_start3A_412 = tpu.memref_slice %arg6[%dma_start3A_410, %dma_start3A_411] : memref<10240x16xf32, #tpu.memory_space<hbm>> -> memref<10240x16xf32, #tpu.memory_space<hbm>>
          tpu.enqueue_indirect_dma source(%dma_start3A_412 : memref<10240x16xf32, #tpu.memory_space<hbm>>) target(%arg25 : memref<128x16xf32, #tpu.memory_space<vmem>>) offsets(%arg16 : memref<128xi32, #tpu.memory_space<vmem>>) semaphore(%arg42 : memref<!tpu.dma_semaphore, #tpu.memory_space<semaphore_mem>>)
          %dma_start3A_413 = arith.constant 0 : i32
          %dma_start3A_414 = arith.constant 0 : i32
          %dma_start3A_415 = tpu.memref_slice %arg7[%dma_start3A_413, %dma_start3A_414] : memref<10240x16xf32, #tpu.memory_space<hbm>> -> memref<10240x16xf32, #tpu.memory_space<hbm>>
          tpu.enqueue_indirect_dma source(%dma_start3A_415 : memref<10240x16xf32, #tpu.memory_space<hbm>>) target(%arg28 : memref<128x16xf32, #tpu.memory_space<vmem>>) offsets(%arg19 : memref<128xi32, #tpu.memory_space<vmem>>) semaphore(%arg42 : memref<!tpu.dma_semaphore, #tpu.memory_space<semaphore_mem>>)
          %dma_start3A_416 = arith.constant 0 : i32
          %dma_start3A_417 = arith.constant 0 : i32
          %dma_start3A_418 = tpu.memref_slice %arg5[%dma_start3A_416, %dma_start3A_417] : memref<10240x64xf32, #tpu.memory_space<hbm>> -> memref<10240x64xf32, #tpu.memory_space<hbm>>
          tpu.enqueue_indirect_dma source(%dma_start3A_418 : memref<10240x64xf32, #tpu.memory_space<hbm>>) target(%arg34 : memref<128x64xf32, #tpu.memory_space<vmem>>) offsets(%arg16 : memref<128xi32, #tpu.memory_space<vmem>>) semaphore(%arg42 : memref<!tpu.dma_semaphore, #tpu.memory_space<semaphore_mem>>)
        } else {
        }
        %dma_start3A_187 = arith.constant 0 : i32
        %dma_start3A_188 = arith.constant 0 : i32
        %dma_start3A_189 = tpu.memref_slice %arg38[%dma_start3A_187, %dma_start3A_188] : memref<10240x64xf32, #tpu.memory_space<vmem_shared>> -> memref<10240x64xf32, #tpu.memory_space<vmem_shared>>
        tpu.enqueue_indirect_dma source(%arg32 : memref<128x64xf32, #tpu.memory_space<vmem>>) target(%dma_start3A_189 : memref<10240x64xf32, #tpu.memory_space<vmem_shared>>) offsets(%arg20 : memref<128xi32, #tpu.memory_space<vmem>>) semaphore(%arg43 : memref<!tpu.dma_semaphore, #tpu.memory_space<semaphore_mem>>) {add = true}
        %mul3A_190 = arith.constant 3 : i32
        %mul3A_191 = arith.muli %mul3A_190, %scan3A_92 : i32
        %add3A_192 = arith.constant 1 : i32
        %add3A_193 = arith.addi %mul3A_191, %add3A_192 : i32
        %add3A_194 = arith.addi %mul3A_2, %add3A_193 : i32
        %mul3A_195 = arith.constant 4 : i32
        %mul3A_196 = arith.muli %mul3A_195, %add3A_194 : i32
        %dma_wait3A_197 = arith.constant 0 : i32
        %dma_wait3A_198 = tpu.memref_slice %arg8[%mul3A_196, %dma_wait3A_197] : memref<10176x512xf32, #tpu.memory_space<hbm>> -> memref<4x512xf32, #tpu.memory_space<hbm>>
        %dma_wait3A_199 = arith.constant 0 : i32
        %dma_wait3A_200 = tpu.memref_slice %arg8[%mul3A_196, %dma_wait3A_199] : memref<10176x512xf32, #tpu.memory_space<hbm>> -> memref<4x512xf32, #tpu.memory_space<hbm>>
        tpu.wait_dma2 semaphore(%arg41 : memref<!tpu.dma_semaphore, #tpu.memory_space<semaphore_mem>>) src(%dma_wait3A_200 : memref<4x512xf32, #tpu.memory_space<hbm>>) dst(%arg30 : memref<4x512xf32, #tpu.memory_space<vmem>>)
        %dma_wait3A_201 = arith.constant 0 : i32
        %dma_wait3A_202 = arith.constant 0 : i32
        %dma_wait3A_203 = tpu.memref_slice %arg6[%dma_wait3A_201, %dma_wait3A_202] : memref<10240x16xf32, #tpu.memory_space<hbm>> -> memref<10240x16xf32, #tpu.memory_space<hbm>>
        tpu.wait_indirect_dma semaphore(%arg41 : memref<!tpu.dma_semaphore, #tpu.memory_space<semaphore_mem>>) src(%dma_wait3A_203 : memref<10240x16xf32, #tpu.memory_space<hbm>>) dst(%arg24 : memref<128x16xf32, #tpu.memory_space<vmem>>)
        %dma_wait3A_204 = arith.constant 0 : i32
        %dma_wait3A_205 = arith.constant 0 : i32
        %dma_wait3A_206 = tpu.memref_slice %arg7[%dma_wait3A_204, %dma_wait3A_205] : memref<10240x16xf32, #tpu.memory_space<hbm>> -> memref<10240x16xf32, #tpu.memory_space<hbm>>
        tpu.wait_indirect_dma semaphore(%arg41 : memref<!tpu.dma_semaphore, #tpu.memory_space<semaphore_mem>>) src(%dma_wait3A_206 : memref<10240x16xf32, #tpu.memory_space<hbm>>) dst(%arg27 : memref<128x16xf32, #tpu.memory_space<vmem>>)
        %dma_wait3A_207 = arith.constant 0 : i32
        %dma_wait3A_208 = arith.constant 0 : i32
        %dma_wait3A_209 = tpu.memref_slice %arg5[%dma_wait3A_207, %dma_wait3A_208] : memref<10240x64xf32, #tpu.memory_space<hbm>> -> memref<10240x64xf32, #tpu.memory_space<hbm>>
        tpu.wait_indirect_dma semaphore(%arg41 : memref<!tpu.dma_semaphore, #tpu.memory_space<semaphore_mem>>) src(%dma_wait3A_209 : memref<10240x64xf32, #tpu.memory_space<hbm>>) dst(%arg33 : memref<128x64xf32, #tpu.memory_space<vmem>>)
        %get3A_210 = arith.constant 0 : index
        %get3A_211 = tpu.vector_load %arg18[%get3A_210] {strides = array<i32>} : memref<128xi32, #tpu.memory_space<vmem>>, vector<16xi32>,
        %get3A_212 = vector.shape_cast %get3A_211 : vector<16xi32> to vector<16xi32>
        %swap3A_213 = arith.constant 0 : index
        %swap3A_214 = tpu.vector_load %arg21[%swap3A_213] {strides = array<i32>} : memref<128xi32, #tpu.memory_space<vmem>>, vector<16xi32>,
        %swap3A_215 = vector.shape_cast %swap3A_214 : vector<16xi32> to vector<16xi32>
        %swap3A_216 = vector.shape_cast %get3A_212 : vector<16xi32> to vector<16xi32>
        tpu.vector_store %arg21[%swap3A_213], %swap3A_216 {strides = array<i32>} : memref<128xi32, #tpu.memory_space<vmem>>, vector<16xi32>,
        %get3A_217 = arith.constant 16 : index
        %get3A_218 = tpu.vector_load %arg18[%get3A_217] {strides = array<i32>} : memref<128xi32, #tpu.memory_space<vmem>>, vector<16xi32>,
        %get3A_219 = vector.shape_cast %get3A_218 : vector<16xi32> to vector<16xi32>
        %swap3A_220 = arith.constant 16 : index
        %swap3A_221 = tpu.vector_load %arg21[%swap3A_220] {strides = array<i32>} : memref<128xi32, #tpu.memory_space<vmem>>, vector<16xi32>,
        %swap3A_222 = vector.shape_cast %swap3A_221 : vector<16xi32> to vector<16xi32>
        %swap3A_223 = vector.shape_cast %get3A_219 : vector<16xi32> to vector<16xi32>
        tpu.vector_store %arg21[%swap3A_220], %swap3A_223 {strides = array<i32>} : memref<128xi32, #tpu.memory_space<vmem>>, vector<16xi32>,
        %get3A_224 = arith.constant 32 : index
        %get3A_225 = tpu.vector_load %arg18[%get3A_224] {strides = array<i32>} : memref<128xi32, #tpu.memory_space<vmem>>, vector<16xi32>,
        %get3A_226 = vector.shape_cast %get3A_225 : vector<16xi32> to vector<16xi32>
        %swap3A_227 = arith.constant 32 : index
        %swap3A_228 = tpu.vector_load %arg21[%swap3A_227] {strides = array<i32>} : memref<128xi32, #tpu.memory_space<vmem>>, vector<16xi32>,
        %swap3A_229 = vector.shape_cast %swap3A_228 : vector<16xi32> to vector<16xi32>
        %swap3A_230 = vector.shape_cast %get3A_226 : vector<16xi32> to vector<16xi32>
        tpu.vector_store %arg21[%swap3A_227], %swap3A_230 {strides = array<i32>} : memref<128xi32, #tpu.memory_space<vmem>>, vector<16xi32>,
        %get3A_231 = arith.constant 48 : index
        %get3A_232 = tpu.vector_load %arg18[%get3A_231] {strides = array<i32>} : memref<128xi32, #tpu.memory_space<vmem>>, vector<16xi32>,
        %get3A_233 = vector.shape_cast %get3A_232 : vector<16xi32> to vector<16xi32>
        %swap3A_234 = arith.constant 48 : index
        %swap3A_235 = tpu.vector_load %arg21[%swap3A_234] {strides = array<i32>} : memref<128xi32, #tpu.memory_space<vmem>>, vector<16xi32>,
        %swap3A_236 = vector.shape_cast %swap3A_235 : vector<16xi32> to vector<16xi32>
        %swap3A_237 = vector.shape_cast %get3A_233 : vector<16xi32> to vector<16xi32>
        tpu.vector_store %arg21[%swap3A_234], %swap3A_237 {strides = array<i32>} : memref<128xi32, #tpu.memory_space<vmem>>, vector<16xi32>,
        %get3A_238 = arith.constant 64 : index
        %get3A_239 = tpu.vector_load %arg18[%get3A_238] {strides = array<i32>} : memref<128xi32, #tpu.memory_space<vmem>>, vector<16xi32>,
        %get3A_240 = vector.shape_cast %get3A_239 : vector<16xi32> to vector<16xi32>
        %swap3A_241 = arith.constant 64 : index
        %swap3A_242 = tpu.vector_load %arg21[%swap3A_241] {strides = array<i32>} : memref<128xi32, #tpu.memory_space<vmem>>, vector<16xi32>,
        %swap3A_243 = vector.shape_cast %swap3A_242 : vector<16xi32> to vector<16xi32>
        %swap3A_244 = vector.shape_cast %get3A_240 : vector<16xi32> to vector<16xi32>
        tpu.vector_store %arg21[%swap3A_241], %swap3A_244 {strides = array<i32>} : memref<128xi32, #tpu.memory_space<vmem>>, vector<16xi32>,
        %get3A_245 = arith.constant 80 : index
        %get3A_246 = tpu.vector_load %arg18[%get3A_245] {strides = array<i32>} : memref<128xi32, #tpu.memory_space<vmem>>, vector<16xi32>,
        %get3A_247 = vector.shape_cast %get3A_246 : vector<16xi32> to vector<16xi32>
        %swap3A_248 = arith.constant 80 : index
        %swap3A_249 = tpu.vector_load %arg21[%swap3A_248] {strides = array<i32>} : memref<128xi32, #tpu.memory_space<vmem>>, vector<16xi32>,
        %swap3A_250 = vector.shape_cast %swap3A_249 : vector<16xi32> to vector<16xi32>
        %swap3A_251 = vector.shape_cast %get3A_247 : vector<16xi32> to vector<16xi32>
        tpu.vector_store %arg21[%swap3A_248], %swap3A_251 {strides = array<i32>} : memref<128xi32, #tpu.memory_space<vmem>>, vector<16xi32>,
        %get3A_252 = arith.constant 96 : index
        %get3A_253 = tpu.vector_load %arg18[%get3A_252] {strides = array<i32>} : memref<128xi32, #tpu.memory_space<vmem>>, vector<16xi32>,
        %get3A_254 = vector.shape_cast %get3A_253 : vector<16xi32> to vector<16xi32>
        %swap3A_255 = arith.constant 96 : index
        %swap3A_256 = tpu.vector_load %arg21[%swap3A_255] {strides = array<i32>} : memref<128xi32, #tpu.memory_space<vmem>>, vector<16xi32>,
        %swap3A_257 = vector.shape_cast %swap3A_256 : vector<16xi32> to vector<16xi32>
        %swap3A_258 = vector.shape_cast %get3A_254 : vector<16xi32> to vector<16xi32>
        tpu.vector_store %arg21[%swap3A_255], %swap3A_258 {strides = array<i32>} : memref<128xi32, #tpu.memory_space<vmem>>, vector<16xi32>,
        %get3A_259 = arith.constant 112 : index
        %get3A_260 = tpu.vector_load %arg18[%get3A_259] {strides = array<i32>} : memref<128xi32, #tpu.memory_space<vmem>>, vector<16xi32>,
        %get3A_261 = vector.shape_cast %get3A_260 : vector<16xi32> to vector<16xi32>
        %swap3A_262 = arith.constant 112 : index
        %swap3A_263 = tpu.vector_load %arg21[%swap3A_262] {strides = array<i32>} : memref<128xi32, #tpu.memory_space<vmem>>, vector<16xi32>,
        %swap3A_264 = vector.shape_cast %swap3A_263 : vector<16xi32> to vector<16xi32>
        %swap3A_265 = vector.shape_cast %get3A_261 : vector<16xi32> to vector<16xi32>
        tpu.vector_store %arg21[%swap3A_262], %swap3A_265 {strides = array<i32>} : memref<128xi32, #tpu.memory_space<vmem>>, vector<16xi32>,
        %add3A_266 = arith.constant 3 : i32
        %add3A_267 = arith.addi %add3A_193, %add3A_266 : i32
        %lt3A_268 = arith.constant 159 : i32
        %lt3A_269 = arith.cmpi slt, %add3A_267, %lt3A_268 : i32
        %convert_element_type3A_270 = arith.extui %lt3A_269 : i1 to i32
        %cond3A_271 = arith.constant 0 : i32
        %cond3A_272 = arith.cmpi ne, %convert_element_type3A_270, %cond3A_271 : i32
        scf.if %cond3A_272 {
          %add3A_392 = arith.constant 3 : i32
          %add3A_393 = arith.addi %add3A_193, %add3A_392 : i32
          %add3A_394 = arith.addi %mul3A_2, %add3A_393 : i32
          %mul3A_395 = arith.constant 128 : i32
          %mul3A_396 = arith.muli %add3A_394, %mul3A_395 : i32
          %dma_start3A_397 = tpu.memref_slice %arg2[%mul3A_396] : memref<325632xi32, #tpu.memory_space<hbm>> -> memref<128xi32, #tpu.memory_space<hbm>>
          %dma_start3A_398 = tpu.memref_slice %arg2[%mul3A_396] : memref<325632xi32, #tpu.memory_space<hbm>> -> memref<128xi32, #tpu.memory_space<hbm>>
          tpu.enqueue_dma source(%dma_start3A_398 : memref<128xi32, #tpu.memory_space<hbm>>) target(%arg15 : memref<128xi32, #tpu.memory_space<vmem>>) target_semaphore(%arg47 : memref<!tpu.dma_semaphore, #tpu.memory_space<semaphore_mem>>)
          %dma_start3A_399 = tpu.memref_slice %arg3[%mul3A_396] : memref<325632xi32, #tpu.memory_space<hbm>> -> memref<128xi32, #tpu.memory_space<hbm>>
          %dma_start3A_400 = tpu.memref_slice %arg3[%mul3A_396] : memref<325632xi32, #tpu.memory_space<hbm>> -> memref<128xi32, #tpu.memory_space<hbm>>
          tpu.enqueue_dma source(%dma_start3A_400 : memref<128xi32, #tpu.memory_space<hbm>>) target(%arg18 : memref<128xi32, #tpu.memory_space<vmem>>) target_semaphore(%arg47 : memref<!tpu.dma_semaphore, #tpu.memory_space<semaphore_mem>>)
        } else {
        }
        %parallel_loop3A_273 = arith.constant 0 : i32
        %parallel_loop3A_274 = arith.constant 128 : i32
        %parallel_loop3A_275 = arith.constant 1 : i32
        scf.for %parallel_loop3A_392 = %parallel_loop3A_273 to %parallel_loop3A_274 step %parallel_loop3A_275  : i32 {
          %parallel_loop3A_393 = arith.index_cast %parallel_loop3A_392 : i32 to index
          %parallel_loop3A_394 = arith.constant 0 : index
          %parallel_loop3A_395 = tpu.vector_load %arg24[%parallel_loop3A_393, %parallel_loop3A_394] {strides = array<i32>} : memref<128x16xf32, #tpu.memory_space<vmem>>, vector<1x16xf32>,
          %parallel_loop3A_396 = vector.shape_cast %parallel_loop3A_395 : vector<1x16xf32> to vector<16xf32>
          %parallel_loop3A_397 = arith.index_cast %parallel_loop3A_392 : i32 to index
          %parallel_loop3A_398 = arith.constant 0 : index
          %parallel_loop3A_399 = tpu.vector_load %arg27[%parallel_loop3A_397, %parallel_loop3A_398] {strides = array<i32>} : memref<128x16xf32, #tpu.memory_space<vmem>>, vector<1x16xf32>,
          %parallel_loop3A_400 = vector.shape_cast %parallel_loop3A_399 : vector<1x16xf32> to vector<16xf32>
          %parallel_loop3A_401 = arith.addf %parallel_loop3A_396, %parallel_loop3A_400 : vector<16xf32>
          %parallel_loop3A_402 = arith.constant 5 : i32
          %parallel_loop3A_403 = arith.shrsi %parallel_loop3A_392, %parallel_loop3A_402 : i32
          %parallel_loop3A_404 = arith.constant 31 : i32
          %parallel_loop3A_405 = arith.andi %parallel_loop3A_392, %parallel_loop3A_404 : i32
          %parallel_loop3A_406 = arith.constant 16 : i32
          %parallel_loop3A_407 = arith.muli %parallel_loop3A_406, %parallel_loop3A_405 : i32
          %parallel_loop3A_408 = arith.index_cast %parallel_loop3A_403 : i32 to index
          %parallel_loop3A_409 = arith.index_cast %parallel_loop3A_407 : i32 to index
          %parallel_loop3A_410 = tpu.vector_load %arg30[%parallel_loop3A_408, %parallel_loop3A_409] {strides = array<i32>} : memref<4x512xf32, #tpu.memory_space<vmem>>, vector<1x16xf32>,
          %parallel_loop3A_411 = vector.shape_cast %parallel_loop3A_410 : vector<1x16xf32> to vector<16xf32>
          %parallel_loop3A_412 = arith.addf %parallel_loop3A_401, %parallel_loop3A_411 : vector<16xf32>
          %parallel_loop3A_413 = arith.constant 0.000000e+00 : f32
          %parallel_loop3A_414 = vector.broadcast %parallel_loop3A_413 : f32 to vector<16xf32>
          %parallel_loop3A_415 = arith.cmpf oge, %parallel_loop3A_412, %parallel_loop3A_414 : vector<16xf32>
          %parallel_loop3A_416 = arith.constant 2.000000e-01 : f32
          %parallel_loop3A_417 = vector.broadcast %parallel_loop3A_416 : f32 to vector<16xf32>
          %parallel_loop3A_418 = arith.mulf %parallel_loop3A_417, %parallel_loop3A_412 : vector<16xf32>
          %parallel_loop3A_419 = arith.select %parallel_loop3A_415, %parallel_loop3A_412, %parallel_loop3A_418 : vector<16xi1>, vector<16xf32>
          %parallel_loop3A_420 = math.exp %parallel_loop3A_419 : vector<16xf32>
          %parallel_loop3A_421 = arith.index_cast %parallel_loop3A_392 : i32 to index
          %parallel_loop3A_422 = arith.constant 0 : index
          %parallel_loop3A_423 = tpu.vector_load %arg33[%parallel_loop3A_421, %parallel_loop3A_422] {strides = array<i32>} : memref<128x64xf32, #tpu.memory_space<vmem>>, vector<1x16xf32>,
          %parallel_loop3A_424 = vector.shape_cast %parallel_loop3A_423 : vector<1x16xf32> to vector<16xf32>
          %parallel_loop3A_425 = vector.extract_strided_slice %parallel_loop3A_420 {offsets = [4], sizes = [1], strides = [1]} : vector<16xf32> to vector<1xf32>
          %parallel_loop3A_426 = vector.extract %parallel_loop3A_425[0] : f32 from vector<1xf32>
          %parallel_loop3A_427 = vector.broadcast %parallel_loop3A_426 : f32 to vector<16xf32>
          %parallel_loop3A_428 = arith.mulf %parallel_loop3A_424, %parallel_loop3A_427 : vector<16xf32>
          %parallel_loop3A_429 = arith.index_cast %parallel_loop3A_392 : i32 to index
          %parallel_loop3A_430 = arith.constant 0 : index
          %parallel_loop3A_431 = tpu.vector_load %arg33[%parallel_loop3A_429, %parallel_loop3A_430] {strides = array<i32>} : memref<128x64xf32, #tpu.memory_space<vmem>>, vector<1x16xf32>,
          %parallel_loop3A_432 = vector.shape_cast %parallel_loop3A_431 : vector<1x16xf32> to vector<16xf32>
          %parallel_loop3A_433 = vector.shape_cast %parallel_loop3A_428 : vector<16xf32> to vector<1x16xf32>
          tpu.vector_store %arg33[%parallel_loop3A_429, %parallel_loop3A_430], %parallel_loop3A_433 {strides = array<i32>} : memref<128x64xf32, #tpu.memory_space<vmem>>, vector<1x16xf32>,
          %parallel_loop3A_434 = arith.index_cast %parallel_loop3A_392 : i32 to index
          %parallel_loop3A_435 = arith.constant 16 : index
          %parallel_loop3A_436 = tpu.vector_load %arg33[%parallel_loop3A_434, %parallel_loop3A_435] {strides = array<i32>} : memref<128x64xf32, #tpu.memory_space<vmem>>, vector<1x16xf32>,
          %parallel_loop3A_437 = vector.shape_cast %parallel_loop3A_436 : vector<1x16xf32> to vector<16xf32>
          %parallel_loop3A_438 = vector.extract_strided_slice %parallel_loop3A_420 {offsets = [5], sizes = [1], strides = [1]} : vector<16xf32> to vector<1xf32>
          %parallel_loop3A_439 = vector.extract %parallel_loop3A_438[0] : f32 from vector<1xf32>
          %parallel_loop3A_440 = vector.broadcast %parallel_loop3A_439 : f32 to vector<16xf32>
          %parallel_loop3A_441 = arith.mulf %parallel_loop3A_437, %parallel_loop3A_440 : vector<16xf32>
          %parallel_loop3A_442 = arith.index_cast %parallel_loop3A_392 : i32 to index
          %parallel_loop3A_443 = arith.constant 16 : index
          %parallel_loop3A_444 = tpu.vector_load %arg33[%parallel_loop3A_442, %parallel_loop3A_443] {strides = array<i32>} : memref<128x64xf32, #tpu.memory_space<vmem>>, vector<1x16xf32>,
          %parallel_loop3A_445 = vector.shape_cast %parallel_loop3A_444 : vector<1x16xf32> to vector<16xf32>
          %parallel_loop3A_446 = vector.shape_cast %parallel_loop3A_441 : vector<16xf32> to vector<1x16xf32>
          tpu.vector_store %arg33[%parallel_loop3A_442, %parallel_loop3A_443], %parallel_loop3A_446 {strides = array<i32>} : memref<128x64xf32, #tpu.memory_space<vmem>>, vector<1x16xf32>,
          %parallel_loop3A_447 = arith.index_cast %parallel_loop3A_392 : i32 to index
          %parallel_loop3A_448 = arith.constant 32 : index
          %parallel_loop3A_449 = tpu.vector_load %arg33[%parallel_loop3A_447, %parallel_loop3A_448] {strides = array<i32>} : memref<128x64xf32, #tpu.memory_space<vmem>>, vector<1x16xf32>,
          %parallel_loop3A_450 = vector.shape_cast %parallel_loop3A_449 : vector<1x16xf32> to vector<16xf32>
          %parallel_loop3A_451 = vector.extract_strided_slice %parallel_loop3A_420 {offsets = [6], sizes = [1], strides = [1]} : vector<16xf32> to vector<1xf32>
          %parallel_loop3A_452 = vector.extract %parallel_loop3A_451[0] : f32 from vector<1xf32>
          %parallel_loop3A_453 = vector.broadcast %parallel_loop3A_452 : f32 to vector<16xf32>
          %parallel_loop3A_454 = arith.mulf %parallel_loop3A_450, %parallel_loop3A_453 : vector<16xf32>
          %parallel_loop3A_455 = arith.index_cast %parallel_loop3A_392 : i32 to index
          %parallel_loop3A_456 = arith.constant 32 : index
          %parallel_loop3A_457 = tpu.vector_load %arg33[%parallel_loop3A_455, %parallel_loop3A_456] {strides = array<i32>} : memref<128x64xf32, #tpu.memory_space<vmem>>, vector<1x16xf32>,
          %parallel_loop3A_458 = vector.shape_cast %parallel_loop3A_457 : vector<1x16xf32> to vector<16xf32>
          %parallel_loop3A_459 = vector.shape_cast %parallel_loop3A_454 : vector<16xf32> to vector<1x16xf32>
          tpu.vector_store %arg33[%parallel_loop3A_455, %parallel_loop3A_456], %parallel_loop3A_459 {strides = array<i32>} : memref<128x64xf32, #tpu.memory_space<vmem>>, vector<1x16xf32>,
          %parallel_loop3A_460 = arith.index_cast %parallel_loop3A_392 : i32 to index
          %parallel_loop3A_461 = arith.constant 48 : index
          %parallel_loop3A_462 = tpu.vector_load %arg33[%parallel_loop3A_460, %parallel_loop3A_461] {strides = array<i32>} : memref<128x64xf32, #tpu.memory_space<vmem>>, vector<1x16xf32>,
          %parallel_loop3A_463 = vector.shape_cast %parallel_loop3A_462 : vector<1x16xf32> to vector<16xf32>
          %parallel_loop3A_464 = vector.extract_strided_slice %parallel_loop3A_420 {offsets = [7], sizes = [1], strides = [1]} : vector<16xf32> to vector<1xf32>
          %parallel_loop3A_465 = vector.extract %parallel_loop3A_464[0] : f32 from vector<1xf32>
          %parallel_loop3A_466 = vector.broadcast %parallel_loop3A_465 : f32 to vector<16xf32>
          %parallel_loop3A_467 = arith.mulf %parallel_loop3A_463, %parallel_loop3A_466 : vector<16xf32>
          %parallel_loop3A_468 = arith.index_cast %parallel_loop3A_392 : i32 to index
          %parallel_loop3A_469 = arith.constant 48 : index
          %parallel_loop3A_470 = tpu.vector_load %arg33[%parallel_loop3A_468, %parallel_loop3A_469] {strides = array<i32>} : memref<128x64xf32, #tpu.memory_space<vmem>>, vector<1x16xf32>,
          %parallel_loop3A_471 = vector.shape_cast %parallel_loop3A_470 : vector<1x16xf32> to vector<16xf32>
          %parallel_loop3A_472 = vector.shape_cast %parallel_loop3A_467 : vector<16xf32> to vector<1x16xf32>
          tpu.vector_store %arg33[%parallel_loop3A_468, %parallel_loop3A_469], %parallel_loop3A_472 {strides = array<i32>} : memref<128x64xf32, #tpu.memory_space<vmem>>, vector<1x16xf32>,
        } {sc.loop_unroll_factor = 4 : i64, sc.parallel_access}
        %gt3A_276 = arith.constant 0 : i32
        %gt3A_277 = arith.cmpi sgt, %add3A_193, %gt3A_276 : i32
        %convert_element_type3A_278 = arith.extui %gt3A_277 : i1 to i32
        %cond3A_279 = arith.constant 0 : i32
        %cond3A_280 = arith.cmpi ne, %convert_element_type3A_278, %cond3A_279 : i32
        scf.if %cond3A_280 {
          %sub3A = arith.constant 1 : i32
          %sub3A_392 = arith.subi %add3A_193, %sub3A : i32
          %dma_wait3A_393 = arith.constant 0 : i32
          %dma_wait3A_394 = arith.constant 0 : i32
          %dma_wait3A_395 = tpu.memref_slice %arg38[%dma_wait3A_393, %dma_wait3A_394] : memref<10240x64xf32, #tpu.memory_space<vmem_shared>> -> memref<10240x64xf32, #tpu.memory_space<vmem_shared>>
          tpu.wait_indirect_dma semaphore(%arg43 : memref<!tpu.dma_semaphore, #tpu.memory_space<semaphore_mem>>) src(%arg32 : memref<128x64xf32, #tpu.memory_space<vmem>>) dst(%dma_wait3A_395 : memref<10240x64xf32, #tpu.memory_space<vmem_shared>>)
        } else {
        }
        %add3A_281 = arith.constant 2 : i32
        %add3A_282 = arith.addi %add3A_193, %add3A_281 : i32
        %lt3A_283 = arith.constant 159 : i32
        %lt3A_284 = arith.cmpi slt, %add3A_282, %lt3A_283 : i32
        %convert_element_type3A_285 = arith.extui %lt3A_284 : i1 to i32
        %cond3A_286 = arith.constant 0 : i32
        %cond3A_287 = arith.cmpi ne, %convert_element_type3A_285, %cond3A_286 : i32
        scf.if %cond3A_287 {
          %add3A_392 = arith.constant 2 : i32
          %add3A_393 = arith.addi %add3A_193, %add3A_392 : i32
          %add3A_394 = arith.addi %mul3A_2, %add3A_393 : i32
          %mul3A_395 = arith.constant 128 : i32
          %mul3A_396 = arith.muli %add3A_394, %mul3A_395 : i32
          %dma_wait3A_397 = tpu.memref_slice %arg2[%mul3A_396] : memref<325632xi32, #tpu.memory_space<hbm>> -> memref<128xi32, #tpu.memory_space<hbm>>
          %dma_wait3A_398 = tpu.memref_slice %arg2[%mul3A_396] : memref<325632xi32, #tpu.memory_space<hbm>> -> memref<128xi32, #tpu.memory_space<hbm>>
          tpu.wait_dma2 semaphore(%arg46 : memref<!tpu.dma_semaphore, #tpu.memory_space<semaphore_mem>>) src(%dma_wait3A_398 : memref<128xi32, #tpu.memory_space<hbm>>) dst(%arg14 : memref<128xi32, #tpu.memory_space<vmem>>)
          %dma_wait3A_399 = tpu.memref_slice %arg3[%mul3A_396] : memref<325632xi32, #tpu.memory_space<hbm>> -> memref<128xi32, #tpu.memory_space<hbm>>
          %dma_wait3A_400 = tpu.memref_slice %arg3[%mul3A_396] : memref<325632xi32, #tpu.memory_space<hbm>> -> memref<128xi32, #tpu.memory_space<hbm>>
          tpu.wait_dma2 semaphore(%arg46 : memref<!tpu.dma_semaphore, #tpu.memory_space<semaphore_mem>>) src(%dma_wait3A_400 : memref<128xi32, #tpu.memory_space<hbm>>) dst(%arg17 : memref<128xi32, #tpu.memory_space<vmem>>)
          %add3A_401 = arith.constant 2 : i32
          %add3A_402 = arith.addi %add3A_193, %add3A_401 : i32
          %add3A_403 = arith.addi %mul3A_2, %add3A_402 : i32
          %mul3A_404 = arith.constant 4 : i32
          %mul3A_405 = arith.muli %mul3A_404, %add3A_403 : i32
          %dma_start3A_406 = arith.constant 0 : i32
          %dma_start3A_407 = tpu.memref_slice %arg8[%mul3A_405, %dma_start3A_406] : memref<10176x512xf32, #tpu.memory_space<hbm>> -> memref<4x512xf32, #tpu.memory_space<hbm>>
          %dma_start3A_408 = arith.constant 0 : i32
          %dma_start3A_409 = tpu.memref_slice %arg8[%mul3A_405, %dma_start3A_408] : memref<10176x512xf32, #tpu.memory_space<hbm>> -> memref<4x512xf32, #tpu.memory_space<hbm>>
          tpu.enqueue_dma source(%dma_start3A_409 : memref<4x512xf32, #tpu.memory_space<hbm>>) target(%arg29 : memref<4x512xf32, #tpu.memory_space<vmem>>) target_semaphore(%arg40 : memref<!tpu.dma_semaphore, #tpu.memory_space<semaphore_mem>>)
          %dma_start3A_410 = arith.constant 0 : i32
          %dma_start3A_411 = arith.constant 0 : i32
          %dma_start3A_412 = tpu.memref_slice %arg6[%dma_start3A_410, %dma_start3A_411] : memref<10240x16xf32, #tpu.memory_space<hbm>> -> memref<10240x16xf32, #tpu.memory_space<hbm>>
          tpu.enqueue_indirect_dma source(%dma_start3A_412 : memref<10240x16xf32, #tpu.memory_space<hbm>>) target(%arg23 : memref<128x16xf32, #tpu.memory_space<vmem>>) offsets(%arg14 : memref<128xi32, #tpu.memory_space<vmem>>) semaphore(%arg40 : memref<!tpu.dma_semaphore, #tpu.memory_space<semaphore_mem>>)
          %dma_start3A_413 = arith.constant 0 : i32
          %dma_start3A_414 = arith.constant 0 : i32
          %dma_start3A_415 = tpu.memref_slice %arg7[%dma_start3A_413, %dma_start3A_414] : memref<10240x16xf32, #tpu.memory_space<hbm>> -> memref<10240x16xf32, #tpu.memory_space<hbm>>
          tpu.enqueue_indirect_dma source(%dma_start3A_415 : memref<10240x16xf32, #tpu.memory_space<hbm>>) target(%arg26 : memref<128x16xf32, #tpu.memory_space<vmem>>) offsets(%arg17 : memref<128xi32, #tpu.memory_space<vmem>>) semaphore(%arg40 : memref<!tpu.dma_semaphore, #tpu.memory_space<semaphore_mem>>)
          %dma_start3A_416 = arith.constant 0 : i32
          %dma_start3A_417 = arith.constant 0 : i32
          %dma_start3A_418 = tpu.memref_slice %arg5[%dma_start3A_416, %dma_start3A_417] : memref<10240x64xf32, #tpu.memory_space<hbm>> -> memref<10240x64xf32, #tpu.memory_space<hbm>>
          tpu.enqueue_indirect_dma source(%dma_start3A_418 : memref<10240x64xf32, #tpu.memory_space<hbm>>) target(%arg32 : memref<128x64xf32, #tpu.memory_space<vmem>>) offsets(%arg14 : memref<128xi32, #tpu.memory_space<vmem>>) semaphore(%arg40 : memref<!tpu.dma_semaphore, #tpu.memory_space<semaphore_mem>>)
        } else {
        }
        %dma_start3A_288 = arith.constant 0 : i32
        %dma_start3A_289 = arith.constant 0 : i32
        %dma_start3A_290 = tpu.memref_slice %arg38[%dma_start3A_288, %dma_start3A_289] : memref<10240x64xf32, #tpu.memory_space<vmem_shared>> -> memref<10240x64xf32, #tpu.memory_space<vmem_shared>>
        tpu.enqueue_indirect_dma source(%arg33 : memref<128x64xf32, #tpu.memory_space<vmem>>) target(%dma_start3A_290 : memref<10240x64xf32, #tpu.memory_space<vmem_shared>>) offsets(%arg21 : memref<128xi32, #tpu.memory_space<vmem>>) semaphore(%arg44 : memref<!tpu.dma_semaphore, #tpu.memory_space<semaphore_mem>>) {add = true}
        %mul3A_291 = arith.constant 3 : i32
        %mul3A_292 = arith.muli %mul3A_291, %scan3A_92 : i32
        %add3A_293 = arith.constant 2 : i32
        %add3A_294 = arith.addi %mul3A_292, %add3A_293 : i32
        %add3A_295 = arith.addi %mul3A_2, %add3A_294 : i32
        %mul3A_296 = arith.constant 4 : i32
        %mul3A_297 = arith.muli %mul3A_296, %add3A_295 : i32
        %dma_wait3A_298 = arith.constant 0 : i32
        %dma_wait3A_299 = tpu.memref_slice %arg8[%mul3A_297, %dma_wait3A_298] : memref<10176x512xf32, #tpu.memory_space<hbm>> -> memref<4x512xf32, #tpu.memory_space<hbm>>
        %dma_wait3A_300 = arith.constant 0 : i32
        %dma_wait3A_301 = tpu.memref_slice %arg8[%mul3A_297, %dma_wait3A_300] : memref<10176x512xf32, #tpu.memory_space<hbm>> -> memref<4x512xf32, #tpu.memory_space<hbm>>
        tpu.wait_dma2 semaphore(%arg42 : memref<!tpu.dma_semaphore, #tpu.memory_space<semaphore_mem>>) src(%dma_wait3A_301 : memref<4x512xf32, #tpu.memory_space<hbm>>) dst(%arg31 : memref<4x512xf32, #tpu.memory_space<vmem>>)
        %dma_wait3A_302 = arith.constant 0 : i32
        %dma_wait3A_303 = arith.constant 0 : i32
        %dma_wait3A_304 = tpu.memref_slice %arg6[%dma_wait3A_302, %dma_wait3A_303] : memref<10240x16xf32, #tpu.memory_space<hbm>> -> memref<10240x16xf32, #tpu.memory_space<hbm>>
        tpu.wait_indirect_dma semaphore(%arg42 : memref<!tpu.dma_semaphore, #tpu.memory_space<semaphore_mem>>) src(%dma_wait3A_304 : memref<10240x16xf32, #tpu.memory_space<hbm>>) dst(%arg25 : memref<128x16xf32, #tpu.memory_space<vmem>>)
        %dma_wait3A_305 = arith.constant 0 : i32
        %dma_wait3A_306 = arith.constant 0 : i32
        %dma_wait3A_307 = tpu.memref_slice %arg7[%dma_wait3A_305, %dma_wait3A_306] : memref<10240x16xf32, #tpu.memory_space<hbm>> -> memref<10240x16xf32, #tpu.memory_space<hbm>>
        tpu.wait_indirect_dma semaphore(%arg42 : memref<!tpu.dma_semaphore, #tpu.memory_space<semaphore_mem>>) src(%dma_wait3A_307 : memref<10240x16xf32, #tpu.memory_space<hbm>>) dst(%arg28 : memref<128x16xf32, #tpu.memory_space<vmem>>)
        %dma_wait3A_308 = arith.constant 0 : i32
        %dma_wait3A_309 = arith.constant 0 : i32
        %dma_wait3A_310 = tpu.memref_slice %arg5[%dma_wait3A_308, %dma_wait3A_309] : memref<10240x64xf32, #tpu.memory_space<hbm>> -> memref<10240x64xf32, #tpu.memory_space<hbm>>
        tpu.wait_indirect_dma semaphore(%arg42 : memref<!tpu.dma_semaphore, #tpu.memory_space<semaphore_mem>>) src(%dma_wait3A_310 : memref<10240x64xf32, #tpu.memory_space<hbm>>) dst(%arg34 : memref<128x64xf32, #tpu.memory_space<vmem>>)
        %get3A_311 = arith.constant 0 : index
        %get3A_312 = tpu.vector_load %arg19[%get3A_311] {strides = array<i32>} : memref<128xi32, #tpu.memory_space<vmem>>, vector<16xi32>,
        %get3A_313 = vector.shape_cast %get3A_312 : vector<16xi32> to vector<16xi32>
        %swap3A_314 = arith.constant 0 : index
        %swap3A_315 = tpu.vector_load %arg22[%swap3A_314] {strides = array<i32>} : memref<128xi32, #tpu.memory_space<vmem>>, vector<16xi32>,
        %swap3A_316 = vector.shape_cast %swap3A_315 : vector<16xi32> to vector<16xi32>
        %swap3A_317 = vector.shape_cast %get3A_313 : vector<16xi32> to vector<16xi32>
        tpu.vector_store %arg22[%swap3A_314], %swap3A_317 {strides = array<i32>} : memref<128xi32, #tpu.memory_space<vmem>>, vector<16xi32>,
        %get3A_318 = arith.constant 16 : index
        %get3A_319 = tpu.vector_load %arg19[%get3A_318] {strides = array<i32>} : memref<128xi32, #tpu.memory_space<vmem>>, vector<16xi32>,
        %get3A_320 = vector.shape_cast %get3A_319 : vector<16xi32> to vector<16xi32>
        %swap3A_321 = arith.constant 16 : index
        %swap3A_322 = tpu.vector_load %arg22[%swap3A_321] {strides = array<i32>} : memref<128xi32, #tpu.memory_space<vmem>>, vector<16xi32>,
        %swap3A_323 = vector.shape_cast %swap3A_322 : vector<16xi32> to vector<16xi32>
        %swap3A_324 = vector.shape_cast %get3A_320 : vector<16xi32> to vector<16xi32>
        tpu.vector_store %arg22[%swap3A_321], %swap3A_324 {strides = array<i32>} : memref<128xi32, #tpu.memory_space<vmem>>, vector<16xi32>,
        %get3A_325 = arith.constant 32 : index
        %get3A_326 = tpu.vector_load %arg19[%get3A_325] {strides = array<i32>} : memref<128xi32, #tpu.memory_space<vmem>>, vector<16xi32>,
        %get3A_327 = vector.shape_cast %get3A_326 : vector<16xi32> to vector<16xi32>
        %swap3A_328 = arith.constant 32 : index
        %swap3A_329 = tpu.vector_load %arg22[%swap3A_328] {strides = array<i32>} : memref<128xi32, #tpu.memory_space<vmem>>, vector<16xi32>,
        %swap3A_330 = vector.shape_cast %swap3A_329 : vector<16xi32> to vector<16xi32>
        %swap3A_331 = vector.shape_cast %get3A_327 : vector<16xi32> to vector<16xi32>
        tpu.vector_store %arg22[%swap3A_328], %swap3A_331 {strides = array<i32>} : memref<128xi32, #tpu.memory_space<vmem>>, vector<16xi32>,
        %get3A_332 = arith.constant 48 : index
        %get3A_333 = tpu.vector_load %arg19[%get3A_332] {strides = array<i32>} : memref<128xi32, #tpu.memory_space<vmem>>, vector<16xi32>,
        %get3A_334 = vector.shape_cast %get3A_333 : vector<16xi32> to vector<16xi32>
        %swap3A_335 = arith.constant 48 : index
        %swap3A_336 = tpu.vector_load %arg22[%swap3A_335] {strides = array<i32>} : memref<128xi32, #tpu.memory_space<vmem>>, vector<16xi32>,
        %swap3A_337 = vector.shape_cast %swap3A_336 : vector<16xi32> to vector<16xi32>
        %swap3A_338 = vector.shape_cast %get3A_334 : vector<16xi32> to vector<16xi32>
        tpu.vector_store %arg22[%swap3A_335], %swap3A_338 {strides = array<i32>} : memref<128xi32, #tpu.memory_space<vmem>>, vector<16xi32>,
        %get3A_339 = arith.constant 64 : index
        %get3A_340 = tpu.vector_load %arg19[%get3A_339] {strides = array<i32>} : memref<128xi32, #tpu.memory_space<vmem>>, vector<16xi32>,
        %get3A_341 = vector.shape_cast %get3A_340 : vector<16xi32> to vector<16xi32>
        %swap3A_342 = arith.constant 64 : index
        %swap3A_343 = tpu.vector_load %arg22[%swap3A_342] {strides = array<i32>} : memref<128xi32, #tpu.memory_space<vmem>>, vector<16xi32>,
        %swap3A_344 = vector.shape_cast %swap3A_343 : vector<16xi32> to vector<16xi32>
        %swap3A_345 = vector.shape_cast %get3A_341 : vector<16xi32> to vector<16xi32>
        tpu.vector_store %arg22[%swap3A_342], %swap3A_345 {strides = array<i32>} : memref<128xi32, #tpu.memory_space<vmem>>, vector<16xi32>,
        %get3A_346 = arith.constant 80 : index
        %get3A_347 = tpu.vector_load %arg19[%get3A_346] {strides = array<i32>} : memref<128xi32, #tpu.memory_space<vmem>>, vector<16xi32>,
        %get3A_348 = vector.shape_cast %get3A_347 : vector<16xi32> to vector<16xi32>
        %swap3A_349 = arith.constant 80 : index
        %swap3A_350 = tpu.vector_load %arg22[%swap3A_349] {strides = array<i32>} : memref<128xi32, #tpu.memory_space<vmem>>, vector<16xi32>,
        %swap3A_351 = vector.shape_cast %swap3A_350 : vector<16xi32> to vector<16xi32>
        %swap3A_352 = vector.shape_cast %get3A_348 : vector<16xi32> to vector<16xi32>
        tpu.vector_store %arg22[%swap3A_349], %swap3A_352 {strides = array<i32>} : memref<128xi32, #tpu.memory_space<vmem>>, vector<16xi32>,
        %get3A_353 = arith.constant 96 : index
        %get3A_354 = tpu.vector_load %arg19[%get3A_353] {strides = array<i32>} : memref<128xi32, #tpu.memory_space<vmem>>, vector<16xi32>,
        %get3A_355 = vector.shape_cast %get3A_354 : vector<16xi32> to vector<16xi32>
        %swap3A_356 = arith.constant 96 : index
        %swap3A_357 = tpu.vector_load %arg22[%swap3A_356] {strides = array<i32>} : memref<128xi32, #tpu.memory_space<vmem>>, vector<16xi32>,
        %swap3A_358 = vector.shape_cast %swap3A_357 : vector<16xi32> to vector<16xi32>
        %swap3A_359 = vector.shape_cast %get3A_355 : vector<16xi32> to vector<16xi32>
        tpu.vector_store %arg22[%swap3A_356], %swap3A_359 {strides = array<i32>} : memref<128xi32, #tpu.memory_space<vmem>>, vector<16xi32>,
        %get3A_360 = arith.constant 112 : index
        %get3A_361 = tpu.vector_load %arg19[%get3A_360] {strides = array<i32>} : memref<128xi32, #tpu.memory_space<vmem>>, vector<16xi32>,
        %get3A_362 = vector.shape_cast %get3A_361 : vector<16xi32> to vector<16xi32>
        %swap3A_363 = arith.constant 112 : index
        %swap3A_364 = tpu.vector_load %arg22[%swap3A_363] {strides = array<i32>} : memref<128xi32, #tpu.memory_space<vmem>>, vector<16xi32>,
        %swap3A_365 = vector.shape_cast %swap3A_364 : vector<16xi32> to vector<16xi32>
        %swap3A_366 = vector.shape_cast %get3A_362 : vector<16xi32> to vector<16xi32>
        tpu.vector_store %arg22[%swap3A_363], %swap3A_366 {strides = array<i32>} : memref<128xi32, #tpu.memory_space<vmem>>, vector<16xi32>,
        %add3A_367 = arith.constant 3 : i32
        %add3A_368 = arith.addi %add3A_294, %add3A_367 : i32
        %lt3A_369 = arith.constant 159 : i32
        %lt3A_370 = arith.cmpi slt, %add3A_368, %lt3A_369 : i32
        %convert_element_type3A_371 = arith.extui %lt3A_370 : i1 to i32
        %cond3A_372 = arith.constant 0 : i32
        %cond3A_373 = arith.cmpi ne, %convert_element_type3A_371, %cond3A_372 : i32
        scf.if %cond3A_373 {
          %add3A_392 = arith.constant 3 : i32
          %add3A_393 = arith.addi %add3A_294, %add3A_392 : i32
          %add3A_394 = arith.addi %mul3A_2, %add3A_393 : i32
          %mul3A_395 = arith.constant 128 : i32
          %mul3A_396 = arith.muli %add3A_394, %mul3A_395 : i32
          %dma_start3A_397 = tpu.memref_slice %arg2[%mul3A_396] : memref<325632xi32, #tpu.memory_space<hbm>> -> memref<128xi32, #tpu.memory_space<hbm>>
          %dma_start3A_398 = tpu.memref_slice %arg2[%mul3A_396] : memref<325632xi32, #tpu.memory_space<hbm>> -> memref<128xi32, #tpu.memory_space<hbm>>
          tpu.enqueue_dma source(%dma_start3A_398 : memref<128xi32, #tpu.memory_space<hbm>>) target(%arg16 : memref<128xi32, #tpu.memory_space<vmem>>) target_semaphore(%arg48 : memref<!tpu.dma_semaphore, #tpu.memory_space<semaphore_mem>>)
          %dma_start3A_399 = tpu.memref_slice %arg3[%mul3A_396] : memref<325632xi32, #tpu.memory_space<hbm>> -> memref<128xi32, #tpu.memory_space<hbm>>
          %dma_start3A_400 = tpu.memref_slice %arg3[%mul3A_396] : memref<325632xi32, #tpu.memory_space<hbm>> -> memref<128xi32, #tpu.memory_space<hbm>>
          tpu.enqueue_dma source(%dma_start3A_400 : memref<128xi32, #tpu.memory_space<hbm>>) target(%arg19 : memref<128xi32, #tpu.memory_space<vmem>>) target_semaphore(%arg48 : memref<!tpu.dma_semaphore, #tpu.memory_space<semaphore_mem>>)
        } else {
        }
        %parallel_loop3A_374 = arith.constant 0 : i32
        %parallel_loop3A_375 = arith.constant 128 : i32
        %parallel_loop3A_376 = arith.constant 1 : i32
        scf.for %parallel_loop3A_392 = %parallel_loop3A_374 to %parallel_loop3A_375 step %parallel_loop3A_376  : i32 {
          %parallel_loop3A_393 = arith.index_cast %parallel_loop3A_392 : i32 to index
          %parallel_loop3A_394 = arith.constant 0 : index
          %parallel_loop3A_395 = tpu.vector_load %arg25[%parallel_loop3A_393, %parallel_loop3A_394] {strides = array<i32>} : memref<128x16xf32, #tpu.memory_space<vmem>>, vector<1x16xf32>,
          %parallel_loop3A_396 = vector.shape_cast %parallel_loop3A_395 : vector<1x16xf32> to vector<16xf32>
          %parallel_loop3A_397 = arith.index_cast %parallel_loop3A_392 : i32 to index
          %parallel_loop3A_398 = arith.constant 0 : index
          %parallel_loop3A_399 = tpu.vector_load %arg28[%parallel_loop3A_397, %parallel_loop3A_398] {strides = array<i32>} : memref<128x16xf32, #tpu.memory_space<vmem>>, vector<1x16xf32>,
          %parallel_loop3A_400 = vector.shape_cast %parallel_loop3A_399 : vector<1x16xf32> to vector<16xf32>
          %parallel_loop3A_401 = arith.addf %parallel_loop3A_396, %parallel_loop3A_400 : vector<16xf32>
          %parallel_loop3A_402 = arith.constant 5 : i32
          %parallel_loop3A_403 = arith.shrsi %parallel_loop3A_392, %parallel_loop3A_402 : i32
          %parallel_loop3A_404 = arith.constant 31 : i32
          %parallel_loop3A_405 = arith.andi %parallel_loop3A_392, %parallel_loop3A_404 : i32
          %parallel_loop3A_406 = arith.constant 16 : i32
          %parallel_loop3A_407 = arith.muli %parallel_loop3A_406, %parallel_loop3A_405 : i32
          %parallel_loop3A_408 = arith.index_cast %parallel_loop3A_403 : i32 to index
          %parallel_loop3A_409 = arith.index_cast %parallel_loop3A_407 : i32 to index
          %parallel_loop3A_410 = tpu.vector_load %arg31[%parallel_loop3A_408, %parallel_loop3A_409] {strides = array<i32>} : memref<4x512xf32, #tpu.memory_space<vmem>>, vector<1x16xf32>,
          %parallel_loop3A_411 = vector.shape_cast %parallel_loop3A_410 : vector<1x16xf32> to vector<16xf32>
          %parallel_loop3A_412 = arith.addf %parallel_loop3A_401, %parallel_loop3A_411 : vector<16xf32>
          %parallel_loop3A_413 = arith.constant 0.000000e+00 : f32
          %parallel_loop3A_414 = vector.broadcast %parallel_loop3A_413 : f32 to vector<16xf32>
          %parallel_loop3A_415 = arith.cmpf oge, %parallel_loop3A_412, %parallel_loop3A_414 : vector<16xf32>
          %parallel_loop3A_416 = arith.constant 2.000000e-01 : f32
          %parallel_loop3A_417 = vector.broadcast %parallel_loop3A_416 : f32 to vector<16xf32>
          %parallel_loop3A_418 = arith.mulf %parallel_loop3A_417, %parallel_loop3A_412 : vector<16xf32>
          %parallel_loop3A_419 = arith.select %parallel_loop3A_415, %parallel_loop3A_412, %parallel_loop3A_418 : vector<16xi1>, vector<16xf32>
          %parallel_loop3A_420 = math.exp %parallel_loop3A_419 : vector<16xf32>
          %parallel_loop3A_421 = arith.index_cast %parallel_loop3A_392 : i32 to index
          %parallel_loop3A_422 = arith.constant 0 : index
          %parallel_loop3A_423 = tpu.vector_load %arg34[%parallel_loop3A_421, %parallel_loop3A_422] {strides = array<i32>} : memref<128x64xf32, #tpu.memory_space<vmem>>, vector<1x16xf32>,
          %parallel_loop3A_424 = vector.shape_cast %parallel_loop3A_423 : vector<1x16xf32> to vector<16xf32>
          %parallel_loop3A_425 = vector.extract_strided_slice %parallel_loop3A_420 {offsets = [4], sizes = [1], strides = [1]} : vector<16xf32> to vector<1xf32>
          %parallel_loop3A_426 = vector.extract %parallel_loop3A_425[0] : f32 from vector<1xf32>
          %parallel_loop3A_427 = vector.broadcast %parallel_loop3A_426 : f32 to vector<16xf32>
          %parallel_loop3A_428 = arith.mulf %parallel_loop3A_424, %parallel_loop3A_427 : vector<16xf32>
          %parallel_loop3A_429 = arith.index_cast %parallel_loop3A_392 : i32 to index
          %parallel_loop3A_430 = arith.constant 0 : index
          %parallel_loop3A_431 = tpu.vector_load %arg34[%parallel_loop3A_429, %parallel_loop3A_430] {strides = array<i32>} : memref<128x64xf32, #tpu.memory_space<vmem>>, vector<1x16xf32>,
          %parallel_loop3A_432 = vector.shape_cast %parallel_loop3A_431 : vector<1x16xf32> to vector<16xf32>
          %parallel_loop3A_433 = vector.shape_cast %parallel_loop3A_428 : vector<16xf32> to vector<1x16xf32>
          tpu.vector_store %arg34[%parallel_loop3A_429, %parallel_loop3A_430], %parallel_loop3A_433 {strides = array<i32>} : memref<128x64xf32, #tpu.memory_space<vmem>>, vector<1x16xf32>,
          %parallel_loop3A_434 = arith.index_cast %parallel_loop3A_392 : i32 to index
          %parallel_loop3A_435 = arith.constant 16 : index
          %parallel_loop3A_436 = tpu.vector_load %arg34[%parallel_loop3A_434, %parallel_loop3A_435] {strides = array<i32>} : memref<128x64xf32, #tpu.memory_space<vmem>>, vector<1x16xf32>,
          %parallel_loop3A_437 = vector.shape_cast %parallel_loop3A_436 : vector<1x16xf32> to vector<16xf32>
          %parallel_loop3A_438 = vector.extract_strided_slice %parallel_loop3A_420 {offsets = [5], sizes = [1], strides = [1]} : vector<16xf32> to vector<1xf32>
          %parallel_loop3A_439 = vector.extract %parallel_loop3A_438[0] : f32 from vector<1xf32>
          %parallel_loop3A_440 = vector.broadcast %parallel_loop3A_439 : f32 to vector<16xf32>
          %parallel_loop3A_441 = arith.mulf %parallel_loop3A_437, %parallel_loop3A_440 : vector<16xf32>
          %parallel_loop3A_442 = arith.index_cast %parallel_loop3A_392 : i32 to index
          %parallel_loop3A_443 = arith.constant 16 : index
          %parallel_loop3A_444 = tpu.vector_load %arg34[%parallel_loop3A_442, %parallel_loop3A_443] {strides = array<i32>} : memref<128x64xf32, #tpu.memory_space<vmem>>, vector<1x16xf32>,
          %parallel_loop3A_445 = vector.shape_cast %parallel_loop3A_444 : vector<1x16xf32> to vector<16xf32>
          %parallel_loop3A_446 = vector.shape_cast %parallel_loop3A_441 : vector<16xf32> to vector<1x16xf32>
          tpu.vector_store %arg34[%parallel_loop3A_442, %parallel_loop3A_443], %parallel_loop3A_446 {strides = array<i32>} : memref<128x64xf32, #tpu.memory_space<vmem>>, vector<1x16xf32>,
          %parallel_loop3A_447 = arith.index_cast %parallel_loop3A_392 : i32 to index
          %parallel_loop3A_448 = arith.constant 32 : index
          %parallel_loop3A_449 = tpu.vector_load %arg34[%parallel_loop3A_447, %parallel_loop3A_448] {strides = array<i32>} : memref<128x64xf32, #tpu.memory_space<vmem>>, vector<1x16xf32>,
          %parallel_loop3A_450 = vector.shape_cast %parallel_loop3A_449 : vector<1x16xf32> to vector<16xf32>
          %parallel_loop3A_451 = vector.extract_strided_slice %parallel_loop3A_420 {offsets = [6], sizes = [1], strides = [1]} : vector<16xf32> to vector<1xf32>
          %parallel_loop3A_452 = vector.extract %parallel_loop3A_451[0] : f32 from vector<1xf32>
          %parallel_loop3A_453 = vector.broadcast %parallel_loop3A_452 : f32 to vector<16xf32>
          %parallel_loop3A_454 = arith.mulf %parallel_loop3A_450, %parallel_loop3A_453 : vector<16xf32>
          %parallel_loop3A_455 = arith.index_cast %parallel_loop3A_392 : i32 to index
          %parallel_loop3A_456 = arith.constant 32 : index
          %parallel_loop3A_457 = tpu.vector_load %arg34[%parallel_loop3A_455, %parallel_loop3A_456] {strides = array<i32>} : memref<128x64xf32, #tpu.memory_space<vmem>>, vector<1x16xf32>,
          %parallel_loop3A_458 = vector.shape_cast %parallel_loop3A_457 : vector<1x16xf32> to vector<16xf32>
          %parallel_loop3A_459 = vector.shape_cast %parallel_loop3A_454 : vector<16xf32> to vector<1x16xf32>
          tpu.vector_store %arg34[%parallel_loop3A_455, %parallel_loop3A_456], %parallel_loop3A_459 {strides = array<i32>} : memref<128x64xf32, #tpu.memory_space<vmem>>, vector<1x16xf32>,
          %parallel_loop3A_460 = arith.index_cast %parallel_loop3A_392 : i32 to index
          %parallel_loop3A_461 = arith.constant 48 : index
          %parallel_loop3A_462 = tpu.vector_load %arg34[%parallel_loop3A_460, %parallel_loop3A_461] {strides = array<i32>} : memref<128x64xf32, #tpu.memory_space<vmem>>, vector<1x16xf32>,
          %parallel_loop3A_463 = vector.shape_cast %parallel_loop3A_462 : vector<1x16xf32> to vector<16xf32>
          %parallel_loop3A_464 = vector.extract_strided_slice %parallel_loop3A_420 {offsets = [7], sizes = [1], strides = [1]} : vector<16xf32> to vector<1xf32>
          %parallel_loop3A_465 = vector.extract %parallel_loop3A_464[0] : f32 from vector<1xf32>
          %parallel_loop3A_466 = vector.broadcast %parallel_loop3A_465 : f32 to vector<16xf32>
          %parallel_loop3A_467 = arith.mulf %parallel_loop3A_463, %parallel_loop3A_466 : vector<16xf32>
          %parallel_loop3A_468 = arith.index_cast %parallel_loop3A_392 : i32 to index
          %parallel_loop3A_469 = arith.constant 48 : index
          %parallel_loop3A_470 = tpu.vector_load %arg34[%parallel_loop3A_468, %parallel_loop3A_469] {strides = array<i32>} : memref<128x64xf32, #tpu.memory_space<vmem>>, vector<1x16xf32>,
          %parallel_loop3A_471 = vector.shape_cast %parallel_loop3A_470 : vector<1x16xf32> to vector<16xf32>
          %parallel_loop3A_472 = vector.shape_cast %parallel_loop3A_467 : vector<16xf32> to vector<1x16xf32>
          tpu.vector_store %arg34[%parallel_loop3A_468, %parallel_loop3A_469], %parallel_loop3A_472 {strides = array<i32>} : memref<128x64xf32, #tpu.memory_space<vmem>>, vector<1x16xf32>,
        } {sc.loop_unroll_factor = 4 : i64, sc.parallel_access}
        %gt3A_377 = arith.constant 0 : i32
        %gt3A_378 = arith.cmpi sgt, %add3A_294, %gt3A_377 : i32
        %convert_element_type3A_379 = arith.extui %gt3A_378 : i1 to i32
        %cond3A_380 = arith.constant 0 : i32
        %cond3A_381 = arith.cmpi ne, %convert_element_type3A_379, %cond3A_380 : i32
        scf.if %cond3A_381 {
          %sub3A = arith.constant 1 : i32
          %sub3A_392 = arith.subi %add3A_294, %sub3A : i32
          %dma_wait3A_393 = arith.constant 0 : i32
          %dma_wait3A_394 = arith.constant 0 : i32
          %dma_wait3A_395 = tpu.memref_slice %arg38[%dma_wait3A_393, %dma_wait3A_394] : memref<10240x64xf32, #tpu.memory_space<vmem_shared>> -> memref<10240x64xf32, #tpu.memory_space<vmem_shared>>
          tpu.wait_indirect_dma semaphore(%arg44 : memref<!tpu.dma_semaphore, #tpu.memory_space<semaphore_mem>>) src(%arg33 : memref<128x64xf32, #tpu.memory_space<vmem>>) dst(%dma_wait3A_395 : memref<10240x64xf32, #tpu.memory_space<vmem_shared>>)
        } else {
        }
        %add3A_382 = arith.constant 2 : i32
        %add3A_383 = arith.addi %add3A_294, %add3A_382 : i32
        %lt3A_384 = arith.constant 159 : i32
        %lt3A_385 = arith.cmpi slt, %add3A_383, %lt3A_384 : i32
        %convert_element_type3A_386 = arith.extui %lt3A_385 : i1 to i32
        %cond3A_387 = arith.constant 0 : i32
        %cond3A_388 = arith.cmpi ne, %convert_element_type3A_386, %cond3A_387 : i32
        scf.if %cond3A_388 {
          %add3A_392 = arith.constant 2 : i32
          %add3A_393 = arith.addi %add3A_294, %add3A_392 : i32
          %add3A_394 = arith.addi %mul3A_2, %add3A_393 : i32
          %mul3A_395 = arith.constant 128 : i32
          %mul3A_396 = arith.muli %add3A_394, %mul3A_395 : i32
          %dma_wait3A_397 = tpu.memref_slice %arg2[%mul3A_396] : memref<325632xi32, #tpu.memory_space<hbm>> -> memref<128xi32, #tpu.memory_space<hbm>>
          %dma_wait3A_398 = tpu.memref_slice %arg2[%mul3A_396] : memref<325632xi32, #tpu.memory_space<hbm>> -> memref<128xi32, #tpu.memory_space<hbm>>
          tpu.wait_dma2 semaphore(%arg47 : memref<!tpu.dma_semaphore, #tpu.memory_space<semaphore_mem>>) src(%dma_wait3A_398 : memref<128xi32, #tpu.memory_space<hbm>>) dst(%arg15 : memref<128xi32, #tpu.memory_space<vmem>>)
          %dma_wait3A_399 = tpu.memref_slice %arg3[%mul3A_396] : memref<325632xi32, #tpu.memory_space<hbm>> -> memref<128xi32, #tpu.memory_space<hbm>>
          %dma_wait3A_400 = tpu.memref_slice %arg3[%mul3A_396] : memref<325632xi32, #tpu.memory_space<hbm>> -> memref<128xi32, #tpu.memory_space<hbm>>
          tpu.wait_dma2 semaphore(%arg47 : memref<!tpu.dma_semaphore, #tpu.memory_space<semaphore_mem>>) src(%dma_wait3A_400 : memref<128xi32, #tpu.memory_space<hbm>>) dst(%arg18 : memref<128xi32, #tpu.memory_space<vmem>>)
          %add3A_401 = arith.constant 2 : i32
          %add3A_402 = arith.addi %add3A_294, %add3A_401 : i32
          %add3A_403 = arith.addi %mul3A_2, %add3A_402 : i32
          %mul3A_404 = arith.constant 4 : i32
          %mul3A_405 = arith.muli %mul3A_404, %add3A_403 : i32
          %dma_start3A_406 = arith.constant 0 : i32
          %dma_start3A_407 = tpu.memref_slice %arg8[%mul3A_405, %dma_start3A_406] : memref<10176x512xf32, #tpu.memory_space<hbm>> -> memref<4x512xf32, #tpu.memory_space<hbm>>
          %dma_start3A_408 = arith.constant 0 : i32
          %dma_start3A_409 = tpu.memref_slice %arg8[%mul3A_405, %dma_start3A_408] : memref<10176x512xf32, #tpu.memory_space<hbm>> -> memref<4x512xf32, #tpu.memory_space<hbm>>
          tpu.enqueue_dma source(%dma_start3A_409 : memref<4x512xf32, #tpu.memory_space<hbm>>) target(%arg30 : memref<4x512xf32, #tpu.memory_space<vmem>>) target_semaphore(%arg41 : memref<!tpu.dma_semaphore, #tpu.memory_space<semaphore_mem>>)
          %dma_start3A_410 = arith.constant 0 : i32
          %dma_start3A_411 = arith.constant 0 : i32
          %dma_start3A_412 = tpu.memref_slice %arg6[%dma_start3A_410, %dma_start3A_411] : memref<10240x16xf32, #tpu.memory_space<hbm>> -> memref<10240x16xf32, #tpu.memory_space<hbm>>
          tpu.enqueue_indirect_dma source(%dma_start3A_412 : memref<10240x16xf32, #tpu.memory_space<hbm>>) target(%arg24 : memref<128x16xf32, #tpu.memory_space<vmem>>) offsets(%arg15 : memref<128xi32, #tpu.memory_space<vmem>>) semaphore(%arg41 : memref<!tpu.dma_semaphore, #tpu.memory_space<semaphore_mem>>)
          %dma_start3A_413 = arith.constant 0 : i32
          %dma_start3A_414 = arith.constant 0 : i32
          %dma_start3A_415 = tpu.memref_slice %arg7[%dma_start3A_413, %dma_start3A_414] : memref<10240x16xf32, #tpu.memory_space<hbm>> -> memref<10240x16xf32, #tpu.memory_space<hbm>>
          tpu.enqueue_indirect_dma source(%dma_start3A_415 : memref<10240x16xf32, #tpu.memory_space<hbm>>) target(%arg27 : memref<128x16xf32, #tpu.memory_space<vmem>>) offsets(%arg18 : memref<128xi32, #tpu.memory_space<vmem>>) semaphore(%arg41 : memref<!tpu.dma_semaphore, #tpu.memory_space<semaphore_mem>>)
          %dma_start3A_416 = arith.constant 0 : i32
          %dma_start3A_417 = arith.constant 0 : i32
          %dma_start3A_418 = tpu.memref_slice %arg5[%dma_start3A_416, %dma_start3A_417] : memref<10240x64xf32, #tpu.memory_space<hbm>> -> memref<10240x64xf32, #tpu.memory_space<hbm>>
          tpu.enqueue_indirect_dma source(%dma_start3A_418 : memref<10240x64xf32, #tpu.memory_space<hbm>>) target(%arg33 : memref<128x64xf32, #tpu.memory_space<vmem>>) offsets(%arg15 : memref<128xi32, #tpu.memory_space<vmem>>) semaphore(%arg41 : memref<!tpu.dma_semaphore, #tpu.memory_space<semaphore_mem>>)
        } else {
        }
        %dma_start3A_389 = arith.constant 0 : i32
        %dma_start3A_390 = arith.constant 0 : i32
        %dma_start3A_391 = tpu.memref_slice %arg38[%dma_start3A_389, %dma_start3A_390] : memref<10240x64xf32, #tpu.memory_space<vmem_shared>> -> memref<10240x64xf32, #tpu.memory_space<vmem_shared>>
        tpu.enqueue_indirect_dma source(%arg34 : memref<128x64xf32, #tpu.memory_space<vmem>>) target(%dma_start3A_391 : memref<10240x64xf32, #tpu.memory_space<vmem_shared>>) offsets(%arg22 : memref<128xi32, #tpu.memory_space<vmem>>) semaphore(%arg45 : memref<!tpu.dma_semaphore, #tpu.memory_space<semaphore_mem>>) {add = true}
      }
      %scan3A_87 = arith.constant 53 : i32
      %dma_wait3A_88 = arith.constant 0 : i32
      %dma_wait3A_89 = arith.constant 0 : i32
      %dma_wait3A_90 = tpu.memref_slice %arg38[%dma_wait3A_88, %dma_wait3A_89] : memref<10240x64xf32, #tpu.memory_space<vmem_shared>> -> memref<10240x64xf32, #tpu.memory_space<vmem_shared>>
      tpu.wait_indirect_dma semaphore(%arg45 : memref<!tpu.dma_semaphore, #tpu.memory_space<semaphore_mem>>) src(%arg34 : memref<128x64xf32, #tpu.memory_space<vmem>>) dst(%dma_wait3A_90 : memref<10240x64xf32, #tpu.memory_space<vmem_shared>>)
      %barrier3A_91 = arith.constant 0 : index
      tpu.barrier barrier_id(%barrier3A_91)
      "tpu.region"() ({
        %run_scoped3A = tpu.sem_alloc : memref<!tpu.dma_semaphore, #tpu.memory_space<semaphore_mem>>
        %dma_start3A_92 = arith.constant 0 : i32
        %dma_start3A_93 = tpu.memref_slice %arg12[%mul3A_0, %dma_start3A_92] : memref<10240x64xf32, #tpu.memory_space<hbm>> -> memref<640x64xf32, #tpu.memory_space<hbm>>
        %dma_start3A_94 = arith.constant 0 : i32
        %dma_start3A_95 = tpu.memref_slice %arg38[%mul3A_0, %dma_start3A_94] : memref<10240x64xf32, #tpu.memory_space<vmem_shared>> -> memref<640x64xf32, #tpu.memory_space<vmem_shared>>
        tpu.enqueue_dma source(%dma_start3A_95 : memref<640x64xf32, #tpu.memory_space<vmem_shared>>) target(%dma_start3A_93 : memref<640x64xf32, #tpu.memory_space<hbm>>) target_semaphore(%run_scoped3A : memref<!tpu.dma_semaphore, #tpu.memory_space<semaphore_mem>>)
        %dma_wait3A_96 = arith.constant 0 : i32
        %dma_wait3A_97 = tpu.memref_slice %arg12[%mul3A_0, %dma_wait3A_96] : memref<10240x64xf32, #tpu.memory_space<hbm>> -> memref<640x64xf32, #tpu.memory_space<hbm>>
        %dma_wait3A_98 = arith.constant 0 : i32
        %dma_wait3A_99 = tpu.memref_slice %arg38[%mul3A_0, %dma_wait3A_98] : memref<10240x64xf32, #tpu.memory_space<vmem_shared>> -> memref<640x64xf32, #tpu.memory_space<vmem_shared>>
        tpu.wait_dma2 semaphore(%run_scoped3A : memref<!tpu.dma_semaphore, #tpu.memory_space<semaphore_mem>>) src(%dma_wait3A_99 : memref<640x64xf32, #tpu.memory_space<vmem_shared>>) dst(%dma_wait3A_97 : memref<640x64xf32, #tpu.memory_space<hbm>>)
        tpu.yield
      }) : () -> ()
    } else {
    }
    return
  }
}

module attributes {stable_mosaic.version = 14 : i64} {
  func.func @_node_tables_body(%arg0: i32, %arg1: memref<1024x128xf32, #tpu.memory_space<vmem>>, %arg2: memref<128x128xf32, #tpu.memory_space<vmem>>, %arg3: memref<128x16xf32, #tpu.memory_space<vmem>>, %arg4: memref<128x16xf32, #tpu.memory_space<vmem>>, %arg5: memref<1024x64xf32, #tpu.memory_space<vmem>>, %arg6: memref<1024x64xf32, #tpu.memory_space<vmem>>, %arg7: memref<1024x16xf32, #tpu.memory_space<vmem>>, %arg8: memref<1024x16xf32, #tpu.memory_space<vmem>>) attributes {dimension_semantics = [#tpu.dimension_semantics<arbitrary>], iteration_bounds = array<i64: 10>, scalar_prefetch = 0 : i64, scratch_operands = 0 : i64, tpu.core_type = #tpu.core_type<tc>, window_params = [{transform_indices = @transform_0, window_bounds = array<i64: 1024, 128>}, {pipeline_mode = #tpu.pipeline_mode<synchronous>, transform_indices = @transform_1, window_bounds = array<i64: 128, 128>}, {pipeline_mode = #tpu.pipeline_mode<synchronous>, transform_indices = @transform_2, window_bounds = array<i64: 128, 16>}, {pipeline_mode = #tpu.pipeline_mode<synchronous>, transform_indices = @transform_3, window_bounds = array<i64: 128, 16>}, {transform_indices = @transform_4, window_bounds = array<i64: 1024, 64>}, {transform_indices = @transform_5, window_bounds = array<i64: 1024, 64>}, {transform_indices = @transform_6, window_bounds = array<i64: 1024, 16>}, {transform_indices = @transform_7, window_bounds = array<i64: 1024, 16>}]} {
    %get3A = arith.constant 0 : index
    %get3A_0 = arith.constant 0 : index
    %get3A_1 = vector.load %arg1[%get3A, %get3A_0] : memref<1024x128xf32, #tpu.memory_space<vmem>>, vector<1024x128xf32>
    %get3A_2 = arith.constant 0 : index
    %get3A_3 = arith.constant 0 : index
    %get3A_4 = vector.load %arg2[%get3A_2, %get3A_3] : memref<128x128xf32, #tpu.memory_space<vmem>>, vector<128x128xf32>
    %dot_general3A = arith.constant dense<0.000000e+00> : vector<1024x128xf32>
    %dot_general3A_5 = tpu.matmul %get3A_1, %get3A_4, %dot_general3A {dimension_numbers = #tpu.dot_dimension_numbers<[1], [0], [0], [1], [0, 0, 1, 1], [], []>, transpose_lhs_hint = false} : vector<1024x128xf32>, vector<128x128xf32>, vector<1024x128xf32> -> vector<1024x128xf32>
    %slice3A = vector.extract_strided_slice %dot_general3A_5 {offsets = [0, 0], sizes = [1024, 64], strides = [1, 1]} : vector<1024x128xf32> to vector<1024x64xf32>
    %swap3A = arith.constant 0 : index
    %swap3A_6 = arith.constant 0 : index
    %swap3A_7 = vector.load %arg5[%swap3A, %swap3A_6] : memref<1024x64xf32, #tpu.memory_space<vmem>>, vector<1024x64xf32>
    tpu.vector_store %arg5[%swap3A, %swap3A_6], %slice3A {strides = array<i32>} : memref<1024x64xf32, #tpu.memory_space<vmem>>, vector<1024x64xf32>,
    %slice3A_8 = vector.extract_strided_slice %dot_general3A_5 {offsets = [0, 64], sizes = [1024, 64], strides = [1, 1]} : vector<1024x128xf32> to vector<1024x64xf32>
    %swap3A_9 = arith.constant 0 : index
    %swap3A_10 = arith.constant 0 : index
    %swap3A_11 = vector.load %arg6[%swap3A_9, %swap3A_10] : memref<1024x64xf32, #tpu.memory_space<vmem>>, vector<1024x64xf32>
    tpu.vector_store %arg6[%swap3A_9, %swap3A_10], %slice3A_8 {strides = array<i32>} : memref<1024x64xf32, #tpu.memory_space<vmem>>, vector<1024x64xf32>,
    %get3A_12 = arith.constant 0 : index
    %get3A_13 = arith.constant 0 : index
    %get3A_14 = vector.load %arg3[%get3A_12, %get3A_13] : memref<128x16xf32, #tpu.memory_space<vmem>>, vector<128x16xf32>
    %dot_general3A_15 = arith.constant dense<0.000000e+00> : vector<1024x16xf32>
    %dot_general3A_16 = tpu.matmul %dot_general3A_5, %get3A_14, %dot_general3A_15 {dimension_numbers = #tpu.dot_dimension_numbers<[1], [0], [0], [1], [0, 0, 1, 1], [], []>, transpose_lhs_hint = false} : vector<1024x128xf32>, vector<128x16xf32>, vector<1024x16xf32> -> vector<1024x16xf32>
    %swap3A_17 = arith.constant 0 : index
    %swap3A_18 = arith.constant 0 : index
    %swap3A_19 = vector.load %arg7[%swap3A_17, %swap3A_18] : memref<1024x16xf32, #tpu.memory_space<vmem>>, vector<1024x16xf32>
    tpu.vector_store %arg7[%swap3A_17, %swap3A_18], %dot_general3A_16 {strides = array<i32>} : memref<1024x16xf32, #tpu.memory_space<vmem>>, vector<1024x16xf32>,
    %get3A_20 = arith.constant 0 : index
    %get3A_21 = arith.constant 0 : index
    %get3A_22 = vector.load %arg4[%get3A_20, %get3A_21] : memref<128x16xf32, #tpu.memory_space<vmem>>, vector<128x16xf32>
    %dot_general3A_23 = arith.constant dense<0.000000e+00> : vector<1024x16xf32>
    %dot_general3A_24 = tpu.matmul %dot_general3A_5, %get3A_22, %dot_general3A_23 {dimension_numbers = #tpu.dot_dimension_numbers<[1], [0], [0], [1], [0, 0, 1, 1], [], []>, transpose_lhs_hint = false} : vector<1024x128xf32>, vector<128x16xf32>, vector<1024x16xf32> -> vector<1024x16xf32>
    %swap3A_25 = arith.constant 0 : index
    %swap3A_26 = arith.constant 0 : index
    %swap3A_27 = vector.load %arg8[%swap3A_25, %swap3A_26] : memref<1024x16xf32, #tpu.memory_space<vmem>>, vector<1024x16xf32>
    tpu.vector_store %arg8[%swap3A_25, %swap3A_26], %dot_general3A_24 {strides = array<i32>} : memref<1024x16xf32, #tpu.memory_space<vmem>>, vector<1024x16xf32>,
    return
  }
  func.func @transform_0(%arg0: i32) -> (i32, i32) {
    %c0_i32 = arith.constant 0 : i32
    %c0_i32_0 = arith.constant 0 : i32
    return %arg0, %c0_i32 : i32, i32
  }
  func.func @transform_1(%arg0: i32) -> (i32, i32) {
    %c0_i32 = arith.constant 0 : i32
    %c0_i32_0 = arith.constant 0 : i32
    %c0_i32_1 = arith.constant 0 : i32
    return %c0_i32, %c0_i32_0 : i32, i32
  }
  func.func @transform_2(%arg0: i32) -> (i32, i32) {
    %c0_i32 = arith.constant 0 : i32
    %c0_i32_0 = arith.constant 0 : i32
    %c0_i32_1 = arith.constant 0 : i32
    return %c0_i32, %c0_i32_0 : i32, i32
  }
  func.func @transform_3(%arg0: i32) -> (i32, i32) {
    %c0_i32 = arith.constant 0 : i32
    %c0_i32_0 = arith.constant 0 : i32
    %c0_i32_1 = arith.constant 0 : i32
    return %c0_i32, %c0_i32_0 : i32, i32
  }
  func.func @transform_4(%arg0: i32) -> (i32, i32) {
    %c0_i32 = arith.constant 0 : i32
    %c0_i32_0 = arith.constant 0 : i32
    return %arg0, %c0_i32 : i32, i32
  }
  func.func @transform_5(%arg0: i32) -> (i32, i32) {
    %c0_i32 = arith.constant 0 : i32
    %c0_i32_0 = arith.constant 0 : i32
    return %arg0, %c0_i32 : i32, i32
  }
  func.func @transform_6(%arg0: i32) -> (i32, i32) {
    %c0_i32 = arith.constant 0 : i32
    %c0_i32_0 = arith.constant 0 : i32
    return %arg0, %c0_i32 : i32, i32
  }
  func.func @transform_7(%arg0: i32) -> (i32, i32) {
    %c0_i32 = arith.constant 0 : i32
    %c0_i32_0 = arith.constant 0 : i32
    return %arg0, %c0_i32 : i32, i32
  }
}

module attributes {stable_mosaic.version = 14 : i64} {
  func.func @_edge_table_body(%arg0: i32, %arg1: memref<1272x128xf32, #tpu.memory_space<vmem>>, %arg2: memref<128x512xf32, #tpu.memory_space<vmem>>, %arg3: memref<1272x512xf32, #tpu.memory_space<vmem>>) attributes {dimension_semantics = [#tpu.dimension_semantics<arbitrary>], iteration_bounds = array<i64: 8>, scalar_prefetch = 0 : i64, scratch_operands = 0 : i64, tpu.core_type = #tpu.core_type<tc>, window_params = [{transform_indices = @transform_0, window_bounds = array<i64: 1272, 128>}, {pipeline_mode = #tpu.pipeline_mode<synchronous>, transform_indices = @transform_1, window_bounds = array<i64: 128, 512>}, {transform_indices = @transform_2, window_bounds = array<i64: 1272, 512>}]} {
    %get3A = arith.constant 0 : index
    %get3A_0 = arith.constant 0 : index
    %get3A_1 = vector.load %arg1[%get3A, %get3A_0] : memref<1272x128xf32, #tpu.memory_space<vmem>>, vector<1272x128xf32>
    %get3A_2 = arith.constant 0 : index
    %get3A_3 = arith.constant 0 : index
    %get3A_4 = vector.load %arg2[%get3A_2, %get3A_3] : memref<128x512xf32, #tpu.memory_space<vmem>>, vector<128x512xf32>
    %dot_general3A = arith.constant dense<0.000000e+00> : vector<1272x512xf32>
    %dot_general3A_5 = tpu.matmul %get3A_1, %get3A_4, %dot_general3A {dimension_numbers = #tpu.dot_dimension_numbers<[1], [0], [0], [1], [0, 0, 1, 1], [], []>, transpose_lhs_hint = false} : vector<1272x128xf32>, vector<128x512xf32>, vector<1272x512xf32> -> vector<1272x512xf32>
    %swap3A = arith.constant 0 : index
    %swap3A_6 = arith.constant 0 : index
    %swap3A_7 = vector.load %arg3[%swap3A, %swap3A_6] : memref<1272x512xf32, #tpu.memory_space<vmem>>, vector<1272x512xf32>
    tpu.vector_store %arg3[%swap3A, %swap3A_6], %dot_general3A_5 {strides = array<i32>} : memref<1272x512xf32, #tpu.memory_space<vmem>>, vector<1272x512xf32>,
    return
  }
  func.func @transform_0(%arg0: i32) -> (i32, i32) {
    %c0_i32 = arith.constant 0 : i32
    %c0_i32_0 = arith.constant 0 : i32
    return %arg0, %c0_i32 : i32, i32
  }
  func.func @transform_1(%arg0: i32) -> (i32, i32) {
    %c0_i32 = arith.constant 0 : i32
    %c0_i32_0 = arith.constant 0 : i32
    %c0_i32_1 = arith.constant 0 : i32
    return %c0_i32, %c0_i32_0 : i32, i32
  }
  func.func @transform_2(%arg0: i32) -> (i32, i32) {
    %c0_i32 = arith.constant 0 : i32
    %c0_i32_0 = arith.constant 0 : i32
    return %arg0, %c0_i32 : i32, i32
  }
}

module attributes {stable_mosaic.version = 14 : i64} {
  func.func @_epilogue_body(%arg0: memref<10240x64xf32, #tpu.memory_space<vmem>>, %arg1: memref<10240x64xf32, #tpu.memory_space<vmem>>, %arg2: memref<10240x16xf32, #tpu.memory_space<vmem>>, %arg3: memref<16x128xf32, #tpu.memory_space<vmem>>, %arg4: memref<1x128xf32, #tpu.memory_space<vmem>>, %arg5: memref<128x128xf32, #tpu.memory_space<vmem>>, %arg6: memref<1x128xf32, #tpu.memory_space<vmem>>, %arg7: memref<1x128xf32, #tpu.memory_space<vmem>>, %arg8: memref<1x128xf32, #tpu.memory_space<vmem>>, %arg9: memref<1x128xf32, #tpu.memory_space<vmem>>, %arg10: memref<1x1xf32, #tpu.memory_space<vmem>>, %arg11: memref<128x128xf32, #tpu.memory_space<vmem>>, %arg12: memref<1x128xf32, #tpu.memory_space<vmem>>, %arg13: memref<10000x128xf32, #tpu.memory_space<vmem>>) attributes {dimension_semantics = [], scalar_prefetch = 0 : i64, scratch_operands = 0 : i64, tpu.core_type = #tpu.core_type<tc>} {
    %get3A = arith.constant 0 : index
    %get3A_0 = arith.constant 0 : index
    %get3A_1 = vector.load %arg2[%get3A, %get3A_0] : memref<10240x16xf32, #tpu.memory_space<vmem>>, vector<10000x16xf32>
    %get3A_2 = arith.constant 0 : index
    %get3A_3 = arith.constant 0 : index
    %get3A_4 = vector.load %arg3[%get3A_2, %get3A_3] : memref<16x128xf32, #tpu.memory_space<vmem>>, vector<16x128xf32>
    %dot_general3A = arith.constant dense<0.000000e+00> : vector<10000x128xf32>
    %dot_general3A_5 = tpu.matmul %get3A_1, %get3A_4, %dot_general3A {dimension_numbers = #tpu.dot_dimension_numbers<[1], [0], [0], [1], [0, 0, 1, 1], [], []>, transpose_lhs_hint = false} : vector<10000x16xf32>, vector<16x128xf32>, vector<10000x128xf32> -> vector<10000x128xf32>
    %get3A_6 = arith.constant 0 : index
    %get3A_7 = arith.constant 0 : index
    %get3A_8 = vector.load %arg0[%get3A_6, %get3A_7] : memref<10240x64xf32, #tpu.memory_space<vmem>>, vector<10000x64xf32>
    %get3A_9 = arith.constant 0 : index
    %get3A_10 = arith.constant 0 : index
    %get3A_11 = vector.load %arg1[%get3A_9, %get3A_10] : memref<10240x64xf32, #tpu.memory_space<vmem>>, vector<10000x64xf32>
    %concatenate3A = tpu.concatenate %get3A_8, %get3A_11 in 1 : vector<10000x64xf32>, vector<10000x64xf32> -> vector<10000x128xf32>
    %add3A = arith.constant 1.000000e-16 : f32
    %add3A_12 = vector.broadcast %add3A : f32 to vector<10000x128xf32>
    %add3A_13 = arith.addf %dot_general3A_5, %add3A_12 : vector<10000x128xf32>
    %div3A = arith.divf %concatenate3A, %add3A_13 : vector<10000x128xf32>
    %get3A_14 = arith.constant 0 : index
    %get3A_15 = arith.constant 0 : index
    %get3A_16 = vector.load %arg4[%get3A_14, %get3A_15] : memref<1x128xf32, #tpu.memory_space<vmem>>, vector<1x128xf32>
    %add3A_17 = vector.broadcast %get3A_16 : vector<1x128xf32> to vector<10000x128xf32>
    %add3A_18 = arith.addf %div3A, %add3A_17 : vector<10000x128xf32>
    %get3A_19 = arith.constant 0 : index
    %get3A_20 = arith.constant 0 : index
    %get3A_21 = vector.load %arg5[%get3A_19, %get3A_20] : memref<128x128xf32, #tpu.memory_space<vmem>>, vector<128x128xf32>
    %dot_general3A_22 = arith.constant dense<0.000000e+00> : vector<10000x128xf32>
    %dot_general3A_23 = tpu.matmul %add3A_18, %get3A_21, %dot_general3A_22 {dimension_numbers = #tpu.dot_dimension_numbers<[1], [0], [0], [1], [0, 0, 1, 1], [], []>, transpose_lhs_hint = false} : vector<10000x128xf32>, vector<128x128xf32>, vector<10000x128xf32> -> vector<10000x128xf32>
    %get3A_24 = arith.constant 0 : index
    %get3A_25 = arith.constant 0 : index
    %get3A_26 = vector.load %arg6[%get3A_24, %get3A_25] : memref<1x128xf32, #tpu.memory_space<vmem>>, vector<1x128xf32>
    %add3A_27 = vector.broadcast %get3A_26 : vector<1x128xf32> to vector<10000x128xf32>
    %add3A_28 = arith.addf %dot_general3A_23, %add3A_27 : vector<10000x128xf32>
    %ge3A = arith.constant 0.000000e+00 : f32
    %ge3A_29 = vector.broadcast %ge3A : f32 to vector<10000x128xf32>
    %ge3A_30 = arith.cmpf oge, %add3A_28, %ge3A_29 : vector<10000x128xf32>
    %mul3A = arith.constant 0.00999999977 : f32
    %mul3A_31 = vector.broadcast %mul3A : f32 to vector<10000x128xf32>
    %mul3A_32 = arith.mulf %mul3A_31, %add3A_28 : vector<10000x128xf32>
    %select_n3A = arith.select %ge3A_30, %add3A_28, %mul3A_32 : vector<10000x128xi1>, vector<10000x128xf32>
    %reduce_max3A = arith.constant dense<0xFF800000> : vector<10000xf32>
    %reduce_max3A_33 = vector.multi_reduction <maximumf>, %select_n3A, %reduce_max3A [1] : vector<10000x128xf32> to vector<10000xf32>
    %broadcast_in_dim3A = vector.shape_cast %reduce_max3A_33 : vector<10000xf32> to vector<10000x1xf32>
    %sub3A = vector.broadcast %broadcast_in_dim3A : vector<10000x1xf32> to vector<10000x128xf32>
    %sub3A_34 = arith.subf %select_n3A, %sub3A : vector<10000x128xf32>
    %exp3A = math.exp %sub3A_34 : vector<10000x128xf32>
    %reduce_sum3A = arith.constant dense<0.000000e+00> : vector<10000xf32>
    %reduce_sum3A_35 = vector.multi_reduction <add>, %exp3A, %reduce_sum3A [1] : vector<10000x128xf32> to vector<10000xf32>
    %broadcast_in_dim3A_36 = vector.shape_cast %reduce_sum3A_35 : vector<10000xf32> to vector<10000x1xf32>
    %div3A_37 = vector.broadcast %broadcast_in_dim3A_36 : vector<10000x1xf32> to vector<10000x128xf32>
    %div3A_38 = arith.divf %exp3A, %div3A_37 : vector<10000x128xf32>
    %mul3A_39 = arith.mulf %add3A_18, %div3A_38 : vector<10000x128xf32>
    %ge3A_40 = arith.constant 0.000000e+00 : f32
    %ge3A_41 = vector.broadcast %ge3A_40 : f32 to vector<10000x128xf32>
    %ge3A_42 = arith.cmpf oge, %mul3A_39, %ge3A_41 : vector<10000x128xf32>
    %mul3A_43 = arith.constant 2.000000e-01 : f32
    %mul3A_44 = vector.broadcast %mul3A_43 : f32 to vector<10000x128xf32>
    %mul3A_45 = arith.mulf %mul3A_44, %mul3A_39 : vector<10000x128xf32>
    %select_n3A_46 = arith.select %ge3A_42, %mul3A_39, %mul3A_45 : vector<10000x128xi1>, vector<10000x128xf32>
    %get3A_47 = arith.constant 0 : index
    %get3A_48 = arith.constant 0 : index
    %get3A_49 = vector.load %arg5[%get3A_47, %get3A_48] : memref<128x128xf32, #tpu.memory_space<vmem>>, vector<128x128xf32>
    %dot_general3A_50 = arith.constant dense<0.000000e+00> : vector<10000x128xf32>
    %dot_general3A_51 = tpu.matmul %select_n3A_46, %get3A_49, %dot_general3A_50 {dimension_numbers = #tpu.dot_dimension_numbers<[1], [0], [0], [1], [0, 0, 1, 1], [], []>, transpose_lhs_hint = false} : vector<10000x128xf32>, vector<128x128xf32>, vector<10000x128xf32> -> vector<10000x128xf32>
    %get3A_52 = arith.constant 0 : index
    %get3A_53 = arith.constant 0 : index
    %get3A_54 = vector.load %arg6[%get3A_52, %get3A_53] : memref<1x128xf32, #tpu.memory_space<vmem>>, vector<1x128xf32>
    %add3A_55 = vector.broadcast %get3A_54 : vector<1x128xf32> to vector<10000x128xf32>
    %add3A_56 = arith.addf %dot_general3A_51, %add3A_55 : vector<10000x128xf32>
    %reduce_sum3A_57 = arith.constant dense<0.000000e+00> : vector<10000xf32>
    %reduce_sum3A_58 = vector.multi_reduction <add>, %add3A_56, %reduce_sum3A_57 [1] : vector<10000x128xf32> to vector<10000xf32>
    %broadcast_in_dim3A_59 = vector.shape_cast %reduce_sum3A_58 : vector<10000xf32> to vector<10000x1xf32>
    %div3A_60 = arith.constant 1.280000e+02 : f32
    %div3A_61 = vector.broadcast %div3A_60 : f32 to vector<10000x1xf32>
    %div3A_62 = arith.divf %broadcast_in_dim3A_59, %div3A_61 : vector<10000x1xf32>
    %sub3A_63 = vector.broadcast %div3A_62 : vector<10000x1xf32> to vector<10000x128xf32>
    %sub3A_64 = arith.subf %add3A_56, %sub3A_63 : vector<10000x128xf32>
    %mul3A_65 = arith.mulf %sub3A_64, %sub3A_64 : vector<10000x128xf32>
    %reduce_sum3A_66 = arith.constant dense<0.000000e+00> : vector<10000xf32>
    %reduce_sum3A_67 = vector.multi_reduction <add>, %mul3A_65, %reduce_sum3A_66 [1] : vector<10000x128xf32> to vector<10000xf32>
    %broadcast_in_dim3A_68 = vector.shape_cast %reduce_sum3A_67 : vector<10000xf32> to vector<10000x1xf32>
    %div3A_69 = arith.constant 1.280000e+02 : f32
    %div3A_70 = vector.broadcast %div3A_69 : f32 to vector<10000x1xf32>
    %div3A_71 = arith.divf %broadcast_in_dim3A_68, %div3A_70 : vector<10000x1xf32>
    %add3A_72 = arith.constant 9.99999974E-6 : f32
    %add3A_73 = vector.broadcast %add3A_72 : f32 to vector<10000x1xf32>
    %add3A_74 = arith.addf %div3A_71, %add3A_73 : vector<10000x1xf32>
    %rsqrt3A = math.rsqrt %add3A_74 : vector<10000x1xf32>
    %mul3A_75 = vector.broadcast %rsqrt3A : vector<10000x1xf32> to vector<10000x128xf32>
    %mul3A_76 = arith.mulf %sub3A_64, %mul3A_75 : vector<10000x128xf32>
    %get3A_77 = arith.constant 0 : index
    %get3A_78 = arith.constant 0 : index
    %get3A_79 = vector.load %arg7[%get3A_77, %get3A_78] : memref<1x128xf32, #tpu.memory_space<vmem>>, vector<1x128xf32>
    %mul3A_80 = vector.broadcast %get3A_79 : vector<1x128xf32> to vector<10000x128xf32>
    %mul3A_81 = arith.mulf %mul3A_76, %mul3A_80 : vector<10000x128xf32>
    %get3A_82 = arith.constant 0 : index
    %get3A_83 = arith.constant 0 : index
    %get3A_84 = vector.load %arg8[%get3A_82, %get3A_83] : memref<1x128xf32, #tpu.memory_space<vmem>>, vector<1x128xf32>
    %add3A_85 = vector.broadcast %get3A_84 : vector<1x128xf32> to vector<10000x128xf32>
    %add3A_86 = arith.addf %mul3A_81, %add3A_85 : vector<10000x128xf32>
    %mul3A_87 = arith.mulf %add3A_86, %add3A_86 : vector<10000x128xf32>
    %reduce_sum3A_88 = arith.constant dense<0.000000e+00> : vector<10000xf32>
    %reduce_sum3A_89 = vector.multi_reduction <add>, %mul3A_87, %reduce_sum3A_88 [1] : vector<10000x128xf32> to vector<10000xf32>
    %broadcast_in_dim3A_90 = vector.shape_cast %reduce_sum3A_89 : vector<10000xf32> to vector<10000x1xf32>
    %sqrt3A = math.sqrt %broadcast_in_dim3A_90 : vector<10000x1xf32>
    %max3A = arith.constant 9.99999996E-13 : f32
    %max3A_91 = vector.broadcast %max3A : f32 to vector<10000x1xf32>
    %max3A_92 = arith.maximumf %sqrt3A, %max3A_91 : vector<10000x1xf32>
    %div3A_93 = vector.broadcast %max3A_92 : vector<10000x1xf32> to vector<10000x128xf32>
    %div3A_94 = arith.divf %add3A_86, %div3A_93 : vector<10000x128xf32>
    %get3A_95 = arith.constant 0 : index
    %get3A_96 = arith.constant 0 : index
    %get3A_97 = vector.load %arg9[%get3A_95, %get3A_96] : memref<1x128xf32, #tpu.memory_space<vmem>>, vector<1x128xf32>
    %mul3A_98 = vector.broadcast %get3A_97 : vector<1x128xf32> to vector<10000x128xf32>
    %mul3A_99 = arith.mulf %div3A_94, %mul3A_98 : vector<10000x128xf32>
    %reduce_sum3A_100 = arith.constant dense<0.000000e+00> : vector<10000xf32>
    %reduce_sum3A_101 = vector.multi_reduction <add>, %mul3A_99, %reduce_sum3A_100 [1] : vector<10000x128xf32> to vector<10000xf32>
    %broadcast_in_dim3A_102 = vector.shape_cast %reduce_sum3A_101 : vector<10000xf32> to vector<10000x1xf32>
    %get3A_103 = arith.constant 0 : index
    %get3A_104 = arith.constant 0 : index
    %get3A_105 = vector.load %arg10[%get3A_103, %get3A_104] : memref<1x1xf32, #tpu.memory_space<vmem>>, vector<1x1xf32>
    %get3A_106 = vector.extract %get3A_105[0, 0] : f32 from vector<1x1xf32>
    %add3A_107 = vector.broadcast %get3A_106 : f32 to vector<10000x1xf32>
    %add3A_108 = arith.addf %broadcast_in_dim3A_102, %add3A_107 : vector<10000x1xf32>
    %reduce_max3A_109 = vector.shape_cast %add3A_108 : vector<10000x1xf32> to vector<1x10000x1xf32>
    %reduce_max3A_110 = arith.constant dense<0xFF800000> : vector<1xf32>
    %reduce_max3A_111 = vector.multi_reduction <maximumf>, %reduce_max3A_109, %reduce_max3A_110 [1, 2] : vector<1x10000x1xf32> to vector<1xf32>
    %reduce_max3A_112 = vector.shape_cast %reduce_max3A_111 : vector<1xf32> to vector<1x1x1xf32>
    %reduce_max3A_113 = vector.extract %reduce_max3A_112[0, 0, 0] : f32 from vector<1x1x1xf32>
    %sub3A_114 = vector.broadcast %reduce_max3A_113 : f32 to vector<10000x1xf32>
    %sub3A_115 = arith.subf %add3A_108, %sub3A_114 : vector<10000x1xf32>
    %exp3A_116 = math.exp %sub3A_115 : vector<10000x1xf32>
    %reduce_sum3A_117 = vector.shape_cast %exp3A_116 : vector<10000x1xf32> to vector<1x10000x1xf32>
    %reduce_sum3A_118 = arith.constant dense<0.000000e+00> : vector<1xf32>
    %reduce_sum3A_119 = vector.multi_reduction <add>, %reduce_sum3A_117, %reduce_sum3A_118 [1, 2] : vector<1x10000x1xf32> to vector<1xf32>
    %reduce_sum3A_120 = vector.shape_cast %reduce_sum3A_119 : vector<1xf32> to vector<1x1x1xf32>
    %reduce_sum3A_121 = vector.extract %reduce_sum3A_120[0, 0, 0] : f32 from vector<1x1x1xf32>
    %div3A_122 = vector.broadcast %reduce_sum3A_121 : f32 to vector<10000x1xf32>
    %div3A_123 = arith.divf %exp3A_116, %div3A_122 : vector<10000x1xf32>
    %mul3A_124 = vector.broadcast %div3A_123 : vector<10000x1xf32> to vector<10000x128xf32>
    %mul3A_125 = arith.mulf %mul3A_124, %div3A_94 : vector<10000x128xf32>
    %reduce_sum3A_126 = arith.constant dense<0.000000e+00> : vector<128xf32>
    %reduce_sum3A_127 = vector.multi_reduction <add>, %mul3A_125, %reduce_sum3A_126 [0] : vector<10000x128xf32> to vector<128xf32>
    %broadcast_in_dim3A_128 = vector.shape_cast %reduce_sum3A_127 : vector<128xf32> to vector<1x128xf32>
    %get3A_129 = arith.constant 0 : index
    %get3A_130 = arith.constant 0 : index
    %get3A_131 = vector.load %arg11[%get3A_129, %get3A_130] : memref<128x128xf32, #tpu.memory_space<vmem>>, vector<128x128xf32>
    %dot_general3A_132 = arith.constant dense<0.000000e+00> : vector<1x128xf32>
    %dot_general3A_133 = tpu.matmul %broadcast_in_dim3A_128, %get3A_131, %dot_general3A_132 {dimension_numbers = #tpu.dot_dimension_numbers<[1], [0], [0], [1], [0, 0, 1, 1], [], []>, transpose_lhs_hint = false} : vector<1x128xf32>, vector<128x128xf32>, vector<1x128xf32> -> vector<1x128xf32>
    %get3A_134 = arith.constant 0 : index
    %get3A_135 = arith.constant 0 : index
    %get3A_136 = vector.load %arg12[%get3A_134, %get3A_135] : memref<1x128xf32, #tpu.memory_space<vmem>>, vector<1x128xf32>
    %add3A_137 = arith.addf %dot_general3A_133, %get3A_136 : vector<1x128xf32>
    %max3A_138 = arith.constant 0.000000e+00 : f32
    %max3A_139 = vector.broadcast %max3A_138 : f32 to vector<1x128xf32>
    %max3A_140 = arith.maximumf %add3A_137, %max3A_139 : vector<1x128xf32>
    %reduce_max3A_141 = arith.constant dense<0xFF800000> : vector<1xf32>
    %reduce_max3A_142 = vector.multi_reduction <maximumf>, %max3A_140, %reduce_max3A_141 [1] : vector<1x128xf32> to vector<1xf32>
    %broadcast_in_dim3A_143 = vector.shape_cast %reduce_max3A_142 : vector<1xf32> to vector<1x1xf32>
    %sub3A_144 = vector.broadcast %broadcast_in_dim3A_143 : vector<1x1xf32> to vector<1x128xf32>
    %sub3A_145 = arith.subf %max3A_140, %sub3A_144 : vector<1x128xf32>
    %exp3A_146 = math.exp %sub3A_145 : vector<1x128xf32>
    %reduce_sum3A_147 = arith.constant dense<0.000000e+00> : vector<1xf32>
    %reduce_sum3A_148 = vector.multi_reduction <add>, %exp3A_146, %reduce_sum3A_147 [1] : vector<1x128xf32> to vector<1xf32>
    %broadcast_in_dim3A_149 = vector.shape_cast %reduce_sum3A_148 : vector<1xf32> to vector<1x1xf32>
    %div3A_150 = vector.broadcast %broadcast_in_dim3A_149 : vector<1x1xf32> to vector<1x128xf32>
    %div3A_151 = arith.divf %exp3A_146, %div3A_150 : vector<1x128xf32>
    %mul3A_152 = vector.broadcast %div3A_151 : vector<1x128xf32> to vector<10000x128xf32>
    %mul3A_153 = arith.mulf %div3A_94, %mul3A_152 : vector<10000x128xf32>
    %swap3A = arith.constant 0 : index
    %swap3A_154 = arith.constant 0 : index
    %swap3A_155 = vector.load %arg13[%swap3A, %swap3A_154] : memref<10000x128xf32, #tpu.memory_space<vmem>>, vector<10000x128xf32>
    tpu.vector_store %arg13[%swap3A, %swap3A_154], %mul3A_153 {strides = array<i32>} : memref<10000x128xf32, #tpu.memory_space<vmem>>, vector<10000x128xf32>,
    return
  }
}

</mosaic_0001>

<sc_bundles>
// kernel: kernel.10.cloned.1.call-start
scs
__scs_entry_jumppad:
0x0: {  	(pc) =	sbr.rel $0x88, $3  }
0x1: {  	(tag) =	ssettag $0x0;
	lr =	simm.s32 $0x1  }
0x2: {  	[smem:$0x3F90] =	sst lr;
	_ =	strace $0xD0000000  }
0x3: {  	_ = 	snop  }
0x4: {  	_ = 	snop  }
0x5: {  	_ = 	snop  }
0x6: {  	_ = 	snop  }
0x7: {  	_ = 	snop  }
__scs_overlays_trampoline_lowered:
0x8: {  	[smem:$0x3F9F] =	sst s0  }
0x9: {  	[smem:$0x3FA0] =	sst s1  }
0xa: {  	[smem:$0x3FA1] =	sst s2  }
0xb: {  	[smem:$0x3FA2] =	sst s3  }
0xc: {  	[smem:$0x3FA3] =	sst s4  }
0xd: {  	[smem:$0x3FA4] =	sst s5  }
0xe: {  	[smem:$0x3FA5] =	sst s6  }
0xf: {  	[smem:$0x3FA6] =	sst s7  }
0x10: {  	[smem:$0x3FA7] =	sst s8  }
0x11: {  	[smem:$0x3FA8] =	sst s9;
	s0 =	simm.s32 @!p0 $0x0  }
0x12: {  	s1 =	sld [smem:$0x3F8E];
	s0 =	simm.s32 @p0 $0x1  }
0x13: {  	[smem:$0x3FA9] =	sst s0;
	s0 =	simm.s32 @!p1 $0x0  }
0x14: {  	s2 =	sld [smem:$0x3F8D];
	s0 =	simm.s32 @p1 $0x1  }
0x15: {  	[smem:$0x3FAA] =	sst s0;
	s0 =	simm.s32 @!p2 $0x0  }
0x16: {  	s3 =	sld [smem:$0x3FDB];
	s0 =	simm.s32 @p2 $0x1  }
0x17: {  	s4 =	simm.s32 $0x1BF5;
	[smem:$0x3FAC] =	sst s0  }
0x18: {  	s0 =	sld [smem:$0x3F8F];
	_ =	swait.ge [sflag:s4], $0x0  }
0x19: {  	s7 =	sld [smem:$0x3F90]  }
0x1a: {  	s8 =	sadd.s32 $0xFFFFE003, lr  }
0x1b: {  	s9 =	sadd.s32 $0xFFFFFEF7, lr;
	s5 =	simm.s32 $0xFFFFFFFF;
	p2 =	slt.u32 s8, $0xFFFFF086  }
0x1c: {  	p1 =	slt.u32 s9, $0xF7A;
	s5 =	simm.s32 @!p2 $0x0  }
0x1d: {  	s5 =	simm.s32 @p1 $0x1;
	p0 =	seq.s32 s7, s2  }
0x1e: {  	s7 =	smul.u32 @!p0 $0xF7A, s2;
	p2 =	seq.s32 @!p0 s5, $0x0  }
0x1f: {  	s9 =	smul.u32 $0xF7A, s1;
	s8 =	simm.s32 @!p0 $0x1BF5;
	p2 =	por !p2, p0  }
0x20: {  	[sflag:s8] =	ssyncset.s32 @!p0 $0xFFFFF086;
	s6 =	sadd.s32 @!p0 s3, s7;
	s7 =	simm.s32 @!p0 $0x108  }
0x21: {  	s3 =	sadd.s32 s3, s9;
	s6 =	sadd.s32 @!p0 $0x88, s6;
	s7 =	simm.s32 @p2 $0x1082  }
0x22: {  	[simem:s7], [sflag:s8] =	dma.local @!p0 [hbm:s6], $0xF7A  }
0x23: {  	s9 =	sor.u32 $0xD0000000, s2;
	s6 =	simm.s32 $0x108;
	_ =	swait.ge @!p0 [sflag:s8], $0x0  }
0x24: {  	s3 =	sadd.s32 $0x88, s3;
	s6 =	simm.s32 @!p1 $0x1082;
	[sflag:s4] =	ssyncset.s32 $0xFFFFF086  }
0x25: {  	[simem:s6], [sflag:s4] =	dma.local [hbm:s3], $0xF7A  }
0x26: {  	[smem:$0x3F90] =	sst s1;
	(tag) =	ssettag s2;
	_ =	strace s9  }
0x27: {  	s1 =	sld [smem:$0x3FA0]  }
0x28: {  	s2 =	sld [smem:$0x3FA1]  }
0x29: {  	s4 =	sld [smem:$0x3FA3]  }
0x2a: {  	p0 =	seq.s32 s5, $0x0;
	s5 =	sld [smem:$0x3FA4]  }
0x2b: {  	s6 =	sld [smem:$0x3FA5]  }
0x2c: {  	s7 =	sld [smem:$0x3FA6]  }
0x2d: {  	s3 =	simm.s32 $0x108;
	s8 =	sld [smem:$0x3FA7]  }
0x2e: {  	s3 =	simm.s32 @!p0 $0x1082;
	s9 =	sld [smem:$0x3FA8]  }
0x2f: {  	lr =	sadd.s32 s0, s3;
	s0 =	sld [smem:$0x3F9F]  }
0x30: {  	s3 =	sld [smem:$0x3FA2]  }
0x31: {  	[smem:$0x3FAB] =	sst s10  }
0x32: {  	s10 =	sld [smem:$0x3FA9];
	_ =	sdelay $0x3  }
0x33: {  	p0 =	seq.s32 s10, $0x1;
	s10 =	sld [smem:$0x3FAB];
	_ =	sdelay $0x3  }
0x34: {  	[smem:$0x3FAB] =	sst s10  }
0x35: {  	s10 =	sld [smem:$0x3FAA];
	_ =	sdelay $0x3  }
0x36: {  	p1 =	seq.s32 s10, $0x1;
	s10 =	sld [smem:$0x3FAB];
	_ =	sdelay $0x3  }
0x37: {  	[smem:$0x3FAB] =	sst s10  }
0x38: {  	s10 =	sld [smem:$0x3FAC]  }
0x39: {  	_ = 	snop;
	(pc) =	sbr.ind lr, $3  }
0x3a: {  	_ = 	snop  }
0x3b: {  	_ = 	snop  }
0x3c: {  	p2 =	seq.s32 s10, $0x1;
	s10 =	sld [smem:$0x3FAB]  }
0x3d: {  	_ =	shalt  }
0x3e: {  	_ =	shalt  }
0x3f: {  	_ =	shalt  }
0x40: {  	_ =	shalt  }
0x41: {  	_ =	shalt  }
0x42: {  	_ =	shalt  }
0x43: {  	_ =	shalt  }
0x44: {  	_ =	shalt  }
0x45: {  	_ =	shalt  }
0x46: {  	_ =	shalt  }
0x47: {  	_ =	shalt  }
0x48: {  	_ =	shalt  }
0x49: {  	_ =	shalt  }
0x4a: {  	_ =	shalt  }
0x4b: {  	_ =	shalt  }
0x4c: {  	_ =	shalt  }
0x4d: {  	_ =	shalt  }
0x4e: {  	_ =	shalt  }
0x4f: {  	_ =	shalt  }
0x50: {  	_ =	shalt  }
0x51: {  	_ =	shalt  }
0x52: {  	_ =	shalt  }
0x53: {  	_ =	shalt  }
0x54: {  	_ =	shalt  }
0x55: {  	_ =	shalt  }
0x56: {  	_ =	shalt  }
0x57: {  	_ =	shalt  }
0x58: {  	_ =	shalt  }
0x59: {  	_ =	shalt  }
0x5a: {  	_ =	shalt  }
0x5b: {  	_ =	shalt  }
0x5c: {  	_ =	shalt  }
0x5d: {  	_ =	shalt  }
0x5e: {  	_ =	shalt  }
0x5f: {  	_ =	shalt  }
0x60: {  	_ =	shalt  }
0x61: {  	_ =	shalt  }
0x62: {  	_ =	shalt  }
0x63: {  	_ =	shalt  }
0x64: {  	_ =	shalt  }
0x65: {  	_ =	shalt  }
0x66: {  	_ =	shalt  }
0x67: {  	_ =	shalt  }
0x68: {  	_ =	shalt  }
0x69: {  	_ =	shalt  }
0x6a: {  	_ =	shalt  }
0x6b: {  	_ =	shalt  }
0x6c: {  	_ =	shalt  }
0x6d: {  	_ =	shalt  }
0x6e: {  	_ =	shalt  }
0x6f: {  	_ =	shalt  }
0x70: {  	_ =	shalt  }
0x71: {  	_ =	shalt  }
0x72: {  	_ =	shalt  }
0x73: {  	_ =	shalt  }
0x74: {  	_ =	shalt  }
0x75: {  	_ =	shalt  }
0x76: {  	_ =	shalt  }
0x77: {  	_ =	shalt  }
0x78: {  	_ =	shalt  }
0x79: {  	_ =	shalt  }
0x7a: {  	_ =	shalt  }
0x7b: {  	_ =	shalt  }
0x7c: {  	_ =	shalt  }
0x7d: {  	_ =	shalt  }
0x7e: {  	_ =	shalt  }
0x7f: {  	_ =	shalt  }
0x80: {  	_ =	shalt  }
0x81: {  	_ =	shalt  }
0x82: {  	_ =	shalt  }
0x83: {  	_ =	shalt  }
0x84: {  	_ =	shalt  }
0x85: {  	_ =	shalt  }
0x86: {  	_ =	shalt  }
0x87: {  	_ =	shalt  }
.Lfunc_end0:
.L_simem_size_0:
called_computation.1_lowered:
.L_overlay_start_0:
0x88: {  	s2 =	sld [smem:$0x3FD9]  }
0x89: {  	s3 =	sld [smem:$0x3FFE];
	_ =	sdelay $0x1  }
0x8a: {  	s1 =	srdreg.scid  }
0x8b: {  	s0 =	sand.u32 $0x1, s1  }
0x8c: {  	s17 =	sshll.u32 s0, $0xA;
	s2 =	sadd.s32 s3, s2  }
0x8d: {  	s2 =	sadd.s32 s2, s17  }
0x8e: {  	[smem:$0x3FB7] =	sst s2  }
0x8f: {  	_ = 	snop  }
0x90: {  	s2 =	sld [smem:$0x3FD0];
	(tm) =	ssettm $0x1  }
0x91: {  	s18 =	sld [smem:$0x3FFB];
	_ =	sdelay $0x3  }
0x92: {  	_ =	strace s18  }
0x93: {  	s3 =	sld [smem:$0x3FFC];
	_ =	sdelay $0x3  }
0x94: {  	_ =	strace s3  }
0x95: {  	s3 =	sld [smem:$0x3FFD];
	_ =	sdelay $0x3  }
0x96: {  	_ =	strace s3  }
0x97: {  	_ =	strace $0x8FFFFFFF  }
0x98: {  	s19 =	sld [smem:$0x3FDB];
	_ =	sdelay $0x1  }
0x99: {  	s4 =	simm.s32 $_scs_section_size  }
0x9a: {  	s5 =	simm.s32 $_size__tile_overlayer_lowered;
	s6 =	simm.s32 $_tile_overlayer_lowered  }
0x9b: {  	s22 =	simm.s32 $0x1BFF;
	s21 =	sshll.u32 s6, $0x1;
	s3 =	sadd.s32 s4, s19  }
0x9c: {  	s7 =	simm.s32 $0x0;
	s20 =	sshll.u32 s5, $0x1;
	s5 =	sadd.s32 s21, s3  }
0x9d: {  	[timem:s7], [sflag:s22] =	dma.local [hbm:s5], s20  }
0x9e: {  	_ =	swait.ge [sflag:s22], s20  }
0x9f: {  	s4 =	ssub.s32 $0x0, s20;
	[sflag:s22] =	ssyncset.done $0x0  }
0xa0: {  	[sflag:s22] =	ssyncadd.s32 s4;
	_ =	sdelay $0x1  }
0xa1: {  	s23 =	simm.s32 $0x1B8B  }
0xa2: {  	_ =	swait.ge [sflag:s23], $0x1  }
0xa3: {  	[sflag:s23] =	ssyncset.done $0x0  }
0xa4: {  	s25 =	simm.s32 $0x1B8E;
	s24 =	sld [smem:$0x3FFE];
	[sflag:s23] =	ssyncadd.s32 $0xFFFFFFFF  }
0xa5: {  	s26 =	simm.s32 $execute0_lowered;
	[smem:$0x3FD2] =	sst s25  }
0xa6: {  	s5 =	sshll.u32 s26, $0x1;
	_ =	strace $0x80000049;
	[dreg:$0x1] =	wrdreg $0xFFFFFFFF  }
0xa7: {  	s28 =	simm.s32 $_size_execute0_lowered;
	s3 =	sadd.s32 s3, s5;
	[dreg:$0x0] =	wrdreg $0x0  }
0xa8: {  	s5 =	sshll.u32 s28, $0x1;
	[dreg:$0x2] =	wrdreg s3  }
0xa9: {  	[dreg:$0x3] =	wrdreg s5  }
0xaa: {  	[dreg:$0x4] =	wrdreg $0xC0  }
0xab: {  	_ =	task [dreg:s7], $0x5FFFF  }
0xac: {  	[dreg:$0x1] =	wrdreg $0xFFFFFFFF  }
0xad: {  	[dreg:$0x0] =	wrdreg $0x60  }
0xae: {  	[dreg:$0x2] =	wrdreg s24  }
0xaf: {  	[dreg:$0x3] =	wrdreg s2  }
0xb0: {  	[dreg:$0x4] =	wrdreg $0xC4800  }
0xb1: {  	[dreg:$0x5] =	wrdreg $0x164800  }
0xb2: {  	[dreg:$0x6] =	wrdreg $0x9  }
0xb3: {  	_ =	task.clear_ibuf [dreg:s7], $0x7FFFF;
	_ =	strace $0x90000049  }
0xb4: {  	s29 =	simm.s32 $0x9;
	_ =	strace $0x8000004B  }
0xb5: {  	_ =	swait.ge [sflag:s29], $0x1  }
0xb6: {  	[sflag:s29] =	ssyncadd.s32 $0xFFFFFFFF  }
0xb7: {  	_ =	strace $0x9000004B  }
0xb8: {  	_ =	sfence  }
0xb9: {  	s30 =	sld [smem:$0x0];
	_ =	sdelay $0x2  }
0xba: {  	s31 =	sshll.u32 s1, $0xD;
	s1 =	sshrl.u32 s1, $0x2  }
0xbb: {  	s3 =	sand.u32 $0x4000, s31;
	s1 =	sadd.s32 s1, s30  }
0xbc: {  	s0 =	sor.u32 s3, s0;
	s1 =	sshll.u32 s1, $0x11  }
0xbd: {  	s0 =	sor.u32 s1, s0  }
0xbe: {  	s0 =	sadd.s32 $0x8F2B, s0  }
0xbf: {  	[sflag:s0] =	ssyncadd.remote.s32 $0x1  }
0xc0: {  	_ =	sfence.sel $0xFFFF  }
0xc1: {  	[dreg:$0x0] =	wrdreg $0xFFFFFFFF;
	(pc) =	sbr.abs _section_cstart, $3  }
0xc2: {  	[dreg:$0x1] =	wrdreg $0xFFFFFFFF  }
0xc3: {  	_ =	task.clear_ibuf [dreg:s7], $0x2FFFF;
	_ =	strace $0x9FFFFFFF  }
0xc4: {  	(tm) =	ssettm $0x7FFFFFFF  }
0xc5: {  	_ =	shalt  }
tec
execute0_lowered:
.L_overlay_start_1:
0x0: {  	(tag) =	ssettag $0x1  }
0x1: {  	s0 =	rddreg [dreg:$0x0]  }
0x2: {  	s31 =	rddreg [dreg:$0x2]  }
0x3: {  	s2 =	rddreg [dreg:$0x3]  }
0x4: {  	s1 =	simm.s32 $0x0;
	s4 =	stileid.u32;
	s3 =	srdreg.scid  }
0x5: {  	s28 =	simm.s32 $0x80;
	[smem:$0x7FF] =	sst s1;
	s21 =	smul.u32 $0xA000, s4  }
0x6: {  	s6 =	sadd.s32 $0x7AC00, s0;
	s7 =	sadd.s32 $0x70C00, s0;
	s5 =	smul.u32 $0x2800, s4  }
0x7: {  	s20 =	sadd.s32 $0x52C00, s0;
	s9 =	sadd.s32 $0x6BC00, s0;
	s24 =	smul.u32 $0x9F0, s4  }
0x8: {  	s10 =	sadd.s32 $0x66C00, s0;
	s3 =	sand.u32 $0x1, s3;
	s26 =	smul.u32 $0x4F80, s4  }
0x9: {  	s11 =	sadd.s32 $0x123C00, s0;
	s23 =	sshll.u32 s4, $0x6;
	s16 =	smul.u32 $0x9F00, s4  }
0xa: {  	_ =	strace $0x8000004A;
	[dreg:$0x18] =	wrdreg s20;
	s13 =	ssub.s32 $0x2, s3  }
0xb: {  	s17 =	sor.u32 $0x1C0A, s23;
	p0 =	seq.s32 s3, $0x1;
	s12 =	sshrl.u32 s21, $0x3  }
0xc: {  	s22 =	sshrl.u32 s5, $0x3;
	s15 =	sshrl.u32 s13, $0x1;
	s1 =	sadd.s32 s21, s31  }
0xd: {  	s25 =	sadd.s32 s5, s2;
	s29 =	sadd.s32 s6, s24;
	[dreg:$0x6] =	wrdreg s17  }
0xe: {  	s5 =	sadd.s32 s7, s24;
	s20 =	sadd.s32 s11, s16;
	[dreg:$0x5] =	wrdreg s1  }
0xf: {  	s16 =	simm.s32 $0x8;
	s2 =	simm.s32 $0x0;
	[dreg:$0x7] =	wrdreg s25  }
0x10: {  	s14 =	sadd.s32 s12, s0;
	s0 =	sadd.s32 s22, s0;
	[dreg:$0x8] =	wrdreg s29  }
0x11: {  	s13 =	ssub.s32 s13, s15;
	s12 =	smul.u32 $0x9F, s4;
	[dreg:$0x9] =	wrdreg s5  }
0x12: {  	s1 =	sshrl.u32 s26, $0x3;
	[dreg:$0xe] =	wrdreg s20;
	s22 =	sadd.s32 $0x17400, s0  }
0x13: {  	s5 =	simm.s32 $0x2;
	s0 =	sadd.s32 $0x1C400, s0;
	[dreg:$0x10] =	wrdreg s22  }
0x14: {  	s20 =	simm.s32 $0x3;
	s23 =	sadd.s32 $0x3400, s14;
	[dreg:$0x11] =	wrdreg s0  }
0x15: {  	s1 =	sadd.s32 $0x20, s1;
	s24 =	sadd.s32 $0x35400, s14;
	[dreg:$0x12] =	wrdreg s23  }
0x16: {  	s25 =	sadd.s32 $0x21400, s14;
	s26 =	smax.u32 s13, $0x1;
	[dreg:$0x13] =	wrdreg s24  }
0x17: {  	s30 =	sadd.s32 $0x1, s12;
	s19 =	sadd.s32 s6, s1;
	[dreg:$0x14] =	wrdreg s25  }
0x18: {  	s1 =	sadd.s32 s7, s1;
	[dreg:$0x15] =	wrdreg s26;
	s29 =	sadd.s32 $0x2, s12  }
0x19: {  	s22 =	simm.s32 $0x1;
	s23 =	simm.s32 $0x9;
	[dreg:$0xc] =	wrdreg s19  }
0x1a: {  	s8 =	sshll.u32 s30, $0x4;
	s3 =	sshll.u32 s30, $0x8;
	[dreg:$0xd] =	wrdreg s1  }
.Ltmp0:
0x1b: {  	[dreg:$0x16] =	wrdreg s29;
	s30 =	sadd.s32 $0x5, s12;
	(pc) =	sbr.rel .LBB2_1-.Ltmp0, $4  }
0x1c: {  	s24 =	simm.s32 $0x5;
	s15 =	sadd.s32 s6, s8;
	[dreg:$0x17] =	wrdreg s30  }
0x1d: {  	s1 =	simm.s32 $0xA;
	s18 =	sadd.s32 s7, s8;
	[dreg:$0xa] =	wrdreg s15  }
0x1e: {  	s21 =	sadd.s32 s11, s3;
	s3 =	simm.s32 $0x200;
	[dreg:$0xb] =	wrdreg s18  }
0x1f: {  	s8 =	simm.s32 $0x100;
	[dreg:$0xf] =	wrdreg s21;
	s18 =	simm.s32 $0x4  }
.LBB2_21:
0x20: {  	s0 =	simm.s32 $0x8C80;
	s1 =	simm.s32 $0x400;
	s26 =	simm.s32 $0x6  }
0x21: {  	[spmem:s31] =	stream.indirect.scatter.add.f32 [tilespmem:s0], [sflag:$0x6], $0x40, s1, s28, $0xb8;
	[tilespmem:$0x18C80] =	vst v63  }
0x22: {  	_ =	swait.ge [sflag:s26], $0x2000  }
0x23: {  	[sflag:s26] =	ssyncset.done $0x0  }
0x24: {  	[sflag:s26] =	ssyncadd.s32 $0xFFFFE000  }
0x25: {  	[bflag:$0x0] =	sbarrier.arrive $0xFFFF  }
0x26: {  	s17 =	rddreg [dreg:$0x6]  }
0x27: {  	s29 =	rddreg [dreg:$0x14]  }
0x28: {  	s1 =	simm.s32 $0xA;
	s30 =	rddreg [dreg:$0x1a]  }
0x29: {  	[hbm:s29], [sflag:s17] =	dma.local [spmem:s30], $0x1400  }
0x2a: {  	_ =	swait.ge [sflag:s1], $0x1400  }
0x2b: {  	[sflag:s1] =	ssyncset.done $0x0  }
0x2c: {  	s3 =	simm.s32 $0x200;
	s2 =	rddreg [dreg:$0x19];
	[sflag:s1] =	ssyncadd.s32 $0xFFFFEC00  }
.LBB2_22:
0x2d: {  	s2 =	sadd.s32 $0x1, s2;
	s0 =	rddreg [dreg:$0x15]  }
0x2e: {  	p1 =	sne.s32 s2, s0  }
.Ltmp1:
0x2f: {  	_ = 	snop;
	(pc) =	sbr.rel @!p1 .LBB2_23-.Ltmp1, $1  }
0x30: {  	_ =	sdelay $0x3  }
.LBB2_1:
0x31: {  	[dreg:$0x19] =	wrdreg s2  }
0x32: {  	s0 =	rddreg [dreg:$0x5]  }
0x33: {  	s25 =	rddreg [dreg:$0x12];
	s21 =	sshrl.u32 s0, $0x3  }
0x34: {  	[dreg:$0x1a] =	wrdreg s21  }
0x35: {  	[spmem:s21], [sflag:s17] =	dma.local [hbm:s25], $0x1400  }
0x36: {  	_ =	swait.ge [sflag:s1], $0x1400  }
0x37: {  	[sflag:s1] =	ssyncset.done $0x0;
	s26 =	rddreg [dreg:$0x7]  }
0x38: {  	s29 =	rddreg [dreg:$0x10];
	[sflag:s1] =	ssyncadd.s32 $0xFFFFEC00;
	s13 =	sshrl.u32 s26, $0x3  }
0x39: {  	[spmem:s13], [sflag:s17] =	dma.local [hbm:s29], $0x500  }
0x3a: {  	_ =	swait.ge [sflag:s1], $0x500  }
0x3b: {  	[sflag:s1] =	ssyncset.done $0x0  }
0x3c: {  	[sflag:s1] =	ssyncadd.s32 $0xFFFFFB00  }
0x3d: {  	[bflag:$0x0] =	sbarrier.arrive $0xFFFF  }
0x3e: {  	s30 =	simm.s32 $0x0;
	s2 =	rddreg [dreg:$0x8]  }
0x3f: {  	[tilespmem:s30], [sflag:$0x7] =	stream.linear.gather [hbm4b:s2+s30], $0x80, $0x38;
	[tilespmem:$0x18C80] =	vst v63  }
0x40: {  	s4 =	rddreg [dreg:$0x9];
	s2 =	simm.s32 $0x180  }
0x41: {  	[tilespmem:s2], [sflag:$0x7] =	stream.linear.gather [hbm4b:s4+s30], $0x80, $0x38;
	[tilespmem:$0x18C80] =	vst v63  }
0x42: {  	s14 =	rddreg [dreg:$0xa]  }
0x43: {  	[tilespmem:s28], [sflag:$0x8] =	stream.linear.gather [hbm4b:s14+s30], $0x80, $0x38;
	[tilespmem:$0x18C80] =	vst v63  }
0x44: {  	s15 =	rddreg [dreg:$0xb]  }
0x45: {  	[tilespmem:s3], [sflag:$0x8] =	stream.linear.gather [hbm4b:s15+s30], $0x80, $0x38;
	[tilespmem:$0x18C80] =	vst v63  }
0x46: {  	s17 =	rddreg [dreg:$0xc]  }
0x47: {  	[tilespmem:s8], [sflag:$0x9] =	stream.linear.gather [hbm4b:s17+s30], $0x80, $0x38;
	[tilespmem:$0x18C80] =	vst v63  }
0x48: {  	s21 =	simm.s32 $0x7;
	s19 =	rddreg [dreg:$0xd];
	s4 =	simm.s32 $0x280  }
0x49: {  	[tilespmem:s4], [sflag:$0x9] =	stream.linear.gather [hbm4b:s19+s30], $0x80, $0x38;
	[tilespmem:$0x18C80] =	vst v63  }
0x4a: {  	_ =	swait.ge [sflag:s21], $0x80  }
0x4b: {  	[sflag:s21] =	ssyncset.done $0x0  }
0x4c: {  	[sflag:s21] =	ssyncadd.s32 $0xFFFFFF80  }
0x4d: {  	_ =	swait.ge [sflag:s21], $0x80  }
0x4e: {  	[sflag:s21] =	ssyncset.done $0x0  }
0x4f: {  	[sflag:s21] =	ssyncadd.s32 $0xFFFFFF80  }
0x50: {  	_ =	swait.ge [sflag:s16], $0x80  }
0x51: {  	[sflag:s16] =	ssyncset.done $0x0  }
0x52: {  	[sflag:s16] =	ssyncadd.s32 $0xFFFFFF80  }
0x53: {  	_ =	swait.ge [sflag:s16], $0x80  }
0x54: {  	[sflag:s16] =	ssyncset.done $0x0  }
0x55: {  	s26 =	simm.s32 $0x3480;
	s25 =	rddreg [dreg:$0xe];
	[sflag:s16] =	ssyncadd.s32 $0xFFFFFF80  }
0x56: {  	[tilespmem:s26], [sflag:$0x1] =	stream.linear.gather [hbm4b:s25+s30], $0x800, $0x38;
	[tilespmem:$0x18C80] =	vst v63  }
.Ltmp2:
0x57: {  	_ = 	snop;
	(pc) =	sbr.rel @!p0 .LBB2_2-.Ltmp2, $4  }
0x58: {  	s29 =	simm.s32 $0x480  }
0x59: {  	[tilespmem:s29], [sflag:$0x1] =	stream.indirect.gather [hbm4b:s9+s28], $0x10, s30, s28, $0xb8;
	[tilespmem:$0x18C80] =	vst v63  }
0x5a: {  	s30 =	simm.s32 $0x1C80  }
0x5b: {  	[tilespmem:s30], [sflag:$0x1] =	stream.indirect.gather [hbm4b:s10+s28], $0x10, s2, s28, $0xb8;
	[tilespmem:$0x18C80] =	vst v63  }
0x5c: {  	s29 =	simm.s32 $0x0;
	s1 =	rddreg [dreg:$0x18];
	s0 =	simm.s32 $0x4C80  }
0x5d: {  	[tilespmem:s0], [sflag:$0x1] =	stream.indirect.gather [hbm4b:s1+s28], $0x40, s29, s28, $0xb8;
	[tilespmem:$0x18C80] =	vst v63  }
0x5e: {  	s19 =	rddreg [dreg:$0xf];
	s2 =	simm.s32 $0x3C80  }
0x5f: {  	[tilespmem:s2], [sflag:$0x2] =	stream.linear.gather [hbm4b:s19+s29], $0x800, $0x38;
	[tilespmem:$0x18C80] =	vst v63  }
0x60: {  	s21 =	simm.s32 $0xC80  }
0x61: {  	[tilespmem:s21], [sflag:$0x2] =	stream.indirect.gather [hbm4b:s9+s28], $0x10, s28, s28, $0xb8;
	[tilespmem:$0x18C80] =	vst v63  }
0x62: {  	s25 =	simm.s32 $0x2480  }
0x63: {  	[tilespmem:s25], [sflag:$0x2] =	stream.indirect.gather [hbm4b:s10+s28], $0x10, s3, s28, $0xb8;
	[tilespmem:$0x18C80] =	vst v63  }
0x64: {  	s26 =	simm.s32 $0x6C80;
	s30 =	simm.s32 $0x0  }
0x65: {  	[tilespmem:s26], [sflag:$0x2] =	stream.indirect.gather [hbm4b:s1+s28], $0x40, s28, s28, $0xb8;
	[tilespmem:$0x18C80] =	vst v63  }
.LBB2_13:
0x66: {  	_ =	swait.ge [sflag:s22], $0x800  }
0x67: {  	[sflag:s22] =	ssyncset.done $0x0  }
0x68: {  	[sflag:s22] =	ssyncadd.s32 $0xFFFFF800  }
0x69: {  	_ =	swait.ge [sflag:s22], $0x800  }
0x6a: {  	[sflag:s22] =	ssyncset.done $0x0  }
0x6b: {  	[sflag:s22] =	ssyncadd.s32 $0xFFFFF800  }
0x6c: {  	_ =	swait.ge [sflag:s22], $0x800  }
0x6d: {  	[sflag:s22] =	ssyncset.done $0x0  }
0x6e: {  	[sflag:s22] =	ssyncadd.s32 $0xFFFFF800  }
0x6f: {  	_ =	swait.ge [sflag:s22], $0x2000  }
0x70: {  	[sflag:s22] =	ssyncset.done $0x0  }
0x71: {  	[sflag:s22] =	ssyncadd.s32 $0xFFFFE000  }
0x72: {  	v0 =	vld [tilespmem:$0x180]  }
0x73: {  	v1 =	vld [tilespmem:$0x190]  }
0x74: {  	v2 =	vld [tilespmem:$0x1A0]  }
0x75: {  	v3 =	vld [tilespmem:$0x1B0]  }
0x76: {  	v4 =	vld [tilespmem:$0x1C0]  }
0x77: {  	[tilespmem:$0x300] =	vst v0;
	v0 =	vld [tilespmem:$0x1D0]  }
0x78: {  	[tilespmem:$0x310] =	vst v1;
	v1 =	vld [tilespmem:$0x1E0]  }
0x79: {  	s13 =	smul.u32 $0x3, s30;
	[tilespmem:$0x320] =	vst v2;
	v2 =	vld [tilespmem:$0x1F0]  }
0x7a: {  	[tilespmem:$0x330] =	vst v3  }
0x7b: {  	p1 =	seq.s32 s30, $0x34;
	s0 =	sadd.s32 $0x3, s13;
	[tilespmem:$0x340] =	vst v4  }
0x7c: {  	s17 =	sadd.s32 @!p1 s12, s0;
	[tilespmem:$0x350] =	vst v0  }
0x7d: {  	s0 =	sshll.u32 @!p1 s17, $0x4;
	[tilespmem:$0x360] =	vst v1  }
0x7e: {  	s2 =	simm.s32 @!p1 $0x0;
	s1 =	sadd.s32 @!p1 s6, s0;
	[tilespmem:$0x370] =	vst v2  }
0x7f: {  	[tilespmem:s2], [sflag:$0x7] =	stream.linear.gather @!p1 [hbm4b:s1+s2], $0x80, $0x38;
	[tilespmem:$0x18C80] =	vst v63  }
0x80: {  	s19 =	simm.s32 $0x4A0;
	s0 =	sadd.s32 @!p1 s7, s0;
	s1 =	simm.s32 @!p1 $0x180  }
0x81: {  	[tilespmem:s1], [sflag:$0x7] =	stream.linear.gather @!p1 [hbm4b:s0+s2], $0x80, $0x38;
	[tilespmem:$0x18C80] =	vst v63  }
0x82: {  	s21 =	simm.s32 $0x1CA0;
	v0 =	vld [tilespmem:s19+$0x10]  }
0x83: {  	s25 =	sand.u32 $0x600, s29;
	s3 =	simm.s32 $0x30;
	v1 =	vld [tilespmem:s21+$0x10]  }
0x84: {  	s3 =	sand.u32 $0x1F0, s3;
	s2 =	sadd.s32 $0x3480, s25;
	v2 =	vld [tilespmem:s21+$0xFFFFFFE0]  }
0x85: {  	s3 =	sadd.s32 s3, s2;
	v4 =	vld [tilespmem:s19+$0xFFFFFFF0]  }
0x86: {  	v3 =	vld [tilespmem:s3+$0x0]  }
0x87: {  	v5 =	vld [tilespmem:s21+$0xFFFFFFF0]  }
0x88: {  	v6 =	vld [tilespmem:s19+$0xFFFFFFE0]  }
0x89: {  	s26 =	sand.u32 $0x1C0, s29;
	s4 =	simm.s32 $0x10;
	v7 =	vld [tilespmem:s19+$0x0];
	v0 =	vadd.f32 v1, v0  }
0x8a: {  	s14 =	simm.s32 $0x20;
	s8 =	sand.u32 $0x1D0, s4;
	v8 =	vld [tilespmem:s21+$0x0];
	s3 =	sadd.s32 s26, s2  }
0x8b: {  	s15 =	sand.u32 $0x1E0, s14;
	s0 =	sadd.s32 s8, s2;
	v1 =	vld [tilespmem:s3+$0x0];
	v0 =	vadd.f32 v3, v0  }
0x8c: {  	s19 =	sadd.s32 s15, s2;
	v3 =	vld [tilespmem:s0+$0x0]  }
0x8d: {  	v2 =	vadd.f32 v2, v6;
	v6 =	vld [tilespmem:s19+$0x0];
	v9 =	vmul.f32 $2.000000030e-01, v0  }
0x8e: {  	vm0 =	vge.f32 v0, $0.0e+00  }
0x8f: {  	v4 =	vadd.f32 v5, v4;
	v0 =	vsel vm0, v0, v9  }
0x90: {  	v1 =	vadd.f32 v1, v2;
	v2 =	vadd.f32 v8, v7;
	v0 =	vmul.f32 $1.442695020e+00, v0  }
0x91: {  	v3 =	vadd.f32 v3, v4  }
0x92: {  	s25 =	simm.s32 $0x4E0;
	v4 =	vmul.f32 $2.000000030e-01, v1;
	(erf) = vpow2.f32 v0;
	v0 =	vadd.f32 v6, v2  }
0x93: {  	s21 =	simm.s32 $0x40;
	v14 =	vld [tilespmem:s25+$0xFFFFFFF0];
	s26 =	simm.s32 $0x1CE0;
	vm11 =	vge.f32 v1, $0.0e+00;
	v2 =	vmul.f32 $2.000000030e-01, v3  }
0x94: {  	s14 =	simm.s32 $0x70;
	s8 =	sand.u32 $0x600, s21;
	v10 =	vld [tilespmem:s26+$0x10];
	v1 =	vsel vm11, v1, v4;
	vm12 =	vge.f32 v3, $0.0e+00;
	v5 =	vmul.f32 $2.000000030e-01, v0  }
0x95: {  	s14 =	sand.u32 $0x1F0, s14;
	s4 =	sadd.s32 $0x3480, s8;
	v9 =	vld [tilespmem:s25+$0x10];
	v1 =	vmul.f32 $1.442695020e+00, v1;
	v2 =	vsel vm12, v3, v2;
	vm13 =	vge.f32 v0, $0.0e+00  }
0x96: {  	v18 =	vld [tilespmem:s25+$0x0];
	s14 =	sadd.s32 s14, s4;
	v2 =	vmul.f32 $1.442695020e+00, v2;
	v0 =	vsel vm13, v0, v5  }
0x97: {  	v13 =	vld [tilespmem:s14+$0x0];
	(erf) = vpow2.f32 v1;
	v0 =	vmul.f32 $1.442695020e+00, v0  }
0x98: {  	s1 =	simm.s32 $0x4D00;
	v23 =	vld [tilespmem:s25+$0xFFFFFFE0]  }
0x99: {  	v62 =	vld [tilespmem:s1+$0xFFFFFFE0];
	(erf) = vpow2.f32 v2  }
0x9a: {  	v11 =	vld [tilespmem:s26+$0xFFFFFFE0];
	v9 =	vadd.f32 v10, v9;
	(erf) = vpow2.f32 v0  }
0x9b: {  	s15 =	simm.s32 $0x50;
	v4 =	vld [tilespmem:s1+$0x70];
	v0 =	vpop (erf)  }
0x9c: {  	v15 =	vld [tilespmem:s26+$0xFFFFFFF0];
	s14 =	sand.u32 $0x1D0, s15;
	v9 =	vadd.f32 v13, v9;
	v12 =	vbroadcast v0, $0x7  }
0x9d: {  	v20 =	vld [tilespmem:s26+$0x0];
	s0 =	sand.u32 $0x1C0, s21;
	s25 =	sadd.s32 s14, s4  }
0x9e: {  	s0 =	sadd.s32 s0, s4;
	v27 =	vld [tilespmem:s25+$0x0];
	v28 =	vmul.f32 $2.000000030e-01, v9  }
0x9f: {  	v25 =	vld [tilespmem:s0+$0x0];
	v2 =	vbroadcast v0, $0x4;
	v1 =	vbroadcast v0, $0x5  }
0xa0: {  	v3 =	vld [tilespmem:s1+$0xFFFFFF80];
	v0 =	vbroadcast v0, $0x6;
	v4 =	vmul.f32 v4, v12;
	v12 =	vpop (erf)  }
0xa1: {  	v14 =	vadd.f32 v15, v14;
	v6 =	vld [tilespmem:s1+$0xFFFFFF90];
	v16 =	vbroadcast v12, $0x4;
	v17 =	vbroadcast v12, $0x5  }
0xa2: {  	s19 =	simm.s32 $0x60;
	v7 =	vld [tilespmem:s1+$0xFFFFFFB0];
	v10 =	vpop (erf);
	v19 =	vbroadcast v12, $0x6;
	v12 =	vbroadcast v12, $0x7  }
0xa3: {  	s21 =	sand.u32 $0x1E0, s19;
	v14 =	vadd.f32 v27, v14;
	v5 =	vld [tilespmem:s1+$0xFFFFFFA0];
	v21 =	vbroadcast v10, $0x4;
	v22 =	vbroadcast v10, $0x5;
	v13 =	vpop (erf)  }
0xa4: {  	s26 =	sadd.s32 s21, s4;
	v8 =	vld [tilespmem:s1+$0xFFFFFFC0];
	vm14 =	vge.f32 v9, $0.0e+00;
	v24 =	vbroadcast v10, $0x6;
	v26 =	vbroadcast v13, $0x4  }
0xa5: {  	v15 =	vmul.f32 v16, v3;
	v16 =	vld [tilespmem:s26+$0x0];
	v29 =	vbroadcast v13, $0x5;
	v3 =	vsel vm14, v9, v28  }
0xa6: {  	v63 =	vld [tilespmem:s1+$0x20];
	v6 =	vmul.f32 v17, v6;
	v9 =	vadd.f32 v11, v23;
	v11 =	vmul.f32 $1.442695020e+00, v3  }
0xa7: {  	v61 =	vbroadcast v13, $0x6;
	v3 =	vbroadcast v13, $0x7;
	v13 =	vadd.f32 v20, v18;
	v18 =	vld [tilespmem:s1+$0xFFFFFFF0]  }
0xa8: {  	v17 =	vld [tilespmem:s1+$0xFFFFFFD0];
	v5 =	vmul.f32 v19, v5;
	v19 =	vadd.f32 v25, v9;
	(erf) = vpow2.f32 v11  }
0xa9: {  	vm1 =	vge.f32 v14, $0.0e+00;
	[tilespmem:s1+$0x70] =	vst v4;
	v10 =	vbroadcast v10, $0x7;
	v7 =	vmul.f32 v7, v12;
	v9 =	vld [tilespmem:s1+$0x30]  }
0xaa: {  	v8 =	vmul.f32 v21, v8;
	[tilespmem:s1+$0xFFFFFF80] =	vst v15;
	v11 =	vld [tilespmem:s1+$0x0];
	v4 =	vmul.f32 $2.000000030e-01, v19;
	v12 =	vadd.f32 v16, v13  }
0xab: {  	s3 =	simm.s32 $0x4E00;
	[tilespmem:s1+$0xFFFFFFB0] =	vst v7;
	v7 =	vmul.f32 v24, v62;
	vm15 =	vge.f32 v19, $0.0e+00;
	v16 =	vld [tilespmem:s1+$0x10];
	v13 =	vmul.f32 $2.000000030e-01, v14  }
0xac: {  	[tilespmem:s1+$0xFFFFFFC0] =	vst v8;
	v4 =	vsel vm15, v19, v4;
	v19 =	vld [tilespmem:s3+$0x70];
	v8 =	vmul.f32 v18, v10;
	v15 =	vmul.f32 $2.000000030e-01, v12  }
0xad: {  	[tilespmem:s1+$0xFFFFFF90] =	vst v6;
	vm2 =	vge.f32 v12, $0.0e+00;
	v6 =	vsel vm1, v14, v13;
	v14 =	vld [tilespmem:s1+$0x40];
	v4 =	vmul.f32 $1.442695020e+00, v4  }
0xae: {  	[tilespmem:s1+$0xFFFFFFA0] =	vst v5;
	v17 =	vmul.f32 v22, v17;
	v13 =	vld [tilespmem:s1+$0x50];
	v5 =	vmul.f32 $1.442695020e+00, v6;
	v6 =	vsel vm2, v12, v15  }
0xaf: {  	[tilespmem:s1+$0xFFFFFFF0] =	vst v8;
	v8 =	vld [tilespmem:s3+$0xFFFFFFB0];
	(erf) = vpow2.f32 v4;
	v6 =	vmul.f32 $1.442695020e+00, v6  }
0xb0: {  	[tilespmem:s1+$0xFFFFFFE0] =	vst v7;
	v15 =	vld [tilespmem:s1+$0x60];
	(erf) = vpow2.f32 v5;
	v16 =	vmul.f32 v29, v16  }
0xb1: {  	[tilespmem:s1+$0xFFFFFFD0] =	vst v17;
	v10 =	vmul.f32 v26, v11;
	v4 =	vld [tilespmem:s3+$0xFFFFFF80];
	(erf) = vpow2.f32 v6;
	v7 =	vpop (erf)  }
0xb2: {  	v5 =	vld [tilespmem:s3+$0xFFFFFF90];
	[tilespmem:s1+$0x10] =	vst v16;
	v16 =	vmul.f32 v61, v63;
	v17 =	vbroadcast v7, $0x7  }
0xb3: {  	s19 =	simm.s32 $0x520;
	v6 =	vld [tilespmem:s3+$0xFFFFFFA0];
	v12 =	vbroadcast v7, $0x4;
	v11 =	vbroadcast v7, $0x5  }
0xb4: {  	s21 =	simm.s32 $0x1D20;
	s0 =	simm.s32 $0x80;
	s14 =	simm.s32 $0x4;
	[tilespmem:s1+$0x0] =	vst v10;
	v10 =	vbroadcast v7, $0x6;
	v7 =	vld [tilespmem:s3+$0xFFFFFFC0];
	v17 =	vmul.f32 v19, v17  }
.LBB2_14:
0xb5: {  	s2 =	sand.u32 $0x600, s0;
	s4 =	sadd.s32 $0x30, s0;
	v18 =	vld [tilespmem:s19+$0x10];
	s14 =	sadd.s32 $0x4, s14;
	v3 =	vmul.f32 v9, v3;
	v9 =	vmul.f32 v2, v14;
	v2 =	vmov v12  }
0xb6: {  	v13 =	vmul.f32 v1, v13;
	v14 =	vmul.f32 v0, v15;
	v1 =	vmovc v11;
	v0 =	vmov v10;
	s2 =	sadd.s32 $0x3480, s2;
	v12 =	vld [tilespmem:s21+$0x10];
	s4 =	sand.u32 $0x1F0, s4;
	p2 =	slt.u32 s14, $0x7C;
	[tilespmem:s3+$0x70] =	vst v17  }
0xb7: {  	s15 =	sadd.s32 $0x10, s0;
	s25 =	sadd.s32 $0x20, s0;
	v10 =	vld [tilespmem:s21+$0xFFFFFFE0];
	s4 =	sadd.s32 s4, s2;
	[tilespmem:s1+$0x20] =	vst v16  }
0xb8: {  	s26 =	sand.u32 $0x1C0, s0;
	s15 =	sand.u32 $0x1D0, s15;
	s25 =	sand.u32 $0x1E0, s25;
	v11 =	vld [tilespmem:s4+$0x0];
	v15 =	vpop (erf);
	[tilespmem:s1+$0x30] =	vst v3  }
0xb9: {  	s15 =	sadd.s32 s15, s2;
	s4 =	sadd.s32 s26, s2;
	s2 =	sadd.s32 s25, s2;
	v16 =	vld [tilespmem:s19+$0xFFFFFFF0];
	v17 =	vbroadcast v15, $0x4;
	v19 =	vbroadcast v15, $0x5;
	v3 =	vpop (erf);
	[tilespmem:s1+$0x40] =	vst v9  }
0xba: {  	v20 =	vbroadcast v15, $0x6;
	v15 =	vbroadcast v15, $0x7;
	v9 =	vld [tilespmem:s21+$0xFFFFFFF0];
	v21 =	vpop (erf);
	[tilespmem:s1+$0x50] =	vst v13  }
0xbb: {  	v22 =	vbroadcast v3, $0x5;
	v13 =	vld [tilespmem:s19+$0x0];
	v12 =	vadd.f32 v12, v18;
	v18 =	vbroadcast v3, $0x4;
	[tilespmem:s1+$0x60] =	vst v14;
	s1 =	smov.u32 s3  }
0xbc: {  	v23 =	vbroadcast v3, $0x6;
	v24 =	vbroadcast v3, $0x7;
	v14 =	vld [tilespmem:s21+$0x0]  }
0xbd: {  	v26 =	vbroadcast v21, $0x5;
	v25 =	vld [tilespmem:s19+$0xFFFFFFE0];
	v11 =	vadd.f32 v11, v12;
	v12 =	vbroadcast v21, $0x4  }
0xbe: {  	v28 =	vbroadcast v21, $0x6;
	v3 =	vbroadcast v21, $0x7;
	v27 =	vld [tilespmem:s4+$0x0]  }
0xbf: {  	v4 =	vmul.f32 v17, v4;
	v9 =	vadd.f32 v9, v16;
	v16 =	vld [tilespmem:s15+$0x0];
	v21 =	vmul.f32 $2.000000030e-01, v11  }
0xc0: {  	v5 =	vmul.f32 v19, v5;
	v6 =	vmul.f32 v20, v6;
	vm0 =	vge.f32 v11, $0.0e+00;
	v17 =	vld [tilespmem:s2+$0x0]  }
0xc1: {  	v13 =	vadd.f32 v14, v13;
	v11 =	vsel vm0, v11, v21;
	[tilespmem:s3+$0xFFFFFF80] =	vst v4;
	v4 =	vmul.f32 v8, v15;
	v8 =	vld [tilespmem:s3+$0xFFFFFFD0]  }
0xc2: {  	v10 =	vadd.f32 v10, v25;
	v11 =	vmul.f32 $1.442695020e+00, v11;
	[tilespmem:s3+$0xFFFFFF90] =	vst v5;
	v5 =	vmul.f32 v18, v7;
	v7 =	vld [tilespmem:s3+$0xFFFFFFE0]  }
0xc3: {  	[tilespmem:s3+$0xFFFFFFA0] =	vst v6;
	v6 =	vld [tilespmem:s3+$0xFFFFFFF0]  }
0xc4: {  	v10 =	vadd.f32 v27, v10;
	v14 =	vadd.f32 v16, v9;
	(erf) = vpow2.f32 v11;
	[tilespmem:s3+$0xFFFFFFB0] =	vst v4;
	v11 =	vld [tilespmem:s3+$0x0]  }
0xc5: {  	v4 =	vadd.f32 v17, v13;
	[tilespmem:s3+$0xFFFFFFC0] =	vst v5;
	v16 =	vld [tilespmem:s3+$0x10]  }
0xc6: {  	vm0 =	vge.f32 v10, $0.0e+00;
	v5 =	vmul.f32 $2.000000030e-01, v10;
	v13 =	vmul.f32 $2.000000030e-01, v14;
	v18 =	vld [tilespmem:s3+$0x20]  }
0xc7: {  	vm1 =	vge.f32 v14, $0.0e+00;
	vm2 =	vge.f32 v4, $0.0e+00;
	v15 =	vmul.f32 $2.000000030e-01, v4;
	v9 =	vld [tilespmem:s3+$0x30]  }
0xc8: {  	v8 =	vmul.f32 v22, v8;
	v5 =	vsel vm0, v10, v5;
	v10 =	vsel vm1, v14, v13;
	v14 =	vld [tilespmem:s3+$0x40]  }
0xc9: {  	v5 =	vmul.f32 $1.442695020e+00, v5;
	v10 =	vmul.f32 $1.442695020e+00, v10;
	v4 =	vsel vm2, v4, v15;
	v13 =	vld [tilespmem:s3+$0x50]  }
0xca: {  	v7 =	vmul.f32 v23, v7;
	s3 =	sadd.s32 $0x100, s3;
	v17 =	vmul.f32 $1.442695020e+00, v4;
	[tilespmem:s1+$0xFFFFFFD0] =	vst v8;
	v15 =	vld [tilespmem:s1+$0x60]  }
0xcb: {  	v6 =	vmul.f32 v6, v24;
	v19 =	vld [tilespmem:s3+$0x70];
	(erf) = vpow2.f32 v5  }
.Ltmp3:
0xcc: {  	v4 =	vld [tilespmem:s3+$0xFFFFFF80];
	(erf) = vpow2.f32 v10;
	[tilespmem:s1+$0xFFFFFFE0] =	vst v7;
	v7 =	vmul.f32 v12, v11;
	(pc) =	sbr.rel @p2 .LBB2_14-.Ltmp3, $4  }
0xcd: {  	v16 =	vmul.f32 v26, v16;
	v5 =	vld [tilespmem:s3+$0xFFFFFF90];
	(erf) = vpow2.f32 v17;
	v10 =	vpop (erf);
	[tilespmem:s1+$0xFFFFFFF0] =	vst v6  }
0xce: {  	v6 =	vld [tilespmem:s3+$0xFFFFFFA0];
	v12 =	vbroadcast v10, $0x4;
	v17 =	vbroadcast v10, $0x7;
	[tilespmem:s1+$0x0] =	vst v7  }
0xcf: {  	v11 =	vbroadcast v10, $0x5;
	v10 =	vbroadcast v10, $0x6;
	v8 =	vld [tilespmem:s3+$0xFFFFFFB0];
	[tilespmem:s1+$0x10] =	vst v16  }
0xd0: {  	s0 =	sadd.s32 $0x40, s0;
	s21 =	sadd.s32 $0x40, s21;
	s19 =	sadd.s32 $0x40, s19;
	v16 =	vmul.f32 v28, v18;
	v7 =	vld [tilespmem:s3+$0xFFFFFFC0];
	v17 =	vmul.f32 v19, v17  }
0xd1: {  	_ =	sdelay $0x1  }
0xd2: {  	v3 =	vmul.f32 v9, v3;
	[tilespmem:s3+$0x70] =	vst v17  }
0xd3: {  	v2 =	vmul.f32 v2, v14;
	v1 =	vmul.f32 v1, v13;
	[tilespmem:s1+$0x20] =	vst v16;
	v9 =	vpop (erf)  }
0xd4: {  	v0 =	vmul.f32 v0, v15;
	[tilespmem:s1+$0x30] =	vst v3;
	v3 =	vbroadcast v9, $0x4  }
0xd5: {  	[tilespmem:s1+$0x40] =	vst v2;
	v13 =	vbroadcast v9, $0x5;
	v2 =	vbroadcast v9, $0x6  }
0xd6: {  	[tilespmem:s1+$0x50] =	vst v1;
	v9 =	vbroadcast v9, $0x7;
	v1 =	vmul.f32 v3, v4;
	v3 =	vld [tilespmem:s3+$0xFFFFFFD0];
	v4 =	vpop (erf)  }
0xd7: {  	[tilespmem:s1+$0x60] =	vst v0;
	v0 =	vmul.f32 v13, v5;
	v5 =	vld [tilespmem:s3+$0xFFFFFFE0];
	v13 =	vbroadcast v4, $0x4  }
0xd8: {  	v2 =	vmul.f32 v2, v6;
	[tilespmem:s3+$0xFFFFFF80] =	vst v1;
	v1 =	vld [tilespmem:s3+$0xFFFFFFF0]  }
0xd9: {  	v8 =	vmul.f32 v8, v9;
	v6 =	vbroadcast v4, $0x5;
	[tilespmem:s3+$0xFFFFFF90] =	vst v0;
	v0 =	vld [tilespmem:s3+$0x0]  }
0xda: {  	v9 =	vbroadcast v4, $0x6;
	[tilespmem:s3+$0xFFFFFFA0] =	vst v2;
	v2 =	vld [tilespmem:s3+$0x10];
	v7 =	vmul.f32 v13, v7  }
0xdb: {  	v14 =	vld [tilespmem:s3+$0x40];
	v4 =	vbroadcast v4, $0x7;
	[tilespmem:s3+$0xFFFFFFB0] =	vst v8;
	v13 =	vpop (erf);
	v3 =	vmul.f32 v6, v3  }
0xdc: {  	v8 =	vld [tilespmem:s3+$0x20];
	[tilespmem:s3+$0xFFFFFFC0] =	vst v7;
	v5 =	vmul.f32 v9, v5;
	v6 =	vbroadcast v13, $0x4  }
0xdd: {  	v7 =	vld [tilespmem:s3+$0x30];
	v9 =	vbroadcast v13, $0x5;
	[tilespmem:s3+$0xFFFFFFD0] =	vst v3;
	v1 =	vmul.f32 v1, v4  }
0xde: {  	v4 =	vld [tilespmem:s3+$0x50];
	[tilespmem:s3+$0xFFFFFFE0] =	vst v5;
	v0 =	vmul.f32 v6, v0  }
0xdf: {  	v3 =	vbroadcast v13, $0x6;
	v6 =	vld [tilespmem:s3+$0x60];
	[tilespmem:s3+$0xFFFFFFF0] =	vst v1;
	v1 =	vmul.f32 v9, v2  }
0xe0: {  	v5 =	vbroadcast v13, $0x7;
	v2 =	vmul.f32 v12, v14;
	[tilespmem:s3+$0x0] =	vst v0  }
0xe1: {  	v0 =	vmul.f32 v3, v8;
	[tilespmem:s3+$0x10] =	vst v1  }
0xe2: {  	v1 =	vmul.f32 v7, v5;
	[tilespmem:s3+$0x40] =	vst v2  }
0xe3: {  	[tilespmem:s3+$0x20] =	vst v0;
	v0 =	vmul.f32 v11, v4  }
0xe4: {  	[tilespmem:s3+$0x30] =	vst v1;
	v1 =	vmul.f32 v10, v6  }
0xe5: {  	p2 =	seq.s32 s30, $0x0;
	[tilespmem:s3+$0x50] =	vst v0  }
0xe6: {  	s0 =	simm.s32 @!p2 $0x6;
	[tilespmem:s3+$0x60] =	vst v1  }
0xe7: {  	_ =	swait.ge @!p2 [sflag:s0], $0x2000  }
0xe8: {  	[sflag:s0] =	ssyncset.done @!p2 $0x0  }
0xe9: {  	[sflag:s0] =	ssyncadd.s32 @!p2 $0xFFFFE000  }
0xea: {  	_ =	swait.ge [sflag:s23], $0x80  }
0xeb: {  	[sflag:s23] =	ssyncset.done $0x0  }
0xec: {  	[sflag:s23] =	ssyncadd.s32 $0xFFFFFF80  }
0xed: {  	_ =	swait.ge [sflag:s23], $0x80  }
0xee: {  	s14 =	rddreg [dreg:$0x16]  }
0xef: {  	s0 =	sadd.s32 s13, s14  }
0xf0: {  	s15 =	simm.s32 $0x0;
	[sflag:s23] =	ssyncset.done $0x0;
	s0 =	sshll.u32 s0, $0x8  }
0xf1: {  	s2 =	simm.s32 $0x4480;
	[sflag:s23] =	ssyncadd.s32 $0xFFFFFF80;
	s0 =	sadd.s32 s11, s0  }
0xf2: {  	[tilespmem:s2], [sflag:$0x3] =	stream.linear.gather [hbm4b:s0+s15], $0x800, $0x38;
	[tilespmem:$0x18C80] =	vst v63  }
0xf3: {  	s19 =	simm.s32 $0x100;
	s21 =	simm.s32 $0x1480  }
0xf4: {  	[tilespmem:s21], [sflag:$0x3] =	stream.indirect.gather [hbm4b:s9+s28], $0x10, s19, s28, $0xb8;
	[tilespmem:$0x18C80] =	vst v63  }
0xf5: {  	s25 =	simm.s32 $0x280;
	s26 =	simm.s32 $0x2C80  }
0xf6: {  	[tilespmem:s26], [sflag:$0x3] =	stream.indirect.gather [hbm4b:s10+s28], $0x10, s25, s28, $0xb8;
	[tilespmem:$0x18C80] =	vst v63  }
0xf7: {  	s4 =	simm.s32 $0x8C80;
	s3 =	rddreg [dreg:$0x18]  }
0xf8: {  	[tilespmem:s4], [sflag:$0x3] =	stream.indirect.gather [hbm4b:s3+s28], $0x40, s19, s28, $0xb8;
	[tilespmem:$0x18C80] =	vst v63  }
0xf9: {  	s14 =	simm.s32 $0x4C80;
	s15 =	simm.s32 $0x300  }
0xfa: {  	[spmem:s31] =	stream.indirect.scatter.add.f32 [tilespmem:s14], [sflag:$0x4], $0x40, s15, s28, $0xb8;
	[tilespmem:$0x18C80] =	vst v63  }
0xfb: {  	_ =	swait.ge [sflag:s5], $0x800  }
0xfc: {  	[sflag:s5] =	ssyncset.done $0x0  }
0xfd: {  	[sflag:s5] =	ssyncadd.s32 $0xFFFFF800  }
0xfe: {  	_ =	swait.ge [sflag:s5], $0x800  }
0xff: {  	[sflag:s5] =	ssyncset.done $0x0  }
0x100: {  	[sflag:s5] =	ssyncadd.s32 $0xFFFFF800  }
0x101: {  	_ =	swait.ge [sflag:s5], $0x800  }
0x102: {  	[sflag:s5] =	ssyncset.done $0x0  }
0x103: {  	[sflag:s5] =	ssyncadd.s32 $0xFFFFF800  }
0x104: {  	_ =	swait.ge [sflag:s5], $0x2000  }
0x105: {  	[sflag:s5] =	ssyncset.done $0x0  }
0x106: {  	[sflag:s5] =	ssyncadd.s32 $0xFFFFE000  }
0x107: {  	v0 =	vld [tilespmem:$0x200]  }
0x108: {  	v1 =	vld [tilespmem:$0x210]  }
0x109: {  	v2 =	vld [tilespmem:$0x220]  }
0x10a: {  	v3 =	vld [tilespmem:$0x230]  }
0x10b: {  	v4 =	vld [tilespmem:$0x240]  }
0x10c: {  	[tilespmem:$0x380] =	vst v0;
	v0 =	vld [tilespmem:$0x250]  }
0x10d: {  	[tilespmem:$0x390] =	vst v1;
	v1 =	vld [tilespmem:$0x260]  }
0x10e: {  	[tilespmem:$0x3A0] =	vst v2;
	v2 =	vld [tilespmem:$0x270]  }
0x10f: {  	[tilespmem:$0x3B0] =	vst v3  }
0x110: {  	s3 =	sadd.s32 $0x4, s13;
	[tilespmem:$0x3C0] =	vst v4  }
0x111: {  	s0 =	sadd.s32 @!p1 s12, s3;
	[tilespmem:$0x3D0] =	vst v0  }
0x112: {  	s2 =	simm.s32 @!p1 $0x0;
	s0 =	sshll.u32 @!p1 s0, $0x4;
	[tilespmem:$0x3E0] =	vst v1  }
0x113: {  	s21 =	simm.s32 $0xCA0;
	s4 =	simm.s32 @!p1 $0x80;
	s1 =	sadd.s32 @!p1 s6, s0;
	[tilespmem:$0x3F0] =	vst v2  }
0x114: {  	[tilespmem:s4], [sflag:$0x8] =	stream.linear.gather @!p1 [hbm4b:s1+s2], $0x80, $0x38;
	[tilespmem:$0x18C80] =	vst v63  }
0x115: {  	s19 =	simm.s32 $0x0;
	s0 =	sadd.s32 @!p1 s7, s0;
	s1 =	simm.s32 @!p1 $0x200  }
0x116: {  	[tilespmem:s1], [sflag:$0x8] =	stream.linear.gather @!p1 [hbm4b:s0+s2], $0x80, $0x38;
	[tilespmem:$0x18C80] =	vst v63  }
0x117: {  	s25 =	simm.s32 $0x24A0;
	s26 =	sand.u32 $0x600, s19;
	s14 =	simm.s32 $0x30;
	v0 =	vld [tilespmem:s21+$0x10]  }
0x118: {  	s14 =	sand.u32 $0x1F0, s14;
	s4 =	sadd.s32 $0x3C80, s26;
	v1 =	vld [tilespmem:s25+$0x10]  }
0x119: {  	s14 =	sadd.s32 s14, s4;
	v2 =	vld [tilespmem:s25+$0xFFFFFFE0]  }
0x11a: {  	v3 =	vld [tilespmem:s14+$0x0]  }
0x11b: {  	v4 =	vld [tilespmem:s21+$0xFFFFFFF0]  }
0x11c: {  	v5 =	vld [tilespmem:s25+$0xFFFFFFF0]  }
0x11d: {  	v6 =	vld [tilespmem:s21+$0xFFFFFFE0]  }
0x11e: {  	s31 =	simm.s32 $0x10;
	s0 =	sand.u32 $0x1C0, s19;
	v7 =	vld [tilespmem:s21+$0x0];
	v0 =	vadd.f32 v1, v0  }
0x11f: {  	s15 =	sand.u32 $0x1D0, s31;
	s19 =	simm.s32 $0x20;
	s0 =	sadd.s32 s0, s4;
	v8 =	vld [tilespmem:s25+$0x0]  }
0x120: {  	s1 =	sadd.s32 s15, s4;
	v1 =	vld [tilespmem:s0+$0x0];
	s0 =	sand.u32 $0x1E0, s19;
	v0 =	vadd.f32 v3, v0  }
0x121: {  	s0 =	sadd.s32 s0, s4;
	v3 =	vld [tilespmem:s1+$0x0]  }
0x122: {  	v2 =	vadd.f32 v2, v6;
	v6 =	vld [tilespmem:s0+$0x0];
	v9 =	vmul.f32 $2.000000030e-01, v0  }
0x123: {  	vm0 =	vge.f32 v0, $0.0e+00  }
0x124: {  	v4 =	vadd.f32 v5, v4;
	v0 =	vsel vm0, v0, v9  }
0x125: {  	v1 =	vadd.f32 v1, v2;
	v2 =	vadd.f32 v8, v7;
	v0 =	vmul.f32 $1.442695020e+00, v0  }
0x126: {  	v3 =	vadd.f32 v3, v4  }
0x127: {  	s26 =	simm.s32 $0x24E0;
	v4 =	vmul.f32 $2.000000030e-01, v1;
	(erf) = vpow2.f32 v0;
	v0 =	vadd.f32 v6, v2  }
0x128: {  	s21 =	simm.s32 $0x40;
	v10 =	vld [tilespmem:s26+$0x10];
	vm11 =	vge.f32 v1, $0.0e+00;
	v2 =	vmul.f32 $2.000000030e-01, v3  }
0x129: {  	s15 =	simm.s32 $0x70;
	s25 =	simm.s32 $0xCE0;
	v11 =	vld [tilespmem:s26+$0xFFFFFFE0];
	s31 =	sand.u32 $0x600, s21;
	v1 =	vsel vm11, v1, v4;
	vm12 =	vge.f32 v3, $0.0e+00;
	v5 =	vmul.f32 $2.000000030e-01, v0  }
0x12a: {  	s15 =	sand.u32 $0x1F0, s15;
	s14 =	sadd.s32 $0x3C80, s31;
	v9 =	vld [tilespmem:s25+$0x10];
	v1 =	vmul.f32 $1.442695020e+00, v1;
	v2 =	vsel vm12, v3, v2;
	vm13 =	vge.f32 v0, $0.0e+00  }
0x12b: {  	v15 =	vld [tilespmem:s26+$0xFFFFFFF0];
	s15 =	sadd.s32 s15, s14;
	v2 =	vmul.f32 $1.442695020e+00, v2;
	v0 =	vsel vm13, v0, v5  }
0x12c: {  	v13 =	vld [tilespmem:s15+$0x0];
	(erf) = vpow2.f32 v1;
	v0 =	vmul.f32 $1.442695020e+00, v0  }
0x12d: {  	v20 =	vld [tilespmem:s26+$0x0]  }
0x12e: {  	v14 =	vld [tilespmem:s25+$0xFFFFFFF0];
	(erf) = vpow2.f32 v2  }
0x12f: {  	v18 =	vld [tilespmem:s25+$0x0];
	s19 =	simm.s32 $0x50;
	s1 =	simm.s32 $0x6D00;
	v9 =	vadd.f32 v10, v9;
	(erf) = vpow2.f32 v0  }
0x130: {  	s15 =	sand.u32 $0x1D0, s19;
	v4 =	vld [tilespmem:s1+$0x70];
	v0 =	vpop (erf)  }
0x131: {  	v23 =	vld [tilespmem:s25+$0xFFFFFFE0];
	s26 =	sadd.s32 s15, s14;
	v9 =	vadd.f32 v13, v9;
	v12 =	vbroadcast v0, $0x7  }
0x132: {  	s0 =	sand.u32 $0x1C0, s21;
	v27 =	vld [tilespmem:s26+$0x0]  }
0x133: {  	s0 =	sadd.s32 s0, s14;
	v62 =	vld [tilespmem:s1+$0xFFFFFFE0];
	v28 =	vmul.f32 $2.000000030e-01, v9  }
0x134: {  	v25 =	vld [tilespmem:s0+$0x0];
	v2 =	vbroadcast v0, $0x4;
	v1 =	vbroadcast v0, $0x5  }
0x135: {  	v3 =	vld [tilespmem:s1+$0xFFFFFF80];
	v0 =	vbroadcast v0, $0x6;
	v4 =	vmul.f32 v4, v12;
	v12 =	vpop (erf)  }
0x136: {  	v14 =	vadd.f32 v15, v14;
	v6 =	vld [tilespmem:s1+$0xFFFFFF90];
	v16 =	vbroadcast v12, $0x4;
	v17 =	vbroadcast v12, $0x5  }
0x137: {  	s21 =	simm.s32 $0x60;
	v7 =	vld [tilespmem:s1+$0xFFFFFFB0];
	v10 =	vpop (erf);
	v19 =	vbroadcast v12, $0x6;
	v12 =	vbroadcast v12, $0x7  }
0x138: {  	s25 =	sand.u32 $0x1E0, s21;
	v14 =	vadd.f32 v27, v14;
	v5 =	vld [tilespmem:s1+$0xFFFFFFA0];
	v21 =	vbroadcast v10, $0x4;
	v22 =	vbroadcast v10, $0x5;
	v13 =	vpop (erf)  }
0x139: {  	v8 =	vld [tilespmem:s1+$0xFFFFFFC0];
	s31 =	sadd.s32 s25, s14;
	vm14 =	vge.f32 v9, $0.0e+00;
	v24 =	vbroadcast v10, $0x6;
	v26 =	vbroadcast v13, $0x4  }
0x13a: {  	v15 =	vmul.f32 v16, v3;
	v16 =	vld [tilespmem:s31+$0x0];
	v29 =	vbroadcast v13, $0x5;
	v3 =	vsel vm14, v9, v28  }
0x13b: {  	v63 =	vld [tilespmem:s1+$0x20];
	v6 =	vmul.f32 v17, v6;
	v9 =	vadd.f32 v11, v23;
	v11 =	vmul.f32 $1.442695020e+00, v3  }
0x13c: {  	v61 =	vbroadcast v13, $0x6;
	v3 =	vbroadcast v13, $0x7;
	v13 =	vadd.f32 v20, v18;
	v18 =	vld [tilespmem:s1+$0xFFFFFFF0]  }
0x13d: {  	v17 =	vld [tilespmem:s1+$0xFFFFFFD0];
	v5 =	vmul.f32 v19, v5;
	v19 =	vadd.f32 v25, v9;
	(erf) = vpow2.f32 v11  }
0x13e: {  	vm1 =	vge.f32 v14, $0.0e+00;
	[tilespmem:s1+$0x70] =	vst v4;
	v10 =	vbroadcast v10, $0x7;
	v7 =	vmul.f32 v7, v12;
	v9 =	vld [tilespmem:s1+$0x30]  }
0x13f: {  	v8 =	vmul.f32 v21, v8;
	[tilespmem:s1+$0xFFFFFF80] =	vst v15;
	v11 =	vld [tilespmem:s1+$0x0];
	v4 =	vmul.f32 $2.000000030e-01, v19;
	v12 =	vadd.f32 v16, v13  }
0x140: {  	s14 =	simm.s32 $0x6E00;
	[tilespmem:s1+$0xFFFFFFB0] =	vst v7;
	v7 =	vmul.f32 v24, v62;
	vm15 =	vge.f32 v19, $0.0e+00;
	v16 =	vld [tilespmem:s1+$0x10];
	v13 =	vmul.f32 $2.000000030e-01, v14  }
0x141: {  	[tilespmem:s1+$0xFFFFFFC0] =	vst v8;
	v4 =	vsel vm15, v19, v4;
	v19 =	vld [tilespmem:s14+$0x70];
	v8 =	vmul.f32 v18, v10;
	v15 =	vmul.f32 $2.000000030e-01, v12  }
0x142: {  	[tilespmem:s1+$0xFFFFFF90] =	vst v6;
	vm2 =	vge.f32 v12, $0.0e+00;
	v6 =	vsel vm1, v14, v13;
	v14 =	vld [tilespmem:s1+$0x40];
	v4 =	vmul.f32 $1.442695020e+00, v4  }
0x143: {  	[tilespmem:s1+$0xFFFFFFA0] =	vst v5;
	v17 =	vmul.f32 v22, v17;
	v13 =	vld [tilespmem:s1+$0x50];
	v5 =	vmul.f32 $1.442695020e+00, v6;
	v6 =	vsel vm2, v12, v15  }
0x144: {  	[tilespmem:s1+$0xFFFFFFF0] =	vst v8;
	v8 =	vld [tilespmem:s14+$0xFFFFFFB0];
	(erf) = vpow2.f32 v4;
	v6 =	vmul.f32 $1.442695020e+00, v6  }
0x145: {  	[tilespmem:s1+$0xFFFFFFE0] =	vst v7;
	v15 =	vld [tilespmem:s1+$0x60];
	(erf) = vpow2.f32 v5;
	v16 =	vmul.f32 v29, v16  }
0x146: {  	[tilespmem:s1+$0xFFFFFFD0] =	vst v17;
	v10 =	vmul.f32 v26, v11;
	v4 =	vld [tilespmem:s14+$0xFFFFFF80];
	(erf) = vpow2.f32 v6;
	v7 =	vpop (erf)  }
0x147: {  	v5 =	vld [tilespmem:s14+$0xFFFFFF90];
	[tilespmem:s1+$0x10] =	vst v16;
	v16 =	vmul.f32 v61, v63;
	v17 =	vbroadcast v7, $0x7  }
0x148: {  	s8 =	simm.s32 $0x100;
	s19 =	simm.s32 $0x4;
	v6 =	vld [tilespmem:s14+$0xFFFFFFA0];
	v12 =	vbroadcast v7, $0x4;
	v11 =	vbroadcast v7, $0x5  }
0x149: {  	s26 =	simm.s32 $0x2520;
	s0 =	simm.s32 $0x80;
	s21 =	simm.s32 $0xD20;
	[tilespmem:s1+$0x0] =	vst v10;
	v10 =	vbroadcast v7, $0x6;
	v7 =	vld [tilespmem:s14+$0xFFFFFFC0];
	v17 =	vmul.f32 v19, v17  }
.LBB2_16:
0x14a: {  	s2 =	sand.u32 $0x600, s0;
	s4 =	sadd.s32 $0x30, s0;
	v18 =	vld [tilespmem:s21+$0x10];
	s19 =	sadd.s32 $0x4, s19;
	v3 =	vmul.f32 v9, v3;
	v9 =	vmul.f32 v2, v14;
	v2 =	vmov v12  }
0x14b: {  	v13 =	vmul.f32 v1, v13;
	v14 =	vmul.f32 v0, v15;
	v1 =	vmovc v11;
	v0 =	vmov v10;
	s2 =	sadd.s32 $0x3C80, s2;
	v12 =	vld [tilespmem:s26+$0x10];
	s4 =	sand.u32 $0x1F0, s4;
	p2 =	slt.u32 s19, $0x7C;
	[tilespmem:s14+$0x70] =	vst v17  }
0x14c: {  	s15 =	sadd.s32 $0x10, s0;
	s25 =	sadd.s32 $0x20, s0;
	v10 =	vld [tilespmem:s26+$0xFFFFFFE0];
	s4 =	sadd.s32 s4, s2;
	[tilespmem:s1+$0x20] =	vst v16  }
0x14d: {  	s31 =	sand.u32 $0x1C0, s0;
	s15 =	sand.u32 $0x1D0, s15;
	s25 =	sand.u32 $0x1E0, s25;
	v11 =	vld [tilespmem:s4+$0x0];
	v15 =	vpop (erf);
	[tilespmem:s1+$0x30] =	vst v3  }
0x14e: {  	s15 =	sadd.s32 s15, s2;
	s4 =	sadd.s32 s31, s2;
	s2 =	sadd.s32 s25, s2;
	v16 =	vld [tilespmem:s21+$0xFFFFFFF0];
	v17 =	vbroadcast v15, $0x4;
	v19 =	vbroadcast v15, $0x5;
	v3 =	vpop (erf);
	[tilespmem:s1+$0x40] =	vst v9  }
0x14f: {  	v20 =	vbroadcast v15, $0x6;
	v15 =	vbroadcast v15, $0x7;
	v9 =	vld [tilespmem:s26+$0xFFFFFFF0];
	v21 =	vpop (erf);
	[tilespmem:s1+$0x50] =	vst v13  }
0x150: {  	v22 =	vbroadcast v3, $0x5;
	v13 =	vld [tilespmem:s21+$0x0];
	v12 =	vadd.f32 v12, v18;
	v18 =	vbroadcast v3, $0x4;
	[tilespmem:s1+$0x60] =	vst v14;
	s1 =	smov.u32 s14  }
0x151: {  	v23 =	vbroadcast v3, $0x6;
	v24 =	vbroadcast v3, $0x7;
	v14 =	vld [tilespmem:s26+$0x0]  }
0x152: {  	v26 =	vbroadcast v21, $0x5;
	v25 =	vld [tilespmem:s21+$0xFFFFFFE0];
	v11 =	vadd.f32 v11, v12;
	v12 =	vbroadcast v21, $0x4  }
0x153: {  	v28 =	vbroadcast v21, $0x6;
	v3 =	vbroadcast v21, $0x7;
	v27 =	vld [tilespmem:s4+$0x0]  }
0x154: {  	v4 =	vmul.f32 v17, v4;
	v9 =	vadd.f32 v9, v16;
	v16 =	vld [tilespmem:s15+$0x0];
	v21 =	vmul.f32 $2.000000030e-01, v11  }
0x155: {  	v5 =	vmul.f32 v19, v5;
	v6 =	vmul.f32 v20, v6;
	vm0 =	vge.f32 v11, $0.0e+00;
	v17 =	vld [tilespmem:s2+$0x0]  }
0x156: {  	v13 =	vadd.f32 v14, v13;
	v11 =	vsel vm0, v11, v21;
	[tilespmem:s14+$0xFFFFFF80] =	vst v4;
	v4 =	vmul.f32 v8, v15;
	v8 =	vld [tilespmem:s14+$0xFFFFFFD0]  }
0x157: {  	v10 =	vadd.f32 v10, v25;
	v11 =	vmul.f32 $1.442695020e+00, v11;
	[tilespmem:s14+$0xFFFFFF90] =	vst v5;
	v5 =	vmul.f32 v18, v7;
	v7 =	vld [tilespmem:s14+$0xFFFFFFE0]  }
0x158: {  	[tilespmem:s14+$0xFFFFFFA0] =	vst v6;
	v6 =	vld [tilespmem:s14+$0xFFFFFFF0]  }
0x159: {  	v10 =	vadd.f32 v27, v10;
	v14 =	vadd.f32 v16, v9;
	(erf) = vpow2.f32 v11;
	[tilespmem:s14+$0xFFFFFFB0] =	vst v4;
	v11 =	vld [tilespmem:s14+$0x0]  }
0x15a: {  	v4 =	vadd.f32 v17, v13;
	[tilespmem:s14+$0xFFFFFFC0] =	vst v5;
	v16 =	vld [tilespmem:s14+$0x10]  }
0x15b: {  	vm0 =	vge.f32 v10, $0.0e+00;
	v5 =	vmul.f32 $2.000000030e-01, v10;
	v13 =	vmul.f32 $2.000000030e-01, v14;
	v18 =	vld [tilespmem:s14+$0x20]  }
0x15c: {  	vm1 =	vge.f32 v14, $0.0e+00;
	vm2 =	vge.f32 v4, $0.0e+00;
	v15 =	vmul.f32 $2.000000030e-01, v4;
	v9 =	vld [tilespmem:s14+$0x30]  }
0x15d: {  	v8 =	vmul.f32 v22, v8;
	v5 =	vsel vm0, v10, v5;
	v10 =	vsel vm1, v14, v13;
	v14 =	vld [tilespmem:s14+$0x40]  }
0x15e: {  	v5 =	vmul.f32 $1.442695020e+00, v5;
	v10 =	vmul.f32 $1.442695020e+00, v10;
	v4 =	vsel vm2, v4, v15;
	v13 =	vld [tilespmem:s14+$0x50]  }
0x15f: {  	v7 =	vmul.f32 v23, v7;
	s14 =	sadd.s32 $0x100, s14;
	v17 =	vmul.f32 $1.442695020e+00, v4;
	[tilespmem:s1+$0xFFFFFFD0] =	vst v8;
	v15 =	vld [tilespmem:s1+$0x60]  }
0x160: {  	v6 =	vmul.f32 v6, v24;
	v19 =	vld [tilespmem:s14+$0x70];
	(erf) = vpow2.f32 v5  }
.Ltmp4:
0x161: {  	v4 =	vld [tilespmem:s14+$0xFFFFFF80];
	(erf) = vpow2.f32 v10;
	[tilespmem:s1+$0xFFFFFFE0] =	vst v7;
	v7 =	vmul.f32 v12, v11;
	(pc) =	sbr.rel @p2 .LBB2_16-.Ltmp4, $4  }
0x162: {  	v16 =	vmul.f32 v26, v16;
	v5 =	vld [tilespmem:s14+$0xFFFFFF90];
	(erf) = vpow2.f32 v17;
	v10 =	vpop (erf);
	[tilespmem:s1+$0xFFFFFFF0] =	vst v6  }
0x163: {  	v6 =	vld [tilespmem:s14+$0xFFFFFFA0];
	v12 =	vbroadcast v10, $0x4;
	v17 =	vbroadcast v10, $0x7;
	[tilespmem:s1+$0x0] =	vst v7  }
0x164: {  	v11 =	vbroadcast v10, $0x5;
	v10 =	vbroadcast v10, $0x6;
	v8 =	vld [tilespmem:s14+$0xFFFFFFB0];
	[tilespmem:s1+$0x10] =	vst v16  }
0x165: {  	s0 =	sadd.s32 $0x40, s0;
	s26 =	sadd.s32 $0x40, s26;
	s21 =	sadd.s32 $0x40, s21;
	v16 =	vmul.f32 v28, v18;
	v7 =	vld [tilespmem:s14+$0xFFFFFFC0];
	v17 =	vmul.f32 v19, v17  }
0x166: {  	_ =	sdelay $0x1  }
0x167: {  	v3 =	vmul.f32 v9, v3;
	[tilespmem:s14+$0x70] =	vst v17  }
0x168: {  	v2 =	vmul.f32 v2, v14;
	v1 =	vmul.f32 v1, v13;
	[tilespmem:s1+$0x20] =	vst v16;
	v9 =	vpop (erf)  }
0x169: {  	v0 =	vmul.f32 v0, v15;
	[tilespmem:s1+$0x30] =	vst v3;
	v3 =	vbroadcast v9, $0x4  }
0x16a: {  	[tilespmem:s1+$0x40] =	vst v2;
	v13 =	vbroadcast v9, $0x5;
	v2 =	vbroadcast v9, $0x6  }
0x16b: {  	[tilespmem:s1+$0x50] =	vst v1;
	v9 =	vbroadcast v9, $0x7;
	v1 =	vmul.f32 v3, v4;
	v3 =	vld [tilespmem:s14+$0xFFFFFFD0];
	v4 =	vpop (erf)  }
0x16c: {  	[tilespmem:s1+$0x60] =	vst v0;
	v0 =	vmul.f32 v13, v5;
	v5 =	vld [tilespmem:s14+$0xFFFFFFE0];
	v13 =	vbroadcast v4, $0x4  }
0x16d: {  	v2 =	vmul.f32 v2, v6;
	[tilespmem:s14+$0xFFFFFF80] =	vst v1;
	v1 =	vld [tilespmem:s14+$0xFFFFFFF0]  }
0x16e: {  	v8 =	vmul.f32 v8, v9;
	v6 =	vbroadcast v4, $0x5;
	[tilespmem:s14+$0xFFFFFF90] =	vst v0;
	v0 =	vld [tilespmem:s14+$0x0]  }
0x16f: {  	v9 =	vbroadcast v4, $0x6;
	[tilespmem:s14+$0xFFFFFFA0] =	vst v2;
	v2 =	vld [tilespmem:s14+$0x10];
	v7 =	vmul.f32 v13, v7  }
0x170: {  	v14 =	vld [tilespmem:s14+$0x40];
	v4 =	vbroadcast v4, $0x7;
	[tilespmem:s14+$0xFFFFFFB0] =	vst v8;
	v13 =	vpop (erf);
	v3 =	vmul.f32 v6, v3  }
0x171: {  	v8 =	vld [tilespmem:s14+$0x20];
	[tilespmem:s14+$0xFFFFFFC0] =	vst v7;
	v5 =	vmul.f32 v9, v5;
	v6 =	vbroadcast v13, $0x4  }
0x172: {  	v7 =	vld [tilespmem:s14+$0x30];
	v9 =	vbroadcast v13, $0x5;
	[tilespmem:s14+$0xFFFFFFD0] =	vst v3;
	v1 =	vmul.f32 v1, v4  }
0x173: {  	v4 =	vld [tilespmem:s14+$0x50];
	[tilespmem:s14+$0xFFFFFFE0] =	vst v5;
	v0 =	vmul.f32 v6, v0  }
0x174: {  	v3 =	vbroadcast v13, $0x6;
	v6 =	vld [tilespmem:s14+$0x60];
	[tilespmem:s14+$0xFFFFFFF0] =	vst v1;
	v1 =	vmul.f32 v9, v2  }
0x175: {  	v5 =	vbroadcast v13, $0x7;
	v2 =	vmul.f32 v12, v14;
	[tilespmem:s14+$0x0] =	vst v0  }
0x176: {  	v0 =	vmul.f32 v3, v8;
	[tilespmem:s14+$0x10] =	vst v1  }
0x177: {  	v1 =	vmul.f32 v7, v5;
	[tilespmem:s14+$0x40] =	vst v2  }
0x178: {  	[tilespmem:s14+$0x20] =	vst v0;
	v0 =	vmul.f32 v11, v4  }
0x179: {  	[tilespmem:s14+$0x30] =	vst v1;
	v1 =	vmul.f32 v10, v6  }
0x17a: {  	[tilespmem:s14+$0x50] =	vst v0  }
0x17b: {  	[tilespmem:s14+$0x60] =	vst v1  }
0x17c: {  	_ =	swait.ge [sflag:s18], $0x2000  }
0x17d: {  	[sflag:s18] =	ssyncset.done $0x0  }
0x17e: {  	s0 =	simm.s32 @!p1 $0x7;
	[sflag:s18] =	ssyncadd.s32 $0xFFFFE000  }
0x17f: {  	_ =	swait.ge @!p1 [sflag:s0], $0x80  }
0x180: {  	[sflag:s0] =	ssyncset.done @!p1 $0x0  }
0x181: {  	[sflag:s0] =	ssyncadd.s32 @!p1 $0xFFFFFF80  }
0x182: {  	_ =	swait.ge @!p1 [sflag:s0], $0x80  }
0x183: {  	[sflag:s0] =	ssyncset.done @!p1 $0x0  }
0x184: {  	[sflag:s0] =	ssyncadd.s32 @!p1 $0xFFFFFF80;
	s0 =	sshll.u32 @!p1 s17, $0x8  }
0x185: {  	s2 =	simm.s32 @!p1 $0x3480;
	s1 =	simm.s32 @!p1 $0x0;
	s0 =	sadd.s32 @!p1 s11, s0  }
0x186: {  	[tilespmem:s2], [sflag:$0x1] =	stream.linear.gather @!p1 [hbm4b:s0+s1], $0x800, $0x38;
	[tilespmem:$0x18C80] =	vst v63  }
0x187: {  	s0 =	simm.s32 @!p1 $0x80;
	s2 =	simm.s32 @!p1 $0x480  }
0x188: {  	[tilespmem:s2], [sflag:$0x1] =	stream.indirect.gather @!p1 [hbm4b:s9+s0], $0x10, s1, s0, $0xb8;
	[tilespmem:$0x18C80] =	vst v63  }
0x189: {  	s4 =	simm.s32 @!p1 $0x1C80;
	s2 =	simm.s32 @!p1 $0x180  }
0x18a: {  	[tilespmem:s4], [sflag:$0x1] =	stream.indirect.gather @!p1 [hbm4b:s10+s0], $0x10, s2, s0, $0xb8;
	[tilespmem:$0x18C80] =	vst v63  }
0x18b: {  	s2 =	simm.s32 @!p1 $0x4C80;
	s4 =	rddreg [dreg:$0x18]  }
0x18c: {  	[tilespmem:s2], [sflag:$0x1] =	stream.indirect.gather @!p1 [hbm4b:s4+s0], $0x40, s1, s0, $0xb8;
	[tilespmem:$0x18C80] =	vst v63  }
0x18d: {  	s19 =	simm.s32 $0x380;
	s17 =	simm.s32 $0x6C80;
	s31 =	rddreg [dreg:$0x2]  }
0x18e: {  	[spmem:s31] =	stream.indirect.scatter.add.f32 [tilespmem:s17], [sflag:$0x5], $0x40, s19, s28, $0xb8;
	[tilespmem:$0x18C80] =	vst v63  }
0x18f: {  	_ =	swait.ge [sflag:s20], $0x800  }
0x190: {  	[sflag:s20] =	ssyncset.done $0x0  }
0x191: {  	[sflag:s20] =	ssyncadd.s32 $0xFFFFF800  }
0x192: {  	_ =	swait.ge [sflag:s20], $0x800  }
0x193: {  	[sflag:s20] =	ssyncset.done $0x0  }
0x194: {  	[sflag:s20] =	ssyncadd.s32 $0xFFFFF800  }
0x195: {  	_ =	swait.ge [sflag:s20], $0x800  }
0x196: {  	[sflag:s20] =	ssyncset.done $0x0  }
0x197: {  	[sflag:s20] =	ssyncadd.s32 $0xFFFFF800  }
0x198: {  	_ =	swait.ge [sflag:s20], $0x2000  }
0x199: {  	[sflag:s20] =	ssyncset.done $0x0  }
0x19a: {  	[sflag:s20] =	ssyncadd.s32 $0xFFFFE000  }
0x19b: {  	v0 =	vld [tilespmem:$0x280]  }
0x19c: {  	v1 =	vld [tilespmem:$0x290]  }
0x19d: {  	v2 =	vld [tilespmem:$0x2A0]  }
0x19e: {  	v3 =	vld [tilespmem:$0x2B0]  }
0x19f: {  	v4 =	vld [tilespmem:$0x2C0]  }
0x1a0: {  	[tilespmem:$0x400] =	vst v0;
	v0 =	vld [tilespmem:$0x2D0]  }
0x1a1: {  	[tilespmem:$0x410] =	vst v1;
	v1 =	vld [tilespmem:$0x2E0]  }
0x1a2: {  	[tilespmem:$0x420] =	vst v2;
	v2 =	vld [tilespmem:$0x2F0]  }
0x1a3: {  	[tilespmem:$0x430] =	vst v3  }
0x1a4: {  	s0 =	rddreg [dreg:$0x17];
	[tilespmem:$0x440] =	vst v4  }
0x1a5: {  	s0 =	sadd.s32 @!p1 s13, s0;
	[tilespmem:$0x450] =	vst v0  }
0x1a6: {  	s0 =	sshll.u32 @!p1 s0, $0x4;
	[tilespmem:$0x460] =	vst v1  }
0x1a7: {  	s21 =	simm.s32 $0x0;
	s4 =	simm.s32 @!p1 $0x100;
	s2 =	sadd.s32 @!p1 s6, s0;
	[tilespmem:$0x470] =	vst v2  }
0x1a8: {  	[tilespmem:s4], [sflag:$0x9] =	stream.linear.gather @!p1 [hbm4b:s2+s1], $0x80, $0x38;
	[tilespmem:$0x18C80] =	vst v63  }
0x1a9: {  	s25 =	simm.s32 $0x14A0;
	s0 =	sadd.s32 @!p1 s7, s0;
	s2 =	simm.s32 @!p1 $0x280  }
0x1aa: {  	[tilespmem:s2], [sflag:$0x9] =	stream.linear.gather @!p1 [hbm4b:s0+s1], $0x80, $0x38;
	[tilespmem:$0x18C80] =	vst v63  }
0x1ab: {  	s26 =	simm.s32 $0x2CA0;
	s14 =	simm.s32 $0x30;
	s13 =	sand.u32 $0x600, s21;
	v0 =	vld [tilespmem:s25+$0x10]  }
0x1ac: {  	s4 =	sadd.s32 $0x4480, s13;
	s13 =	sand.u32 $0x1F0, s14;
	v1 =	vld [tilespmem:s26+$0x10]  }
0x1ad: {  	s13 =	sadd.s32 s13, s4;
	v2 =	vld [tilespmem:s26+$0xFFFFFFE0]  }
0x1ae: {  	v3 =	vld [tilespmem:s13+$0x0]  }
0x1af: {  	v4 =	vld [tilespmem:s25+$0xFFFFFFF0]  }
0x1b0: {  	v5 =	vld [tilespmem:s26+$0xFFFFFFF0]  }
0x1b1: {  	v6 =	vld [tilespmem:s25+$0xFFFFFFE0]  }
0x1b2: {  	s15 =	simm.s32 $0x10;
	s0 =	sand.u32 $0x1C0, s21;
	v7 =	vld [tilespmem:s25+$0x0];
	v0 =	vadd.f32 v1, v0  }
0x1b3: {  	s17 =	sand.u32 $0x1D0, s15;
	s19 =	simm.s32 $0x20;
	s0 =	sadd.s32 s0, s4;
	v8 =	vld [tilespmem:s26+$0x0]  }
0x1b4: {  	s1 =	sadd.s32 s17, s4;
	v1 =	vld [tilespmem:s0+$0x0];
	s0 =	sand.u32 $0x1E0, s19;
	v0 =	vadd.f32 v3, v0  }
0x1b5: {  	s0 =	sadd.s32 s0, s4;
	v3 =	vld [tilespmem:s1+$0x0]  }
0x1b6: {  	v2 =	vadd.f32 v2, v6;
	v6 =	vld [tilespmem:s0+$0x0];
	v9 =	vmul.f32 $2.000000030e-01, v0  }
0x1b7: {  	vm0 =	vge.f32 v0, $0.0e+00  }
0x1b8: {  	v4 =	vadd.f32 v5, v4;
	v0 =	vsel vm0, v0, v9  }
0x1b9: {  	v1 =	vadd.f32 v1, v2;
	v2 =	vadd.f32 v8, v7;
	v0 =	vmul.f32 $1.442695020e+00, v0  }
0x1ba: {  	v3 =	vadd.f32 v3, v4  }
0x1bb: {  	s26 =	simm.s32 $0x2CE0;
	v4 =	vmul.f32 $2.000000030e-01, v1;
	(erf) = vpow2.f32 v0;
	v0 =	vadd.f32 v6, v2  }
0x1bc: {  	s21 =	simm.s32 $0x40;
	v10 =	vld [tilespmem:s26+$0x10];
	vm11 =	vge.f32 v1, $0.0e+00;
	v2 =	vmul.f32 $2.000000030e-01, v3  }
0x1bd: {  	s15 =	simm.s32 $0x70;
	s25 =	simm.s32 $0x14E0;
	s14 =	sand.u32 $0x600, s21;
	v11 =	vld [tilespmem:s26+$0xFFFFFFE0];
	v1 =	vsel vm11, v1, v4;
	vm12 =	vge.f32 v3, $0.0e+00;
	v5 =	vmul.f32 $2.000000030e-01, v0  }
0x1be: {  	s13 =	sadd.s32 $0x4480, s14;
	s14 =	sand.u32 $0x1F0, s15;
	v9 =	vld [tilespmem:s25+$0x10];
	v1 =	vmul.f32 $1.442695020e+00, v1;
	v2 =	vsel vm12, v3, v2;
	vm13 =	vge.f32 v0, $0.0e+00  }
0x1bf: {  	v14 =	vld [tilespmem:s25+$0xFFFFFFF0];
	s14 =	sadd.s32 s14, s13;
	v2 =	vmul.f32 $1.442695020e+00, v2;
	v0 =	vsel vm13, v0, v5  }
0x1c0: {  	v13 =	vld [tilespmem:s14+$0x0];
	(erf) = vpow2.f32 v1;
	v0 =	vmul.f32 $1.442695020e+00, v0  }
0x1c1: {  	v15 =	vld [tilespmem:s26+$0xFFFFFFF0]  }
0x1c2: {  	v18 =	vld [tilespmem:s25+$0x0];
	(erf) = vpow2.f32 v2  }
0x1c3: {  	v20 =	vld [tilespmem:s26+$0x0];
	s1 =	simm.s32 $0x8D00;
	v9 =	vadd.f32 v10, v9;
	(erf) = vpow2.f32 v0  }
0x1c4: {  	s17 =	simm.s32 $0x50;
	v4 =	vld [tilespmem:s1+$0x70];
	v0 =	vpop (erf)  }
0x1c5: {  	v23 =	vld [tilespmem:s25+$0xFFFFFFE0];
	s14 =	sand.u32 $0x1D0, s17;
	v9 =	vadd.f32 v13, v9;
	v12 =	vbroadcast v0, $0x7  }
0x1c6: {  	s0 =	sand.u32 $0x1C0, s21;
	v62 =	vld [tilespmem:s1+$0xFFFFFFE0];
	s25 =	sadd.s32 s14, s13  }
0x1c7: {  	s0 =	sadd.s32 s0, s13;
	v27 =	vld [tilespmem:s25+$0x0];
	v28 =	vmul.f32 $2.000000030e-01, v9  }
0x1c8: {  	v25 =	vld [tilespmem:s0+$0x0];
	v2 =	vbroadcast v0, $0x4;
	v1 =	vbroadcast v0, $0x5  }
0x1c9: {  	v3 =	vld [tilespmem:s1+$0xFFFFFF80];
	v0 =	vbroadcast v0, $0x6;
	v4 =	vmul.f32 v4, v12;
	v12 =	vpop (erf)  }
0x1ca: {  	v14 =	vadd.f32 v15, v14;
	v6 =	vld [tilespmem:s1+$0xFFFFFF90];
	v16 =	vbroadcast v12, $0x4;
	v17 =	vbroadcast v12, $0x5  }
0x1cb: {  	s19 =	simm.s32 $0x60;
	v7 =	vld [tilespmem:s1+$0xFFFFFFB0];
	v10 =	vpop (erf);
	v19 =	vbroadcast v12, $0x6;
	v12 =	vbroadcast v12, $0x7  }
0x1cc: {  	s21 =	sand.u32 $0x1E0, s19;
	v14 =	vadd.f32 v27, v14;
	v5 =	vld [tilespmem:s1+$0xFFFFFFA0];
	v21 =	vbroadcast v10, $0x4;
	v22 =	vbroadcast v10, $0x5;
	v13 =	vpop (erf)  }
0x1cd: {  	s26 =	sadd.s32 s21, s13;
	v8 =	vld [tilespmem:s1+$0xFFFFFFC0];
	vm14 =	vge.f32 v9, $0.0e+00;
	v24 =	vbroadcast v10, $0x6;
	v26 =	vbroadcast v13, $0x4  }
0x1ce: {  	v15 =	vmul.f32 v16, v3;
	v16 =	vld [tilespmem:s26+$0x0];
	v29 =	vbroadcast v13, $0x5;
	v3 =	vsel vm14, v9, v28  }
0x1cf: {  	v63 =	vld [tilespmem:s1+$0x20];
	v6 =	vmul.f32 v17, v6;
	v9 =	vadd.f32 v11, v23;
	v11 =	vmul.f32 $1.442695020e+00, v3  }
0x1d0: {  	v61 =	vbroadcast v13, $0x6;
	v3 =	vbroadcast v13, $0x7;
	v13 =	vadd.f32 v20, v18;
	v18 =	vld [tilespmem:s1+$0xFFFFFFF0]  }
0x1d1: {  	v17 =	vld [tilespmem:s1+$0xFFFFFFD0];
	v5 =	vmul.f32 v19, v5;
	v19 =	vadd.f32 v25, v9;
	(erf) = vpow2.f32 v11  }
0x1d2: {  	vm1 =	vge.f32 v14, $0.0e+00;
	[tilespmem:s1+$0x70] =	vst v4;
	v10 =	vbroadcast v10, $0x7;
	v7 =	vmul.f32 v7, v12;
	v9 =	vld [tilespmem:s1+$0x30]  }
0x1d3: {  	v8 =	vmul.f32 v21, v8;
	[tilespmem:s1+$0xFFFFFF80] =	vst v15;
	v11 =	vld [tilespmem:s1+$0x0];
	v4 =	vmul.f32 $2.000000030e-01, v19;
	v12 =	vadd.f32 v16, v13  }
0x1d4: {  	s13 =	simm.s32 $0x8E00;
	[tilespmem:s1+$0xFFFFFFB0] =	vst v7;
	v7 =	vmul.f32 v24, v62;
	vm15 =	vge.f32 v19, $0.0e+00;
	v16 =	vld [tilespmem:s1+$0x10];
	v13 =	vmul.f32 $2.000000030e-01, v14  }
0x1d5: {  	[tilespmem:s1+$0xFFFFFFC0] =	vst v8;
	v4 =	vsel vm15, v19, v4;
	v19 =	vld [tilespmem:s13+$0x70];
	v8 =	vmul.f32 v18, v10;
	v15 =	vmul.f32 $2.000000030e-01, v12  }
0x1d6: {  	[tilespmem:s1+$0xFFFFFF90] =	vst v6;
	vm2 =	vge.f32 v12, $0.0e+00;
	v6 =	vsel vm1, v14, v13;
	v14 =	vld [tilespmem:s1+$0x40];
	v4 =	vmul.f32 $1.442695020e+00, v4  }
0x1d7: {  	[tilespmem:s1+$0xFFFFFFA0] =	vst v5;
	v17 =	vmul.f32 v22, v17;
	v13 =	vld [tilespmem:s1+$0x50];
	v5 =	vmul.f32 $1.442695020e+00, v6;
	v6 =	vsel vm2, v12, v15  }
0x1d8: {  	[tilespmem:s1+$0xFFFFFFF0] =	vst v8;
	v8 =	vld [tilespmem:s13+$0xFFFFFFB0];
	(erf) = vpow2.f32 v4;
	v6 =	vmul.f32 $1.442695020e+00, v6  }
0x1d9: {  	[tilespmem:s1+$0xFFFFFFE0] =	vst v7;
	v15 =	vld [tilespmem:s1+$0x60];
	(erf) = vpow2.f32 v5;
	v16 =	vmul.f32 v29, v16  }
0x1da: {  	[tilespmem:s1+$0xFFFFFFD0] =	vst v17;
	v10 =	vmul.f32 v26, v11;
	v4 =	vld [tilespmem:s13+$0xFFFFFF80];
	(erf) = vpow2.f32 v6;
	v7 =	vpop (erf)  }
0x1db: {  	v5 =	vld [tilespmem:s13+$0xFFFFFF90];
	[tilespmem:s1+$0x10] =	vst v16;
	v16 =	vmul.f32 v61, v63;
	v17 =	vbroadcast v7, $0x7  }
0x1dc: {  	s17 =	simm.s32 $0x1520;
	v6 =	vld [tilespmem:s13+$0xFFFFFFA0];
	v12 =	vbroadcast v7, $0x4;
	v11 =	vbroadcast v7, $0x5  }
0x1dd: {  	s19 =	simm.s32 $0x2D20;
	s0 =	simm.s32 $0x80;
	s14 =	simm.s32 $0x4;
	[tilespmem:s1+$0x0] =	vst v10;
	v10 =	vbroadcast v7, $0x6;
	v7 =	vld [tilespmem:s13+$0xFFFFFFC0];
	v17 =	vmul.f32 v19, v17  }
.LBB2_18:
0x1de: {  	s2 =	sand.u32 $0x600, s0;
	s4 =	sadd.s32 $0x30, s0;
	v18 =	vld [tilespmem:s17+$0x10];
	s14 =	sadd.s32 $0x4, s14;
	v3 =	vmul.f32 v9, v3;
	v9 =	vmul.f32 v2, v14;
	v2 =	vmov v12  }
0x1df: {  	v13 =	vmul.f32 v1, v13;
	v14 =	vmul.f32 v0, v15;
	v1 =	vmovc v11;
	v0 =	vmov v10;
	s2 =	sadd.s32 $0x4480, s2;
	v12 =	vld [tilespmem:s19+$0x10];
	s4 =	sand.u32 $0x1F0, s4;
	p2 =	slt.u32 s14, $0x7C;
	[tilespmem:s13+$0x70] =	vst v17  }
0x1e0: {  	s15 =	sadd.s32 $0x10, s0;
	s21 =	sadd.s32 $0x20, s0;
	v10 =	vld [tilespmem:s19+$0xFFFFFFE0];
	s4 =	sadd.s32 s4, s2;
	[tilespmem:s1+$0x20] =	vst v16  }
0x1e1: {  	s25 =	sand.u32 $0x1C0, s0;
	s15 =	sand.u32 $0x1D0, s15;
	s21 =	sand.u32 $0x1E0, s21;
	v11 =	vld [tilespmem:s4+$0x0];
	v15 =	vpop (erf);
	[tilespmem:s1+$0x30] =	vst v3  }
0x1e2: {  	s15 =	sadd.s32 s15, s2;
	s4 =	sadd.s32 s25, s2;
	s2 =	sadd.s32 s21, s2;
	v16 =	vld [tilespmem:s17+$0xFFFFFFF0];
	v17 =	vbroadcast v15, $0x4;
	v19 =	vbroadcast v15, $0x5;
	v3 =	vpop (erf);
	[tilespmem:s1+$0x40] =	vst v9  }
0x1e3: {  	v20 =	vbroadcast v15, $0x6;
	v15 =	vbroadcast v15, $0x7;
	v9 =	vld [tilespmem:s19+$0xFFFFFFF0];
	v21 =	vpop (erf);
	[tilespmem:s1+$0x50] =	vst v13  }
0x1e4: {  	v22 =	vbroadcast v3, $0x5;
	v13 =	vld [tilespmem:s17+$0x0];
	v12 =	vadd.f32 v12, v18;
	v18 =	vbroadcast v3, $0x4;
	[tilespmem:s1+$0x60] =	vst v14;
	s1 =	smov.u32 s13  }
0x1e5: {  	v23 =	vbroadcast v3, $0x6;
	v24 =	vbroadcast v3, $0x7;
	v14 =	vld [tilespmem:s19+$0x0]  }
0x1e6: {  	v26 =	vbroadcast v21, $0x5;
	v25 =	vld [tilespmem:s17+$0xFFFFFFE0];
	v11 =	vadd.f32 v11, v12;
	v12 =	vbroadcast v21, $0x4  }
0x1e7: {  	v28 =	vbroadcast v21, $0x6;
	v3 =	vbroadcast v21, $0x7;
	v27 =	vld [tilespmem:s4+$0x0]  }
0x1e8: {  	v4 =	vmul.f32 v17, v4;
	v9 =	vadd.f32 v9, v16;
	v16 =	vld [tilespmem:s15+$0x0];
	v21 =	vmul.f32 $2.000000030e-01, v11  }
0x1e9: {  	v5 =	vmul.f32 v19, v5;
	v6 =	vmul.f32 v20, v6;
	vm0 =	vge.f32 v11, $0.0e+00;
	v17 =	vld [tilespmem:s2+$0x0]  }
0x1ea: {  	v13 =	vadd.f32 v14, v13;
	v11 =	vsel vm0, v11, v21;
	[tilespmem:s13+$0xFFFFFF80] =	vst v4;
	v4 =	vmul.f32 v8, v15;
	v8 =	vld [tilespmem:s13+$0xFFFFFFD0]  }
0x1eb: {  	v10 =	vadd.f32 v10, v25;
	v11 =	vmul.f32 $1.442695020e+00, v11;
	[tilespmem:s13+$0xFFFFFF90] =	vst v5;
	v5 =	vmul.f32 v18, v7;
	v7 =	vld [tilespmem:s13+$0xFFFFFFE0]  }
0x1ec: {  	[tilespmem:s13+$0xFFFFFFA0] =	vst v6;
	v6 =	vld [tilespmem:s13+$0xFFFFFFF0]  }
0x1ed: {  	v10 =	vadd.f32 v27, v10;
	v14 =	vadd.f32 v16, v9;
	(erf) = vpow2.f32 v11;
	[tilespmem:s13+$0xFFFFFFB0] =	vst v4;
	v11 =	vld [tilespmem:s13+$0x0]  }
0x1ee: {  	v4 =	vadd.f32 v17, v13;
	[tilespmem:s13+$0xFFFFFFC0] =	vst v5;
	v16 =	vld [tilespmem:s13+$0x10]  }
0x1ef: {  	vm0 =	vge.f32 v10, $0.0e+00;
	v5 =	vmul.f32 $2.000000030e-01, v10;
	v13 =	vmul.f32 $2.000000030e-01, v14;
	v18 =	vld [tilespmem:s13+$0x20]  }
0x1f0: {  	vm1 =	vge.f32 v14, $0.0e+00;
	vm2 =	vge.f32 v4, $0.0e+00;
	v15 =	vmul.f32 $2.000000030e-01, v4;
	v9 =	vld [tilespmem:s13+$0x30]  }
0x1f1: {  	v8 =	vmul.f32 v22, v8;
	v5 =	vsel vm0, v10, v5;
	v10 =	vsel vm1, v14, v13;
	v14 =	vld [tilespmem:s13+$0x40]  }
0x1f2: {  	v5 =	vmul.f32 $1.442695020e+00, v5;
	v10 =	vmul.f32 $1.442695020e+00, v10;
	v4 =	vsel vm2, v4, v15;
	v13 =	vld [tilespmem:s13+$0x50]  }
0x1f3: {  	v7 =	vmul.f32 v23, v7;
	s13 =	sadd.s32 $0x100, s13;
	v17 =	vmul.f32 $1.442695020e+00, v4;
	[tilespmem:s1+$0xFFFFFFD0] =	vst v8;
	v15 =	vld [tilespmem:s1+$0x60]  }
0x1f4: {  	v6 =	vmul.f32 v6, v24;
	v19 =	vld [tilespmem:s13+$0x70];
	(erf) = vpow2.f32 v5  }
.Ltmp5:
0x1f5: {  	v4 =	vld [tilespmem:s13+$0xFFFFFF80];
	(erf) = vpow2.f32 v10;
	[tilespmem:s1+$0xFFFFFFE0] =	vst v7;
	v7 =	vmul.f32 v12, v11;
	(pc) =	sbr.rel @p2 .LBB2_18-.Ltmp5, $4  }
0x1f6: {  	v16 =	vmul.f32 v26, v16;
	v5 =	vld [tilespmem:s13+$0xFFFFFF90];
	(erf) = vpow2.f32 v17;
	v10 =	vpop (erf);
	[tilespmem:s1+$0xFFFFFFF0] =	vst v6  }
0x1f7: {  	v6 =	vld [tilespmem:s13+$0xFFFFFFA0];
	v12 =	vbroadcast v10, $0x4;
	v17 =	vbroadcast v10, $0x7;
	[tilespmem:s1+$0x0] =	vst v7  }
0x1f8: {  	v11 =	vbroadcast v10, $0x5;
	v10 =	vbroadcast v10, $0x6;
	v8 =	vld [tilespmem:s13+$0xFFFFFFB0];
	[tilespmem:s1+$0x10] =	vst v16  }
0x1f9: {  	s0 =	sadd.s32 $0x40, s0;
	s19 =	sadd.s32 $0x40, s19;
	s17 =	sadd.s32 $0x40, s17;
	v16 =	vmul.f32 v28, v18;
	v7 =	vld [tilespmem:s13+$0xFFFFFFC0];
	v17 =	vmul.f32 v19, v17  }
0x1fa: {  	v53 =	vld [tilespmem:s13+$0x40]  }
0x1fb: {  	v3 =	vmul.f32 v9, v3;
	v55 =	vld [tilespmem:s13+$0x50];
	[tilespmem:s13+$0x70] =	vst v17  }
0x1fc: {  	v2 =	vmul.f32 v2, v14;
	v57 =	vld [tilespmem:s13+$0x60];
	[tilespmem:s1+$0x20] =	vst v16  }
0x1fd: {  	v1 =	vmul.f32 v1, v13;
	[tilespmem:s1+$0x30] =	vst v3  }
0x1fe: {  	v0 =	vmul.f32 v0, v15;
	[tilespmem:s1+$0x40] =	vst v2  }
0x1ff: {  	[tilespmem:s1+$0x50] =	vst v1;
	v33 =	vpop (erf);
	v61 =	vmul.f32 v12, v53  }
0x200: {  	[tilespmem:s1+$0x60] =	vst v0;
	v34 =	vbroadcast v33, $0x4;
	v62 =	vmul.f32 v11, v55  }
0x201: {  	v35 =	vbroadcast v33, $0x5;
	v63 =	vmul.f32 v10, v57;
	[tilespmem:s13+$0x40] =	vst v61  }
0x202: {  	v38 =	vld [tilespmem:s13+$0xFFFFFFD0];
	v36 =	vbroadcast v33, $0x6;
	v37 =	vmul.f32 v34, v4;
	[tilespmem:s13+$0x50] =	vst v62  }
0x203: {  	v41 =	vld [tilespmem:s13+$0xFFFFFFE0];
	v39 =	vpop (erf);
	v9 =	vbroadcast v33, $0x7;
	v40 =	vmul.f32 v35, v5;
	[tilespmem:s13+$0x60] =	vst v63  }
0x204: {  	v43 =	vld [tilespmem:s13+$0xFFFFFFF0];
	v42 =	vbroadcast v39, $0x4;
	v2 =	vmul.f32 v36, v6;
	[tilespmem:s13+$0xFFFFFF80] =	vst v37  }
0x205: {  	v45 =	vld [tilespmem:s13+$0x0];
	v44 =	vbroadcast v39, $0x5;
	v8 =	vmul.f32 v8, v9;
	[tilespmem:s13+$0xFFFFFF90] =	vst v40  }
0x206: {  	v47 =	vld [tilespmem:s13+$0x10];
	v46 =	vbroadcast v39, $0x6;
	v7 =	vmul.f32 v42, v7;
	[tilespmem:s13+$0xFFFFFFA0] =	vst v2  }
0x207: {  	v49 =	vld [tilespmem:s13+$0x20];
	v48 =	vpop (erf);
	v4 =	vbroadcast v39, $0x7;
	v3 =	vmul.f32 v44, v38;
	[tilespmem:s13+$0xFFFFFFB0] =	vst v8  }
0x208: {  	v51 =	vld [tilespmem:s13+$0x30];
	v50 =	vbroadcast v48, $0x4;
	v5 =	vmul.f32 v46, v41;
	[tilespmem:s13+$0xFFFFFFC0] =	vst v7  }
0x209: {  	v52 =	vbroadcast v48, $0x5;
	v1 =	vmul.f32 v43, v4;
	[tilespmem:s13+$0xFFFFFFD0] =	vst v3  }
0x20a: {  	v54 =	vbroadcast v48, $0x6;
	v0 =	vmul.f32 v50, v45;
	[tilespmem:s13+$0xFFFFFFE0] =	vst v5  }
0x20b: {  	v56 =	vbroadcast v48, $0x7;
	v58 =	vmul.f32 v52, v47;
	[tilespmem:s13+$0xFFFFFFF0] =	vst v1  }
0x20c: {  	v59 =	vmul.f32 v54, v49;
	[tilespmem:s13+$0x0] =	vst v0  }
0x20d: {  	v60 =	vmul.f32 v51, v56;
	[tilespmem:s13+$0x10] =	vst v58  }
.Ltmp6:
0x20e: {  	[tilespmem:s13+$0x20] =	vst v59;
	(pc) =	sbr.rel @p1 .LBB2_21-.Ltmp6, $4  }
0x20f: {  	[tilespmem:s13+$0x30] =	vst v60  }
0x210: {  	_ =	swait.ge [sflag:s24], $0x2000  }
0x211: {  	[sflag:s24] =	ssyncset.done $0x0  }
0x212: {  	[sflag:s24] =	ssyncadd.s32 $0xFFFFE000  }
0x213: {  	_ =	swait.ge [sflag:s16], $0x80  }
0x214: {  	[sflag:s16] =	ssyncset.done $0x0  }
0x215: {  	[sflag:s16] =	ssyncadd.s32 $0xFFFFFF80  }
0x216: {  	s0 =	sadd.s32 s12, s3;
	_ =	swait.ge [sflag:s16], $0x80  }
0x217: {  	s1 =	simm.s32 $0x0;
	s0 =	sshll.u32 s0, $0x8;
	[sflag:s16] =	ssyncset.done $0x0  }
0x218: {  	s2 =	simm.s32 $0x3C80;
	s0 =	sadd.s32 s11, s0;
	[sflag:s16] =	ssyncadd.s32 $0xFFFFFF80  }
0x219: {  	[tilespmem:s2], [sflag:$0x2] =	stream.linear.gather [hbm4b:s0+s1], $0x800, $0x38;
	[tilespmem:$0x18C80] =	vst v63  }
0x21a: {  	s14 =	simm.s32 $0xC80  }
0x21b: {  	[tilespmem:s14], [sflag:$0x2] =	stream.indirect.gather [hbm4b:s9+s28], $0x10, s28, s28, $0xb8;
	[tilespmem:$0x18C80] =	vst v63  }
0x21c: {  	s15 =	simm.s32 $0x200;
	s17 =	simm.s32 $0x2480  }
0x21d: {  	[tilespmem:s17], [sflag:$0x2] =	stream.indirect.gather [hbm4b:s10+s28], $0x10, s15, s28, $0xb8;
	[tilespmem:$0x18C80] =	vst v63  }
.Ltmp7:
0x21e: {  	_ = 	snop;
	(pc) =	sbr.rel .LBB2_13-.Ltmp7, $4  }
0x21f: {  	s21 =	simm.s32 $0x6C80;
	s19 =	rddreg [dreg:$0x18]  }
0x220: {  	[tilespmem:s21], [sflag:$0x2] =	stream.indirect.gather [hbm4b:s19+s28], $0x40, s28, s28, $0xb8;
	[tilespmem:$0x18C80] =	vst v63  }
0x221: {  	s25 =	simm.s32 $0x8C80;
	s26 =	simm.s32 $0x400;
	s30 =	sadd.s32 $0x1, s30  }
0x222: {  	[spmem:s31] =	stream.indirect.scatter.add.f32 [tilespmem:s25], [sflag:$0x6], $0x40, s26, s28, $0xb8;
	[tilespmem:$0x18C80] =	vst v63  }
.LBB2_2:
0x223: {  	s4 =	simm.s32 $0x0;
	s0 =	rddreg [dreg:$0x1];
	s1 =	simm.s32 $0x4C80  }
0x224: {  	[tilespmem:s1], [sflag:$0x1] =	stream.indirect.gather [hbm4b:s0+s28], $0x40, s4, s28, $0xb8;
	[tilespmem:$0x18C80] =	vst v63  }
0x225: {  	s25 =	rddreg [dreg:$0xf];
	s2 =	simm.s32 $0x3C80  }
0x226: {  	[tilespmem:s2], [sflag:$0x2] =	stream.linear.gather [hbm4b:s25+s4], $0x800, $0x38;
	[tilespmem:$0x18C80] =	vst v63  }
0x227: {  	s26 =	simm.s32 $0xC80  }
0x228: {  	[tilespmem:s26], [sflag:$0x2] =	stream.indirect.gather [hbm4b:s9+s28], $0x10, s28, s28, $0xb8;
	[tilespmem:$0x18C80] =	vst v63  }
0x229: {  	s30 =	simm.s32 $0x2480  }
0x22a: {  	[tilespmem:s30], [sflag:$0x2] =	stream.indirect.gather [hbm4b:s10+s28], $0x10, s3, s28, $0xb8;
	[tilespmem:$0x18C80] =	vst v63  }
0x22b: {  	[dreg:$0x1b] =	wrdreg s13;
	s31 =	simm.s32 $0x6C80;
	s29 =	simm.s32 $0x0  }
0x22c: {  	[tilespmem:s31], [sflag:$0x2] =	stream.indirect.gather [hbm4b:s0+s28], $0x40, s28, s28, $0xb8;
	[tilespmem:$0x18C80] =	vst v63  }
.LBB2_3:
0x22d: {  	_ =	swait.ge [sflag:s22], $0x800  }
0x22e: {  	[sflag:s22] =	ssyncset.done $0x0  }
0x22f: {  	[sflag:s22] =	ssyncadd.s32 $0xFFFFF800  }
0x230: {  	_ =	swait.ge [sflag:s22], $0x800  }
0x231: {  	[sflag:s22] =	ssyncset.done $0x0  }
0x232: {  	[sflag:s22] =	ssyncadd.s32 $0xFFFFF800  }
0x233: {  	_ =	swait.ge [sflag:s22], $0x800  }
0x234: {  	[sflag:s22] =	ssyncset.done $0x0  }
0x235: {  	[sflag:s22] =	ssyncadd.s32 $0xFFFFF800  }
0x236: {  	_ =	swait.ge [sflag:s22], $0x2000  }
0x237: {  	[sflag:s22] =	ssyncset.done $0x0  }
0x238: {  	[sflag:s22] =	ssyncadd.s32 $0xFFFFE000  }
0x239: {  	v0 =	vld [tilespmem:$0x180]  }
0x23a: {  	v1 =	vld [tilespmem:$0x190]  }
0x23b: {  	v2 =	vld [tilespmem:$0x1A0]  }
0x23c: {  	v3 =	vld [tilespmem:$0x1B0]  }
0x23d: {  	v4 =	vld [tilespmem:$0x1C0]  }
0x23e: {  	[tilespmem:$0x300] =	vst v0;
	v0 =	vld [tilespmem:$0x1D0]  }
0x23f: {  	[tilespmem:$0x310] =	vst v1;
	v1 =	vld [tilespmem:$0x1E0]  }
0x240: {  	s13 =	smul.u32 $0x3, s29;
	[tilespmem:$0x320] =	vst v2;
	v2 =	vld [tilespmem:$0x1F0]  }
0x241: {  	[tilespmem:$0x330] =	vst v3  }
0x242: {  	p1 =	seq.s32 s29, $0x34;
	s0 =	sadd.s32 $0x3, s13;
	[tilespmem:$0x340] =	vst v4  }
0x243: {  	s3 =	sadd.s32 @!p1 s12, s0;
	[tilespmem:$0x350] =	vst v0  }
0x244: {  	s0 =	sshll.u32 @!p1 s3, $0x4;
	[tilespmem:$0x360] =	vst v1  }
0x245: {  	s8 =	simm.s32 $0x4A0;
	s14 =	simm.s32 @!p1 $0x0;
	s1 =	sadd.s32 @!p1 s6, s0;
	[tilespmem:$0x370] =	vst v2  }
0x246: {  	[tilespmem:s14], [sflag:$0x7] =	stream.linear.gather @!p1 [hbm4b:s1+s14], $0x80, $0x38;
	[tilespmem:$0x18C80] =	vst v63  }
0x247: {  	s2 =	simm.s32 $0x0;
	s0 =	sadd.s32 @!p1 s7, s0;
	s1 =	simm.s32 @!p1 $0x180  }
0x248: {  	[tilespmem:s1], [sflag:$0x7] =	stream.linear.gather @!p1 [hbm4b:s0+s14], $0x80, $0x38;
	[tilespmem:$0x18C80] =	vst v63  }
0x249: {  	s15 =	simm.s32 $0x1CA0;
	s17 =	simm.s32 $0x30;
	s19 =	sand.u32 $0x600, s2;
	v0 =	vld [tilespmem:s8+$0x10]  }
0x24a: {  	s17 =	sand.u32 $0x1F0, s17;
	s14 =	sadd.s32 $0x3480, s19;
	v1 =	vld [tilespmem:s15+$0x10]  }
0x24b: {  	s17 =	sadd.s32 s17, s14  }
0x24c: {  	v2 =	vld [tilespmem:s17+$0x0];
	_ =	sdelay $0x2  }
0x24d: {  	v0 =	vadd.f32 v1, v0;
	_ =	sdelay $0x1  }
0x24e: {  	v4 =	vld [tilespmem:s8+$0xFFFFFFE0];
	v0 =	vadd.f32 v2, v0  }
0x24f: {  	v1 =	vld [tilespmem:s15+$0xFFFFFFE0]  }
0x250: {  	s21 =	sand.u32 $0x1C0, s2;
	s19 =	simm.s32 $0x10;
	v5 =	vld [tilespmem:s15+$0xFFFFFFF0];
	v3 =	vmul.f32 $2.000000030e-01, v0  }
0x251: {  	s19 =	sand.u32 $0x1D0, s19;
	s17 =	sadd.s32 s21, s14;
	v2 =	vld [tilespmem:s8+$0xFFFFFFF0];
	vm0 =	vge.f32 v0, $0.0e+00  }
0x252: {  	s25 =	sadd.s32 s19, s14;
	v0 =	vsel vm0, v0, v3;
	v3 =	vld [tilespmem:s17+$0x0]  }
0x253: {  	v6 =	vld [tilespmem:s25+$0x0];
	v0 =	vmul.f32 $1.442695020e+00, v0  }
0x254: {  	s26 =	simm.s32 $0x20;
	v1 =	vadd.f32 v1, v4;
	v4 =	vld [tilespmem:s15+$0x0]  }
0x255: {  	s30 =	sand.u32 $0x1E0, s26;
	(erf) = vpow2.f32 v0;
	v0 =	vld [tilespmem:s8+$0x0]  }
0x256: {  	s0 =	sadd.s32 s30, s14;
	v2 =	vadd.f32 v5, v2  }
0x257: {  	v1 =	vadd.f32 v3, v1;
	v3 =	vld [tilespmem:s0+$0x0]  }
0x258: {  	v2 =	vadd.f32 v6, v2  }
0x259: {  	v5 =	vmul.f32 $2.000000030e-01, v1  }
0x25a: {  	s2 =	simm.s32 $0x40;
	vm10 =	vge.f32 v1, $0.0e+00;
	v0 =	vadd.f32 v4, v0;
	v4 =	vmul.f32 $2.000000030e-01, v2  }
0x25b: {  	s26 =	simm.s32 $0x70;
	s21 =	sand.u32 $0x600, s2;
	vm11 =	vge.f32 v2, $0.0e+00;
	v1 =	vsel vm10, v1, v5  }
0x25c: {  	s4 =	simm.s32 $0x4E0;
	s26 =	sand.u32 $0x1F0, s26;
	s21 =	sadd.s32 $0x3480, s21;
	v1 =	vmul.f32 $1.442695020e+00, v1;
	v0 =	vadd.f32 v3, v0;
	v2 =	vsel vm11, v2, v4  }
0x25d: {  	v8 =	vld [tilespmem:s4+$0xFFFFFFF0];
	s26 =	sadd.s32 s26, s21;
	v2 =	vmul.f32 $1.442695020e+00, v2  }
0x25e: {  	v7 =	vld [tilespmem:s26+$0x0];
	s8 =	simm.s32 $0x1CE0;
	(erf) = vpow2.f32 v1;
	v1 =	vmul.f32 $2.000000030e-01, v0  }
0x25f: {  	s0 =	simm.s32 $0xACA0;
	v5 =	vld [tilespmem:s8+$0x10];
	v3 =	vpop (erf);
	vm12 =	vge.f32 v0, $0.0e+00  }
0x260: {  	s17 =	simm.s32 $0x4D00;
	[tilespmem:s0+$0x10] =	vst v3;
	(erf) = vpow2.f32 v2;
	v2 =	vld [tilespmem:s4+$0x10];
	v0 =	vsel vm12, v0, v1  }
0x261: {  	v4 =	vld [tilespmem:s17+$0x70];
	v0 =	vmul.f32 $1.442695020e+00, v0  }
0x262: {  	v21 =	vld [tilespmem:s17+$0x40]  }
0x263: {  	v12 =	vld [tilespmem:s4+$0x0];
	(erf) = vpow2.f32 v0  }
0x264: {  	v9 =	vld [tilespmem:s8+$0xFFFFFFF0];
	v11 =	vbroadcast v3, $0x3  }
0x265: {  	v6 =	vld [tilespmem:s8+$0xFFFFFFE0];
	v10 =	vbroadcast v3, $0x0;
	v2 =	vadd.f32 v5, v2  }
0x266: {  	s1 =	sand.u32 $0x1C0, s2;
	s15 =	simm.s32 $0x50;
	v1 =	vbroadcast v3, $0x1;
	v11 =	vmul.f32 v4, v11;
	v4 =	vld [tilespmem:s4+$0xFFFFFFE0]  }
0x267: {  	s1 =	sadd.s32 s1, s21;
	s26 =	simm.s32 $0x60;
	s25 =	sand.u32 $0x1D0, s15;
	v13 =	vld [tilespmem:s8+$0x0];
	v0 =	vbroadcast v3, $0x2;
	v10 =	vmul.f32 v10, v21;
	v2 =	vadd.f32 v7, v2;
	v3 =	vpop (erf)  }
0x268: {  	s30 =	sand.u32 $0x1E0, s26;
	s19 =	sadd.s32 s25, s21;
	v7 =	vld [tilespmem:s1+$0x0];
	v14 =	vbroadcast v3, $0x0;
	v15 =	vbroadcast v3, $0x1  }
0x269: {  	v20 =	vld [tilespmem:s19+$0x0];
	v8 =	vadd.f32 v9, v8;
	s1 =	sadd.s32 s30, s21;
	v16 =	vpop (erf);
	v17 =	vbroadcast v3, $0x2;
	v5 =	vmul.f32 $2.000000030e-01, v2  }
0x26a: {  	v25 =	vld [tilespmem:s1+$0x0];
	v18 =	vbroadcast v3, $0x3;
	[tilespmem:s0+$0xFFFFFFE0] =	vst v3;
	vm13 =	vge.f32 v2, $0.0e+00;
	v19 =	vbroadcast v16, $0x0  }
0x26b: {  	v22 =	vbroadcast v16, $0x1;
	v9 =	vld [tilespmem:s17+$0xFFFFFF80];
	v2 =	vsel vm13, v2, v5;
	v4 =	vadd.f32 v6, v4  }
0x26c: {  	v23 =	vbroadcast v16, $0x2;
	v27 =	vld [tilespmem:s17+$0xFFFFFFA0];
	v6 =	vadd.f32 v13, v12;
	v12 =	vmul.f32 $1.442695020e+00, v2;
	v26 =	vpop (erf)  }
0x26d: {  	v24 =	vbroadcast v16, $0x3;
	[tilespmem:s0+$0xFFFFFFF0] =	vst v16;
	v13 =	vld [tilespmem:s17+$0xFFFFFF90];
	v4 =	vadd.f32 v7, v4;
	v5 =	vbroadcast v26, $0x0  }
0x26e: {  	v21 =	vld [tilespmem:s17+$0xFFFFFFD0];
	v7 =	vadd.f32 v20, v8;
	v3 =	vbroadcast v26, $0x1;
	(erf) = vpow2.f32 v12  }
0x26f: {  	v62 =	vld [tilespmem:s17+$0xFFFFFFF0];
	v6 =	vadd.f32 v25, v6;
	v2 =	vbroadcast v26, $0x2;
	v16 =	vmul.f32 $2.000000030e-01, v4  }
0x270: {  	v8 =	vld [tilespmem:s17+$0xFFFFFFB0];
	v20 =	vmul.f32 $2.000000030e-01, v7;
	vm14 =	vge.f32 v4, $0.0e+00;
	vm1 =	vge.f32 v7, $0.0e+00  }
0x271: {  	v12 =	vld [tilespmem:s17+$0xFFFFFFC0];
	[tilespmem:s0+$0x0] =	vst v26;
	v25 =	vmul.f32 $2.000000030e-01, v6;
	vm15 =	vge.f32 v6, $0.0e+00;
	v9 =	vmul.f32 v14, v9  }
0x272: {  	[tilespmem:s17+$0x40] =	vst v10;
	v14 =	vld [tilespmem:s17+$0x0];
	v10 =	vmul.f32 v15, v13;
	v16 =	vsel vm14, v4, v16;
	v7 =	vsel vm1, v7, v20  }
0x273: {  	[tilespmem:s17+$0x70] =	vst v11;
	v13 =	vld [tilespmem:s17+$0x10];
	v4 =	vbroadcast v26, $0x3;
	v6 =	vsel vm15, v6, v25;
	v11 =	vmul.f32 $1.442695020e+00, v16  }
0x274: {  	v20 =	vld [tilespmem:s17+$0xFFFFFFE0];
	v7 =	vmul.f32 $1.442695020e+00, v7;
	v6 =	vmul.f32 $1.442695020e+00, v6  }
0x275: {  	v15 =	vld [tilespmem:s17+$0x50];
	[tilespmem:s17+$0xFFFFFF80] =	vst v9;
	v18 =	vmul.f32 v8, v18;
	(erf) = vpow2.f32 v11  }
0x276: {  	v9 =	vmul.f32 v17, v27;
	[tilespmem:s17+$0xFFFFFF90] =	vst v10;
	v10 =	vld [tilespmem:s17+$0x30];
	(erf) = vpow2.f32 v7  }
0x277: {  	s14 =	simm.s32 $0xACE0;
	v63 =	vmul.f32 v19, v12;
	v11 =	vld [tilespmem:s17+$0x20];
	[tilespmem:s17+$0xFFFFFFB0] =	vst v18;
	(erf) = vpow2.f32 v6;
	v16 =	vpop (erf)  }
0x278: {  	s1 =	simm.s32 $0x4E00;
	v12 =	vld [tilespmem:s17+$0x60];
	v19 =	vmul.f32 v22, v21;
	v18 =	vmul.f32 v62, v24;
	[tilespmem:s14+$0x10] =	vst v16  }
0x279: {  	s31 =	simm.s32 $0x520;
	[tilespmem:s17+$0xFFFFFFA0] =	vst v9;
	v20 =	vmul.f32 v23, v20;
	v7 =	vbroadcast v16, $0x0;
	v17 =	vld [tilespmem:s1+$0x70]  }
0x27a: {  	s26 =	simm.s32 $0x80;
	s19 =	simm.s32 $0x4;
	s0 =	simm.s32 $0x1D20;
	[tilespmem:s17+$0xFFFFFFC0] =	vst v63;
	v8 =	vbroadcast v16, $0x1;
	v6 =	vbroadcast v16, $0x2;
	v9 =	vld [tilespmem:s1+$0x40]  }
.LBB2_4:
0x27b: {  	s21 =	sand.u32 $0x600, s26;
	s15 =	sadd.s32 $0x30, s26;
	v21 =	vld [tilespmem:s31+$0x10];
	s19 =	sadd.s32 $0x4, s19;
	[tilespmem:s17+$0xFFFFFFD0] =	vst v19;
	v5 =	vmul.f32 v5, v14;
	v13 =	vmul.f32 v3, v13  }
0x27c: {  	v14 =	vbroadcast v16, $0x3;
	v11 =	vmul.f32 v2, v11;
	s21 =	sadd.s32 $0x3480, s21;
	v3 =	vld [tilespmem:s0+$0x10];
	s15 =	sand.u32 $0x1F0, s15;
	p2 =	slt.u32 s19, $0x7C;
	[tilespmem:s17+$0xFFFFFFE0] =	vst v20  }
0x27d: {  	s25 =	sadd.s32 $0x10, s26;
	s30 =	sadd.s32 $0x20, s26;
	v10 =	vmul.f32 v10, v4;
	v15 =	vmul.f32 v1, v15;
	v1 =	vmov v8;
	v16 =	vld [tilespmem:s0+$0xFFFFFFE0];
	s15 =	sadd.s32 s15, s21;
	[tilespmem:s17+$0xFFFFFFF0] =	vst v18  }
0x27e: {  	s4 =	sand.u32 $0x1C0, s26;
	s25 =	sand.u32 $0x1D0, s25;
	s30 =	sand.u32 $0x1E0, s30;
	v12 =	vmul.f32 v0, v12;
	v0 =	vmov v6;
	v2 =	vld [tilespmem:s15+$0x0];
	v20 =	vmul.f32 v17, v14;
	v8 =	vpop (erf);
	[tilespmem:s17+$0x0] =	vst v5  }
0x27f: {  	s4 =	sadd.s32 s4, s21;
	s15 =	sadd.s32 s25, s21;
	s21 =	sadd.s32 s30, s21;
	v6 =	vld [tilespmem:s31+$0xFFFFFFF0];
	[tilespmem:s14+$0xFFFFFFE0] =	vst v8;
	v14 =	vbroadcast v8, $0x0;
	v17 =	vbroadcast v8, $0x1;
	v5 =	vpop (erf)  }
0x280: {  	v19 =	vbroadcast v8, $0x2;
	v8 =	vbroadcast v8, $0x3;
	v18 =	vld [tilespmem:s0+$0xFFFFFFF0];
	[tilespmem:s1+$0x70] =	vst v20;
	v4 =	vpop (erf)  }
0x281: {  	v22 =	vbroadcast v5, $0x1;
	v20 =	vld [tilespmem:s31+$0x0];
	v3 =	vadd.f32 v3, v21;
	[tilespmem:s14+$0xFFFFFFF0] =	vst v5;
	v21 =	vbroadcast v5, $0x0  }
0x282: {  	v24 =	vbroadcast v5, $0x2;
	v25 =	vbroadcast v5, $0x3;
	v23 =	vld [tilespmem:s0+$0x0];
	[tilespmem:s14+$0x0] =	vst v4  }
0x283: {  	v5 =	vbroadcast v4, $0x0;
	v26 =	vld [tilespmem:s31+$0xFFFFFFE0];
	v27 =	vadd.f32 v2, v3;
	v3 =	vbroadcast v4, $0x1;
	[tilespmem:s17+$0x10] =	vst v13  }
0x284: {  	v2 =	vbroadcast v4, $0x2;
	v4 =	vbroadcast v4, $0x3;
	v13 =	vld [tilespmem:s4+$0x0];
	[tilespmem:s17+$0x20] =	vst v11  }
0x285: {  	v7 =	vmul.f32 v7, v9;
	v6 =	vadd.f32 v18, v6;
	v11 =	vld [tilespmem:s15+$0x0];
	v18 =	vmul.f32 $2.000000030e-01, v27;
	[tilespmem:s17+$0x30] =	vst v10  }
0x286: {  	vm0 =	vge.f32 v27, $0.0e+00;
	v9 =	vld [tilespmem:s21+$0x0];
	[tilespmem:s17+$0x50] =	vst v15  }
0x287: {  	v10 =	vadd.f32 v23, v20;
	v15 =	vsel vm0, v27, v18;
	v18 =	vld [tilespmem:s1+$0xFFFFFF80];
	[tilespmem:s1+$0x40] =	vst v7  }
0x288: {  	v7 =	vadd.f32 v16, v26;
	v15 =	vmul.f32 $1.442695020e+00, v15;
	v16 =	vld [tilespmem:s1+$0xFFFFFF90];
	[tilespmem:s17+$0x60] =	vst v12;
	s17 =	smov.u32 s1  }
0x289: {  	v12 =	vld [tilespmem:s1+$0xFFFFFFA0]  }
0x28a: {  	v7 =	vadd.f32 v13, v7;
	v6 =	vadd.f32 v11, v6;
	(erf) = vpow2.f32 v15;
	v15 =	vld [tilespmem:s1+$0xFFFFFFB0]  }
0x28b: {  	v9 =	vadd.f32 v9, v10;
	v20 =	vld [tilespmem:s1+$0xFFFFFFC0]  }
0x28c: {  	vm0 =	vge.f32 v7, $0.0e+00;
	v10 =	vmul.f32 $2.000000030e-01, v7;
	v11 =	vmul.f32 $2.000000030e-01, v6;
	v23 =	vld [tilespmem:s1+$0xFFFFFFD0]  }
0x28d: {  	vm1 =	vge.f32 v6, $0.0e+00;
	vm2 =	vge.f32 v9, $0.0e+00;
	v13 =	vmul.f32 $2.000000030e-01, v9;
	v26 =	vld [tilespmem:s1+$0xFFFFFFE0]  }
0x28e: {  	v7 =	vsel vm0, v7, v10;
	v6 =	vsel vm1, v6, v11;
	v10 =	vmul.f32 v14, v18;
	v18 =	vld [tilespmem:s1+$0xFFFFFFF0]  }
0x28f: {  	v7 =	vmul.f32 $1.442695020e+00, v7;
	v6 =	vmul.f32 $1.442695020e+00, v6;
	v9 =	vsel vm2, v9, v13;
	v14 =	vld [tilespmem:s1+$0x0]  }
0x290: {  	v9 =	vmul.f32 $1.442695020e+00, v9;
	[tilespmem:s1+$0xFFFFFF80] =	vst v10;
	v10 =	vmul.f32 v17, v16;
	v13 =	vld [tilespmem:s1+$0x10]  }
0x291: {  	(erf) = vpow2.f32 v7;
	v7 =	vmul.f32 v19, v12;
	v11 =	vld [tilespmem:s1+$0x20]  }
.Ltmp8:
0x292: {  	v19 =	vmul.f32 v15, v8;
	(erf) = vpow2.f32 v6;
	[tilespmem:s1+$0xFFFFFF90] =	vst v10;
	v10 =	vld [tilespmem:s1+$0x30];
	(pc) =	sbr.rel @p2 .LBB2_4-.Ltmp8, $4  }
0x293: {  	s14 =	sadd.s32 $0x40, s14;
	v20 =	vmul.f32 v21, v20;
	(erf) = vpow2.f32 v9;
	v16 =	vpop (erf);
	[tilespmem:s1+$0xFFFFFFA0] =	vst v7;
	v15 =	vld [tilespmem:s1+$0x50]  }
0x294: {  	s1 =	sadd.s32 $0x100, s1;
	[tilespmem:s14+$0x10] =	vst v16;
	v7 =	vbroadcast v16, $0x0;
	v8 =	vbroadcast v16, $0x1;
	v12 =	vld [tilespmem:s17+$0x60]  }
0x295: {  	v6 =	vbroadcast v16, $0x2;
	v17 =	vld [tilespmem:s1+$0x70];
	[tilespmem:s17+$0xFFFFFFB0] =	vst v19;
	v19 =	vmul.f32 v22, v23  }
0x296: {  	s26 =	sadd.s32 $0x40, s26;
	s0 =	sadd.s32 $0x40, s0;
	s31 =	sadd.s32 $0x40, s31;
	v18 =	vmul.f32 v18, v25;
	v9 =	vld [tilespmem:s1+$0x40];
	[tilespmem:s17+$0xFFFFFFC0] =	vst v20;
	v20 =	vmul.f32 v24, v26  }
0x297: {  	[tilespmem:s17+$0xFFFFFFD0] =	vst v19  }
0x298: {  	v5 =	vmul.f32 v5, v14;
	[tilespmem:s17+$0xFFFFFFE0] =	vst v20  }
0x299: {  	v3 =	vmul.f32 v3, v13;
	[tilespmem:s17+$0xFFFFFFF0] =	vst v18  }
0x29a: {  	v2 =	vmul.f32 v2, v11;
	[tilespmem:s17+$0x0] =	vst v5  }
0x29b: {  	[tilespmem:s17+$0x10] =	vst v3  }
0x29c: {  	v14 =	vbroadcast v16, $0x3;
	v4 =	vmul.f32 v10, v4;
	[tilespmem:s17+$0x20] =	vst v2;
	v16 =	vpop (erf)  }
0x29d: {  	v1 =	vmul.f32 v1, v15;
	[tilespmem:s14+$0xFFFFFFE0] =	vst v16  }
0x29e: {  	[tilespmem:s17+$0x30] =	vst v4;
	v0 =	vmul.f32 v0, v12;
	v11 =	vld [tilespmem:s1+$0xFFFFFF80]  }
0x29f: {  	[tilespmem:s17+$0x50] =	vst v1;
	v3 =	vld [tilespmem:s1+$0xFFFFFF90]  }
0x2a0: {  	v14 =	vmul.f32 v17, v14;
	v5 =	vpop (erf);
	[tilespmem:s17+$0x60] =	vst v0;
	v2 =	vld [tilespmem:s1+$0xFFFFFFA0]  }
0x2a1: {  	v10 =	vbroadcast v16, $0x0;
	v7 =	vmul.f32 v7, v9;
	[tilespmem:s14+$0xFFFFFFF0] =	vst v5;
	v4 =	vld [tilespmem:s1+$0xFFFFFFB0]  }
0x2a2: {  	v9 =	vbroadcast v16, $0x1;
	[tilespmem:s1+$0x70] =	vst v14;
	v1 =	vld [tilespmem:s1+$0xFFFFFFC0]  }
0x2a3: {  	v12 =	vbroadcast v16, $0x2;
	v13 =	vpop (erf);
	[tilespmem:s1+$0x40] =	vst v7;
	v7 =	vld [tilespmem:s1+$0xFFFFFFD0];
	v10 =	vmul.f32 v10, v11  }
0x2a4: {  	[tilespmem:s14+$0x0] =	vst v13;
	v0 =	vld [tilespmem:s1+$0xFFFFFFE0];
	v11 =	vbroadcast v16, $0x3;
	v3 =	vmul.f32 v9, v3  }
0x2a5: {  	v14 =	vld [tilespmem:s1+$0xFFFFFFF0];
	v9 =	vbroadcast v5, $0x0;
	v2 =	vmul.f32 v12, v2;
	[tilespmem:s1+$0xFFFFFF80] =	vst v10  }
0x2a6: {  	v12 =	vld [tilespmem:s1+$0x0];
	v10 =	vbroadcast v5, $0x1;
	[tilespmem:s1+$0xFFFFFF90] =	vst v3;
	v3 =	vmul.f32 v4, v11  }
0x2a7: {  	v4 =	vbroadcast v5, $0x2;
	v11 =	vld [tilespmem:s1+$0x10];
	[tilespmem:s1+$0xFFFFFFA0] =	vst v2;
	v1 =	vmul.f32 v9, v1  }
0x2a8: {  	v2 =	vbroadcast v5, $0x3;
	v5 =	vld [tilespmem:s1+$0x20];
	[tilespmem:s1+$0xFFFFFFB0] =	vst v3;
	v3 =	vmul.f32 v10, v7  }
0x2a9: {  	v9 =	vld [tilespmem:s1+$0x30];
	v7 =	vbroadcast v13, $0x0;
	[tilespmem:s1+$0xFFFFFFC0] =	vst v1;
	v0 =	vmul.f32 v4, v0  }
0x2aa: {  	v1 =	vbroadcast v13, $0x1;
	v4 =	vld [tilespmem:s1+$0x50];
	v2 =	vmul.f32 v14, v2;
	[tilespmem:s1+$0xFFFFFFD0] =	vst v3  }
0x2ab: {  	v10 =	vld [tilespmem:s1+$0x60];
	v3 =	vbroadcast v13, $0x2;
	v7 =	vmul.f32 v7, v12;
	[tilespmem:s1+$0xFFFFFFE0] =	vst v0  }
0x2ac: {  	v0 =	vbroadcast v13, $0x3;
	[tilespmem:s1+$0xFFFFFFF0] =	vst v2;
	v1 =	vmul.f32 v1, v11  }
0x2ad: {  	v2 =	vmul.f32 v3, v5;
	[tilespmem:s1+$0x0] =	vst v7  }
0x2ae: {  	v0 =	vmul.f32 v9, v0;
	[tilespmem:s1+$0x10] =	vst v1  }
0x2af: {  	v1 =	vmul.f32 v8, v4;
	[tilespmem:s1+$0x20] =	vst v2  }
0x2b0: {  	v2 =	vmul.f32 v6, v10;
	[tilespmem:s1+$0x30] =	vst v0  }
0x2b1: {  	p2 =	seq.s32 s29, $0x0;
	[tilespmem:s1+$0x50] =	vst v1  }
0x2b2: {  	s0 =	simm.s32 @!p2 $0x6;
	[tilespmem:s1+$0x60] =	vst v2  }
0x2b3: {  	_ =	swait.ge @!p2 [sflag:s0], $0x2000  }
0x2b4: {  	[sflag:s0] =	ssyncset.done @!p2 $0x0  }
0x2b5: {  	[sflag:s0] =	ssyncadd.s32 @!p2 $0xFFFFE000  }
0x2b6: {  	_ =	swait.ge @!p2 [sflag:s0], $0x800  }
0x2b7: {  	[sflag:s0] =	ssyncset.done @!p2 $0x0  }
0x2b8: {  	[sflag:s0] =	ssyncadd.s32 @!p2 $0xFFFFF800  }
0x2b9: {  	_ =	swait.ge [sflag:s23], $0x80  }
0x2ba: {  	[sflag:s23] =	ssyncset.done $0x0  }
0x2bb: {  	[sflag:s23] =	ssyncadd.s32 $0xFFFFFF80  }
0x2bc: {  	_ =	swait.ge [sflag:s23], $0x80  }
0x2bd: {  	s14 =	rddreg [dreg:$0x16]  }
0x2be: {  	s0 =	sadd.s32 s13, s14  }
0x2bf: {  	s15 =	simm.s32 $0x0;
	[sflag:s23] =	ssyncset.done $0x0;
	s0 =	sshll.u32 s0, $0x8  }
0x2c0: {  	s2 =	simm.s32 $0x4480;
	[sflag:s23] =	ssyncadd.s32 $0xFFFFFF80;
	s0 =	sadd.s32 s11, s0  }
0x2c1: {  	[tilespmem:s2], [sflag:$0x3] =	stream.linear.gather [hbm4b:s0+s15], $0x800, $0x38;
	[tilespmem:$0x18C80] =	vst v63  }
0x2c2: {  	s19 =	simm.s32 $0x1480;
	s17 =	simm.s32 $0x100  }
0x2c3: {  	[tilespmem:s19], [sflag:$0x3] =	stream.indirect.gather [hbm4b:s9+s28], $0x10, s17, s28, $0xb8;
	[tilespmem:$0x18C80] =	vst v63  }
0x2c4: {  	s21 =	simm.s32 $0x280;
	s25 =	simm.s32 $0x2C80  }
0x2c5: {  	[tilespmem:s25], [sflag:$0x3] =	stream.indirect.gather [hbm4b:s10+s28], $0x10, s21, s28, $0xb8;
	[tilespmem:$0x18C80] =	vst v63  }
0x2c6: {  	s30 =	simm.s32 $0x8C80;
	s26 =	rddreg [dreg:$0x1]  }
0x2c7: {  	[tilespmem:s30], [sflag:$0x3] =	stream.indirect.gather [hbm4b:s26+s28], $0x40, s17, s28, $0xb8;
	[tilespmem:$0x18C80] =	vst v63  }
0x2c8: {  	s14 =	simm.s32 $0x4C80;
	s4 =	rddreg [dreg:$0x2];
	s15 =	simm.s32 $0x300  }
0x2c9: {  	[spmem:s4] =	stream.indirect.scatter.add.f32 [tilespmem:s14], [sflag:$0x4], $0x40, s15, s28, $0xb8;
	[tilespmem:$0x18C80] =	vst v63  }
0x2ca: {  	s19 =	simm.s32 $0xAC80;
	s17 =	rddreg [dreg:$0x3]  }
0x2cb: {  	[spmem:s17] =	stream.indirect.scatter.add.f32 [tilespmem:s19], [sflag:$0x4], $0x10, s15, s28, $0xb8;
	[tilespmem:$0x18C80] =	vst v63  }
0x2cc: {  	_ =	swait.ge [sflag:s5], $0x800  }
0x2cd: {  	[sflag:s5] =	ssyncset.done $0x0  }
0x2ce: {  	[sflag:s5] =	ssyncadd.s32 $0xFFFFF800  }
0x2cf: {  	_ =	swait.ge [sflag:s5], $0x800  }
0x2d0: {  	[sflag:s5] =	ssyncset.done $0x0  }
0x2d1: {  	[sflag:s5] =	ssyncadd.s32 $0xFFFFF800  }
0x2d2: {  	_ =	swait.ge [sflag:s5], $0x800  }
0x2d3: {  	[sflag:s5] =	ssyncset.done $0x0  }
0x2d4: {  	[sflag:s5] =	ssyncadd.s32 $0xFFFFF800  }
0x2d5: {  	_ =	swait.ge [sflag:s5], $0x2000  }
0x2d6: {  	[sflag:s5] =	ssyncset.done $0x0  }
0x2d7: {  	[sflag:s5] =	ssyncadd.s32 $0xFFFFE000  }
0x2d8: {  	v0 =	vld [tilespmem:$0x200]  }
0x2d9: {  	v1 =	vld [tilespmem:$0x210]  }
0x2da: {  	v2 =	vld [tilespmem:$0x220]  }
0x2db: {  	v3 =	vld [tilespmem:$0x230]  }
0x2dc: {  	v4 =	vld [tilespmem:$0x240]  }
0x2dd: {  	[tilespmem:$0x380] =	vst v0;
	v0 =	vld [tilespmem:$0x250]  }
0x2de: {  	[tilespmem:$0x390] =	vst v1;
	v1 =	vld [tilespmem:$0x260]  }
0x2df: {  	[tilespmem:$0x3A0] =	vst v2;
	v2 =	vld [tilespmem:$0x270]  }
0x2e0: {  	[tilespmem:$0x3B0] =	vst v3  }
0x2e1: {  	s17 =	sadd.s32 $0x4, s13;
	[tilespmem:$0x3C0] =	vst v4  }
0x2e2: {  	s0 =	sadd.s32 @!p1 s12, s17;
	[tilespmem:$0x3D0] =	vst v0  }
0x2e3: {  	s21 =	simm.s32 $0x0;
	s0 =	sshll.u32 @!p1 s0, $0x4;
	[tilespmem:$0x3E0] =	vst v1  }
0x2e4: {  	s4 =	simm.s32 @!p1 $0x0;
	s14 =	simm.s32 @!p1 $0x80;
	s1 =	sadd.s32 @!p1 s6, s0;
	[tilespmem:$0x3F0] =	vst v2  }
0x2e5: {  	[tilespmem:s14], [sflag:$0x8] =	stream.linear.gather @!p1 [hbm4b:s1+s4], $0x80, $0x38;
	[tilespmem:$0x18C80] =	vst v63  }
0x2e6: {  	s25 =	simm.s32 $0xCA0;
	s0 =	sadd.s32 @!p1 s7, s0;
	s1 =	simm.s32 @!p1 $0x200  }
0x2e7: {  	[tilespmem:s1], [sflag:$0x8] =	stream.linear.gather @!p1 [hbm4b:s0+s4], $0x80, $0x38;
	[tilespmem:$0x18C80] =	vst v63  }
0x2e8: {  	s26 =	simm.s32 $0x24A0;
	s30 =	sand.u32 $0x600, s21;
	s15 =	simm.s32 $0x30;
	v0 =	vld [tilespmem:s25+$0x10]  }
0x2e9: {  	s15 =	sand.u32 $0x1F0, s15;
	s14 =	sadd.s32 $0x3C80, s30;
	v1 =	vld [tilespmem:s26+$0x10]  }
0x2ea: {  	s15 =	sadd.s32 s15, s14  }
0x2eb: {  	v2 =	vld [tilespmem:s15+$0x0];
	_ =	sdelay $0x2  }
0x2ec: {  	v0 =	vadd.f32 v1, v0;
	_ =	sdelay $0x1  }
0x2ed: {  	v4 =	vld [tilespmem:s25+$0xFFFFFFE0];
	v0 =	vadd.f32 v2, v0  }
0x2ee: {  	v5 =	vld [tilespmem:s26+$0xFFFFFFF0]  }
0x2ef: {  	s0 =	sand.u32 $0x1C0, s21;
	v1 =	vld [tilespmem:s26+$0xFFFFFFE0];
	v3 =	vmul.f32 $2.000000030e-01, v0  }
0x2f0: {  	s2 =	simm.s32 $0x10;
	s0 =	sadd.s32 s0, s14;
	v2 =	vld [tilespmem:s25+$0xFFFFFFF0];
	vm0 =	vge.f32 v0, $0.0e+00  }
0x2f1: {  	s15 =	sand.u32 $0x1D0, s2;
	v0 =	vsel vm0, v0, v3;
	v3 =	vld [tilespmem:s0+$0x0]  }
0x2f2: {  	s19 =	sadd.s32 s15, s14  }
0x2f3: {  	v6 =	vld [tilespmem:s19+$0x0];
	v0 =	vmul.f32 $1.442695020e+00, v0  }
0x2f4: {  	s21 =	simm.s32 $0x20;
	v1 =	vadd.f32 v1, v4;
	v4 =	vld [tilespmem:s26+$0x0]  }
0x2f5: {  	s0 =	sand.u32 $0x1E0, s21;
	(erf) = vpow2.f32 v0;
	v0 =	vld [tilespmem:s25+$0x0]  }
0x2f6: {  	s0 =	sadd.s32 s0, s14;
	v2 =	vadd.f32 v5, v2;
	v1 =	vadd.f32 v3, v1  }
0x2f7: {  	v3 =	vld [tilespmem:s0+$0x0]  }
0x2f8: {  	v2 =	vadd.f32 v6, v2;
	v5 =	vmul.f32 $2.000000030e-01, v1  }
0x2f9: {  	vm10 =	vge.f32 v1, $0.0e+00  }
0x2fa: {  	v0 =	vadd.f32 v4, v0;
	v4 =	vmul.f32 $2.000000030e-01, v2;
	v1 =	vsel vm10, v1, v5  }
0x2fb: {  	s30 =	simm.s32 $0x24E0;
	vm11 =	vge.f32 v2, $0.0e+00;
	v1 =	vmul.f32 $1.442695020e+00, v1  }
0x2fc: {  	v9 =	vld [tilespmem:s30+$0xFFFFFFF0];
	v0 =	vadd.f32 v3, v0;
	v2 =	vsel vm11, v2, v4  }
0x2fd: {  	v13 =	vld [tilespmem:s30+$0x0];
	s26 =	simm.s32 $0xCE0;
	s25 =	simm.s32 $0x40;
	v2 =	vmul.f32 $1.442695020e+00, v2;
	(erf) = vpow2.f32 v1  }
0x2fe: {  	s21 =	simm.s32 $0x70;
	s19 =	sand.u32 $0x600, s25;
	s0 =	simm.s32 $0xB4A0;
	v5 =	vld [tilespmem:s30+$0x10];
	v3 =	vpop (erf);
	v1 =	vmul.f32 $2.000000030e-01, v0  }
0x2ff: {  	s1 =	simm.s32 $0x6D00;
	s21 =	sand.u32 $0x1F0, s21;
	s19 =	sadd.s32 $0x3C80, s19;
	vm12 =	vge.f32 v0, $0.0e+00;
	[tilespmem:s0+$0x10] =	vst v3;
	(erf) = vpow2.f32 v2;
	v2 =	vld [tilespmem:s26+$0x10]  }
0x300: {  	s21 =	sadd.s32 s21, s19;
	v4 =	vld [tilespmem:s1+$0x70];
	v0 =	vsel vm12, v0, v1  }
0x301: {  	v7 =	vld [tilespmem:s21+$0x0];
	v0 =	vmul.f32 $1.442695020e+00, v0  }
0x302: {  	v21 =	vld [tilespmem:s1+$0x40]  }
0x303: {  	v8 =	vld [tilespmem:s26+$0xFFFFFFF0];
	v11 =	vbroadcast v3, $0x3;
	(erf) = vpow2.f32 v0  }
0x304: {  	v6 =	vld [tilespmem:s30+$0xFFFFFFE0];
	v2 =	vadd.f32 v5, v2  }
0x305: {  	s2 =	simm.s32 $0x50;
	s4 =	sand.u32 $0x1C0, s25;
	v10 =	vbroadcast v3, $0x0;
	v11 =	vmul.f32 v4, v11;
	v4 =	vld [tilespmem:s26+$0xFFFFFFE0]  }
0x306: {  	v12 =	vld [tilespmem:s26+$0x0];
	s25 =	sand.u32 $0x1D0, s2;
	s4 =	sadd.s32 s4, s19;
	v1 =	vbroadcast v3, $0x1;
	v0 =	vbroadcast v3, $0x2;
	s26 =	simm.s32 $0x60;
	v2 =	vadd.f32 v7, v2;
	v3 =	vpop (erf)  }
0x307: {  	s15 =	sadd.s32 s25, s19;
	v10 =	vmul.f32 v10, v21;
	v7 =	vld [tilespmem:s4+$0x0];
	s30 =	sand.u32 $0x1E0, s26;
	v14 =	vbroadcast v3, $0x0  }
0x308: {  	v8 =	vadd.f32 v9, v8;
	v20 =	vld [tilespmem:s15+$0x0];
	s4 =	sadd.s32 s30, s19;
	v15 =	vbroadcast v3, $0x1;
	v5 =	vmul.f32 $2.000000030e-01, v2  }
0x309: {  	v16 =	vpop (erf);
	v17 =	vbroadcast v3, $0x2;
	v18 =	vbroadcast v3, $0x3;
	[tilespmem:s0+$0xFFFFFFE0] =	vst v3;
	v25 =	vld [tilespmem:s4+$0x0];
	vm13 =	vge.f32 v2, $0.0e+00  }
0x30a: {  	v19 =	vbroadcast v16, $0x0;
	v9 =	vld [tilespmem:s1+$0xFFFFFF80];
	v2 =	vsel vm13, v2, v5;
	v4 =	vadd.f32 v6, v4  }
0x30b: {  	v22 =	vbroadcast v16, $0x1;
	v27 =	vld [tilespmem:s1+$0xFFFFFFA0];
	v6 =	vadd.f32 v13, v12;
	v12 =	vmul.f32 $1.442695020e+00, v2  }
0x30c: {  	v23 =	vbroadcast v16, $0x2;
	v24 =	vbroadcast v16, $0x3;
	[tilespmem:s0+$0xFFFFFFF0] =	vst v16;
	v13 =	vld [tilespmem:s1+$0xFFFFFF90];
	v26 =	vpop (erf);
	v4 =	vadd.f32 v7, v4  }
0x30d: {  	v21 =	vld [tilespmem:s1+$0xFFFFFFD0];
	v7 =	vadd.f32 v20, v8;
	v5 =	vbroadcast v26, $0x0;
	(erf) = vpow2.f32 v12  }
0x30e: {  	v8 =	vld [tilespmem:s1+$0xFFFFFFB0];
	v3 =	vbroadcast v26, $0x1;
	v2 =	vbroadcast v26, $0x2;
	v6 =	vadd.f32 v25, v6  }
0x30f: {  	v62 =	vld [tilespmem:s1+$0xFFFFFFF0];
	v16 =	vmul.f32 $2.000000030e-01, v4;
	v20 =	vmul.f32 $2.000000030e-01, v7;
	vm14 =	vge.f32 v4, $0.0e+00  }
0x310: {  	v12 =	vld [tilespmem:s1+$0xFFFFFFC0];
	[tilespmem:s0+$0x0] =	vst v26;
	vm1 =	vge.f32 v7, $0.0e+00;
	v9 =	vmul.f32 v14, v9;
	v25 =	vmul.f32 $2.000000030e-01, v6  }
0x311: {  	[tilespmem:s1+$0x40] =	vst v10;
	v14 =	vld [tilespmem:s1+$0x0];
	vm15 =	vge.f32 v6, $0.0e+00;
	v10 =	vmul.f32 v15, v13;
	v16 =	vsel vm14, v4, v16  }
0x312: {  	[tilespmem:s1+$0x70] =	vst v11;
	v13 =	vld [tilespmem:s1+$0x10];
	v7 =	vsel vm1, v7, v20;
	v4 =	vbroadcast v26, $0x3;
	v11 =	vmul.f32 $1.442695020e+00, v16  }
0x313: {  	v20 =	vld [tilespmem:s1+$0xFFFFFFE0];
	v7 =	vmul.f32 $1.442695020e+00, v7;
	v6 =	vsel vm15, v6, v25;
	v18 =	vmul.f32 v8, v18  }
0x314: {  	v15 =	vld [tilespmem:s1+$0x50];
	[tilespmem:s1+$0xFFFFFF80] =	vst v9;
	v6 =	vmul.f32 $1.442695020e+00, v6;
	(erf) = vpow2.f32 v11  }
0x315: {  	v9 =	vmul.f32 v17, v27;
	[tilespmem:s1+$0xFFFFFF90] =	vst v10;
	v10 =	vld [tilespmem:s1+$0x30];
	(erf) = vpow2.f32 v7  }
0x316: {  	s19 =	simm.s32 $0xB4E0;
	v63 =	vmul.f32 v19, v12;
	v11 =	vld [tilespmem:s1+$0x20];
	[tilespmem:s1+$0xFFFFFFB0] =	vst v18;
	(erf) = vpow2.f32 v6;
	v16 =	vpop (erf)  }
0x317: {  	s14 =	simm.s32 $0x6E00;
	v12 =	vld [tilespmem:s1+$0x60];
	v19 =	vmul.f32 v22, v21;
	v18 =	vmul.f32 v62, v24;
	[tilespmem:s19+$0x10] =	vst v16  }
0x318: {  	s8 =	simm.s32 $0x100;
	s31 =	simm.s32 $0x80;
	[tilespmem:s1+$0xFFFFFFA0] =	vst v9;
	v20 =	vmul.f32 v23, v20;
	v7 =	vbroadcast v16, $0x0;
	v17 =	vld [tilespmem:s14+$0x70]  }
0x319: {  	s21 =	simm.s32 $0x2520;
	s26 =	simm.s32 $0x4;
	s0 =	simm.s32 $0xD20;
	[tilespmem:s1+$0xFFFFFFC0] =	vst v63;
	v8 =	vbroadcast v16, $0x1;
	v6 =	vbroadcast v16, $0x2;
	v9 =	vld [tilespmem:s14+$0x40]  }
.LBB2_6:
0x31a: {  	s4 =	sand.u32 $0x600, s31;
	s15 =	sadd.s32 $0x30, s31;
	v21 =	vld [tilespmem:s0+$0x10];
	s26 =	sadd.s32 $0x4, s26;
	[tilespmem:s1+$0xFFFFFFD0] =	vst v19;
	v5 =	vmul.f32 v5, v14;
	v13 =	vmul.f32 v3, v13  }
0x31b: {  	v14 =	vbroadcast v16, $0x3;
	v11 =	vmul.f32 v2, v11;
	s4 =	sadd.s32 $0x3C80, s4;
	v3 =	vld [tilespmem:s21+$0x10];
	s15 =	sand.u32 $0x1F0, s15;
	p2 =	slt.u32 s26, $0x7C;
	[tilespmem:s1+$0xFFFFFFE0] =	vst v20  }
0x31c: {  	s25 =	sadd.s32 $0x10, s31;
	s30 =	sadd.s32 $0x20, s31;
	v10 =	vmul.f32 v10, v4;
	v15 =	vmul.f32 v1, v15;
	v1 =	vmov v8;
	v16 =	vld [tilespmem:s21+$0xFFFFFFE0];
	s15 =	sadd.s32 s15, s4;
	[tilespmem:s1+$0xFFFFFFF0] =	vst v18  }
0x31d: {  	s2 =	sand.u32 $0x1C0, s31;
	s25 =	sand.u32 $0x1D0, s25;
	s30 =	sand.u32 $0x1E0, s30;
	v12 =	vmul.f32 v0, v12;
	v0 =	vmov v6;
	v2 =	vld [tilespmem:s15+$0x0];
	v20 =	vmul.f32 v17, v14;
	v8 =	vpop (erf);
	[tilespmem:s1+$0x0] =	vst v5  }
0x31e: {  	s2 =	sadd.s32 s2, s4;
	s15 =	sadd.s32 s25, s4;
	s4 =	sadd.s32 s30, s4;
	v6 =	vld [tilespmem:s0+$0xFFFFFFF0];
	[tilespmem:s19+$0xFFFFFFE0] =	vst v8;
	v14 =	vbroadcast v8, $0x0;
	v17 =	vbroadcast v8, $0x1;
	v5 =	vpop (erf)  }
0x31f: {  	v19 =	vbroadcast v8, $0x2;
	v8 =	vbroadcast v8, $0x3;
	v18 =	vld [tilespmem:s21+$0xFFFFFFF0];
	[tilespmem:s14+$0x70] =	vst v20;
	v4 =	vpop (erf)  }
0x320: {  	v22 =	vbroadcast v5, $0x1;
	v20 =	vld [tilespmem:s0+$0x0];
	v3 =	vadd.f32 v3, v21;
	[tilespmem:s19+$0xFFFFFFF0] =	vst v5;
	v21 =	vbroadcast v5, $0x0  }
0x321: {  	v24 =	vbroadcast v5, $0x2;
	v25 =	vbroadcast v5, $0x3;
	v23 =	vld [tilespmem:s21+$0x0];
	[tilespmem:s19+$0x0] =	vst v4  }
0x322: {  	v5 =	vbroadcast v4, $0x0;
	v26 =	vld [tilespmem:s0+$0xFFFFFFE0];
	v27 =	vadd.f32 v2, v3;
	v3 =	vbroadcast v4, $0x1;
	[tilespmem:s1+$0x10] =	vst v13  }
0x323: {  	v2 =	vbroadcast v4, $0x2;
	v4 =	vbroadcast v4, $0x3;
	v13 =	vld [tilespmem:s2+$0x0];
	[tilespmem:s1+$0x20] =	vst v11  }
0x324: {  	v7 =	vmul.f32 v7, v9;
	v6 =	vadd.f32 v18, v6;
	v11 =	vld [tilespmem:s15+$0x0];
	v18 =	vmul.f32 $2.000000030e-01, v27;
	[tilespmem:s1+$0x30] =	vst v10  }
0x325: {  	vm0 =	vge.f32 v27, $0.0e+00;
	v9 =	vld [tilespmem:s4+$0x0];
	[tilespmem:s1+$0x50] =	vst v15  }
0x326: {  	v10 =	vadd.f32 v23, v20;
	v15 =	vsel vm0, v27, v18;
	v18 =	vld [tilespmem:s14+$0xFFFFFF80];
	[tilespmem:s14+$0x40] =	vst v7  }
0x327: {  	v7 =	vadd.f32 v16, v26;
	v15 =	vmul.f32 $1.442695020e+00, v15;
	v16 =	vld [tilespmem:s14+$0xFFFFFF90];
	[tilespmem:s1+$0x60] =	vst v12;
	s1 =	smov.u32 s14  }
0x328: {  	v12 =	vld [tilespmem:s14+$0xFFFFFFA0]  }
0x329: {  	v7 =	vadd.f32 v13, v7;
	v6 =	vadd.f32 v11, v6;
	(erf) = vpow2.f32 v15;
	v15 =	vld [tilespmem:s14+$0xFFFFFFB0]  }
0x32a: {  	v9 =	vadd.f32 v9, v10;
	v20 =	vld [tilespmem:s14+$0xFFFFFFC0]  }
0x32b: {  	vm0 =	vge.f32 v7, $0.0e+00;
	v10 =	vmul.f32 $2.000000030e-01, v7;
	v11 =	vmul.f32 $2.000000030e-01, v6;
	v23 =	vld [tilespmem:s14+$0xFFFFFFD0]  }
0x32c: {  	vm1 =	vge.f32 v6, $0.0e+00;
	vm2 =	vge.f32 v9, $0.0e+00;
	v13 =	vmul.f32 $2.000000030e-01, v9;
	v26 =	vld [tilespmem:s14+$0xFFFFFFE0]  }
0x32d: {  	v7 =	vsel vm0, v7, v10;
	v6 =	vsel vm1, v6, v11;
	v10 =	vmul.f32 v14, v18;
	v18 =	vld [tilespmem:s14+$0xFFFFFFF0]  }
0x32e: {  	v7 =	vmul.f32 $1.442695020e+00, v7;
	v6 =	vmul.f32 $1.442695020e+00, v6;
	v9 =	vsel vm2, v9, v13;
	v14 =	vld [tilespmem:s14+$0x0]  }
0x32f: {  	v9 =	vmul.f32 $1.442695020e+00, v9;
	[tilespmem:s14+$0xFFFFFF80] =	vst v10;
	v10 =	vmul.f32 v17, v16;
	v13 =	vld [tilespmem:s14+$0x10]  }
0x330: {  	(erf) = vpow2.f32 v7;
	v7 =	vmul.f32 v19, v12;
	v11 =	vld [tilespmem:s14+$0x20]  }
.Ltmp9:
0x331: {  	v19 =	vmul.f32 v15, v8;
	(erf) = vpow2.f32 v6;
	[tilespmem:s14+$0xFFFFFF90] =	vst v10;
	v10 =	vld [tilespmem:s14+$0x30];
	(pc) =	sbr.rel @p2 .LBB2_6-.Ltmp9, $4  }
0x332: {  	s19 =	sadd.s32 $0x40, s19;
	v20 =	vmul.f32 v21, v20;
	(erf) = vpow2.f32 v9;
	v16 =	vpop (erf);
	[tilespmem:s14+$0xFFFFFFA0] =	vst v7;
	v15 =	vld [tilespmem:s14+$0x50]  }
0x333: {  	s14 =	sadd.s32 $0x100, s14;
	[tilespmem:s19+$0x10] =	vst v16;
	v7 =	vbroadcast v16, $0x0;
	v8 =	vbroadcast v16, $0x1;
	v12 =	vld [tilespmem:s1+$0x60]  }
0x334: {  	v6 =	vbroadcast v16, $0x2;
	v17 =	vld [tilespmem:s14+$0x70];
	[tilespmem:s1+$0xFFFFFFB0] =	vst v19;
	v19 =	vmul.f32 v22, v23  }
0x335: {  	s31 =	sadd.s32 $0x40, s31;
	s21 =	sadd.s32 $0x40, s21;
	s0 =	sadd.s32 $0x40, s0;
	v18 =	vmul.f32 v18, v25;
	v9 =	vld [tilespmem:s14+$0x40];
	[tilespmem:s1+$0xFFFFFFC0] =	vst v20;
	v20 =	vmul.f32 v24, v26  }
0x336: {  	[tilespmem:s1+$0xFFFFFFD0] =	vst v19  }
0x337: {  	v5 =	vmul.f32 v5, v14;
	[tilespmem:s1+$0xFFFFFFE0] =	vst v20  }
0x338: {  	v3 =	vmul.f32 v3, v13;
	[tilespmem:s1+$0xFFFFFFF0] =	vst v18  }
0x339: {  	v2 =	vmul.f32 v2, v11;
	[tilespmem:s1+$0x0] =	vst v5  }
0x33a: {  	[tilespmem:s1+$0x10] =	vst v3  }
0x33b: {  	v14 =	vbroadcast v16, $0x3;
	v4 =	vmul.f32 v10, v4;
	[tilespmem:s1+$0x20] =	vst v2;
	v16 =	vpop (erf)  }
0x33c: {  	v1 =	vmul.f32 v1, v15;
	[tilespmem:s19+$0xFFFFFFE0] =	vst v16  }
0x33d: {  	[tilespmem:s1+$0x30] =	vst v4;
	v0 =	vmul.f32 v0, v12;
	v11 =	vld [tilespmem:s14+$0xFFFFFF80]  }
0x33e: {  	[tilespmem:s1+$0x50] =	vst v1;
	v3 =	vld [tilespmem:s14+$0xFFFFFF90]  }
0x33f: {  	v14 =	vmul.f32 v17, v14;
	v5 =	vpop (erf);
	[tilespmem:s1+$0x60] =	vst v0;
	v2 =	vld [tilespmem:s14+$0xFFFFFFA0]  }
0x340: {  	v10 =	vbroadcast v16, $0x0;
	v7 =	vmul.f32 v7, v9;
	[tilespmem:s19+$0xFFFFFFF0] =	vst v5;
	v4 =	vld [tilespmem:s14+$0xFFFFFFB0]  }
0x341: {  	v9 =	vbroadcast v16, $0x1;
	[tilespmem:s14+$0x70] =	vst v14;
	v1 =	vld [tilespmem:s14+$0xFFFFFFC0]  }
0x342: {  	v12 =	vbroadcast v16, $0x2;
	v13 =	vpop (erf);
	[tilespmem:s14+$0x40] =	vst v7;
	v7 =	vld [tilespmem:s14+$0xFFFFFFD0];
	v10 =	vmul.f32 v10, v11  }
0x343: {  	[tilespmem:s19+$0x0] =	vst v13;
	v0 =	vld [tilespmem:s14+$0xFFFFFFE0];
	v11 =	vbroadcast v16, $0x3;
	v3 =	vmul.f32 v9, v3  }
0x344: {  	v14 =	vld [tilespmem:s14+$0xFFFFFFF0];
	v9 =	vbroadcast v5, $0x0;
	v2 =	vmul.f32 v12, v2;
	[tilespmem:s14+$0xFFFFFF80] =	vst v10  }
0x345: {  	v12 =	vld [tilespmem:s14+$0x0];
	v10 =	vbroadcast v5, $0x1;
	[tilespmem:s14+$0xFFFFFF90] =	vst v3;
	v3 =	vmul.f32 v4, v11  }
0x346: {  	v4 =	vbroadcast v5, $0x2;
	v11 =	vld [tilespmem:s14+$0x10];
	[tilespmem:s14+$0xFFFFFFA0] =	vst v2;
	v1 =	vmul.f32 v9, v1  }
0x347: {  	v2 =	vbroadcast v5, $0x3;
	v5 =	vld [tilespmem:s14+$0x20];
	[tilespmem:s14+$0xFFFFFFB0] =	vst v3;
	v3 =	vmul.f32 v10, v7  }
0x348: {  	v9 =	vld [tilespmem:s14+$0x30];
	v7 =	vbroadcast v13, $0x0;
	[tilespmem:s14+$0xFFFFFFC0] =	vst v1;
	v0 =	vmul.f32 v4, v0  }
0x349: {  	v1 =	vbroadcast v13, $0x1;
	v4 =	vld [tilespmem:s14+$0x50];
	v2 =	vmul.f32 v14, v2;
	[tilespmem:s14+$0xFFFFFFD0] =	vst v3  }
0x34a: {  	v10 =	vld [tilespmem:s14+$0x60];
	v3 =	vbroadcast v13, $0x2;
	v7 =	vmul.f32 v7, v12;
	[tilespmem:s14+$0xFFFFFFE0] =	vst v0  }
0x34b: {  	v0 =	vbroadcast v13, $0x3;
	[tilespmem:s14+$0xFFFFFFF0] =	vst v2;
	v1 =	vmul.f32 v1, v11  }
0x34c: {  	v2 =	vmul.f32 v3, v5;
	[tilespmem:s14+$0x0] =	vst v7  }
0x34d: {  	v0 =	vmul.f32 v9, v0;
	[tilespmem:s14+$0x10] =	vst v1  }
0x34e: {  	v1 =	vmul.f32 v8, v4;
	[tilespmem:s14+$0x20] =	vst v2  }
0x34f: {  	v2 =	vmul.f32 v6, v10;
	[tilespmem:s14+$0x30] =	vst v0  }
0x350: {  	[tilespmem:s14+$0x50] =	vst v1  }
0x351: {  	[tilespmem:s14+$0x60] =	vst v2  }
0x352: {  	_ =	swait.ge [sflag:s18], $0x2000  }
0x353: {  	[sflag:s18] =	ssyncset.done $0x0  }
0x354: {  	[sflag:s18] =	ssyncadd.s32 $0xFFFFE000  }
0x355: {  	_ =	swait.ge [sflag:s18], $0x800  }
0x356: {  	[sflag:s18] =	ssyncset.done $0x0  }
0x357: {  	s0 =	simm.s32 @!p1 $0x7;
	[sflag:s18] =	ssyncadd.s32 $0xFFFFF800  }
0x358: {  	_ =	swait.ge @!p1 [sflag:s0], $0x80  }
0x359: {  	[sflag:s0] =	ssyncset.done @!p1 $0x0  }
0x35a: {  	[sflag:s0] =	ssyncadd.s32 @!p1 $0xFFFFFF80  }
0x35b: {  	_ =	swait.ge @!p1 [sflag:s0], $0x80  }
0x35c: {  	[sflag:s0] =	ssyncset.done @!p1 $0x0  }
0x35d: {  	[sflag:s0] =	ssyncadd.s32 @!p1 $0xFFFFFF80;
	s0 =	sshll.u32 @!p1 s3, $0x8  }
0x35e: {  	s2 =	simm.s32 @!p1 $0x3480;
	s1 =	simm.s32 @!p1 $0x0;
	s0 =	sadd.s32 @!p1 s11, s0  }
0x35f: {  	[tilespmem:s2], [sflag:$0x1] =	stream.linear.gather @!p1 [hbm4b:s0+s1], $0x800, $0x38;
	[tilespmem:$0x18C80] =	vst v63  }
0x360: {  	s0 =	simm.s32 @!p1 $0x80;
	s2 =	simm.s32 @!p1 $0x480  }
0x361: {  	[tilespmem:s2], [sflag:$0x1] =	stream.indirect.gather @!p1 [hbm4b:s9+s0], $0x10, s1, s0, $0xb8;
	[tilespmem:$0x18C80] =	vst v63  }
0x362: {  	s3 =	simm.s32 @!p1 $0x1C80;
	s2 =	simm.s32 @!p1 $0x180  }
0x363: {  	[tilespmem:s3], [sflag:$0x1] =	stream.indirect.gather @!p1 [hbm4b:s10+s0], $0x10, s2, s0, $0xb8;
	[tilespmem:$0x18C80] =	vst v63  }
0x364: {  	s2 =	simm.s32 @!p1 $0x4C80;
	s3 =	rddreg [dreg:$0x1]  }
0x365: {  	[tilespmem:s2], [sflag:$0x1] =	stream.indirect.gather @!p1 [hbm4b:s3+s0], $0x40, s1, s0, $0xb8;
	[tilespmem:$0x18C80] =	vst v63  }
0x366: {  	s21 =	simm.s32 $0x6C80;
	s25 =	simm.s32 $0x380;
	s31 =	rddreg [dreg:$0x2]  }
0x367: {  	[spmem:s31] =	stream.indirect.scatter.add.f32 [tilespmem:s21], [sflag:$0x5], $0x40, s25, s28, $0xb8;
	[tilespmem:$0x18C80] =	vst v63  }
0x368: {  	s30 =	simm.s32 $0xB480;
	s26 =	rddreg [dreg:$0x3]  }
0x369: {  	[spmem:s26] =	stream.indirect.scatter.add.f32 [tilespmem:s30], [sflag:$0x5], $0x10, s25, s28, $0xb8;
	[tilespmem:$0x18C80] =	vst v63  }
0x36a: {  	_ =	swait.ge [sflag:s20], $0x800  }
0x36b: {  	[sflag:s20] =	ssyncset.done $0x0  }
0x36c: {  	[sflag:s20] =	ssyncadd.s32 $0xFFFFF800  }
0x36d: {  	_ =	swait.ge [sflag:s20], $0x800  }
0x36e: {  	[sflag:s20] =	ssyncset.done $0x0  }
0x36f: {  	[sflag:s20] =	ssyncadd.s32 $0xFFFFF800  }
0x370: {  	_ =	swait.ge [sflag:s20], $0x800  }
0x371: {  	[sflag:s20] =	ssyncset.done $0x0  }
0x372: {  	[sflag:s20] =	ssyncadd.s32 $0xFFFFF800  }
0x373: {  	_ =	swait.ge [sflag:s20], $0x2000  }
0x374: {  	[sflag:s20] =	ssyncset.done $0x0  }
0x375: {  	[sflag:s20] =	ssyncadd.s32 $0xFFFFE000  }
0x376: {  	v0 =	vld [tilespmem:$0x280]  }
0x377: {  	v1 =	vld [tilespmem:$0x290]  }
0x378: {  	v2 =	vld [tilespmem:$0x2A0]  }
0x379: {  	v3 =	vld [tilespmem:$0x2B0]  }
0x37a: {  	v4 =	vld [tilespmem:$0x2C0]  }
0x37b: {  	[tilespmem:$0x400] =	vst v0;
	v0 =	vld [tilespmem:$0x2D0]  }
0x37c: {  	[tilespmem:$0x410] =	vst v1;
	v1 =	vld [tilespmem:$0x2E0]  }
0x37d: {  	[tilespmem:$0x420] =	vst v2;
	v2 =	vld [tilespmem:$0x2F0]  }
0x37e: {  	[tilespmem:$0x430] =	vst v3  }
0x37f: {  	s0 =	rddreg [dreg:$0x17];
	[tilespmem:$0x440] =	vst v4  }
0x380: {  	s0 =	sadd.s32 @!p1 s13, s0;
	[tilespmem:$0x450] =	vst v0  }
0x381: {  	s0 =	sshll.u32 @!p1 s0, $0x4;
	[tilespmem:$0x460] =	vst v1  }
0x382: {  	s3 =	simm.s32 @!p1 $0x100;
	s2 =	sadd.s32 @!p1 s6, s0;
	[tilespmem:$0x470] =	vst v2  }
0x383: {  	[tilespmem:s3], [sflag:$0x9] =	stream.linear.gather @!p1 [hbm4b:s2+s1], $0x80, $0x38;
	[tilespmem:$0x18C80] =	vst v63  }
0x384: {  	s0 =	sadd.s32 @!p1 s7, s0;
	s2 =	simm.s32 @!p1 $0x280  }
0x385: {  	[tilespmem:s2], [sflag:$0x9] =	stream.linear.gather @!p1 [hbm4b:s0+s1], $0x80, $0x38;
	[tilespmem:$0x18C80] =	vst v63  }
0x386: {  	s1 =	simm.s32 $0x0;
	s2 =	simm.s32 $0x14A0  }
0x387: {  	s4 =	simm.s32 $0x30;
	s13 =	simm.s32 $0x2CA0;
	s14 =	sand.u32 $0x600, s1;
	v0 =	vld [tilespmem:s2+$0x10]  }
0x388: {  	s4 =	sand.u32 $0x1F0, s4;
	v1 =	vld [tilespmem:s13+$0x10];
	s3 =	sadd.s32 $0x4480, s14  }
0x389: {  	s4 =	sadd.s32 s4, s3  }
0x38a: {  	v2 =	vld [tilespmem:s4+$0x0];
	_ =	sdelay $0x2  }
0x38b: {  	v0 =	vadd.f32 v1, v0;
	_ =	sdelay $0x1  }
0x38c: {  	v4 =	vld [tilespmem:s2+$0xFFFFFFE0];
	v0 =	vadd.f32 v2, v0  }
0x38d: {  	v5 =	vld [tilespmem:s13+$0xFFFFFFF0]  }
0x38e: {  	s0 =	sand.u32 $0x1C0, s1;
	v1 =	vld [tilespmem:s13+$0xFFFFFFE0];
	v3 =	vmul.f32 $2.000000030e-01, v0  }
0x38f: {  	s15 =	simm.s32 $0x10;
	s0 =	sadd.s32 s0, s3;
	v2 =	vld [tilespmem:s2+$0xFFFFFFF0];
	vm0 =	vge.f32 v0, $0.0e+00  }
0x390: {  	s4 =	sand.u32 $0x1D0, s15;
	v0 =	vsel vm0, v0, v3;
	v3 =	vld [tilespmem:s0+$0x0]  }
0x391: {  	s19 =	sadd.s32 s4, s3  }
0x392: {  	v6 =	vld [tilespmem:s19+$0x0];
	v0 =	vmul.f32 $1.442695020e+00, v0  }
0x393: {  	s21 =	simm.s32 $0x20;
	v1 =	vadd.f32 v1, v4;
	v4 =	vld [tilespmem:s13+$0x0]  }
0x394: {  	s0 =	sand.u32 $0x1E0, s21;
	(erf) = vpow2.f32 v0;
	v0 =	vld [tilespmem:s2+$0x0]  }
0x395: {  	s0 =	sadd.s32 s0, s3;
	v2 =	vadd.f32 v5, v2;
	v1 =	vadd.f32 v3, v1  }
0x396: {  	v3 =	vld [tilespmem:s0+$0x0]  }
0x397: {  	v2 =	vadd.f32 v6, v2;
	v5 =	vmul.f32 $2.000000030e-01, v1  }
0x398: {  	vm10 =	vge.f32 v1, $0.0e+00  }
0x399: {  	v0 =	vadd.f32 v4, v0;
	v4 =	vmul.f32 $2.000000030e-01, v2;
	v1 =	vsel vm10, v1, v5  }
0x39a: {  	s26 =	simm.s32 $0x14E0;
	vm11 =	vge.f32 v2, $0.0e+00;
	v1 =	vmul.f32 $1.442695020e+00, v1  }
0x39b: {  	s30 =	simm.s32 $0x2CE0;
	v8 =	vld [tilespmem:s26+$0xFFFFFFF0];
	v0 =	vadd.f32 v3, v0;
	v2 =	vsel vm11, v2, v4  }
0x39c: {  	s25 =	simm.s32 $0x40;
	v9 =	vld [tilespmem:s30+$0xFFFFFFF0];
	v2 =	vmul.f32 $1.442695020e+00, v2;
	(erf) = vpow2.f32 v1  }
0x39d: {  	s15 =	sand.u32 $0x600, s25;
	s19 =	simm.s32 $0x70;
	s0 =	simm.s32 $0xBCA0;
	v5 =	vld [tilespmem:s30+$0x10];
	v3 =	vpop (erf);
	v1 =	vmul.f32 $2.000000030e-01, v0  }
0x39e: {  	s1 =	simm.s32 $0x8D00;
	s14 =	sand.u32 $0x1F0, s19;
	s13 =	sadd.s32 $0x4480, s15;
	vm12 =	vge.f32 v0, $0.0e+00;
	[tilespmem:s0+$0x10] =	vst v3;
	(erf) = vpow2.f32 v2;
	v2 =	vld [tilespmem:s26+$0x10]  }
0x39f: {  	s14 =	sadd.s32 s14, s13;
	v4 =	vld [tilespmem:s1+$0x70];
	v0 =	vsel vm12, v0, v1  }
0x3a0: {  	v7 =	vld [tilespmem:s14+$0x0];
	v0 =	vmul.f32 $1.442695020e+00, v0  }
0x3a1: {  	v21 =	vld [tilespmem:s1+$0x40]  }
0x3a2: {  	v12 =	vld [tilespmem:s26+$0x0];
	v11 =	vbroadcast v3, $0x3;
	(erf) = vpow2.f32 v0  }
0x3a3: {  	v6 =	vld [tilespmem:s30+$0xFFFFFFE0];
	v2 =	vadd.f32 v5, v2  }
0x3a4: {  	s21 =	simm.s32 $0x50;
	s2 =	sand.u32 $0x1C0, s25;
	v10 =	vbroadcast v3, $0x0;
	v11 =	vmul.f32 v4, v11;
	v4 =	vld [tilespmem:s26+$0xFFFFFFE0]  }
0x3a5: {  	v13 =	vld [tilespmem:s30+$0x0];
	s25 =	sand.u32 $0x1D0, s21;
	s2 =	sadd.s32 s2, s13;
	v1 =	vbroadcast v3, $0x1;
	v0 =	vbroadcast v3, $0x2;
	s26 =	simm.s32 $0x60;
	v2 =	vadd.f32 v7, v2;
	v3 =	vpop (erf)  }
0x3a6: {  	s4 =	sadd.s32 s25, s13;
	v10 =	vmul.f32 v10, v21;
	v7 =	vld [tilespmem:s2+$0x0];
	s30 =	sand.u32 $0x1E0, s26;
	v14 =	vbroadcast v3, $0x0  }
0x3a7: {  	v8 =	vadd.f32 v9, v8;
	v20 =	vld [tilespmem:s4+$0x0];
	s2 =	sadd.s32 s30, s13;
	v15 =	vbroadcast v3, $0x1;
	v5 =	vmul.f32 $2.000000030e-01, v2  }
0x3a8: {  	v16 =	vpop (erf);
	v17 =	vbroadcast v3, $0x2;
	v18 =	vbroadcast v3, $0x3;
	[tilespmem:s0+$0xFFFFFFE0] =	vst v3;
	v25 =	vld [tilespmem:s2+$0x0];
	vm13 =	vge.f32 v2, $0.0e+00  }
0x3a9: {  	v19 =	vbroadcast v16, $0x0;
	v9 =	vld [tilespmem:s1+$0xFFFFFF80];
	v2 =	vsel vm13, v2, v5;
	v4 =	vadd.f32 v6, v4  }
0x3aa: {  	v22 =	vbroadcast v16, $0x1;
	v27 =	vld [tilespmem:s1+$0xFFFFFFA0];
	v6 =	vadd.f32 v13, v12;
	v12 =	vmul.f32 $1.442695020e+00, v2  }
0x3ab: {  	v23 =	vbroadcast v16, $0x2;
	v24 =	vbroadcast v16, $0x3;
	[tilespmem:s0+$0xFFFFFFF0] =	vst v16;
	v13 =	vld [tilespmem:s1+$0xFFFFFF90];
	v26 =	vpop (erf);
	v4 =	vadd.f32 v7, v4  }
0x3ac: {  	v21 =	vld [tilespmem:s1+$0xFFFFFFD0];
	v7 =	vadd.f32 v20, v8;
	v5 =	vbroadcast v26, $0x0;
	(erf) = vpow2.f32 v12  }
0x3ad: {  	v8 =	vld [tilespmem:s1+$0xFFFFFFB0];
	v3 =	vbroadcast v26, $0x1;
	v2 =	vbroadcast v26, $0x2;
	v6 =	vadd.f32 v25, v6  }
0x3ae: {  	v62 =	vld [tilespmem:s1+$0xFFFFFFF0];
	v16 =	vmul.f32 $2.000000030e-01, v4;
	v20 =	vmul.f32 $2.000000030e-01, v7;
	vm14 =	vge.f32 v4, $0.0e+00  }
0x3af: {  	v12 =	vld [tilespmem:s1+$0xFFFFFFC0];
	[tilespmem:s0+$0x0] =	vst v26;
	vm1 =	vge.f32 v7, $0.0e+00;
	v9 =	vmul.f32 v14, v9;
	v25 =	vmul.f32 $2.000000030e-01, v6  }
0x3b0: {  	[tilespmem:s1+$0x40] =	vst v10;
	v14 =	vld [tilespmem:s1+$0x0];
	vm15 =	vge.f32 v6, $0.0e+00;
	v10 =	vmul.f32 v15, v13;
	v16 =	vsel vm14, v4, v16  }
0x3b1: {  	[tilespmem:s1+$0x70] =	vst v11;
	v13 =	vld [tilespmem:s1+$0x10];
	v7 =	vsel vm1, v7, v20;
	v4 =	vbroadcast v26, $0x3;
	v11 =	vmul.f32 $1.442695020e+00, v16  }
0x3b2: {  	v20 =	vld [tilespmem:s1+$0xFFFFFFE0];
	v7 =	vmul.f32 $1.442695020e+00, v7;
	v6 =	vsel vm15, v6, v25;
	v18 =	vmul.f32 v8, v18  }
0x3b3: {  	v15 =	vld [tilespmem:s1+$0x50];
	[tilespmem:s1+$0xFFFFFF80] =	vst v9;
	v6 =	vmul.f32 $1.442695020e+00, v6;
	(erf) = vpow2.f32 v11  }
0x3b4: {  	v9 =	vmul.f32 v17, v27;
	[tilespmem:s1+$0xFFFFFF90] =	vst v10;
	v10 =	vld [tilespmem:s1+$0x30];
	(erf) = vpow2.f32 v7  }
0x3b5: {  	s13 =	simm.s32 $0xBCE0;
	v63 =	vmul.f32 v19, v12;
	v11 =	vld [tilespmem:s1+$0x20];
	[tilespmem:s1+$0xFFFFFFB0] =	vst v18;
	(erf) = vpow2.f32 v6;
	v16 =	vpop (erf)  }
0x3b6: {  	s3 =	simm.s32 $0x8E00;
	v12 =	vld [tilespmem:s1+$0x60];
	v19 =	vmul.f32 v22, v21;
	v18 =	vmul.f32 v62, v24;
	[tilespmem:s13+$0x10] =	vst v16  }
0x3b7: {  	s19 =	simm.s32 $0x80;
	[tilespmem:s1+$0xFFFFFFA0] =	vst v9;
	v20 =	vmul.f32 v23, v20;
	v7 =	vbroadcast v16, $0x0;
	v17 =	vld [tilespmem:s3+$0x70]  }
0x3b8: {  	s14 =	simm.s32 $0x4;
	s21 =	simm.s32 $0x2D20;
	s0 =	simm.s32 $0x1520;
	[tilespmem:s1+$0xFFFFFFC0] =	vst v63;
	v8 =	vbroadcast v16, $0x1;
	v6 =	vbroadcast v16, $0x2;
	v9 =	vld [tilespmem:s3+$0x40]  }
.LBB2_8:
0x3b9: {  	s2 =	sand.u32 $0x600, s19;
	s4 =	sadd.s32 $0x30, s19;
	v21 =	vld [tilespmem:s0+$0x10];
	s14 =	sadd.s32 $0x4, s14;
	[tilespmem:s1+$0xFFFFFFD0] =	vst v19;
	v5 =	vmul.f32 v5, v14;
	v13 =	vmul.f32 v3, v13  }
0x3ba: {  	v14 =	vbroadcast v16, $0x3;
	v11 =	vmul.f32 v2, v11;
	s2 =	sadd.s32 $0x4480, s2;
	v3 =	vld [tilespmem:s21+$0x10];
	s4 =	sand.u32 $0x1F0, s4;
	p2 =	slt.u32 s14, $0x7C;
	[tilespmem:s1+$0xFFFFFFE0] =	vst v20  }
0x3bb: {  	s15 =	sadd.s32 $0x10, s19;
	s25 =	sadd.s32 $0x20, s19;
	v10 =	vmul.f32 v10, v4;
	v15 =	vmul.f32 v1, v15;
	v1 =	vmov v8;
	v16 =	vld [tilespmem:s21+$0xFFFFFFE0];
	s4 =	sadd.s32 s4, s2;
	[tilespmem:s1+$0xFFFFFFF0] =	vst v18  }
0x3bc: {  	s26 =	sand.u32 $0x1C0, s19;
	s15 =	sand.u32 $0x1D0, s15;
	s25 =	sand.u32 $0x1E0, s25;
	v12 =	vmul.f32 v0, v12;
	v0 =	vmov v6;
	v2 =	vld [tilespmem:s4+$0x0];
	v20 =	vmul.f32 v17, v14;
	v8 =	vpop (erf);
	[tilespmem:s1+$0x0] =	vst v5  }
0x3bd: {  	s15 =	sadd.s32 s15, s2;
	s4 =	sadd.s32 s26, s2;
	s2 =	sadd.s32 s25, s2;
	v6 =	vld [tilespmem:s0+$0xFFFFFFF0];
	[tilespmem:s13+$0xFFFFFFE0] =	vst v8;
	v14 =	vbroadcast v8, $0x0;
	v17 =	vbroadcast v8, $0x1;
	v5 =	vpop (erf)  }
0x3be: {  	v19 =	vbroadcast v8, $0x2;
	v8 =	vbroadcast v8, $0x3;
	v18 =	vld [tilespmem:s21+$0xFFFFFFF0];
	[tilespmem:s3+$0x70] =	vst v20;
	v4 =	vpop (erf)  }
0x3bf: {  	v22 =	vbroadcast v5, $0x1;
	v20 =	vld [tilespmem:s0+$0x0];
	v3 =	vadd.f32 v3, v21;
	[tilespmem:s13+$0xFFFFFFF0] =	vst v5;
	v21 =	vbroadcast v5, $0x0  }
0x3c0: {  	v24 =	vbroadcast v5, $0x2;
	v25 =	vbroadcast v5, $0x3;
	v23 =	vld [tilespmem:s21+$0x0];
	[tilespmem:s13+$0x0] =	vst v4  }
0x3c1: {  	v5 =	vbroadcast v4, $0x0;
	v26 =	vld [tilespmem:s0+$0xFFFFFFE0];
	v27 =	vadd.f32 v2, v3;
	v3 =	vbroadcast v4, $0x1;
	[tilespmem:s1+$0x10] =	vst v13  }
0x3c2: {  	v2 =	vbroadcast v4, $0x2;
	v4 =	vbroadcast v4, $0x3;
	v13 =	vld [tilespmem:s4+$0x0];
	[tilespmem:s1+$0x20] =	vst v11  }
0x3c3: {  	v7 =	vmul.f32 v7, v9;
	v6 =	vadd.f32 v18, v6;
	v11 =	vld [tilespmem:s15+$0x0];
	v18 =	vmul.f32 $2.000000030e-01, v27;
	[tilespmem:s1+$0x30] =	vst v10  }
0x3c4: {  	vm0 =	vge.f32 v27, $0.0e+00;
	v9 =	vld [tilespmem:s2+$0x0];
	[tilespmem:s1+$0x50] =	vst v15  }
0x3c5: {  	v10 =	vadd.f32 v23, v20;
	v15 =	vsel vm0, v27, v18;
	v18 =	vld [tilespmem:s3+$0xFFFFFF80];
	[tilespmem:s3+$0x40] =	vst v7  }
0x3c6: {  	v7 =	vadd.f32 v16, v26;
	v15 =	vmul.f32 $1.442695020e+00, v15;
	v16 =	vld [tilespmem:s3+$0xFFFFFF90];
	[tilespmem:s1+$0x60] =	vst v12;
	s1 =	smov.u32 s3  }
0x3c7: {  	v12 =	vld [tilespmem:s3+$0xFFFFFFA0]  }
0x3c8: {  	v7 =	vadd.f32 v13, v7;
	v6 =	vadd.f32 v11, v6;
	(erf) = vpow2.f32 v15;
	v15 =	vld [tilespmem:s3+$0xFFFFFFB0]  }
0x3c9: {  	v9 =	vadd.f32 v9, v10;
	v20 =	vld [tilespmem:s3+$0xFFFFFFC0]  }
0x3ca: {  	vm0 =	vge.f32 v7, $0.0e+00;
	v10 =	vmul.f32 $2.000000030e-01, v7;
	v11 =	vmul.f32 $2.000000030e-01, v6;
	v23 =	vld [tilespmem:s3+$0xFFFFFFD0]  }
0x3cb: {  	vm1 =	vge.f32 v6, $0.0e+00;
	vm2 =	vge.f32 v9, $0.0e+00;
	v13 =	vmul.f32 $2.000000030e-01, v9;
	v26 =	vld [tilespmem:s3+$0xFFFFFFE0]  }
0x3cc: {  	v7 =	vsel vm0, v7, v10;
	v6 =	vsel vm1, v6, v11;
	v10 =	vmul.f32 v14, v18;
	v18 =	vld [tilespmem:s3+$0xFFFFFFF0]  }
0x3cd: {  	v7 =	vmul.f32 $1.442695020e+00, v7;
	v6 =	vmul.f32 $1.442695020e+00, v6;
	v9 =	vsel vm2, v9, v13;
	v14 =	vld [tilespmem:s3+$0x0]  }
0x3ce: {  	v9 =	vmul.f32 $1.442695020e+00, v9;
	[tilespmem:s3+$0xFFFFFF80] =	vst v10;
	v10 =	vmul.f32 v17, v16;
	v13 =	vld [tilespmem:s3+$0x10]  }
0x3cf: {  	(erf) = vpow2.f32 v7;
	v7 =	vmul.f32 v19, v12;
	v11 =	vld [tilespmem:s3+$0x20]  }
.Ltmp10:
0x3d0: {  	v19 =	vmul.f32 v15, v8;
	(erf) = vpow2.f32 v6;
	[tilespmem:s3+$0xFFFFFF90] =	vst v10;
	v10 =	vld [tilespmem:s3+$0x30];
	(pc) =	sbr.rel @p2 .LBB2_8-.Ltmp10, $4  }
0x3d1: {  	s13 =	sadd.s32 $0x40, s13;
	v20 =	vmul.f32 v21, v20;
	(erf) = vpow2.f32 v9;
	v16 =	vpop (erf);
	[tilespmem:s3+$0xFFFFFFA0] =	vst v7;
	v15 =	vld [tilespmem:s3+$0x50]  }
0x3d2: {  	s3 =	sadd.s32 $0x100, s3;
	[tilespmem:s13+$0x10] =	vst v16;
	v7 =	vbroadcast v16, $0x0;
	v8 =	vbroadcast v16, $0x1;
	v12 =	vld [tilespmem:s1+$0x60]  }
0x3d3: {  	v6 =	vbroadcast v16, $0x2;
	v17 =	vld [tilespmem:s3+$0x70];
	[tilespmem:s1+$0xFFFFFFB0] =	vst v19;
	v19 =	vmul.f32 v22, v23  }
0x3d4: {  	s19 =	sadd.s32 $0x40, s19;
	s21 =	sadd.s32 $0x40, s21;
	s0 =	sadd.s32 $0x40, s0;
	v18 =	vmul.f32 v18, v25;
	v9 =	vld [tilespmem:s3+$0x40];
	[tilespmem:s1+$0xFFFFFFC0] =	vst v20;
	v20 =	vmul.f32 v24, v26  }
0x3d5: {  	[tilespmem:s1+$0xFFFFFFD0] =	vst v19  }
0x3d6: {  	v5 =	vmul.f32 v5, v14;
	[tilespmem:s1+$0xFFFFFFE0] =	vst v20  }
0x3d7: {  	v3 =	vmul.f32 v3, v13;
	[tilespmem:s1+$0xFFFFFFF0] =	vst v18  }
0x3d8: {  	v2 =	vmul.f32 v2, v11;
	[tilespmem:s1+$0x0] =	vst v5  }
0x3d9: {  	v4 =	vmul.f32 v10, v4;
	[tilespmem:s1+$0x10] =	vst v3  }
0x3da: {  	v1 =	vmul.f32 v1, v15;
	[tilespmem:s1+$0x20] =	vst v2  }
0x3db: {  	v29 =	vbroadcast v16, $0x3;
	[tilespmem:s1+$0x30] =	vst v4  }
0x3dc: {  	v57 =	vld [tilespmem:s3+$0x50];
	v0 =	vmul.f32 v0, v12;
	v30 =	vpop (erf);
	[tilespmem:s1+$0x50] =	vst v1  }
0x3dd: {  	v59 =	vld [tilespmem:s3+$0x60];
	v14 =	vmul.f32 v17, v29;
	[tilespmem:s13+$0xFFFFFFE0] =	vst v30  }
0x3de: {  	[tilespmem:s1+$0x60] =	vst v0;
	v33 =	vld [tilespmem:s3+$0xFFFFFF80]  }
0x3df: {  	v31 =	vpop (erf);
	[tilespmem:s3+$0x70] =	vst v14;
	v34 =	vld [tilespmem:s3+$0xFFFFFF90]  }
0x3e0: {  	v7 =	vmul.f32 v7, v9;
	v32 =	vpop (erf);
	[tilespmem:s13+$0xFFFFFFF0] =	vst v31;
	v35 =	vld [tilespmem:s3+$0xFFFFFFA0]  }
0x3e1: {  	v36 =	vbroadcast v30, $0x0;
	v37 =	vld [tilespmem:s3+$0xFFFFFFB0];
	v62 =	vmul.f32 v8, v57;
	[tilespmem:s13+$0x0] =	vst v32  }
0x3e2: {  	v38 =	vbroadcast v30, $0x1;
	v63 =	vmul.f32 v6, v59;
	v39 =	vld [tilespmem:s3+$0xFFFFFFC0];
	[tilespmem:s3+$0x40] =	vst v7  }
0x3e3: {  	v40 =	vbroadcast v30, $0x2;
	v41 =	vld [tilespmem:s3+$0xFFFFFFD0];
	[tilespmem:s3+$0x50] =	vst v62;
	v10 =	vmul.f32 v36, v33  }
0x3e4: {  	v42 =	vbroadcast v30, $0x3;
	v43 =	vld [tilespmem:s3+$0xFFFFFFE0];
	[tilespmem:s3+$0x60] =	vst v63;
	v3 =	vmul.f32 v38, v34  }
0x3e5: {  	v44 =	vbroadcast v31, $0x0;
	v45 =	vld [tilespmem:s3+$0xFFFFFFF0];
	v2 =	vmul.f32 v40, v35;
	[tilespmem:s3+$0xFFFFFF80] =	vst v10  }
0x3e6: {  	v46 =	vbroadcast v31, $0x1;
	v47 =	vld [tilespmem:s3+$0x0];
	v48 =	vmul.f32 v37, v42;
	[tilespmem:s3+$0xFFFFFF90] =	vst v3  }
0x3e7: {  	v49 =	vbroadcast v31, $0x2;
	v52 =	vld [tilespmem:s3+$0x20];
	v1 =	vmul.f32 v44, v39;
	[tilespmem:s3+$0xFFFFFFA0] =	vst v2  }
0x3e8: {  	v51 =	vbroadcast v31, $0x3;
	v50 =	vld [tilespmem:s3+$0x10];
	v53 =	vmul.f32 v46, v41;
	[tilespmem:s3+$0xFFFFFFB0] =	vst v48  }
0x3e9: {  	v54 =	vbroadcast v32, $0x0;
	v55 =	vld [tilespmem:s3+$0x30];
	v0 =	vmul.f32 v49, v43;
	[tilespmem:s3+$0xFFFFFFC0] =	vst v1  }
0x3ea: {  	v58 =	vbroadcast v32, $0x2;
	v2 =	vmul.f32 v45, v51;
	[tilespmem:s3+$0xFFFFFFD0] =	vst v53  }
0x3eb: {  	v56 =	vbroadcast v32, $0x1;
	v7 =	vmul.f32 v54, v47;
	[tilespmem:s3+$0xFFFFFFE0] =	vst v0  }
0x3ec: {  	v60 =	vbroadcast v32, $0x3;
	v61 =	vmul.f32 v58, v52;
	[tilespmem:s3+$0xFFFFFFF0] =	vst v2  }
0x3ed: {  	v1 =	vmul.f32 v56, v50;
	[tilespmem:s3+$0x0] =	vst v7  }
0x3ee: {  	v0 =	vmul.f32 v55, v60;
	[tilespmem:s3+$0x20] =	vst v61  }
0x3ef: {  	[tilespmem:s3+$0x10] =	vst v1  }
0x3f0: {  	[tilespmem:s3+$0x30] =	vst v0  }
0x3f1: {  	_ =	swait.ge [sflag:s24], $0x2000  }
.Ltmp11:
0x3f2: {  	[sflag:s24] =	ssyncset.done $0x0;
	(pc) =	sbr.rel @p1 .LBB2_11-.Ltmp11, $4  }
0x3f3: {  	[sflag:s24] =	ssyncadd.s32 $0xFFFFE000  }
0x3f4: {  	_ =	swait.ge [sflag:s24], $0x800  }
0x3f5: {  	[sflag:s24] =	ssyncset.done $0x0  }
0x3f6: {  	[sflag:s24] =	ssyncadd.s32 $0xFFFFF800  }
0x3f7: {  	_ =	swait.ge [sflag:s16], $0x80  }
0x3f8: {  	[sflag:s16] =	ssyncset.done $0x0  }
0x3f9: {  	[sflag:s16] =	ssyncadd.s32 $0xFFFFFF80  }
0x3fa: {  	s0 =	sadd.s32 s12, s17;
	_ =	swait.ge [sflag:s16], $0x80  }
0x3fb: {  	s1 =	simm.s32 $0x0;
	s0 =	sshll.u32 s0, $0x8;
	[sflag:s16] =	ssyncset.done $0x0  }
0x3fc: {  	s2 =	simm.s32 $0x3C80;
	s0 =	sadd.s32 s11, s0;
	[sflag:s16] =	ssyncadd.s32 $0xFFFFFF80  }
0x3fd: {  	[tilespmem:s2], [sflag:$0x2] =	stream.linear.gather [hbm4b:s0+s1], $0x800, $0x38;
	[tilespmem:$0x18C80] =	vst v63  }
0x3fe: {  	s14 =	simm.s32 $0xC80  }
0x3ff: {  	[tilespmem:s14], [sflag:$0x2] =	stream.indirect.gather [hbm4b:s9+s28], $0x10, s28, s28, $0xb8;
	[tilespmem:$0x18C80] =	vst v63  }
0x400: {  	s15 =	simm.s32 $0x200;
	s17 =	simm.s32 $0x2480  }
0x401: {  	[tilespmem:s17], [sflag:$0x2] =	stream.indirect.gather [hbm4b:s10+s28], $0x10, s15, s28, $0xb8;
	[tilespmem:$0x18C80] =	vst v63  }
0x402: {  	s21 =	simm.s32 $0x6C80;
	s19 =	rddreg [dreg:$0x1]  }
0x403: {  	[tilespmem:s21], [sflag:$0x2] =	stream.indirect.gather [hbm4b:s19+s28], $0x40, s28, s28, $0xb8;
	[tilespmem:$0x18C80] =	vst v63  }
.Ltmp12:
0x404: {  	_ = 	snop;
	(pc) =	sbr.rel .LBB2_3-.Ltmp12, $4  }
0x405: {  	s25 =	simm.s32 $0x8C80;
	s26 =	simm.s32 $0x400  }
0x406: {  	[spmem:s31] =	stream.indirect.scatter.add.f32 [tilespmem:s25], [sflag:$0x6], $0x40, s26, s28, $0xb8;
	[tilespmem:$0x18C80] =	vst v63  }
0x407: {  	s29 =	sadd.s32 $0x1, s29;
	s30 =	rddreg [dreg:$0x3];
	s31 =	simm.s32 $0xBC80  }
0x408: {  	[spmem:s30] =	stream.indirect.scatter.add.f32 [tilespmem:s31], [sflag:$0x6], $0x10, s26, s28, $0xb8;
	[tilespmem:$0x18C80] =	vst v63  }
.LBB2_11:
0x409: {  	s0 =	simm.s32 $0x8C80;
	s1 =	simm.s32 $0x400  }
0x40a: {  	[spmem:s31] =	stream.indirect.scatter.add.f32 [tilespmem:s0], [sflag:$0x6], $0x40, s1, s28, $0xb8;
	[tilespmem:$0x18C80] =	vst v63  }
0x40b: {  	s19 =	rddreg [dreg:$0x3];
	s2 =	simm.s32 $0xBC80;
	s21 =	simm.s32 $0x6  }
0x40c: {  	[spmem:s19] =	stream.indirect.scatter.add.f32 [tilespmem:s2], [sflag:$0x6], $0x10, s1, s28, $0xb8;
	[tilespmem:$0x18C80] =	vst v63  }
0x40d: {  	_ =	swait.ge [sflag:s21], $0x2000  }
0x40e: {  	[sflag:s21] =	ssyncset.done $0x0  }
0x40f: {  	[sflag:s21] =	ssyncadd.s32 $0xFFFFE000  }
0x410: {  	_ =	swait.ge [sflag:s21], $0x800  }
0x411: {  	[sflag:s21] =	ssyncset.done $0x0  }
0x412: {  	[sflag:s21] =	ssyncadd.s32 $0xFFFFF800  }
0x413: {  	[bflag:$0x0] =	sbarrier.arrive $0xFFFF  }
0x414: {  	s17 =	rddreg [dreg:$0x6]  }
0x415: {  	s25 =	rddreg [dreg:$0x13]  }
0x416: {  	s1 =	simm.s32 $0xA;
	s26 =	rddreg [dreg:$0x1a]  }
0x417: {  	[hbm:s25], [sflag:s17] =	dma.local [spmem:s26], $0x1400  }
0x418: {  	_ =	swait.ge [sflag:s1], $0x1400  }
0x419: {  	[sflag:s1] =	ssyncset.done $0x0;
	s29 =	rddreg [dreg:$0x11]  }
.Ltmp13:
0x41a: {  	s30 =	rddreg [dreg:$0x1b];
	[sflag:s1] =	ssyncadd.s32 $0xFFFFEC00;
	(pc) =	sbr.rel .LBB2_22-.Ltmp13, $4  }
0x41b: {  	[hbm:s29], [sflag:s17] =	dma.local [spmem:s30], $0x500  }
0x41c: {  	_ =	swait.ge [sflag:s1], $0x500  }
0x41d: {  	[sflag:s1] =	ssyncset.done $0x0  }
0x41e: {  	s3 =	simm.s32 $0x200;
	s2 =	rddreg [dreg:$0x19];
	[sflag:s1] =	ssyncadd.s32 $0xFFFFFB00  }
.LBB2_23:
0x41f: {  	_ =	sfence.sel $0x180000  }
0x420: {  	[bflag:$0x0] =	sbarrier.arrive $0xFFFF  }
0x421: {  	_ =	strace $0x9000004A  }
0x422: {  	s0 =	stileid.u32;
	[bflag:$0x2] =	sbarrier.arrive $0xFFFF  }
0x423: {  	p0 =	sne.s32 s0, $0x0;
	s0 =	rddreg [dreg:$0x4]  }
0x424: {  	s0 =	sadd.s32 @!p0 $0x100000, s0  }
0x425: {  	[sflag:s0] =	ssyncadd.tile.s32 @!p0 $0x1;
	_ =	shalt  }
.Lfunc_end2:
_tile_overlayer_lowered:
.L_overlay_start_2:
0x426: {  	(tag) =	ssettag $0x2  }
0x427: {  	s0 =	rddreg [dreg:$0x0];
	s2 =	stileid.u32  }
0x428: {  	s1 =	rddreg [dreg:$0x1];
	p0 =	sne.s32 s2, $0x0  }
0x429: {  	s3 =	rddreg [dreg:$0x2];
	[bflag:$0x3] =	sbarrier.arrive $0xFFFF;
	s2 =	simm.s32 @!p0 $0x1C0A  }
0x42a: {  	[timem:s3], [sflag:s2] =	dma.local @!p0 [hbm:s0], s1  }
0x42b: {  	s0 =	simm.s32 @!p0 $0xA  }
0x42c: {  	_ =	swait.ge @!p0 [sflag:s0], s1  }
0x42d: {  	s1 =	ssub.s32 @!p0 $0x0, s1;
	[sflag:s0] =	ssyncset.done @!p0 $0x0  }
0x42e: {  	[sflag:s0] =	ssyncadd.s32 @!p0 s1  }
0x42f: {  	[bflag:$0x3] =	sbarrier.arrive $0xFFFF  }
0x430: {  	_ =	shalt  }

// kernel: kernel.7.cloned.1.call-start
scs
__scs_entry_jumppad:
0x0: {  	(pc) =	sbr.rel $0x88, $3  }
0x1: {  	(tag) =	ssettag $0x0;
	lr =	simm.s32 $0x1  }
0x2: {  	[smem:$0x3F90] =	sst lr;
	_ =	strace $0xD0000000  }
0x3: {  	_ = 	snop  }
0x4: {  	_ = 	snop  }
0x5: {  	_ = 	snop  }
0x6: {  	_ = 	snop  }
0x7: {  	_ = 	snop  }
__scs_overlays_trampoline_lowered:
0x8: {  	[smem:$0x3F9F] =	sst s0  }
0x9: {  	[smem:$0x3FA0] =	sst s1  }
0xa: {  	[smem:$0x3FA1] =	sst s2  }
0xb: {  	[smem:$0x3FA2] =	sst s3  }
0xc: {  	[smem:$0x3FA3] =	sst s4  }
0xd: {  	[smem:$0x3FA4] =	sst s5  }
0xe: {  	[smem:$0x3FA5] =	sst s6  }
0xf: {  	[smem:$0x3FA6] =	sst s7  }
0x10: {  	[smem:$0x3FA7] =	sst s8  }
0x11: {  	[smem:$0x3FA8] =	sst s9;
	s0 =	simm.s32 @!p0 $0x0  }
0x12: {  	s1 =	sld [smem:$0x3F8E];
	s0 =	simm.s32 @p0 $0x1  }
0x13: {  	[smem:$0x3FA9] =	sst s0;
	s0 =	simm.s32 @!p1 $0x0  }
0x14: {  	s2 =	sld [smem:$0x3F8D];
	s0 =	simm.s32 @p1 $0x1  }
0x15: {  	[smem:$0x3FAA] =	sst s0;
	s0 =	simm.s32 @!p2 $0x0  }
0x16: {  	s3 =	sld [smem:$0x3FDB];
	s0 =	simm.s32 @p2 $0x1  }
0x17: {  	s4 =	simm.s32 $0x1BF5;
	[smem:$0x3FAC] =	sst s0  }
0x18: {  	s0 =	sld [smem:$0x3F8F];
	_ =	swait.ge [sflag:s4], $0x0  }
0x19: {  	s7 =	sld [smem:$0x3F90]  }
0x1a: {  	s8 =	sadd.s32 $0xFFFFE003, lr  }
0x1b: {  	s9 =	sadd.s32 $0xFFFFFEF7, lr;
	s5 =	simm.s32 $0xFFFFFFFF;
	p2 =	slt.u32 s8, $0xFFFFF086  }
0x1c: {  	p1 =	slt.u32 s9, $0xF7A;
	s5 =	simm.s32 @!p2 $0x0  }
0x1d: {  	s5 =	simm.s32 @p1 $0x1;
	p0 =	seq.s32 s7, s2  }
0x1e: {  	s7 =	smul.u32 @!p0 $0xF7A, s2;
	p2 =	seq.s32 @!p0 s5, $0x0  }
0x1f: {  	s9 =	smul.u32 $0xF7A, s1;
	s8 =	simm.s32 @!p0 $0x1BF5;
	p2 =	por !p2, p0  }
0x20: {  	[sflag:s8] =	ssyncset.s32 @!p0 $0xFFFFF086;
	s6 =	sadd.s32 @!p0 s3, s7;
	s7 =	simm.s32 @!p0 $0x108  }
0x21: {  	s3 =	sadd.s32 s3, s9;
	s6 =	sadd.s32 @!p0 $0x88, s6;
	s7 =	simm.s32 @p2 $0x1082  }
0x22: {  	[simem:s7], [sflag:s8] =	dma.local @!p0 [hbm:s6], $0xF7A  }
0x23: {  	s9 =	sor.u32 $0xD0000000, s2;
	s6 =	simm.s32 $0x108;
	_ =	swait.ge @!p0 [sflag:s8], $0x0  }
0x24: {  	s3 =	sadd.s32 $0x88, s3;
	s6 =	simm.s32 @!p1 $0x1082;
	[sflag:s4] =	ssyncset.s32 $0xFFFFF086  }
0x25: {  	[simem:s6], [sflag:s4] =	dma.local [hbm:s3], $0xF7A  }
0x26: {  	[smem:$0x3F90] =	sst s1;
	(tag) =	ssettag s2;
	_ =	strace s9  }
0x27: {  	s1 =	sld [smem:$0x3FA0]  }
0x28: {  	s2 =	sld [smem:$0x3FA1]  }
0x29: {  	s4 =	sld [smem:$0x3FA3]  }
0x2a: {  	p0 =	seq.s32 s5, $0x0;
	s5 =	sld [smem:$0x3FA4]  }
0x2b: {  	s6 =	sld [smem:$0x3FA5]  }
0x2c: {  	s7 =	sld [smem:$0x3FA6]  }
0x2d: {  	s3 =	simm.s32 $0x108;
	s8 =	sld [smem:$0x3FA7]  }
0x2e: {  	s3 =	simm.s32 @!p0 $0x1082;
	s9 =	sld [smem:$0x3FA8]  }
0x2f: {  	lr =	sadd.s32 s0, s3;
	s0 =	sld [smem:$0x3F9F]  }
0x30: {  	s3 =	sld [smem:$0x3FA2]  }
0x31: {  	[smem:$0x3FAB] =	sst s10  }
0x32: {  	s10 =	sld [smem:$0x3FA9];
	_ =	sdelay $0x3  }
0x33: {  	p0 =	seq.s32 s10, $0x1;
	s10 =	sld [smem:$0x3FAB];
	_ =	sdelay $0x3  }
0x34: {  	[smem:$0x3FAB] =	sst s10  }
0x35: {  	s10 =	sld [smem:$0x3FAA];
	_ =	sdelay $0x3  }
0x36: {  	p1 =	seq.s32 s10, $0x1;
	s10 =	sld [smem:$0x3FAB];
	_ =	sdelay $0x3  }
0x37: {  	[smem:$0x3FAB] =	sst s10  }
0x38: {  	s10 =	sld [smem:$0x3FAC]  }
0x39: {  	_ = 	snop;
	(pc) =	sbr.ind lr, $3  }
0x3a: {  	_ = 	snop  }
0x3b: {  	_ = 	snop  }
0x3c: {  	p2 =	seq.s32 s10, $0x1;
	s10 =	sld [smem:$0x3FAB]  }
0x3d: {  	_ =	shalt  }
0x3e: {  	_ =	shalt  }
0x3f: {  	_ =	shalt  }
0x40: {  	_ =	shalt  }
0x41: {  	_ =	shalt  }
0x42: {  	_ =	shalt  }
0x43: {  	_ =	shalt  }
0x44: {  	_ =	shalt  }
0x45: {  	_ =	shalt  }
0x46: {  	_ =	shalt  }
0x47: {  	_ =	shalt  }
0x48: {  	_ =	shalt  }
0x49: {  	_ =	shalt  }
0x4a: {  	_ =	shalt  }
0x4b: {  	_ =	shalt  }
0x4c: {  	_ =	shalt  }
0x4d: {  	_ =	shalt  }
0x4e: {  	_ =	shalt  }
0x4f: {  	_ =	shalt  }
0x50: {  	_ =	shalt  }
0x51: {  	_ =	shalt  }
0x52: {  	_ =	shalt  }
0x53: {  	_ =	shalt  }
0x54: {  	_ =	shalt  }
0x55: {  	_ =	shalt  }
0x56: {  	_ =	shalt  }
0x57: {  	_ =	shalt  }
0x58: {  	_ =	shalt  }
0x59: {  	_ =	shalt  }
0x5a: {  	_ =	shalt  }
0x5b: {  	_ =	shalt  }
0x5c: {  	_ =	shalt  }
0x5d: {  	_ =	shalt  }
0x5e: {  	_ =	shalt  }
0x5f: {  	_ =	shalt  }
0x60: {  	_ =	shalt  }
0x61: {  	_ =	shalt  }
0x62: {  	_ =	shalt  }
0x63: {  	_ =	shalt  }
0x64: {  	_ =	shalt  }
0x65: {  	_ =	shalt  }
0x66: {  	_ =	shalt  }
0x67: {  	_ =	shalt  }
0x68: {  	_ =	shalt  }
0x69: {  	_ =	shalt  }
0x6a: {  	_ =	shalt  }
0x6b: {  	_ =	shalt  }
0x6c: {  	_ =	shalt  }
0x6d: {  	_ =	shalt  }
0x6e: {  	_ =	shalt  }
0x6f: {  	_ =	shalt  }
0x70: {  	_ =	shalt  }
0x71: {  	_ =	shalt  }
0x72: {  	_ =	shalt  }
0x73: {  	_ =	shalt  }
0x74: {  	_ =	shalt  }
0x75: {  	_ =	shalt  }
0x76: {  	_ =	shalt  }
0x77: {  	_ =	shalt  }
0x78: {  	_ =	shalt  }
0x79: {  	_ =	shalt  }
0x7a: {  	_ =	shalt  }
0x7b: {  	_ =	shalt  }
0x7c: {  	_ =	shalt  }
0x7d: {  	_ =	shalt  }
0x7e: {  	_ =	shalt  }
0x7f: {  	_ =	shalt  }
0x80: {  	_ =	shalt  }
0x81: {  	_ =	shalt  }
0x82: {  	_ =	shalt  }
0x83: {  	_ =	shalt  }
0x84: {  	_ =	shalt  }
0x85: {  	_ =	shalt  }
0x86: {  	_ =	shalt  }
0x87: {  	_ =	shalt  }
.Lfunc_end0:
.L_simem_size_0:
called_computation_lowered:
.L_overlay_start_0:
0x88: {  	s2 =	sld [smem:$0x3FD9]  }
0x89: {  	s3 =	sld [smem:$0x3FFE];
	_ =	sdelay $0x1  }
0x8a: {  	s1 =	srdreg.scid  }
0x8b: {  	s0 =	sand.u32 $0x1, s1  }
0x8c: {  	s16 =	sshll.u32 s0, $0xA;
	s2 =	sadd.s32 s3, s2  }
0x8d: {  	s2 =	sadd.s32 s2, s16  }
0x8e: {  	[smem:$0x3FB7] =	sst s2  }
0x8f: {  	_ = 	snop  }
0x90: {  	(tm) =	ssettm $0x1  }
0x91: {  	s17 =	sld [smem:$0x3FFB];
	_ =	sdelay $0x3  }
0x92: {  	_ =	strace s17  }
0x93: {  	s2 =	sld [smem:$0x3FFC];
	_ =	sdelay $0x3  }
0x94: {  	_ =	strace s2  }
0x95: {  	s2 =	sld [smem:$0x3FFD];
	_ =	sdelay $0x3  }
0x96: {  	_ =	strace s2  }
0x97: {  	_ =	strace $0x8FFFFFFF  }
0x98: {  	s18 =	sld [smem:$0x3FDB];
	_ =	sdelay $0x1  }
0x99: {  	s19 =	simm.s32 $_scs_section_size  }
0x9a: {  	s4 =	simm.s32 $_size__tile_overlayer_lowered;
	s5 =	simm.s32 $_tile_overlayer_lowered  }
0x9b: {  	s22 =	simm.s32 $0x1BFF;
	s21 =	sshll.u32 s5, $0x1;
	s2 =	sadd.s32 s19, s18  }
0x9c: {  	s6 =	simm.s32 $0x0;
	s20 =	sshll.u32 s4, $0x1;
	s4 =	sadd.s32 s21, s2  }
0x9d: {  	[timem:s6], [sflag:s22] =	dma.local [hbm:s4], s20  }
0x9e: {  	_ =	swait.ge [sflag:s22], s20  }
0x9f: {  	s3 =	ssub.s32 $0x0, s20;
	[sflag:s22] =	ssyncset.done $0x0  }
0xa0: {  	[sflag:s22] =	ssyncadd.s32 s3;
	_ =	sdelay $0x1  }
0xa1: {  	s23 =	simm.s32 $0x1B8B  }
0xa2: {  	_ =	swait.ge [sflag:s23], $0x1  }
0xa3: {  	[sflag:s23] =	ssyncset.done $0x0  }
0xa4: {  	s25 =	simm.s32 $0x1B8E;
	s24 =	sld [smem:$0x3FFE];
	[sflag:s23] =	ssyncadd.s32 $0xFFFFFFFF  }
0xa5: {  	s26 =	simm.s32 $execute0_lowered;
	[smem:$0x3FD2] =	sst s25  }
0xa6: {  	s4 =	sshll.u32 s26, $0x1;
	_ =	strace $0x80000046;
	[dreg:$0x1] =	wrdreg $0xFFFFFFFF  }
0xa7: {  	s28 =	simm.s32 $_size_execute0_lowered;
	s2 =	sadd.s32 s2, s4;
	[dreg:$0x0] =	wrdreg $0x0  }
0xa8: {  	s4 =	sshll.u32 s28, $0x1;
	[dreg:$0x2] =	wrdreg s2  }
0xa9: {  	[dreg:$0x3] =	wrdreg s4  }
0xaa: {  	[dreg:$0x4] =	wrdreg $0xC0  }
0xab: {  	_ =	task [dreg:s6], $0x5FFFF  }
0xac: {  	[dreg:$0x1] =	wrdreg $0xFFFFFFFF  }
0xad: {  	[dreg:$0x0] =	wrdreg $0x60  }
0xae: {  	[dreg:$0x2] =	wrdreg s24  }
0xaf: {  	[dreg:$0x3] =	wrdreg $0x9  }
0xb0: {  	_ =	task.clear_ibuf [dreg:s6], $0x4FFFF;
	_ =	strace $0x90000046  }
0xb1: {  	s29 =	simm.s32 $0x9;
	_ =	strace $0x80000048  }
0xb2: {  	_ =	swait.ge [sflag:s29], $0x1  }
0xb3: {  	[sflag:s29] =	ssyncadd.s32 $0xFFFFFFFF  }
0xb4: {  	_ =	strace $0x90000048  }
0xb5: {  	_ =	sfence  }
0xb6: {  	s30 =	sld [smem:$0x0];
	_ =	sdelay $0x2  }
0xb7: {  	s31 =	sshll.u32 s1, $0xD;
	s1 =	sshrl.u32 s1, $0x2  }
0xb8: {  	s3 =	sand.u32 $0x4000, s31;
	s1 =	sadd.s32 s1, s30  }
0xb9: {  	s0 =	sor.u32 s3, s0;
	s1 =	sshll.u32 s1, $0x11  }
0xba: {  	s0 =	sor.u32 s1, s0  }
0xbb: {  	s0 =	sadd.s32 $0x8F2B, s0  }
0xbc: {  	[sflag:s0] =	ssyncadd.remote.s32 $0x1  }
0xbd: {  	_ =	sfence.sel $0xFFFF  }
0xbe: {  	[dreg:$0x0] =	wrdreg $0xFFFFFFFF;
	(pc) =	sbr.abs _section_cstart, $3  }
0xbf: {  	[dreg:$0x1] =	wrdreg $0xFFFFFFFF  }
0xc0: {  	_ =	task.clear_ibuf [dreg:s6], $0x2FFFF;
	_ =	strace $0x9FFFFFFF  }
0xc1: {  	(tm) =	ssettm $0x7FFFFFFF  }
tec
execute0_lowered:
.L_overlay_start_1:
0x0: {  	(tag) =	ssettag $0x1  }
0x1: {  	s0 =	srdreg.scid;
	s2 =	stileid.u32;
	v0 =	vimm.s32 $0x27C3;
	vm0 =	vcmask $0x300  }
0x2: {  	s1 =	rddreg [dreg:$0x0];
	vm14 =	vcmask $0x704;
	s19 =	simm.s32 $0x1;
	s20 =	simm.s32 $0xD40;
	v0 =	vsel vm0, $0x0, v0  }
0x3: {  	vm15 =	vcmask $0xB08;
	s21 =	simm.s32 $0x1A80;
	s22 =	simm.s32 $0x27C0;
	s23 =	simm.s32 $0x3500;
	v0 =	vsel vm14, $0xD40, v0  }
0x4: {  	vm4 =	vcmask $0xF0C;
	s24 =	simm.s32 $0x0;
	s0 =	sand.u32 $0x1, s0;
	s3 =	sshll.u32 s2, $0x1;
	v0 =	vsel vm15, $0x1A80, v0  }
0x5: {  	vm5 =	vcmask $0x1310;
	s2 =	simm.s32 $0x0;
	s13 =	sadd.s32 $0x3400, s1;
	s4 =	sor.u32 s0, s3;
	v0 =	vsel vm4, $0x27C0, v0  }
0x6: {  	vm6 =	vcmask $0x1714;
	s1 =	sadd.s32 $0x2B000, s1;
	s0 =	ssub.s32 $0x2, s0;
	s10 =	smul.u32 $0x27C0, s4;
	v0 =	vsel vm5, $0x1, v0  }
0x7: {  	vm7 =	vcmask $0x1B18;
	[smem:$0x7FF] =	sst s2;
	s29 =	sshrl.u32 s0, $0x1;
	s7 =	smul.u32 $0x13E0, s4;
	v0 =	vsel vm6, $0xD41, v0  }
0x8: {  	vm8 =	vcmask $0x1F1C;
	_ =	strace $0x80000047;
	s0 =	ssub.s32 s0, s29;
	s5 =	sshrl.u32 s10, $0x3;
	v0 =	vsel vm7, $0x1A81, v0  }
0x9: {  	vm9 =	vcmask $0x2320;
	s11 =	sadd.s32 $0xD40, s10;
	s7 =	sadd.s32 s1, s7;
	s16 =	sadd.s32 $0x1A80, s10;
	v0 =	vsel vm8, $0x27C1, v0  }
0xa: {  	vm10 =	vcmask $0x2724;
	s18 =	smax.u32 s0, $0x1;
	s3 =	sadd.s32 s13, s5;
	s8 =	sshrl.u32 s11, $0x3;
	v0 =	vsel vm9, $0x2, v0  }
0xb: {  	vm11 =	vcmask $0x2B28;
	s12 =	sshrl.u32 s11, $0x1;
	s14 =	sshrl.u32 s16, $0x3;
	s17 =	sshrl.u32 s16, $0x1;
	v0 =	vsel vm10, $0xD42, v0  }
0xc: {  	vm12 =	vcmask $0x2F2C;
	s30 =	sadd.s32 $0x9F00, s3;
	s31 =	sadd.s32 $0x13E00, s3;
	s6 =	sadd.s32 $0x1DD00, s3;
	v0 =	vsel vm11, $0x1A82, v0  }
0xd: {  	vm13 =	vcmask $0x3330;
	s8 =	sadd.s32 s13, s8;
	s9 =	sadd.s32 $0xA0A8, s3;
	s10 =	sadd.s32 $0x13FA8, s3;
	v0 =	vsel vm12, $0x27C2, v0  }
0xe: {  	vm14 =	vcmask $0x3734;
	s11 =	sadd.s32 $0x1DEA8, s3;
	s12 =	sadd.s32 s1, s12;
	s13 =	sadd.s32 s13, s14;
	v0 =	vsel vm13, $0x3, v0  }
0xf: {  	v1 =	vlaneseq.u32;
	vm15 =	vcmask $0x3B38;
	s14 =	sadd.s32 $0xA250, s3;
	s15 =	sadd.s32 $0x14150, s3;
	[dreg:$0x2] =	wrdreg s30;
	v0 =	vsel vm14, $0xD43, v0  }
0x10: {  	v1 =	vshrl.u32 v1, $0x2;
	s16 =	sadd.s32 $0x1E050, s3;
	s17 =	sadd.s32 s1, s17;
	[dreg:$0x3] =	wrdreg s31;
	v0 =	vsel vm15, $0x1A83, v0  }
.LBB2_1:
0x11: {  	[tilespmem:s2], [sflag:$0x1] =	stream.linear.gather [hbm4b:s3+s2], $0xD40, $0x38;
	[tilespmem:$0x6A00] =	vst v63  }
0x12: {  	_ =	swait.ge [sflag:s19], $0xD40  }
0x13: {  	[sflag:s19] =	ssyncset.done $0x0  }
0x14: {  	s0 =	rddreg [dreg:$0x2];
	[sflag:s19] =	ssyncadd.s32 $0xFFFFF2C0  }
0x15: {  	[tilespmem:s20], [sflag:$0x1] =	stream.linear.gather [hbm4b:s0+s2], $0xD40, $0x38;
	[tilespmem:$0x6A00] =	vst v63  }
0x16: {  	_ =	swait.ge [sflag:s19], $0xD40  }
0x17: {  	[sflag:s19] =	ssyncset.done $0x0  }
0x18: {  	s4 =	rddreg [dreg:$0x3];
	[sflag:s19] =	ssyncadd.s32 $0xFFFFF2C0  }
0x19: {  	[tilespmem:s21], [sflag:$0x1] =	stream.linear.gather [hbm4b:s4+s2], $0xD40, $0x38;
	[tilespmem:$0x6A00] =	vst v63  }
0x1a: {  	s1 =	simm.s32 $0x8;
	_ =	swait.ge [sflag:s19], $0xD40  }
0x1b: {  	s25 =	simm.s32 $0x0;
	s26 =	simm.s32 $0x4;
	v3 =	vadd.s32 s1, v0;
	[sflag:s19] =	ssyncset.done $0x0  }
0x1c: {  	v4 =	vadd.s32 s25, v0;
	v5 =	vadd.s32 s26, v0;
	v3 =	vand.u32 $0x7FF8, v3;
	[sflag:s19] =	ssyncadd.s32 $0xFFFFF2C0  }
0x1d: {  	v4 =	vand.u32 $0x7FF0, v4;
	v3 =	vor.u32 v1, v3;
	[tilespmem:s22], [sflag:$0x1] =	stream.linear.gather [hbm4b:s6+s2], $0xD40, $0x38;
	[tilespmem:$0x6A00] =	vst v63  }
0x1e: {  	v7 =	vor.u32 v1, v4;
	_ =	swait.ge [sflag:s19], $0xD40  }
0x1f: {  	s5 =	simm.s32 $0xC;
	s4 =	simm.s32 $0x1C;
	[sflag:s19] =	ssyncset.done $0x0  }
0x20: {  	v2 =	vadd.s32 s5, v0;
	v10 =	vadd.s32 s4, v0;
	s4 =	simm.s32 $0x18;
	[sflag:s19] =	ssyncadd.s32 $0xFFFFF2C0  }
0x21: {  	s30 =	simm.s32 $0x14;
	s5 =	simm.s32 $0x10;
	v8 =	vadd.s32 s4, v0;
	v6 =	vld.idx.msk [tilespmem:v5+s2+$0x0], $0xffff  }
0x22: {  	s28 =	simm.s32 $0x4;
	s31 =	simm.s32 $0x10;
	v9 =	vand.u32 $0x7FF8, v8;
	v8 =	vadd.s32 s30, v0;
	v5 =	vadd.s32 s5, v0;
	v4 =	vld.idx.msk [tilespmem:v3+s2+$0x0], $0xffff  }
0x23: {  	s29 =	simm.s32 $0x0;
	s25 =	simm.s32 $0x30;
	s31 =	sand.u32 $0x50, s31;
	v9 =	vor.u32 v1, v9;
	v3 =	vand.u32 $0x7FF0, v5;
	v5 =	vld.idx.msk [tilespmem:v7+s2+$0x0], $0xffff  }
0x24: {  	s26 =	sand.u32 $0x70, s25;
	s4 =	simm.s32 $0x20;
	s5 =	sand.u32 $0x3F80, s29;
	v7 =	vor.u32 v1, v3  }
0x25: {  	s0 =	sand.u32 $0x40, s29;
	s4 =	sand.u32 $0x60, s4;
	v2 =	vld.idx.msk [tilespmem:v2+s2+$0x0], $0xffff;
	s29 =	sadd.s32 $0x3500, s5  }
0x26: {  	s30 =	simm.s32 $0x2C;
	v3 =	vld.idx.msk [tilespmem:v10+s2+$0x0], $0xffff;
	s1 =	sor.u32 s0, s29;
	s0 =	sor.u32 s4, s29  }
.LBB2_2:
0x27: {  	s4 =	sadd.s32 $0xFFFFFFF4, s30;
	s5 =	sadd.s32 $0xFFFFFFFC, s30;
	v10 =	vadd.s32 s30, v0;
	s28 =	sadd.s32 $0x4, s28;
	v11 =	vld.idx.msk [tilespmem:v8+s2+$0x0], $0xffff;
	[tilespmem:s0+$0x0] =	vst v4  }
0x28: {  	s0 =	sadd.s32 $0xFFFFFFF8, s30;
	v8 =	vadd.s32 s4, v0;
	v12 =	vadd.s32 s5, v0;
	p0 =	slt.u32 s28, $0x34C;
	v4 =	vld.idx.msk [tilespmem:v9+s2+$0x0], $0xffff;
	[tilespmem:s1+$0x0] =	vst v5;
	s1 =	sor.u32 s31, s29  }
.Ltmp0:
0x29: {  	s25 =	sadd.s32 $0x40, s25;
	v9 =	vand.u32 $0x7FF0, v8;
	v8 =	vadd.s32 s0, v0;
	v12 =	vand.u32 $0x7FF8, v12;
	v5 =	vld.idx.msk [tilespmem:v7+s2+$0x0], $0xffff;
	[tilespmem:s1+$0x0] =	vst v6;
	s0 =	sor.u32 s26, s29;
	(pc) =	sbr.rel @p0 .LBB2_2-.Ltmp0, $4  }
0x2a: {  	s4 =	sadd.s32 $0xFFFFFFE0, s25;
	s1 =	sadd.s32 $0xFFFFFFD0, s25;
	s26 =	sand.u32 $0x70, s25;
	v7 =	vor.u32 v1, v9;
	v9 =	vor.u32 v1, v12;
	[tilespmem:s0+$0x0] =	vst v2  }
0x2b: {  	s5 =	sadd.s32 $0xFFFFFFF0, s25;
	s0 =	sand.u32 $0x40, s1;
	s1 =	sand.u32 $0x3F80, s1;
	v2 =	vmov v3  }
0x2c: {  	s31 =	sand.u32 $0x50, s4;
	s4 =	sand.u32 $0x60, s5;
	s29 =	sadd.s32 $0x3500, s1;
	v3 =	vld.idx.msk [tilespmem:v10+s2+$0x0], $0xffff  }
0x2d: {  	s30 =	sadd.s32 $0x10, s30;
	s1 =	sor.u32 s0, s29;
	s0 =	sor.u32 s4, s29;
	v6 =	vmov v11  }
0x2e: {  	_ =	sdelay $0x3  }
0x2f: {  	v9 =	vld.idx.msk [tilespmem:v9+s2+$0x0], $0xffff;
	s4 =	sadd.s32 $0x40, s25  }
0x30: {  	[tilespmem:s0+$0x0] =	vst v4;
	v4 =	vld.idx.msk [tilespmem:v7+s2+$0x0], $0xffff;
	s0 =	sadd.s32 $0xFFFFFFD0, s4  }
0x31: {  	v7 =	vld.idx.msk [tilespmem:v8+s2+$0x0], $0xffff;
	[tilespmem:s1+$0x0] =	vst v5;
	s1 =	sor.u32 s31, s29;
	s25 =	sadd.s32 $0xFFFFFFF0, s4;
	s5 =	sand.u32 $0x3F80, s0  }
0x32: {  	[tilespmem:s1+$0x0] =	vst v6;
	s1 =	sor.u32 s26, s29;
	s25 =	sand.u32 $0x60, s25;
	s5 =	sadd.s32 $0x3500, s5  }
0x33: {  	s26 =	sadd.s32 $0xFFFFFFE0, s4;
	[tilespmem:s1+$0x0] =	vst v2;
	s0 =	sand.u32 $0x40, s0;
	s25 =	sor.u32 s25, s5  }
0x34: {  	s26 =	sand.u32 $0x50, s26;
	s0 =	sor.u32 s0, s5;
	[tilespmem:s25+$0x0] =	vst v9  }
0x35: {  	s4 =	sand.u32 $0x70, s4;
	[tilespmem:s0+$0x0] =	vst v4;
	s25 =	sor.u32 s26, s5  }
0x36: {  	s26 =	sor.u32 s4, s5;
	[tilespmem:s25+$0x0] =	vst v7  }
0x37: {  	[tilespmem:s26+$0x0] =	vst v3  }
0x38: {  	[hbm4b:s7+s2] =	stream.linear.scatter [tilespmem:s23], [sflag:$0x1], $0x3500, $0x38;
	[tilespmem:$0x6A00] =	vst v63  }
0x39: {  	_ =	swait.ge [sflag:s19], $0x3500  }
0x3a: {  	[sflag:s19] =	ssyncset.done $0x0  }
0x3b: {  	[sflag:s19] =	ssyncadd.s32 $0xFFFFCB00  }
0x3c: {  	[tilespmem:s2], [sflag:$0x1] =	stream.linear.gather [hbm4b:s8+s2], $0xD40, $0x38;
	[tilespmem:$0x6A00] =	vst v63  }
0x3d: {  	_ =	swait.ge [sflag:s19], $0xD40  }
0x3e: {  	[sflag:s19] =	ssyncset.done $0x0  }
0x3f: {  	[sflag:s19] =	ssyncadd.s32 $0xFFFFF2C0  }
0x40: {  	[tilespmem:s20], [sflag:$0x1] =	stream.linear.gather [hbm4b:s9+s2], $0xD40, $0x38;
	[tilespmem:$0x6A00] =	vst v63  }
0x41: {  	_ =	swait.ge [sflag:s19], $0xD40  }
0x42: {  	[sflag:s19] =	ssyncset.done $0x0  }
0x43: {  	[sflag:s19] =	ssyncadd.s32 $0xFFFFF2C0  }
0x44: {  	[tilespmem:s21], [sflag:$0x1] =	stream.linear.gather [hbm4b:s10+s2], $0xD40, $0x38;
	[tilespmem:$0x6A00] =	vst v63  }
0x45: {  	s4 =	simm.s32 $0x8;
	_ =	swait.ge [sflag:s19], $0xD40  }
0x46: {  	s5 =	simm.s32 $0x0;
	s25 =	simm.s32 $0x4;
	v3 =	vadd.s32 s4, v0;
	[sflag:s19] =	ssyncset.done $0x0  }
0x47: {  	v4 =	vadd.s32 s5, v0;
	v5 =	vadd.s32 s25, v0;
	v3 =	vand.u32 $0x7FF8, v3;
	[sflag:s19] =	ssyncadd.s32 $0xFFFFF2C0  }
0x48: {  	v4 =	vand.u32 $0x7FF0, v4;
	v3 =	vor.u32 v1, v3;
	[tilespmem:s22], [sflag:$0x1] =	stream.linear.gather [hbm4b:s11+s2], $0xD40, $0x38;
	[tilespmem:$0x6A00] =	vst v63  }
0x49: {  	v7 =	vor.u32 v1, v4;
	_ =	swait.ge [sflag:s19], $0xD40  }
0x4a: {  	s1 =	simm.s32 $0xC;
	[sflag:s19] =	ssyncset.done $0x0  }
0x4b: {  	v2 =	vadd.s32 s1, v0;
	s0 =	simm.s32 $0x18;
	s26 =	simm.s32 $0x1C;
	[sflag:s19] =	ssyncadd.s32 $0xFFFFF2C0  }
0x4c: {  	s1 =	simm.s32 $0x10;
	s4 =	simm.s32 $0x14;
	v8 =	vadd.s32 s0, v0;
	v10 =	vadd.s32 s26, v0;
	v6 =	vld.idx.msk [tilespmem:v5+s2+$0x0], $0xffff  }
0x4d: {  	s28 =	simm.s32 $0x4;
	s30 =	simm.s32 $0x10;
	v9 =	vand.u32 $0x7FF8, v8;
	v8 =	vadd.s32 s4, v0;
	v5 =	vadd.s32 s1, v0;
	v4 =	vld.idx.msk [tilespmem:v3+s2+$0x0], $0xffff  }
0x4e: {  	s31 =	sand.u32 $0x50, s30;
	s30 =	simm.s32 $0x2C;
	s5 =	simm.s32 $0x0;
	v9 =	vor.u32 v1, v9;
	v3 =	vand.u32 $0x7FF0, v5;
	v5 =	vld.idx.msk [tilespmem:v7+s2+$0x0], $0xffff  }
0x4f: {  	s0 =	sand.u32 $0x40, s5;
	s1 =	sand.u32 $0x3F80, s5;
	s5 =	simm.s32 $0x20;
	v7 =	vor.u32 v1, v3  }
0x50: {  	s25 =	simm.s32 $0x30;
	v2 =	vld.idx.msk [tilespmem:v2+s2+$0x0], $0xffff;
	s29 =	sadd.s32 $0x3500, s1;
	s5 =	sand.u32 $0x60, s5  }
0x51: {  	s26 =	sand.u32 $0x70, s25;
	v3 =	vld.idx.msk [tilespmem:v10+s2+$0x0], $0xffff;
	s1 =	sor.u32 s0, s29;
	s0 =	sor.u32 s5, s29  }
.LBB2_4:
0x52: {  	s4 =	sadd.s32 $0xFFFFFFF4, s30;
	s5 =	sadd.s32 $0xFFFFFFFC, s30;
	v10 =	vadd.s32 s30, v0;
	s28 =	sadd.s32 $0x4, s28;
	v11 =	vld.idx.msk [tilespmem:v8+s2+$0x0], $0xffff;
	[tilespmem:s0+$0x0] =	vst v4  }
0x53: {  	s0 =	sadd.s32 $0xFFFFFFF8, s30;
	v8 =	vadd.s32 s4, v0;
	v12 =	vadd.s32 s5, v0;
	p0 =	slt.u32 s28, $0x34C;
	v4 =	vld.idx.msk [tilespmem:v9+s2+$0x0], $0xffff;
	[tilespmem:s1+$0x0] =	vst v5;
	s1 =	sor.u32 s31, s29  }
.Ltmp1:
0x54: {  	s25 =	sadd.s32 $0x40, s25;
	v9 =	vand.u32 $0x7FF0, v8;
	v8 =	vadd.s32 s0, v0;
	v12 =	vand.u32 $0x7FF8, v12;
	v5 =	vld.idx.msk [tilespmem:v7+s2+$0x0], $0xffff;
	[tilespmem:s1+$0x0] =	vst v6;
	s0 =	sor.u32 s26, s29;
	(pc) =	sbr.rel @p0 .LBB2_4-.Ltmp1, $4  }
0x55: {  	s4 =	sadd.s32 $0xFFFFFFE0, s25;
	s1 =	sadd.s32 $0xFFFFFFD0, s25;
	s26 =	sand.u32 $0x70, s25;
	v7 =	vor.u32 v1, v9;
	v9 =	vor.u32 v1, v12;
	[tilespmem:s0+$0x0] =	vst v2  }
0x56: {  	s5 =	sadd.s32 $0xFFFFFFF0, s25;
	s0 =	sand.u32 $0x40, s1;
	s1 =	sand.u32 $0x3F80, s1;
	v2 =	vmov v3  }
0x57: {  	s31 =	sand.u32 $0x50, s4;
	s4 =	sand.u32 $0x60, s5;
	s29 =	sadd.s32 $0x3500, s1;
	v3 =	vld.idx.msk [tilespmem:v10+s2+$0x0], $0xffff  }
0x58: {  	s30 =	sadd.s32 $0x10, s30;
	s1 =	sor.u32 s0, s29;
	s0 =	sor.u32 s4, s29;
	v6 =	vmov v11  }
0x59: {  	_ =	sdelay $0x3  }
0x5a: {  	v9 =	vld.idx.msk [tilespmem:v9+s2+$0x0], $0xffff;
	s4 =	sadd.s32 $0x40, s25  }
0x5b: {  	[tilespmem:s0+$0x0] =	vst v4;
	v4 =	vld.idx.msk [tilespmem:v7+s2+$0x0], $0xffff;
	s0 =	sadd.s32 $0xFFFFFFD0, s4  }
0x5c: {  	v7 =	vld.idx.msk [tilespmem:v8+s2+$0x0], $0xffff;
	[tilespmem:s1+$0x0] =	vst v5;
	s1 =	sor.u32 s31, s29;
	s25 =	sadd.s32 $0xFFFFFFF0, s4;
	s5 =	sand.u32 $0x3F80, s0  }
0x5d: {  	[tilespmem:s1+$0x0] =	vst v6;
	s1 =	sor.u32 s26, s29;
	s25 =	sand.u32 $0x60, s25;
	s5 =	sadd.s32 $0x3500, s5  }
0x5e: {  	s26 =	sadd.s32 $0xFFFFFFE0, s4;
	[tilespmem:s1+$0x0] =	vst v2;
	s0 =	sand.u32 $0x40, s0;
	s25 =	sor.u32 s25, s5  }
0x5f: {  	s26 =	sand.u32 $0x50, s26;
	s0 =	sor.u32 s0, s5;
	[tilespmem:s25+$0x0] =	vst v9  }
0x60: {  	s4 =	sand.u32 $0x70, s4;
	[tilespmem:s0+$0x0] =	vst v4;
	s25 =	sor.u32 s26, s5  }
0x61: {  	s26 =	sor.u32 s4, s5;
	[tilespmem:s25+$0x0] =	vst v7  }
0x62: {  	[tilespmem:s26+$0x0] =	vst v3  }
0x63: {  	[hbm4b:s12+s2] =	stream.linear.scatter [tilespmem:s23], [sflag:$0x1], $0x3500, $0x38;
	[tilespmem:$0x6A00] =	vst v63  }
0x64: {  	_ =	swait.ge [sflag:s19], $0x3500  }
0x65: {  	[sflag:s19] =	ssyncset.done $0x0  }
0x66: {  	[sflag:s19] =	ssyncadd.s32 $0xFFFFCB00  }
0x67: {  	[tilespmem:s2], [sflag:$0x1] =	stream.linear.gather [hbm4b:s13+s2], $0xD40, $0x38;
	[tilespmem:$0x6A00] =	vst v63  }
0x68: {  	_ =	swait.ge [sflag:s19], $0xD40  }
0x69: {  	[sflag:s19] =	ssyncset.done $0x0  }
0x6a: {  	[sflag:s19] =	ssyncadd.s32 $0xFFFFF2C0  }
0x6b: {  	[tilespmem:s20], [sflag:$0x1] =	stream.linear.gather [hbm4b:s14+s2], $0xD40, $0x38;
	[tilespmem:$0x6A00] =	vst v63  }
0x6c: {  	_ =	swait.ge [sflag:s19], $0xD40  }
0x6d: {  	[sflag:s19] =	ssyncset.done $0x0  }
0x6e: {  	[sflag:s19] =	ssyncadd.s32 $0xFFFFF2C0  }
0x6f: {  	[tilespmem:s21], [sflag:$0x1] =	stream.linear.gather [hbm4b:s15+s2], $0xD40, $0x38;
	[tilespmem:$0x6A00] =	vst v63  }
0x70: {  	s4 =	simm.s32 $0x8;
	_ =	swait.ge [sflag:s19], $0xD40  }
0x71: {  	s5 =	simm.s32 $0x0;
	s25 =	simm.s32 $0x4;
	v3 =	vadd.s32 s4, v0;
	[sflag:s19] =	ssyncset.done $0x0  }
0x72: {  	v4 =	vadd.s32 s5, v0;
	v5 =	vadd.s32 s25, v0;
	v3 =	vand.u32 $0x7FF8, v3;
	[sflag:s19] =	ssyncadd.s32 $0xFFFFF2C0  }
0x73: {  	v4 =	vand.u32 $0x7FF0, v4;
	v3 =	vor.u32 v1, v3;
	[tilespmem:s22], [sflag:$0x1] =	stream.linear.gather [hbm4b:s16+s2], $0xD40, $0x38;
	[tilespmem:$0x6A00] =	vst v63  }
0x74: {  	v7 =	vor.u32 v1, v4;
	_ =	swait.ge [sflag:s19], $0xD40  }
0x75: {  	s1 =	simm.s32 $0xC;
	[sflag:s19] =	ssyncset.done $0x0  }
0x76: {  	v2 =	vadd.s32 s1, v0;
	s0 =	simm.s32 $0x18;
	s26 =	simm.s32 $0x1C;
	[sflag:s19] =	ssyncadd.s32 $0xFFFFF2C0  }
0x77: {  	s1 =	simm.s32 $0x10;
	s4 =	simm.s32 $0x14;
	v8 =	vadd.s32 s0, v0;
	v10 =	vadd.s32 s26, v0;
	v6 =	vld.idx.msk [tilespmem:v5+s2+$0x0], $0xffff  }
0x78: {  	s28 =	simm.s32 $0x4;
	s30 =	simm.s32 $0x10;
	v9 =	vand.u32 $0x7FF8, v8;
	v8 =	vadd.s32 s4, v0;
	v5 =	vadd.s32 s1, v0;
	v4 =	vld.idx.msk [tilespmem:v3+s2+$0x0], $0xffff  }
0x79: {  	s31 =	sand.u32 $0x50, s30;
	s30 =	simm.s32 $0x2C;
	s5 =	simm.s32 $0x0;
	v9 =	vor.u32 v1, v9;
	v3 =	vand.u32 $0x7FF0, v5;
	v5 =	vld.idx.msk [tilespmem:v7+s2+$0x0], $0xffff  }
0x7a: {  	s0 =	sand.u32 $0x40, s5;
	s1 =	sand.u32 $0x3F80, s5;
	s5 =	simm.s32 $0x20;
	v7 =	vor.u32 v1, v3  }
0x7b: {  	s25 =	simm.s32 $0x30;
	v2 =	vld.idx.msk [tilespmem:v2+s2+$0x0], $0xffff;
	s29 =	sadd.s32 $0x3500, s1;
	s5 =	sand.u32 $0x60, s5  }
0x7c: {  	s26 =	sand.u32 $0x70, s25;
	v3 =	vld.idx.msk [tilespmem:v10+s2+$0x0], $0xffff;
	s1 =	sor.u32 s0, s29;
	s0 =	sor.u32 s5, s29  }
.LBB2_6:
0x7d: {  	s4 =	sadd.s32 $0xFFFFFFF4, s30;
	s5 =	sadd.s32 $0xFFFFFFFC, s30;
	v10 =	vadd.s32 s30, v0;
	s28 =	sadd.s32 $0x4, s28;
	v11 =	vld.idx.msk [tilespmem:v8+s2+$0x0], $0xffff;
	[tilespmem:s0+$0x0] =	vst v4  }
0x7e: {  	s0 =	sadd.s32 $0xFFFFFFF8, s30;
	v8 =	vadd.s32 s4, v0;
	v12 =	vadd.s32 s5, v0;
	p0 =	slt.u32 s28, $0x34C;
	v4 =	vld.idx.msk [tilespmem:v9+s2+$0x0], $0xffff;
	[tilespmem:s1+$0x0] =	vst v5;
	s1 =	sor.u32 s31, s29  }
.Ltmp2:
0x7f: {  	s25 =	sadd.s32 $0x40, s25;
	v9 =	vand.u32 $0x7FF0, v8;
	v8 =	vadd.s32 s0, v0;
	v12 =	vand.u32 $0x7FF8, v12;
	v5 =	vld.idx.msk [tilespmem:v7+s2+$0x0], $0xffff;
	[tilespmem:s1+$0x0] =	vst v6;
	s0 =	sor.u32 s26, s29;
	(pc) =	sbr.rel @p0 .LBB2_6-.Ltmp2, $4  }
0x80: {  	s4 =	sadd.s32 $0xFFFFFFE0, s25;
	s1 =	sadd.s32 $0xFFFFFFD0, s25;
	s26 =	sand.u32 $0x70, s25;
	v7 =	vor.u32 v1, v9;
	v9 =	vor.u32 v1, v12;
	[tilespmem:s0+$0x0] =	vst v2  }
0x81: {  	s5 =	sadd.s32 $0xFFFFFFF0, s25;
	s0 =	sand.u32 $0x40, s1;
	s1 =	sand.u32 $0x3F80, s1;
	v2 =	vmov v3  }
0x82: {  	s31 =	sand.u32 $0x50, s4;
	s4 =	sand.u32 $0x60, s5;
	s29 =	sadd.s32 $0x3500, s1;
	v3 =	vld.idx.msk [tilespmem:v10+s2+$0x0], $0xffff  }
0x83: {  	s30 =	sadd.s32 $0x10, s30;
	s1 =	sor.u32 s0, s29;
	s0 =	sor.u32 s4, s29;
	v6 =	vmov v11  }
0x84: {  	_ =	sdelay $0x3  }
0x85: {  	v9 =	vld.idx.msk [tilespmem:v9+s2+$0x0], $0xffff;
	s4 =	sadd.s32 $0x40, s25  }
0x86: {  	[tilespmem:s0+$0x0] =	vst v4;
	v62 =	vld.idx.msk [tilespmem:v7+s2+$0x0], $0xffff;
	s0 =	sadd.s32 $0xFFFFFFD0, s4  }
0x87: {  	v63 =	vld.idx.msk [tilespmem:v8+s2+$0x0], $0xffff;
	[tilespmem:s1+$0x0] =	vst v5;
	s28 =	sor.u32 s31, s29;
	s25 =	sadd.s32 $0xFFFFFFF0, s4;
	s5 =	sand.u32 $0x3F80, s0  }
0x88: {  	s30 =	sor.u32 s26, s29;
	[tilespmem:s28+$0x0] =	vst v6;
	s25 =	sand.u32 $0x60, s25;
	s5 =	sadd.s32 $0x3500, s5  }
0x89: {  	s31 =	sadd.s32 $0xFFFFFFE0, s4;
	[tilespmem:s30+$0x0] =	vst v2;
	s0 =	sand.u32 $0x40, s0;
	s25 =	sor.u32 s25, s5  }
0x8a: {  	s28 =	sand.u32 $0x50, s31;
	s0 =	sor.u32 s0, s5;
	[tilespmem:s25+$0x0] =	vst v9  }
0x8b: {  	s24 =	sadd.s32 $0x1, s24;
	s29 =	sand.u32 $0x70, s4;
	s30 =	sor.u32 s28, s5;
	[tilespmem:s0+$0x0] =	vst v62  }
0x8c: {  	p0 =	sne.s32 s24, s18;
	s31 =	sor.u32 s29, s5;
	[tilespmem:s30+$0x0] =	vst v63  }
.Ltmp3:
0x8d: {  	[tilespmem:s31+$0x0] =	vst v3;
	(pc) =	sbr.rel @p0 .LBB2_1-.Ltmp3, $4  }
0x8e: {  	[hbm4b:s17+s2] =	stream.linear.scatter [tilespmem:s23], [sflag:$0x1], $0x3500, $0x38;
	[tilespmem:$0x6A00] =	vst v63  }
0x8f: {  	_ =	swait.ge [sflag:s19], $0x3500  }
0x90: {  	[sflag:s19] =	ssyncset.done $0x0  }
0x91: {  	[sflag:s19] =	ssyncadd.s32 $0xFFFFCB00  }
0x92: {  	_ =	sfence.sel $0x180000  }
0x93: {  	[bflag:$0x0] =	sbarrier.arrive $0xFFFF  }
0x94: {  	_ =	strace $0x90000047  }
0x95: {  	s0 =	stileid.u32;
	[bflag:$0x2] =	sbarrier.arrive $0xFFFF  }
0x96: {  	p0 =	sne.s32 s0, $0x0;
	s0 =	rddreg [dreg:$0x1]  }
0x97: {  	s0 =	sadd.s32 @!p0 $0x100000, s0  }
0x98: {  	[sflag:s0] =	ssyncadd.tile.s32 @!p0 $0x1;
	_ =	shalt  }
.Lfunc_end2:
_tile_overlayer_lowered:
.L_overlay_start_2:
0x99: {  	(tag) =	ssettag $0x2  }
0x9a: {  	s0 =	rddreg [dreg:$0x0];
	s2 =	stileid.u32  }
0x9b: {  	s1 =	rddreg [dreg:$0x1];
	p0 =	sne.s32 s2, $0x0  }
0x9c: {  	s3 =	rddreg [dreg:$0x2];
	[bflag:$0x3] =	sbarrier.arrive $0xFFFF;
	s2 =	simm.s32 @!p0 $0x1C01  }
0x9d: {  	[timem:s3], [sflag:s2] =	dma.local @!p0 [hbm:s0], s1  }
0x9e: {  	s0 =	simm.s32 @!p0 $0x1  }
0x9f: {  	_ =	swait.ge @!p0 [sflag:s0], s1  }
0xa0: {  	s1 =	ssub.s32 @!p0 $0x0, s1;
	[sflag:s0] =	ssyncset.done @!p0 $0x0  }
0xa1: {  	[sflag:s0] =	ssyncadd.s32 @!p0 s1  }
0xa2: {  	[bflag:$0x3] =	sbarrier.arrive $0xFFFF  }
0xa3: {  	_ =	shalt  }

</sc_bundles>
